<compile_context>
chip_gen: v7x
topology: tpu7x:2x2x1
jax: 0.10.2.dev20260603
libtpu: 0.0.44.dev20260713+nightly
codegen_flags: <defaults>
</compile_context>

<pallas_src>
import functools

import jax
import jax.numpy as jnp
from jax import lax
from jax.experimental import pallas as pl
from jax.experimental.pallas import tpu as pltpu
from jax.experimental.pallas import tpu_sc as plsc

NC = 2
NS = 16
NW = NC * NS
CHUNK = 128
SB = 40
NP = 10240



def _deg_body(cpt, col_hbm, out_hbm, col_v, ones_v, deg_sh, sem):
    del sem
    c = lax.axis_index("c")
    s = lax.axis_index("s")
    w = s * NC + c
    rpt = NP // NS

    for j in range(8):
        ones_v[pl.ds(16 * j, 16)] = jnp.zeros((16,), jnp.float32)
    for j in range(rpt // CHUNK):
        pltpu.sync_copy(ones_v, deg_sh.at[pl.ds(s * rpt + j * CHUNK, CHUNK)])

    pltpu.sync_copy(col_hbm.at[pl.ds(w * cpt, cpt)], col_v)
    for j in range(8):
        ones_v[pl.ds(16 * j, 16)] = jnp.ones((16,), jnp.float32)
    plsc.subcore_barrier()

    def body(j, carry):
        pltpu.sync_copy(ones_v, deg_sh.at[col_v.at[j]], add=True)
        return carry

    lax.fori_loop(0, cpt, body, 0)
    plsc.subcore_barrier()
    pltpu.sync_copy(deg_sh.at[pl.ds(s * rpt, rpt)],
                    out_hbm.at[c, pl.ds(s * rpt, rpt)])


def _deg_call(col2d, cpt):
    kfn = pl.kernel(
        functools.partial(_deg_body, cpt),
        out_type=jax.ShapeDtypeStruct((NC, NP), jnp.float32),
        mesh=plsc.VectorSubcoreMesh(core_axis_name="c", subcore_axis_name="s"),
        scratch_types=[
            pltpu.VMEM((cpt, CHUNK), jnp.int32),
            pltpu.VMEM((CHUNK,), jnp.float32),
            pltpu.VMEM_SHARED((NP,), jnp.float32),
            pltpu.SemaphoreType.DMA,
        ],
    )
    return kfn(col2d)


def _gs_body(cpt, xws_hbm, row_hbm, col_hbm, out_hbm,
             row_v, col_v, rows_v0, rows_v1, zb, acc_sh,
             gsem0, gsem1, ssem0, ssem1):
    c = lax.axis_index("c")
    s = lax.axis_index("s")
    w = s * NC + c
    rpt = NP // NS
    bufs = (rows_v0, rows_v1)
    gsems = (gsem0, gsem1)
    ssems = (ssem0, ssem1)

    for i in range(8):
        for j in range(8):
            zb[i, pl.ds(16 * j, 16)] = jnp.zeros((16,), jnp.float32)
    for j in range(rpt // 8):
        pltpu.sync_copy(zb, acc_sh.at[pl.ds(s * rpt + j * 8, 8)])
    plsc.subcore_barrier()

    def stage(t, carry):
        base = w * cpt + t * SB
        pltpu.sync_copy(row_hbm.at[pl.ds(base, SB)], row_v)
        pltpu.sync_copy(col_hbm.at[pl.ds(base, SB)], col_v)
        pltpu.async_copy(xws_hbm.at[row_v.at[0]], bufs[0], gsems[0])

        def body(i, carry2):
            for b in range(2):
                j = 2 * i + b

                @pl.when(j + 1 < SB)
                def _():
                    @pl.when(j >= 1)
                    def _():
                        pltpu.make_async_copy(
                            bufs[1 - b], acc_sh.at[col_v.at[j]],
                            ssems[1 - b]).wait()

                    pltpu.async_copy(xws_hbm.at[row_v.at[j + 1]],
                                     bufs[1 - b], gsems[1 - b])

                pltpu.make_async_copy(xws_hbm.at[row_v.at[j]],
                                      bufs[b], gsems[b]).wait()
                pltpu.async_copy(bufs[b], acc_sh.at[col_v.at[j]],
                                 ssems[b], add=True)
            return carry2

        lax.fori_loop(0, SB // 2, body, 0)
        pltpu.make_async_copy(bufs[0], acc_sh.at[col_v.at[0]],
                              ssems[0]).wait()
        pltpu.make_async_copy(bufs[1], acc_sh.at[col_v.at[0]],
                              ssems[1]).wait()
        return carry

    lax.fori_loop(0, cpt // SB, stage, 0)
    plsc.subcore_barrier()
    pltpu.sync_copy(acc_sh.at[pl.ds(s * rpt, rpt)],
                    out_hbm.at[c, pl.ds(s * rpt, rpt)])


def _gs_call(xws, row2d, col2d, cpt):
    kfn = pl.kernel(
        functools.partial(_gs_body, cpt),
        out_type=jax.ShapeDtypeStruct((NC, NP, 128), jnp.float32),
        mesh=plsc.VectorSubcoreMesh(core_axis_name="c", subcore_axis_name="s"),
        scratch_types=[
            pltpu.VMEM((SB, CHUNK), jnp.int32),
            pltpu.VMEM((SB, CHUNK), jnp.int32),
            pltpu.VMEM((CHUNK, 128), jnp.float32),
            pltpu.VMEM((CHUNK, 128), jnp.float32),
            pltpu.VMEM((8, 128), jnp.float32),
            pltpu.VMEM_SHARED((NP, 128), jnp.float32),
            pltpu.SemaphoreType.DMA,
            pltpu.SemaphoreType.DMA,
            pltpu.SemaphoreType.DMA,
            pltpu.SemaphoreType.DMA,
        ],
    )
    return kfn(xws, row2d, col2d)



def _pad_body(n, e, ei_ref, row_ref, col_ref):
    nrows = e // CHUNK
    npad = row_ref.shape[0] - nrows
    er = ei_ref[0:1, :].reshape(nrows, CHUNK)
    ec = ei_ref[1:2, :].reshape(nrows, CHUNK)
    fi = (lax.broadcasted_iota(jnp.int32, (npad, CHUNK), 0) * CHUNK
          + lax.broadcasted_iota(jnp.int32, (npad, CHUNK), 1))
    row_ref[...] = jnp.concatenate([er, fi % n], axis=0)
    col_ref[...] = jnp.concatenate([ec, n + fi % (NP - n)], axis=0)


def _dense_body(x_ref, g1_ref, b1_ref, Wm_ref, bm_ref,
                g2_ref, b2_ref, Wg_ref, xw_ref):
    x = x_ref[...]
    mu = jnp.mean(x, axis=0, keepdims=True)
    xc = x - mu
    var = jnp.mean(xc * xc, axis=0, keepdims=True)
    x = g1_ref[...] * xc * lax.rsqrt(var + 1e-5) + b1_ref[...]
    x = jnp.maximum(
        jnp.dot(x, Wm_ref[...], preferred_element_type=jnp.float32)
        + bm_ref[...], 0.0)
    mu2 = jnp.mean(x, axis=0, keepdims=True)
    xc2 = x - mu2
    var2 = jnp.mean(xc2 * xc2, axis=0, keepdims=True)
    x = g2_ref[...] * xc2 * lax.rsqrt(var2 + 1e-5) + b2_ref[...]
    xw_ref[...] = jnp.dot(x, Wg_ref[...], preferred_element_type=jnp.float32)


def _dinv_col(degs_ref, n):
    deg = degs_ref[0:1, :] + degs_ref[1:2, :] + 1.0
    return jnp.transpose(lax.rsqrt(deg))[0:n]


def _scale_body(n, xw_ref, degs_ref, xws_ref):
    xws_ref[...] = _dinv_col(degs_ref, n) * xw_ref[...]


def _combine_body(n, p_ref, xws_ref, degs_ref, bg_ref, Wc_ref, bc_ref,
                  out_ref):
    tot = p_ref[0, 0:n, :] + p_ref[1, 0:n, :] + xws_ref[...]
    h = jnp.maximum(_dinv_col(degs_ref, n) * tot + bg_ref[...], 0.0)
    logits = jnp.dot(h, Wc_ref[...], preferred_element_type=jnp.float32) \
        + bc_ref[...]
    m = jnp.max(logits, axis=1, keepdims=True)
    lse = jnp.log(jnp.sum(jnp.exp(logits - m), axis=1, keepdims=True))
    out_ref[...] = logits - m - lse



def kernel(high_dim_features, low_dim_features, edge_index,
           g1, b1, Wm, bm, g2, b2, Wg, bg, Wc, bc):
    del low_dim_features
    n, d = high_dim_features.shape
    e = edge_index.shape[1]
    cpt = -(-e // (NW * CHUNK))
    cpt = -(-cpt // SB) * SB
    e_pad = NW * cpt * CHUNK

    if e % CHUNK == 0 and e_pad > e:
        row, col = pl.pallas_call(
            functools.partial(_pad_body, n, e),
            out_shape=[
                jax.ShapeDtypeStruct((e_pad // CHUNK, CHUNK), jnp.int32),
                jax.ShapeDtypeStruct((e_pad // CHUNK, CHUNK), jnp.int32)],
        )(edge_index)
    else:
        pad_ar = jnp.arange(e_pad - e, dtype=jnp.int32)
        row = jnp.concatenate(
            [edge_index[0], pad_ar % n]).reshape(-1, CHUNK)
        col = jnp.concatenate(
            [edge_index[1], n + pad_ar % (NP - n)]).reshape(-1, CHUNK)

    degs = _deg_call(col, cpt)

    xw = pl.pallas_call(
        _dense_body,
        out_shape=jax.ShapeDtypeStruct((n, d), jnp.float32),
    )(high_dim_features,
      g1.reshape(1, -1), b1.reshape(1, -1), Wm, bm.reshape(1, -1),
      g2.reshape(1, -1), b2.reshape(1, -1), Wg)

    xws = pl.pallas_call(
        functools.partial(_scale_body, n),
        out_shape=jax.ShapeDtypeStruct((n, d), jnp.float32),
    )(xw, degs)

    parts = _gs_call(xws, row, col, cpt)

    out = pl.pallas_call(
        functools.partial(_combine_body, n),
        out_shape=jax.ShapeDtypeStruct((n, Wc.shape[1]), jnp.float32),
    )(parts, xws, degs, bg.reshape(1, -1), Wc, bc.reshape(1, -1))
    return out

# --- scband reference (transcript-rebuilt; emitter-appended) ---
"""Pipeline reference for scband-only-high-gcn-85856396247990 (READ-ONLY COPY).

The authoritative reference and input builder live on the scoring server;
editing this copy changes nothing except your own understanding.
"""

import jax, jax.numpy as jnp
import numpy as np

N = 10000
E = 320000
D = 128
LOW = 32
H = 128
C = 16

def batchnorm(x, g, b, eps=1e-5):
    mu = jnp.mean(x, axis=0)
    var = jnp.var(x, axis=0)  # biased, matches torch BN normalization
    return g * (x - mu) / jnp.sqrt(var + eps) + b

def setup_inputs(seed: int = 0) -> dict:
    key = jax.random.key(seed)
    ks = jax.random.split(key, 8)
    high_dim_features = jax.random.normal(ks[0], (N, D), dtype=jnp.float32)
    low_dim_features = jax.random.normal(ks[1], (N, LOW), dtype=jnp.float32)
    edge_index = jax.random.randint(ks[2], (2, E), 0, N, dtype=jnp.int32)
    g1 = jnp.ones((D,), jnp.float32)
    b1 = jnp.zeros((D,), jnp.float32)
    Wm = jax.random.normal(ks[3], (D, D), dtype=jnp.float32) * 0.05
    bm = jnp.zeros((D,), jnp.float32)
    g2 = jnp.ones((D,), jnp.float32)
    b2 = jnp.zeros((D,), jnp.float32)
    Wg = jax.random.normal(ks[4], (D, H), dtype=jnp.float32) * 0.05
    bg = jnp.zeros((H,), jnp.float32)
    Wc = jax.random.normal(ks[5], (H, C), dtype=jnp.float32) * 0.05
    bc = jnp.zeros((C,), jnp.float32)
    return {"high_dim_features": high_dim_features, "low_dim_features": low_dim_features,
            "edge_index": edge_index, "g1": g1, "b1": b1, "Wm": Wm, "bm": bm,
            "g2": g2, "b2": b2, "Wg": Wg, "bg": bg, "Wc": Wc, "bc": bc}

def reference(high_dim_features, low_dim_features, edge_index, g1, b1, Wm, bm, g2, b2, Wg, bg, Wc, bc):
    # bn_high
    x = batchnorm(high_dim_features, g1, b1)
    # MLP: linear -> relu -> bn
    x = jax.nn.relu(x @ Wm + bm)
    x = batchnorm(x, g2, b2)
    # GCNConv with self-loops and symmetric normalization
    loop = jnp.arange(N, dtype=edge_index.dtype)
    row = jnp.concatenate([edge_index[0], loop])
    col = jnp.concatenate([edge_index[1], loop])
    xw = x @ Wg
    deg = jax.ops.segment_sum(jnp.ones(row.shape[0], dtype=xw.dtype), col, num_segments=N)
    dinv = jnp.where(deg > 0, 1.0 / jnp.sqrt(deg), 0.0)
    norm = dinv[row] * dinv[col]
    out = jax.ops.segment_sum(norm[:, None] * xw[row], col, num_segments=N) + bg
    # relu, dropout (eval: identity), classifier, log-softmax
    out = jax.nn.relu(out)
    out = out @ Wc + bc
    return jnp.log(jax.nn.softmax(out, axis=1))

if __name__ == "__main__":
    import jax
    _d = setup_inputs()
    print(jax.jit(kernel)(*tuple(_d.values())))

</pallas_src>

<mosaic_0001>
#map = affine_map<(d0, d1) -> (0, 0)>
module attributes {stable_mosaic.version = 14 : i64} {
  func.func @_deg_body(%arg0: i32, %arg1: i32, %arg2: memref<2560x128xi32, #tpu.memory_space<hbm>>, %arg3: memref<2x10240xf32, #tpu.memory_space<hbm>>, %arg4: memref<80x128xi32, #tpu.memory_space<vmem>>, %arg5: memref<128xf32, #tpu.memory_space<vmem>>, %arg6: memref<10240xf32, #tpu.memory_space<vmem_shared>>, %arg7: memref<!tpu.dma_semaphore, #tpu.memory_space<semaphore_mem>>) attributes {dimension_semantics = [#tpu.dimension_semantics<core_parallel>, #tpu.dimension_semantics<subcore_parallel>], iteration_bounds = array<i64: 2, 16>, scalar_prefetch = 0 : i64, scratch_operands = 4 : i64, tpu.core_type = #tpu.core_type<sc_vector_subcore>, window_params = [{transform_indices = #map}, {transform_indices = #map}]} {
    %mul3A = arith.constant 2 : i32
    %mul3A_0 = arith.muli %arg1, %mul3A : i32
    %add3A = arith.addi %mul3A_0, %arg0 : i32
    %broadcast_in_dim3A = arith.constant 0.000000e+00 : f32
    %broadcast_in_dim3A_1 = vector.broadcast %broadcast_in_dim3A : f32 to vector<16xf32>
    %swap3A = arith.constant 0 : index
    %swap3A_2 = tpu.vector_load %arg5[%swap3A] {strides = array<i32>} : memref<128xf32, #tpu.memory_space<vmem>>, vector<16xf32>,
    %swap3A_3 = vector.shape_cast %swap3A_2 : vector<16xf32> to vector<16xf32>
    %swap3A_4 = vector.shape_cast %broadcast_in_dim3A_1 : vector<16xf32> to vector<16xf32>
    tpu.vector_store %arg5[%swap3A], %swap3A_4 {strides = array<i32>} : memref<128xf32, #tpu.memory_space<vmem>>, vector<16xf32>,
    %broadcast_in_dim3A_5 = arith.constant 0.000000e+00 : f32
    %broadcast_in_dim3A_6 = vector.broadcast %broadcast_in_dim3A_5 : f32 to vector<16xf32>
    %swap3A_7 = arith.constant 16 : index
    %swap3A_8 = tpu.vector_load %arg5[%swap3A_7] {strides = array<i32>} : memref<128xf32, #tpu.memory_space<vmem>>, vector<16xf32>,
    %swap3A_9 = vector.shape_cast %swap3A_8 : vector<16xf32> to vector<16xf32>
    %swap3A_10 = vector.shape_cast %broadcast_in_dim3A_6 : vector<16xf32> to vector<16xf32>
    tpu.vector_store %arg5[%swap3A_7], %swap3A_10 {strides = array<i32>} : memref<128xf32, #tpu.memory_space<vmem>>, vector<16xf32>,
    %broadcast_in_dim3A_11 = arith.constant 0.000000e+00 : f32
    %broadcast_in_dim3A_12 = vector.broadcast %broadcast_in_dim3A_11 : f32 to vector<16xf32>
    %swap3A_13 = arith.constant 32 : index
    %swap3A_14 = tpu.vector_load %arg5[%swap3A_13] {strides = array<i32>} : memref<128xf32, #tpu.memory_space<vmem>>, vector<16xf32>,
    %swap3A_15 = vector.shape_cast %swap3A_14 : vector<16xf32> to vector<16xf32>
    %swap3A_16 = vector.shape_cast %broadcast_in_dim3A_12 : vector<16xf32> to vector<16xf32>
    tpu.vector_store %arg5[%swap3A_13], %swap3A_16 {strides = array<i32>} : memref<128xf32, #tpu.memory_space<vmem>>, vector<16xf32>,
    %broadcast_in_dim3A_17 = arith.constant 0.000000e+00 : f32
    %broadcast_in_dim3A_18 = vector.broadcast %broadcast_in_dim3A_17 : f32 to vector<16xf32>
    %swap3A_19 = arith.constant 48 : index
    %swap3A_20 = tpu.vector_load %arg5[%swap3A_19] {strides = array<i32>} : memref<128xf32, #tpu.memory_space<vmem>>, vector<16xf32>,
    %swap3A_21 = vector.shape_cast %swap3A_20 : vector<16xf32> to vector<16xf32>
    %swap3A_22 = vector.shape_cast %broadcast_in_dim3A_18 : vector<16xf32> to vector<16xf32>
    tpu.vector_store %arg5[%swap3A_19], %swap3A_22 {strides = array<i32>} : memref<128xf32, #tpu.memory_space<vmem>>, vector<16xf32>,
    %broadcast_in_dim3A_23 = arith.constant 0.000000e+00 : f32
    %broadcast_in_dim3A_24 = vector.broadcast %broadcast_in_dim3A_23 : f32 to vector<16xf32>
    %swap3A_25 = arith.constant 64 : index
    %swap3A_26 = tpu.vector_load %arg5[%swap3A_25] {strides = array<i32>} : memref<128xf32, #tpu.memory_space<vmem>>, vector<16xf32>,
    %swap3A_27 = vector.shape_cast %swap3A_26 : vector<16xf32> to vector<16xf32>
    %swap3A_28 = vector.shape_cast %broadcast_in_dim3A_24 : vector<16xf32> to vector<16xf32>
    tpu.vector_store %arg5[%swap3A_25], %swap3A_28 {strides = array<i32>} : memref<128xf32, #tpu.memory_space<vmem>>, vector<16xf32>,
    %broadcast_in_dim3A_29 = arith.constant 0.000000e+00 : f32
    %broadcast_in_dim3A_30 = vector.broadcast %broadcast_in_dim3A_29 : f32 to vector<16xf32>
    %swap3A_31 = arith.constant 80 : index
    %swap3A_32 = tpu.vector_load %arg5[%swap3A_31] {strides = array<i32>} : memref<128xf32, #tpu.memory_space<vmem>>, vector<16xf32>,
    %swap3A_33 = vector.shape_cast %swap3A_32 : vector<16xf32> to vector<16xf32>
    %swap3A_34 = vector.shape_cast %broadcast_in_dim3A_30 : vector<16xf32> to vector<16xf32>
    tpu.vector_store %arg5[%swap3A_31], %swap3A_34 {strides = array<i32>} : memref<128xf32, #tpu.memory_space<vmem>>, vector<16xf32>,
    %broadcast_in_dim3A_35 = arith.constant 0.000000e+00 : f32
    %broadcast_in_dim3A_36 = vector.broadcast %broadcast_in_dim3A_35 : f32 to vector<16xf32>
    %swap3A_37 = arith.constant 96 : index
    %swap3A_38 = tpu.vector_load %arg5[%swap3A_37] {strides = array<i32>} : memref<128xf32, #tpu.memory_space<vmem>>, vector<16xf32>,
    %swap3A_39 = vector.shape_cast %swap3A_38 : vector<16xf32> to vector<16xf32>
    %swap3A_40 = vector.shape_cast %broadcast_in_dim3A_36 : vector<16xf32> to vector<16xf32>
    tpu.vector_store %arg5[%swap3A_37], %swap3A_40 {strides = array<i32>} : memref<128xf32, #tpu.memory_space<vmem>>, vector<16xf32>,
    %broadcast_in_dim3A_41 = arith.constant 0.000000e+00 : f32
    %broadcast_in_dim3A_42 = vector.broadcast %broadcast_in_dim3A_41 : f32 to vector<16xf32>
    %swap3A_43 = arith.constant 112 : index
    %swap3A_44 = tpu.vector_load %arg5[%swap3A_43] {strides = array<i32>} : memref<128xf32, #tpu.memory_space<vmem>>, vector<16xf32>,
    %swap3A_45 = vector.shape_cast %swap3A_44 : vector<16xf32> to vector<16xf32>
    %swap3A_46 = vector.shape_cast %broadcast_in_dim3A_42 : vector<16xf32> to vector<16xf32>
    tpu.vector_store %arg5[%swap3A_43], %swap3A_46 {strides = array<i32>} : memref<128xf32, #tpu.memory_space<vmem>>, vector<16xf32>,
    %mul3A_47 = arith.constant 640 : i32
    %mul3A_48 = arith.muli %arg1, %mul3A_47 : i32
    %add3A_49 = arith.constant 0 : i32
    %add3A_50 = arith.addi %mul3A_48, %add3A_49 : i32
    "tpu.region"() ({
      %run_scoped3A = tpu.sem_alloc : memref<!tpu.dma_semaphore, #tpu.memory_space<semaphore_mem>>
      %dma_start3A = tpu.memref_slice %arg6[%add3A_50] : memref<10240xf32, #tpu.memory_space<vmem_shared>> -> memref<128xf32, #tpu.memory_space<vmem_shared>>
      %dma_start3A_127 = tpu.memref_slice %arg6[%add3A_50] : memref<10240xf32, #tpu.memory_space<vmem_shared>> -> memref<128xf32, #tpu.memory_space<vmem_shared>>
      tpu.enqueue_dma source(%arg5 : memref<128xf32, #tpu.memory_space<vmem>>) target(%dma_start3A_127 : memref<128xf32, #tpu.memory_space<vmem_shared>>) target_semaphore(%run_scoped3A : memref<!tpu.dma_semaphore, #tpu.memory_space<semaphore_mem>>)
      %dma_wait3A = tpu.memref_slice %arg6[%add3A_50] : memref<10240xf32, #tpu.memory_space<vmem_shared>> -> memref<128xf32, #tpu.memory_space<vmem_shared>>
      %dma_wait3A_128 = tpu.memref_slice %arg6[%add3A_50] : memref<10240xf32, #tpu.memory_space<vmem_shared>> -> memref<128xf32, #tpu.memory_space<vmem_shared>>
      tpu.wait_dma2 semaphore(%run_scoped3A : memref<!tpu.dma_semaphore, #tpu.memory_space<semaphore_mem>>) src(%arg5 : memref<128xf32, #tpu.memory_space<vmem>>) dst(%dma_wait3A_128 : memref<128xf32, #tpu.memory_space<vmem_shared>>)
      tpu.yield
    }) : () -> ()
    %mul3A_51 = arith.constant 640 : i32
    %mul3A_52 = arith.muli %arg1, %mul3A_51 : i32
    %add3A_53 = arith.constant 128 : i32
    %add3A_54 = arith.addi %mul3A_52, %add3A_53 : i32
    "tpu.region"() ({
      %run_scoped3A = tpu.sem_alloc : memref<!tpu.dma_semaphore, #tpu.memory_space<semaphore_mem>>
      %dma_start3A = tpu.memref_slice %arg6[%add3A_54] : memref<10240xf32, #tpu.memory_space<vmem_shared>> -> memref<128xf32, #tpu.memory_space<vmem_shared>>
      %dma_start3A_127 = tpu.memref_slice %arg6[%add3A_54] : memref<10240xf32, #tpu.memory_space<vmem_shared>> -> memref<128xf32, #tpu.memory_space<vmem_shared>>
      tpu.enqueue_dma source(%arg5 : memref<128xf32, #tpu.memory_space<vmem>>) target(%dma_start3A_127 : memref<128xf32, #tpu.memory_space<vmem_shared>>) target_semaphore(%run_scoped3A : memref<!tpu.dma_semaphore, #tpu.memory_space<semaphore_mem>>)
      %dma_wait3A = tpu.memref_slice %arg6[%add3A_54] : memref<10240xf32, #tpu.memory_space<vmem_shared>> -> memref<128xf32, #tpu.memory_space<vmem_shared>>
      %dma_wait3A_128 = tpu.memref_slice %arg6[%add3A_54] : memref<10240xf32, #tpu.memory_space<vmem_shared>> -> memref<128xf32, #tpu.memory_space<vmem_shared>>
      tpu.wait_dma2 semaphore(%run_scoped3A : memref<!tpu.dma_semaphore, #tpu.memory_space<semaphore_mem>>) src(%arg5 : memref<128xf32, #tpu.memory_space<vmem>>) dst(%dma_wait3A_128 : memref<128xf32, #tpu.memory_space<vmem_shared>>)
      tpu.yield
    }) : () -> ()
    %mul3A_55 = arith.constant 640 : i32
    %mul3A_56 = arith.muli %arg1, %mul3A_55 : i32
    %add3A_57 = arith.constant 256 : i32
    %add3A_58 = arith.addi %mul3A_56, %add3A_57 : i32
    "tpu.region"() ({
      %run_scoped3A = tpu.sem_alloc : memref<!tpu.dma_semaphore, #tpu.memory_space<semaphore_mem>>
      %dma_start3A = tpu.memref_slice %arg6[%add3A_58] : memref<10240xf32, #tpu.memory_space<vmem_shared>> -> memref<128xf32, #tpu.memory_space<vmem_shared>>
      %dma_start3A_127 = tpu.memref_slice %arg6[%add3A_58] : memref<10240xf32, #tpu.memory_space<vmem_shared>> -> memref<128xf32, #tpu.memory_space<vmem_shared>>
      tpu.enqueue_dma source(%arg5 : memref<128xf32, #tpu.memory_space<vmem>>) target(%dma_start3A_127 : memref<128xf32, #tpu.memory_space<vmem_shared>>) target_semaphore(%run_scoped3A : memref<!tpu.dma_semaphore, #tpu.memory_space<semaphore_mem>>)
      %dma_wait3A = tpu.memref_slice %arg6[%add3A_58] : memref<10240xf32, #tpu.memory_space<vmem_shared>> -> memref<128xf32, #tpu.memory_space<vmem_shared>>
      %dma_wait3A_128 = tpu.memref_slice %arg6[%add3A_58] : memref<10240xf32, #tpu.memory_space<vmem_shared>> -> memref<128xf32, #tpu.memory_space<vmem_shared>>
      tpu.wait_dma2 semaphore(%run_scoped3A : memref<!tpu.dma_semaphore, #tpu.memory_space<semaphore_mem>>) src(%arg5 : memref<128xf32, #tpu.memory_space<vmem>>) dst(%dma_wait3A_128 : memref<128xf32, #tpu.memory_space<vmem_shared>>)
      tpu.yield
    }) : () -> ()
    %mul3A_59 = arith.constant 640 : i32
    %mul3A_60 = arith.muli %arg1, %mul3A_59 : i32
    %add3A_61 = arith.constant 384 : i32
    %add3A_62 = arith.addi %mul3A_60, %add3A_61 : i32
    "tpu.region"() ({
      %run_scoped3A = tpu.sem_alloc : memref<!tpu.dma_semaphore, #tpu.memory_space<semaphore_mem>>
      %dma_start3A = tpu.memref_slice %arg6[%add3A_62] : memref<10240xf32, #tpu.memory_space<vmem_shared>> -> memref<128xf32, #tpu.memory_space<vmem_shared>>
      %dma_start3A_127 = tpu.memref_slice %arg6[%add3A_62] : memref<10240xf32, #tpu.memory_space<vmem_shared>> -> memref<128xf32, #tpu.memory_space<vmem_shared>>
      tpu.enqueue_dma source(%arg5 : memref<128xf32, #tpu.memory_space<vmem>>) target(%dma_start3A_127 : memref<128xf32, #tpu.memory_space<vmem_shared>>) target_semaphore(%run_scoped3A : memref<!tpu.dma_semaphore, #tpu.memory_space<semaphore_mem>>)
      %dma_wait3A = tpu.memref_slice %arg6[%add3A_62] : memref<10240xf32, #tpu.memory_space<vmem_shared>> -> memref<128xf32, #tpu.memory_space<vmem_shared>>
      %dma_wait3A_128 = tpu.memref_slice %arg6[%add3A_62] : memref<10240xf32, #tpu.memory_space<vmem_shared>> -> memref<128xf32, #tpu.memory_space<vmem_shared>>
      tpu.wait_dma2 semaphore(%run_scoped3A : memref<!tpu.dma_semaphore, #tpu.memory_space<semaphore_mem>>) src(%arg5 : memref<128xf32, #tpu.memory_space<vmem>>) dst(%dma_wait3A_128 : memref<128xf32, #tpu.memory_space<vmem_shared>>)
      tpu.yield
    }) : () -> ()
    %mul3A_63 = arith.constant 640 : i32
    %mul3A_64 = arith.muli %arg1, %mul3A_63 : i32
    %add3A_65 = arith.constant 512 : i32
    %add3A_66 = arith.addi %mul3A_64, %add3A_65 : i32
    "tpu.region"() ({
      %run_scoped3A = tpu.sem_alloc : memref<!tpu.dma_semaphore, #tpu.memory_space<semaphore_mem>>
      %dma_start3A = tpu.memref_slice %arg6[%add3A_66] : memref<10240xf32, #tpu.memory_space<vmem_shared>> -> memref<128xf32, #tpu.memory_space<vmem_shared>>
      %dma_start3A_127 = tpu.memref_slice %arg6[%add3A_66] : memref<10240xf32, #tpu.memory_space<vmem_shared>> -> memref<128xf32, #tpu.memory_space<vmem_shared>>
      tpu.enqueue_dma source(%arg5 : memref<128xf32, #tpu.memory_space<vmem>>) target(%dma_start3A_127 : memref<128xf32, #tpu.memory_space<vmem_shared>>) target_semaphore(%run_scoped3A : memref<!tpu.dma_semaphore, #tpu.memory_space<semaphore_mem>>)
      %dma_wait3A = tpu.memref_slice %arg6[%add3A_66] : memref<10240xf32, #tpu.memory_space<vmem_shared>> -> memref<128xf32, #tpu.memory_space<vmem_shared>>
      %dma_wait3A_128 = tpu.memref_slice %arg6[%add3A_66] : memref<10240xf32, #tpu.memory_space<vmem_shared>> -> memref<128xf32, #tpu.memory_space<vmem_shared>>
      tpu.wait_dma2 semaphore(%run_scoped3A : memref<!tpu.dma_semaphore, #tpu.memory_space<semaphore_mem>>) src(%arg5 : memref<128xf32, #tpu.memory_space<vmem>>) dst(%dma_wait3A_128 : memref<128xf32, #tpu.memory_space<vmem_shared>>)
      tpu.yield
    }) : () -> ()
    %mul3A_67 = arith.constant 80 : i32
    %mul3A_68 = arith.muli %add3A, %mul3A_67 : i32
    "tpu.region"() ({
      %run_scoped3A = tpu.sem_alloc : memref<!tpu.dma_semaphore, #tpu.memory_space<semaphore_mem>>
      %dma_start3A = arith.constant 0 : i32
      %dma_start3A_127 = tpu.memref_slice %arg2[%mul3A_68, %dma_start3A] : memref<2560x128xi32, #tpu.memory_space<hbm>> -> memref<80x128xi32, #tpu.memory_space<hbm>>
      %dma_start3A_128 = arith.constant 0 : i32
      %dma_start3A_129 = tpu.memref_slice %arg2[%mul3A_68, %dma_start3A_128] : memref<2560x128xi32, #tpu.memory_space<hbm>> -> memref<80x128xi32, #tpu.memory_space<hbm>>
      tpu.enqueue_dma source(%dma_start3A_129 : memref<80x128xi32, #tpu.memory_space<hbm>>) target(%arg4 : memref<80x128xi32, #tpu.memory_space<vmem>>) target_semaphore(%run_scoped3A : memref<!tpu.dma_semaphore, #tpu.memory_space<semaphore_mem>>)
      %dma_wait3A = arith.constant 0 : i32
      %dma_wait3A_130 = tpu.memref_slice %arg2[%mul3A_68, %dma_wait3A] : memref<2560x128xi32, #tpu.memory_space<hbm>> -> memref<80x128xi32, #tpu.memory_space<hbm>>
      %dma_wait3A_131 = arith.constant 0 : i32
      %dma_wait3A_132 = tpu.memref_slice %arg2[%mul3A_68, %dma_wait3A_131] : memref<2560x128xi32, #tpu.memory_space<hbm>> -> memref<80x128xi32, #tpu.memory_space<hbm>>
      tpu.wait_dma2 semaphore(%run_scoped3A : memref<!tpu.dma_semaphore, #tpu.memory_space<semaphore_mem>>) src(%dma_wait3A_132 : memref<80x128xi32, #tpu.memory_space<hbm>>) dst(%arg4 : memref<80x128xi32, #tpu.memory_space<vmem>>)
      tpu.yield
    }) : () -> ()
    %broadcast_in_dim3A_69 = arith.constant 1.000000e+00 : f32
    %broadcast_in_dim3A_70 = vector.broadcast %broadcast_in_dim3A_69 : f32 to vector<16xf32>
    %swap3A_71 = arith.constant 0 : index
    %swap3A_72 = tpu.vector_load %arg5[%swap3A_71] {strides = array<i32>} : memref<128xf32, #tpu.memory_space<vmem>>, vector<16xf32>,
    %swap3A_73 = vector.shape_cast %swap3A_72 : vector<16xf32> to vector<16xf32>
    %swap3A_74 = vector.shape_cast %broadcast_in_dim3A_70 : vector<16xf32> to vector<16xf32>
    tpu.vector_store %arg5[%swap3A_71], %swap3A_74 {strides = array<i32>} : memref<128xf32, #tpu.memory_space<vmem>>, vector<16xf32>,
    %broadcast_in_dim3A_75 = arith.constant 1.000000e+00 : f32
    %broadcast_in_dim3A_76 = vector.broadcast %broadcast_in_dim3A_75 : f32 to vector<16xf32>
    %swap3A_77 = arith.constant 16 : index
    %swap3A_78 = tpu.vector_load %arg5[%swap3A_77] {strides = array<i32>} : memref<128xf32, #tpu.memory_space<vmem>>, vector<16xf32>,
    %swap3A_79 = vector.shape_cast %swap3A_78 : vector<16xf32> to vector<16xf32>
    %swap3A_80 = vector.shape_cast %broadcast_in_dim3A_76 : vector<16xf32> to vector<16xf32>
    tpu.vector_store %arg5[%swap3A_77], %swap3A_80 {strides = array<i32>} : memref<128xf32, #tpu.memory_space<vmem>>, vector<16xf32>,
    %broadcast_in_dim3A_81 = arith.constant 1.000000e+00 : f32
    %broadcast_in_dim3A_82 = vector.broadcast %broadcast_in_dim3A_81 : f32 to vector<16xf32>
    %swap3A_83 = arith.constant 32 : index
    %swap3A_84 = tpu.vector_load %arg5[%swap3A_83] {strides = array<i32>} : memref<128xf32, #tpu.memory_space<vmem>>, vector<16xf32>,
    %swap3A_85 = vector.shape_cast %swap3A_84 : vector<16xf32> to vector<16xf32>
    %swap3A_86 = vector.shape_cast %broadcast_in_dim3A_82 : vector<16xf32> to vector<16xf32>
    tpu.vector_store %arg5[%swap3A_83], %swap3A_86 {strides = array<i32>} : memref<128xf32, #tpu.memory_space<vmem>>, vector<16xf32>,
    %broadcast_in_dim3A_87 = arith.constant 1.000000e+00 : f32
    %broadcast_in_dim3A_88 = vector.broadcast %broadcast_in_dim3A_87 : f32 to vector<16xf32>
    %swap3A_89 = arith.constant 48 : index
    %swap3A_90 = tpu.vector_load %arg5[%swap3A_89] {strides = array<i32>} : memref<128xf32, #tpu.memory_space<vmem>>, vector<16xf32>,
    %swap3A_91 = vector.shape_cast %swap3A_90 : vector<16xf32> to vector<16xf32>
    %swap3A_92 = vector.shape_cast %broadcast_in_dim3A_88 : vector<16xf32> to vector<16xf32>
    tpu.vector_store %arg5[%swap3A_89], %swap3A_92 {strides = array<i32>} : memref<128xf32, #tpu.memory_space<vmem>>, vector<16xf32>,
    %broadcast_in_dim3A_93 = arith.constant 1.000000e+00 : f32
    %broadcast_in_dim3A_94 = vector.broadcast %broadcast_in_dim3A_93 : f32 to vector<16xf32>
    %swap3A_95 = arith.constant 64 : index
    %swap3A_96 = tpu.vector_load %arg5[%swap3A_95] {strides = array<i32>} : memref<128xf32, #tpu.memory_space<vmem>>, vector<16xf32>,
    %swap3A_97 = vector.shape_cast %swap3A_96 : vector<16xf32> to vector<16xf32>
    %swap3A_98 = vector.shape_cast %broadcast_in_dim3A_94 : vector<16xf32> to vector<16xf32>
    tpu.vector_store %arg5[%swap3A_95], %swap3A_98 {strides = array<i32>} : memref<128xf32, #tpu.memory_space<vmem>>, vector<16xf32>,
    %broadcast_in_dim3A_99 = arith.constant 1.000000e+00 : f32
    %broadcast_in_dim3A_100 = vector.broadcast %broadcast_in_dim3A_99 : f32 to vector<16xf32>
    %swap3A_101 = arith.constant 80 : index
    %swap3A_102 = tpu.vector_load %arg5[%swap3A_101] {strides = array<i32>} : memref<128xf32, #tpu.memory_space<vmem>>, vector<16xf32>,
    %swap3A_103 = vector.shape_cast %swap3A_102 : vector<16xf32> to vector<16xf32>
    %swap3A_104 = vector.shape_cast %broadcast_in_dim3A_100 : vector<16xf32> to vector<16xf32>
    tpu.vector_store %arg5[%swap3A_101], %swap3A_104 {strides = array<i32>} : memref<128xf32, #tpu.memory_space<vmem>>, vector<16xf32>,
    %broadcast_in_dim3A_105 = arith.constant 1.000000e+00 : f32
    %broadcast_in_dim3A_106 = vector.broadcast %broadcast_in_dim3A_105 : f32 to vector<16xf32>
    %swap3A_107 = arith.constant 96 : index
    %swap3A_108 = tpu.vector_load %arg5[%swap3A_107] {strides = array<i32>} : memref<128xf32, #tpu.memory_space<vmem>>, vector<16xf32>,
    %swap3A_109 = vector.shape_cast %swap3A_108 : vector<16xf32> to vector<16xf32>
    %swap3A_110 = vector.shape_cast %broadcast_in_dim3A_106 : vector<16xf32> to vector<16xf32>
    tpu.vector_store %arg5[%swap3A_107], %swap3A_110 {strides = array<i32>} : memref<128xf32, #tpu.memory_space<vmem>>, vector<16xf32>,
    %broadcast_in_dim3A_111 = arith.constant 1.000000e+00 : f32
    %broadcast_in_dim3A_112 = vector.broadcast %broadcast_in_dim3A_111 : f32 to vector<16xf32>
    %swap3A_113 = arith.constant 112 : index
    %swap3A_114 = tpu.vector_load %arg5[%swap3A_113] {strides = array<i32>} : memref<128xf32, #tpu.memory_space<vmem>>, vector<16xf32>,
    %swap3A_115 = vector.shape_cast %swap3A_114 : vector<16xf32> to vector<16xf32>
    %swap3A_116 = vector.shape_cast %broadcast_in_dim3A_112 : vector<16xf32> to vector<16xf32>
    tpu.vector_store %arg5[%swap3A_113], %swap3A_116 {strides = array<i32>} : memref<128xf32, #tpu.memory_space<vmem>>, vector<16xf32>,
    %barrier3A = arith.constant 0 : index
    tpu.barrier barrier_id(%barrier3A)
    %scan3A = arith.constant 0 : i32
    %scan3A_117 = arith.constant 0 : i32
    %scan3A_118 = arith.constant 80 : i32
    %scan3A_119 = arith.addi %scan3A_117, %scan3A_118 : i32
    %scan3A_120 = arith.constant 1 : i32
    scf.for %scan3A_127 = %scan3A_117 to %scan3A_119 step %scan3A_120  : i32 {
      "tpu.region"() ({
        %run_scoped3A = tpu.sem_alloc : memref<!tpu.dma_semaphore, #tpu.memory_space<semaphore_mem>>
        %dma_start3A = arith.constant 0 : i32
        %dma_start3A_128 = tpu.memref_slice %arg4[%scan3A_127, %dma_start3A] : memref<80x128xi32, #tpu.memory_space<vmem>> -> memref<1x128xi32, #tpu.memory_space<vmem>>
        %dma_start3A_129 = tpu.memref_squeeze %dma_start3A_128 : memref<1x128xi32, #tpu.memory_space<vmem>> -> memref<128xi32, #tpu.memory_space<vmem>>
        %dma_start3A_130 = arith.constant 0 : i32
        %dma_start3A_131 = tpu.memref_slice %arg6[%dma_start3A_130] : memref<10240xf32, #tpu.memory_space<vmem_shared>> -> memref<10240xf32, #tpu.memory_space<vmem_shared>>
        tpu.enqueue_indirect_dma source(%arg5 : memref<128xf32, #tpu.memory_space<vmem>>) target(%dma_start3A_131 : memref<10240xf32, #tpu.memory_space<vmem_shared>>) offsets(%dma_start3A_129 : memref<128xi32, #tpu.memory_space<vmem>>) semaphore(%run_scoped3A : memref<!tpu.dma_semaphore, #tpu.memory_space<semaphore_mem>>) {add = true}
        %dma_wait3A = arith.constant 0 : i32
        %dma_wait3A_132 = tpu.memref_slice %arg4[%scan3A_127, %dma_wait3A] : memref<80x128xi32, #tpu.memory_space<vmem>> -> memref<1x128xi32, #tpu.memory_space<vmem>>
        %dma_wait3A_133 = tpu.memref_squeeze %dma_wait3A_132 : memref<1x128xi32, #tpu.memory_space<vmem>> -> memref<128xi32, #tpu.memory_space<vmem>>
        %dma_wait3A_134 = arith.constant 0 : i32
        %dma_wait3A_135 = tpu.memref_slice %arg6[%dma_wait3A_134] : memref<10240xf32, #tpu.memory_space<vmem_shared>> -> memref<10240xf32, #tpu.memory_space<vmem_shared>>
        tpu.wait_indirect_dma semaphore(%run_scoped3A : memref<!tpu.dma_semaphore, #tpu.memory_space<semaphore_mem>>) src(%arg5 : memref<128xf32, #tpu.memory_space<vmem>>) dst(%dma_wait3A_135 : memref<10240xf32, #tpu.memory_space<vmem_shared>>)
        tpu.yield
      }) : () -> ()
    }
    %scan3A_121 = arith.constant 80 : i32
    %barrier3A_122 = arith.constant 0 : index
    tpu.barrier barrier_id(%barrier3A_122)
    %mul3A_123 = arith.constant 640 : i32
    %mul3A_124 = arith.muli %arg1, %mul3A_123 : i32
    %mul3A_125 = arith.constant 640 : i32
    %mul3A_126 = arith.muli %arg1, %mul3A_125 : i32
    "tpu.region"() ({
      %run_scoped3A = tpu.sem_alloc : memref<!tpu.dma_semaphore, #tpu.memory_space<semaphore_mem>>
      %dma_start3A = tpu.memref_slice %arg3[%arg0, %mul3A_126] : memref<2x10240xf32, #tpu.memory_space<hbm>> -> memref<1x640xf32, #tpu.memory_space<hbm>>
      %dma_start3A_127 = tpu.memref_squeeze %dma_start3A : memref<1x640xf32, #tpu.memory_space<hbm>> -> memref<640xf32, #tpu.memory_space<hbm>>
      %dma_start3A_128 = tpu.memref_slice %arg6[%mul3A_124] : memref<10240xf32, #tpu.memory_space<vmem_shared>> -> memref<640xf32, #tpu.memory_space<vmem_shared>>
      tpu.enqueue_dma source(%dma_start3A_128 : memref<640xf32, #tpu.memory_space<vmem_shared>>) target(%dma_start3A_127 : memref<640xf32, #tpu.memory_space<hbm>>) target_semaphore(%run_scoped3A : memref<!tpu.dma_semaphore, #tpu.memory_space<semaphore_mem>>)
      %dma_wait3A = tpu.memref_slice %arg3[%arg0, %mul3A_126] : memref<2x10240xf32, #tpu.memory_space<hbm>> -> memref<1x640xf32, #tpu.memory_space<hbm>>
      %dma_wait3A_129 = tpu.memref_squeeze %dma_wait3A : memref<1x640xf32, #tpu.memory_space<hbm>> -> memref<640xf32, #tpu.memory_space<hbm>>
      %dma_wait3A_130 = tpu.memref_slice %arg6[%mul3A_124] : memref<10240xf32, #tpu.memory_space<vmem_shared>> -> memref<640xf32, #tpu.memory_space<vmem_shared>>
      tpu.wait_dma2 semaphore(%run_scoped3A : memref<!tpu.dma_semaphore, #tpu.memory_space<semaphore_mem>>) src(%dma_wait3A_130 : memref<640xf32, #tpu.memory_space<vmem_shared>>) dst(%dma_wait3A_129 : memref<640xf32, #tpu.memory_space<hbm>>)
      tpu.yield
    }) : () -> ()
    return
  }
}

#map = affine_map<(d0, d1) -> (0, 0)>
#map1 = affine_map<(d0, d1) -> (0, 0, 0)>
module attributes {stable_mosaic.version = 14 : i64} {
  func.func @_gs_body(%arg0: i32, %arg1: i32, %arg2: memref<10000x128xf32, #tpu.memory_space<hbm>>, %arg3: memref<2560x128xi32, #tpu.memory_space<hbm>>, %arg4: memref<2560x128xi32, #tpu.memory_space<hbm>>, %arg5: memref<2x10240x128xf32, #tpu.memory_space<hbm>>, %arg6: memref<40x128xi32, #tpu.memory_space<vmem>>, %arg7: memref<40x128xi32, #tpu.memory_space<vmem>>, %arg8: memref<128x128xf32, #tpu.memory_space<vmem>>, %arg9: memref<128x128xf32, #tpu.memory_space<vmem>>, %arg10: memref<8x128xf32, #tpu.memory_space<vmem>>, %arg11: memref<10240x128xf32, #tpu.memory_space<vmem_shared>>, %arg12: memref<!tpu.dma_semaphore, #tpu.memory_space<semaphore_mem>>, %arg13: memref<!tpu.dma_semaphore, #tpu.memory_space<semaphore_mem>>, %arg14: memref<!tpu.dma_semaphore, #tpu.memory_space<semaphore_mem>>, %arg15: memref<!tpu.dma_semaphore, #tpu.memory_space<semaphore_mem>>) attributes {dimension_semantics = [#tpu.dimension_semantics<core_parallel>, #tpu.dimension_semantics<subcore_parallel>], iteration_bounds = array<i64: 2, 16>, scalar_prefetch = 0 : i64, scratch_operands = 10 : i64, tpu.core_type = #tpu.core_type<sc_vector_subcore>, window_params = [{transform_indices = #map}, {transform_indices = #map}, {transform_indices = #map}, {transform_indices = #map1}]} {
    %mul3A = arith.constant 2 : i32
    %mul3A_0 = arith.muli %arg1, %mul3A : i32
    %add3A = arith.addi %mul3A_0, %arg0 : i32
    %broadcast_in_dim3A = arith.constant 0.000000e+00 : f32
    %broadcast_in_dim3A_1 = vector.broadcast %broadcast_in_dim3A : f32 to vector<16xf32>
    %swap3A = arith.constant 0 : i32
    %swap3A_2 = arith.index_cast %swap3A : i32 to index
    %swap3A_3 = arith.constant 0 : index
    %swap3A_4 = tpu.vector_load %arg10[%swap3A_2, %swap3A_3] {strides = array<i32>} : memref<8x128xf32, #tpu.memory_space<vmem>>, vector<1x16xf32>,
    %swap3A_5 = vector.shape_cast %swap3A_4 : vector<1x16xf32> to vector<16xf32>
    %swap3A_6 = vector.shape_cast %broadcast_in_dim3A_1 : vector<16xf32> to vector<1x16xf32>
    tpu.vector_store %arg10[%swap3A_2, %swap3A_3], %swap3A_6 {strides = array<i32>} : memref<8x128xf32, #tpu.memory_space<vmem>>, vector<1x16xf32>,
    %broadcast_in_dim3A_7 = arith.constant 0.000000e+00 : f32
    %broadcast_in_dim3A_8 = vector.broadcast %broadcast_in_dim3A_7 : f32 to vector<16xf32>
    %swap3A_9 = arith.constant 0 : i32
    %swap3A_10 = arith.index_cast %swap3A_9 : i32 to index
    %swap3A_11 = arith.constant 16 : index
    %swap3A_12 = tpu.vector_load %arg10[%swap3A_10, %swap3A_11] {strides = array<i32>} : memref<8x128xf32, #tpu.memory_space<vmem>>, vector<1x16xf32>,
    %swap3A_13 = vector.shape_cast %swap3A_12 : vector<1x16xf32> to vector<16xf32>
    %swap3A_14 = vector.shape_cast %broadcast_in_dim3A_8 : vector<16xf32> to vector<1x16xf32>
    tpu.vector_store %arg10[%swap3A_10, %swap3A_11], %swap3A_14 {strides = array<i32>} : memref<8x128xf32, #tpu.memory_space<vmem>>, vector<1x16xf32>,
    %broadcast_in_dim3A_15 = arith.constant 0.000000e+00 : f32
    %broadcast_in_dim3A_16 = vector.broadcast %broadcast_in_dim3A_15 : f32 to vector<16xf32>
    %swap3A_17 = arith.constant 0 : i32
    %swap3A_18 = arith.index_cast %swap3A_17 : i32 to index
    %swap3A_19 = arith.constant 32 : index
    %swap3A_20 = tpu.vector_load %arg10[%swap3A_18, %swap3A_19] {strides = array<i32>} : memref<8x128xf32, #tpu.memory_space<vmem>>, vector<1x16xf32>,
    %swap3A_21 = vector.shape_cast %swap3A_20 : vector<1x16xf32> to vector<16xf32>
    %swap3A_22 = vector.shape_cast %broadcast_in_dim3A_16 : vector<16xf32> to vector<1x16xf32>
    tpu.vector_store %arg10[%swap3A_18, %swap3A_19], %swap3A_22 {strides = array<i32>} : memref<8x128xf32, #tpu.memory_space<vmem>>, vector<1x16xf32>,
    %broadcast_in_dim3A_23 = arith.constant 0.000000e+00 : f32
    %broadcast_in_dim3A_24 = vector.broadcast %broadcast_in_dim3A_23 : f32 to vector<16xf32>
    %swap3A_25 = arith.constant 0 : i32
    %swap3A_26 = arith.index_cast %swap3A_25 : i32 to index
    %swap3A_27 = arith.constant 48 : index
    %swap3A_28 = tpu.vector_load %arg10[%swap3A_26, %swap3A_27] {strides = array<i32>} : memref<8x128xf32, #tpu.memory_space<vmem>>, vector<1x16xf32>,
    %swap3A_29 = vector.shape_cast %swap3A_28 : vector<1x16xf32> to vector<16xf32>
    %swap3A_30 = vector.shape_cast %broadcast_in_dim3A_24 : vector<16xf32> to vector<1x16xf32>
    tpu.vector_store %arg10[%swap3A_26, %swap3A_27], %swap3A_30 {strides = array<i32>} : memref<8x128xf32, #tpu.memory_space<vmem>>, vector<1x16xf32>,
    %broadcast_in_dim3A_31 = arith.constant 0.000000e+00 : f32
    %broadcast_in_dim3A_32 = vector.broadcast %broadcast_in_dim3A_31 : f32 to vector<16xf32>
    %swap3A_33 = arith.constant 0 : i32
    %swap3A_34 = arith.index_cast %swap3A_33 : i32 to index
    %swap3A_35 = arith.constant 64 : index
    %swap3A_36 = tpu.vector_load %arg10[%swap3A_34, %swap3A_35] {strides = array<i32>} : memref<8x128xf32, #tpu.memory_space<vmem>>, vector<1x16xf32>,
    %swap3A_37 = vector.shape_cast %swap3A_36 : vector<1x16xf32> to vector<16xf32>
    %swap3A_38 = vector.shape_cast %broadcast_in_dim3A_32 : vector<16xf32> to vector<1x16xf32>
    tpu.vector_store %arg10[%swap3A_34, %swap3A_35], %swap3A_38 {strides = array<i32>} : memref<8x128xf32, #tpu.memory_space<vmem>>, vector<1x16xf32>,
    %broadcast_in_dim3A_39 = arith.constant 0.000000e+00 : f32
    %broadcast_in_dim3A_40 = vector.broadcast %broadcast_in_dim3A_39 : f32 to vector<16xf32>
    %swap3A_41 = arith.constant 0 : i32
    %swap3A_42 = arith.index_cast %swap3A_41 : i32 to index
    %swap3A_43 = arith.constant 80 : index
    %swap3A_44 = tpu.vector_load %arg10[%swap3A_42, %swap3A_43] {strides = array<i32>} : memref<8x128xf32, #tpu.memory_space<vmem>>, vector<1x16xf32>,
    %swap3A_45 = vector.shape_cast %swap3A_44 : vector<1x16xf32> to vector<16xf32>
    %swap3A_46 = vector.shape_cast %broadcast_in_dim3A_40 : vector<16xf32> to vector<1x16xf32>
    tpu.vector_store %arg10[%swap3A_42, %swap3A_43], %swap3A_46 {strides = array<i32>} : memref<8x128xf32, #tpu.memory_space<vmem>>, vector<1x16xf32>,
    %broadcast_in_dim3A_47 = arith.constant 0.000000e+00 : f32
    %broadcast_in_dim3A_48 = vector.broadcast %broadcast_in_dim3A_47 : f32 to vector<16xf32>
    %swap3A_49 = arith.constant 0 : i32
    %swap3A_50 = arith.index_cast %swap3A_49 : i32 to index
    %swap3A_51 = arith.constant 96 : index
    %swap3A_52 = tpu.vector_load %arg10[%swap3A_50, %swap3A_51] {strides = array<i32>} : memref<8x128xf32, #tpu.memory_space<vmem>>, vector<1x16xf32>,
    %swap3A_53 = vector.shape_cast %swap3A_52 : vector<1x16xf32> to vector<16xf32>
    %swap3A_54 = vector.shape_cast %broadcast_in_dim3A_48 : vector<16xf32> to vector<1x16xf32>
    tpu.vector_store %arg10[%swap3A_50, %swap3A_51], %swap3A_54 {strides = array<i32>} : memref<8x128xf32, #tpu.memory_space<vmem>>, vector<1x16xf32>,
    %broadcast_in_dim3A_55 = arith.constant 0.000000e+00 : f32
    %broadcast_in_dim3A_56 = vector.broadcast %broadcast_in_dim3A_55 : f32 to vector<16xf32>
    %swap3A_57 = arith.constant 0 : i32
    %swap3A_58 = arith.index_cast %swap3A_57 : i32 to index
    %swap3A_59 = arith.constant 112 : index
    %swap3A_60 = tpu.vector_load %arg10[%swap3A_58, %swap3A_59] {strides = array<i32>} : memref<8x128xf32, #tpu.memory_space<vmem>>, vector<1x16xf32>,
    %swap3A_61 = vector.shape_cast %swap3A_60 : vector<1x16xf32> to vector<16xf32>
    %swap3A_62 = vector.shape_cast %broadcast_in_dim3A_56 : vector<16xf32> to vector<1x16xf32>
    tpu.vector_store %arg10[%swap3A_58, %swap3A_59], %swap3A_62 {strides = array<i32>} : memref<8x128xf32, #tpu.memory_space<vmem>>, vector<1x16xf32>,
    %broadcast_in_dim3A_63 = arith.constant 0.000000e+00 : f32
    %broadcast_in_dim3A_64 = vector.broadcast %broadcast_in_dim3A_63 : f32 to vector<16xf32>
    %swap3A_65 = arith.constant 1 : i32
    %swap3A_66 = arith.index_cast %swap3A_65 : i32 to index
    %swap3A_67 = arith.constant 0 : index
    %swap3A_68 = tpu.vector_load %arg10[%swap3A_66, %swap3A_67] {strides = array<i32>} : memref<8x128xf32, #tpu.memory_space<vmem>>, vector<1x16xf32>,
    %swap3A_69 = vector.shape_cast %swap3A_68 : vector<1x16xf32> to vector<16xf32>
    %swap3A_70 = vector.shape_cast %broadcast_in_dim3A_64 : vector<16xf32> to vector<1x16xf32>
    tpu.vector_store %arg10[%swap3A_66, %swap3A_67], %swap3A_70 {strides = array<i32>} : memref<8x128xf32, #tpu.memory_space<vmem>>, vector<1x16xf32>,
    %broadcast_in_dim3A_71 = arith.constant 0.000000e+00 : f32
    %broadcast_in_dim3A_72 = vector.broadcast %broadcast_in_dim3A_71 : f32 to vector<16xf32>
    %swap3A_73 = arith.constant 1 : i32
    %swap3A_74 = arith.index_cast %swap3A_73 : i32 to index
    %swap3A_75 = arith.constant 16 : index
    %swap3A_76 = tpu.vector_load %arg10[%swap3A_74, %swap3A_75] {strides = array<i32>} : memref<8x128xf32, #tpu.memory_space<vmem>>, vector<1x16xf32>,
    %swap3A_77 = vector.shape_cast %swap3A_76 : vector<1x16xf32> to vector<16xf32>
    %swap3A_78 = vector.shape_cast %broadcast_in_dim3A_72 : vector<16xf32> to vector<1x16xf32>
    tpu.vector_store %arg10[%swap3A_74, %swap3A_75], %swap3A_78 {strides = array<i32>} : memref<8x128xf32, #tpu.memory_space<vmem>>, vector<1x16xf32>,
    %broadcast_in_dim3A_79 = arith.constant 0.000000e+00 : f32
    %broadcast_in_dim3A_80 = vector.broadcast %broadcast_in_dim3A_79 : f32 to vector<16xf32>
    %swap3A_81 = arith.constant 1 : i32
    %swap3A_82 = arith.index_cast %swap3A_81 : i32 to index
    %swap3A_83 = arith.constant 32 : index
    %swap3A_84 = tpu.vector_load %arg10[%swap3A_82, %swap3A_83] {strides = array<i32>} : memref<8x128xf32, #tpu.memory_space<vmem>>, vector<1x16xf32>,
    %swap3A_85 = vector.shape_cast %swap3A_84 : vector<1x16xf32> to vector<16xf32>
    %swap3A_86 = vector.shape_cast %broadcast_in_dim3A_80 : vector<16xf32> to vector<1x16xf32>
    tpu.vector_store %arg10[%swap3A_82, %swap3A_83], %swap3A_86 {strides = array<i32>} : memref<8x128xf32, #tpu.memory_space<vmem>>, vector<1x16xf32>,
    %broadcast_in_dim3A_87 = arith.constant 0.000000e+00 : f32
    %broadcast_in_dim3A_88 = vector.broadcast %broadcast_in_dim3A_87 : f32 to vector<16xf32>
    %swap3A_89 = arith.constant 1 : i32
    %swap3A_90 = arith.index_cast %swap3A_89 : i32 to index
    %swap3A_91 = arith.constant 48 : index
    %swap3A_92 = tpu.vector_load %arg10[%swap3A_90, %swap3A_91] {strides = array<i32>} : memref<8x128xf32, #tpu.memory_space<vmem>>, vector<1x16xf32>,
    %swap3A_93 = vector.shape_cast %swap3A_92 : vector<1x16xf32> to vector<16xf32>
    %swap3A_94 = vector.shape_cast %broadcast_in_dim3A_88 : vector<16xf32> to vector<1x16xf32>
    tpu.vector_store %arg10[%swap3A_90, %swap3A_91], %swap3A_94 {strides = array<i32>} : memref<8x128xf32, #tpu.memory_space<vmem>>, vector<1x16xf32>,
    %broadcast_in_dim3A_95 = arith.constant 0.000000e+00 : f32
    %broadcast_in_dim3A_96 = vector.broadcast %broadcast_in_dim3A_95 : f32 to vector<16xf32>
    %swap3A_97 = arith.constant 1 : i32
    %swap3A_98 = arith.index_cast %swap3A_97 : i32 to index
    %swap3A_99 = arith.constant 64 : index
    %swap3A_100 = tpu.vector_load %arg10[%swap3A_98, %swap3A_99] {strides = array<i32>} : memref<8x128xf32, #tpu.memory_space<vmem>>, vector<1x16xf32>,
    %swap3A_101 = vector.shape_cast %swap3A_100 : vector<1x16xf32> to vector<16xf32>
    %swap3A_102 = vector.shape_cast %broadcast_in_dim3A_96 : vector<16xf32> to vector<1x16xf32>
    tpu.vector_store %arg10[%swap3A_98, %swap3A_99], %swap3A_102 {strides = array<i32>} : memref<8x128xf32, #tpu.memory_space<vmem>>, vector<1x16xf32>,
    %broadcast_in_dim3A_103 = arith.constant 0.000000e+00 : f32
    %broadcast_in_dim3A_104 = vector.broadcast %broadcast_in_dim3A_103 : f32 to vector<16xf32>
    %swap3A_105 = arith.constant 1 : i32
    %swap3A_106 = arith.index_cast %swap3A_105 : i32 to index
    %swap3A_107 = arith.constant 80 : index
    %swap3A_108 = tpu.vector_load %arg10[%swap3A_106, %swap3A_107] {strides = array<i32>} : memref<8x128xf32, #tpu.memory_space<vmem>>, vector<1x16xf32>,
    %swap3A_109 = vector.shape_cast %swap3A_108 : vector<1x16xf32> to vector<16xf32>
    %swap3A_110 = vector.shape_cast %broadcast_in_dim3A_104 : vector<16xf32> to vector<1x16xf32>
    tpu.vector_store %arg10[%swap3A_106, %swap3A_107], %swap3A_110 {strides = array<i32>} : memref<8x128xf32, #tpu.memory_space<vmem>>, vector<1x16xf32>,
    %broadcast_in_dim3A_111 = arith.constant 0.000000e+00 : f32
    %broadcast_in_dim3A_112 = vector.broadcast %broadcast_in_dim3A_111 : f32 to vector<16xf32>
    %swap3A_113 = arith.constant 1 : i32
    %swap3A_114 = arith.index_cast %swap3A_113 : i32 to index
    %swap3A_115 = arith.constant 96 : index
    %swap3A_116 = tpu.vector_load %arg10[%swap3A_114, %swap3A_115] {strides = array<i32>} : memref<8x128xf32, #tpu.memory_space<vmem>>, vector<1x16xf32>,
    %swap3A_117 = vector.shape_cast %swap3A_116 : vector<1x16xf32> to vector<16xf32>
    %swap3A_118 = vector.shape_cast %broadcast_in_dim3A_112 : vector<16xf32> to vector<1x16xf32>
    tpu.vector_store %arg10[%swap3A_114, %swap3A_115], %swap3A_118 {strides = array<i32>} : memref<8x128xf32, #tpu.memory_space<vmem>>, vector<1x16xf32>,
    %broadcast_in_dim3A_119 = arith.constant 0.000000e+00 : f32
    %broadcast_in_dim3A_120 = vector.broadcast %broadcast_in_dim3A_119 : f32 to vector<16xf32>
    %swap3A_121 = arith.constant 1 : i32
    %swap3A_122 = arith.index_cast %swap3A_121 : i32 to index
    %swap3A_123 = arith.constant 112 : index
    %swap3A_124 = tpu.vector_load %arg10[%swap3A_122, %swap3A_123] {strides = array<i32>} : memref<8x128xf32, #tpu.memory_space<vmem>>, vector<1x16xf32>,
    %swap3A_125 = vector.shape_cast %swap3A_124 : vector<1x16xf32> to vector<16xf32>
    %swap3A_126 = vector.shape_cast %broadcast_in_dim3A_120 : vector<16xf32> to vector<1x16xf32>
    tpu.vector_store %arg10[%swap3A_122, %swap3A_123], %swap3A_126 {strides = array<i32>} : memref<8x128xf32, #tpu.memory_space<vmem>>, vector<1x16xf32>,
    %broadcast_in_dim3A_127 = arith.constant 0.000000e+00 : f32
    %broadcast_in_dim3A_128 = vector.broadcast %broadcast_in_dim3A_127 : f32 to vector<16xf32>
    %swap3A_129 = arith.constant 2 : i32
    %swap3A_130 = arith.index_cast %swap3A_129 : i32 to index
    %swap3A_131 = arith.constant 0 : index
    %swap3A_132 = tpu.vector_load %arg10[%swap3A_130, %swap3A_131] {strides = array<i32>} : memref<8x128xf32, #tpu.memory_space<vmem>>, vector<1x16xf32>,
    %swap3A_133 = vector.shape_cast %swap3A_132 : vector<1x16xf32> to vector<16xf32>
    %swap3A_134 = vector.shape_cast %broadcast_in_dim3A_128 : vector<16xf32> to vector<1x16xf32>
    tpu.vector_store %arg10[%swap3A_130, %swap3A_131], %swap3A_134 {strides = array<i32>} : memref<8x128xf32, #tpu.memory_space<vmem>>, vector<1x16xf32>,
    %broadcast_in_dim3A_135 = arith.constant 0.000000e+00 : f32
    %broadcast_in_dim3A_136 = vector.broadcast %broadcast_in_dim3A_135 : f32 to vector<16xf32>
    %swap3A_137 = arith.constant 2 : i32
    %swap3A_138 = arith.index_cast %swap3A_137 : i32 to index
    %swap3A_139 = arith.constant 16 : index
    %swap3A_140 = tpu.vector_load %arg10[%swap3A_138, %swap3A_139] {strides = array<i32>} : memref<8x128xf32, #tpu.memory_space<vmem>>, vector<1x16xf32>,
    %swap3A_141 = vector.shape_cast %swap3A_140 : vector<1x16xf32> to vector<16xf32>
    %swap3A_142 = vector.shape_cast %broadcast_in_dim3A_136 : vector<16xf32> to vector<1x16xf32>
    tpu.vector_store %arg10[%swap3A_138, %swap3A_139], %swap3A_142 {strides = array<i32>} : memref<8x128xf32, #tpu.memory_space<vmem>>, vector<1x16xf32>,
    %broadcast_in_dim3A_143 = arith.constant 0.000000e+00 : f32
    %broadcast_in_dim3A_144 = vector.broadcast %broadcast_in_dim3A_143 : f32 to vector<16xf32>
    %swap3A_145 = arith.constant 2 : i32
    %swap3A_146 = arith.index_cast %swap3A_145 : i32 to index
    %swap3A_147 = arith.constant 32 : index
    %swap3A_148 = tpu.vector_load %arg10[%swap3A_146, %swap3A_147] {strides = array<i32>} : memref<8x128xf32, #tpu.memory_space<vmem>>, vector<1x16xf32>,
    %swap3A_149 = vector.shape_cast %swap3A_148 : vector<1x16xf32> to vector<16xf32>
    %swap3A_150 = vector.shape_cast %broadcast_in_dim3A_144 : vector<16xf32> to vector<1x16xf32>
    tpu.vector_store %arg10[%swap3A_146, %swap3A_147], %swap3A_150 {strides = array<i32>} : memref<8x128xf32, #tpu.memory_space<vmem>>, vector<1x16xf32>,
    %broadcast_in_dim3A_151 = arith.constant 0.000000e+00 : f32
    %broadcast_in_dim3A_152 = vector.broadcast %broadcast_in_dim3A_151 : f32 to vector<16xf32>
    %swap3A_153 = arith.constant 2 : i32
    %swap3A_154 = arith.index_cast %swap3A_153 : i32 to index
    %swap3A_155 = arith.constant 48 : index
    %swap3A_156 = tpu.vector_load %arg10[%swap3A_154, %swap3A_155] {strides = array<i32>} : memref<8x128xf32, #tpu.memory_space<vmem>>, vector<1x16xf32>,
    %swap3A_157 = vector.shape_cast %swap3A_156 : vector<1x16xf32> to vector<16xf32>
    %swap3A_158 = vector.shape_cast %broadcast_in_dim3A_152 : vector<16xf32> to vector<1x16xf32>
    tpu.vector_store %arg10[%swap3A_154, %swap3A_155], %swap3A_158 {strides = array<i32>} : memref<8x128xf32, #tpu.memory_space<vmem>>, vector<1x16xf32>,
    %broadcast_in_dim3A_159 = arith.constant 0.000000e+00 : f32
    %broadcast_in_dim3A_160 = vector.broadcast %broadcast_in_dim3A_159 : f32 to vector<16xf32>
    %swap3A_161 = arith.constant 2 : i32
    %swap3A_162 = arith.index_cast %swap3A_161 : i32 to index
    %swap3A_163 = arith.constant 64 : index
    %swap3A_164 = tpu.vector_load %arg10[%swap3A_162, %swap3A_163] {strides = array<i32>} : memref<8x128xf32, #tpu.memory_space<vmem>>, vector<1x16xf32>,
    %swap3A_165 = vector.shape_cast %swap3A_164 : vector<1x16xf32> to vector<16xf32>
    %swap3A_166 = vector.shape_cast %broadcast_in_dim3A_160 : vector<16xf32> to vector<1x16xf32>
    tpu.vector_store %arg10[%swap3A_162, %swap3A_163], %swap3A_166 {strides = array<i32>} : memref<8x128xf32, #tpu.memory_space<vmem>>, vector<1x16xf32>,
    %broadcast_in_dim3A_167 = arith.constant 0.000000e+00 : f32
    %broadcast_in_dim3A_168 = vector.broadcast %broadcast_in_dim3A_167 : f32 to vector<16xf32>
    %swap3A_169 = arith.constant 2 : i32
    %swap3A_170 = arith.index_cast %swap3A_169 : i32 to index
    %swap3A_171 = arith.constant 80 : index
    %swap3A_172 = tpu.vector_load %arg10[%swap3A_170, %swap3A_171] {strides = array<i32>} : memref<8x128xf32, #tpu.memory_space<vmem>>, vector<1x16xf32>,
    %swap3A_173 = vector.shape_cast %swap3A_172 : vector<1x16xf32> to vector<16xf32>
    %swap3A_174 = vector.shape_cast %broadcast_in_dim3A_168 : vector<16xf32> to vector<1x16xf32>
    tpu.vector_store %arg10[%swap3A_170, %swap3A_171], %swap3A_174 {strides = array<i32>} : memref<8x128xf32, #tpu.memory_space<vmem>>, vector<1x16xf32>,
    %broadcast_in_dim3A_175 = arith.constant 0.000000e+00 : f32
    %broadcast_in_dim3A_176 = vector.broadcast %broadcast_in_dim3A_175 : f32 to vector<16xf32>
    %swap3A_177 = arith.constant 2 : i32
    %swap3A_178 = arith.index_cast %swap3A_177 : i32 to index
    %swap3A_179 = arith.constant 96 : index
    %swap3A_180 = tpu.vector_load %arg10[%swap3A_178, %swap3A_179] {strides = array<i32>} : memref<8x128xf32, #tpu.memory_space<vmem>>, vector<1x16xf32>,
    %swap3A_181 = vector.shape_cast %swap3A_180 : vector<1x16xf32> to vector<16xf32>
    %swap3A_182 = vector.shape_cast %broadcast_in_dim3A_176 : vector<16xf32> to vector<1x16xf32>
    tpu.vector_store %arg10[%swap3A_178, %swap3A_179], %swap3A_182 {strides = array<i32>} : memref<8x128xf32, #tpu.memory_space<vmem>>, vector<1x16xf32>,
    %broadcast_in_dim3A_183 = arith.constant 0.000000e+00 : f32
    %broadcast_in_dim3A_184 = vector.broadcast %broadcast_in_dim3A_183 : f32 to vector<16xf32>
    %swap3A_185 = arith.constant 2 : i32
    %swap3A_186 = arith.index_cast %swap3A_185 : i32 to index
    %swap3A_187 = arith.constant 112 : index
    %swap3A_188 = tpu.vector_load %arg10[%swap3A_186, %swap3A_187] {strides = array<i32>} : memref<8x128xf32, #tpu.memory_space<vmem>>, vector<1x16xf32>,
    %swap3A_189 = vector.shape_cast %swap3A_188 : vector<1x16xf32> to vector<16xf32>
    %swap3A_190 = vector.shape_cast %broadcast_in_dim3A_184 : vector<16xf32> to vector<1x16xf32>
    tpu.vector_store %arg10[%swap3A_186, %swap3A_187], %swap3A_190 {strides = array<i32>} : memref<8x128xf32, #tpu.memory_space<vmem>>, vector<1x16xf32>,
    %broadcast_in_dim3A_191 = arith.constant 0.000000e+00 : f32
    %broadcast_in_dim3A_192 = vector.broadcast %broadcast_in_dim3A_191 : f32 to vector<16xf32>
    %swap3A_193 = arith.constant 3 : i32
    %swap3A_194 = arith.index_cast %swap3A_193 : i32 to index
    %swap3A_195 = arith.constant 0 : index
    %swap3A_196 = tpu.vector_load %arg10[%swap3A_194, %swap3A_195] {strides = array<i32>} : memref<8x128xf32, #tpu.memory_space<vmem>>, vector<1x16xf32>,
    %swap3A_197 = vector.shape_cast %swap3A_196 : vector<1x16xf32> to vector<16xf32>
    %swap3A_198 = vector.shape_cast %broadcast_in_dim3A_192 : vector<16xf32> to vector<1x16xf32>
    tpu.vector_store %arg10[%swap3A_194, %swap3A_195], %swap3A_198 {strides = array<i32>} : memref<8x128xf32, #tpu.memory_space<vmem>>, vector<1x16xf32>,
    %broadcast_in_dim3A_199 = arith.constant 0.000000e+00 : f32
    %broadcast_in_dim3A_200 = vector.broadcast %broadcast_in_dim3A_199 : f32 to vector<16xf32>
    %swap3A_201 = arith.constant 3 : i32
    %swap3A_202 = arith.index_cast %swap3A_201 : i32 to index
    %swap3A_203 = arith.constant 16 : index
    %swap3A_204 = tpu.vector_load %arg10[%swap3A_202, %swap3A_203] {strides = array<i32>} : memref<8x128xf32, #tpu.memory_space<vmem>>, vector<1x16xf32>,
    %swap3A_205 = vector.shape_cast %swap3A_204 : vector<1x16xf32> to vector<16xf32>
    %swap3A_206 = vector.shape_cast %broadcast_in_dim3A_200 : vector<16xf32> to vector<1x16xf32>
    tpu.vector_store %arg10[%swap3A_202, %swap3A_203], %swap3A_206 {strides = array<i32>} : memref<8x128xf32, #tpu.memory_space<vmem>>, vector<1x16xf32>,
    %broadcast_in_dim3A_207 = arith.constant 0.000000e+00 : f32
    %broadcast_in_dim3A_208 = vector.broadcast %broadcast_in_dim3A_207 : f32 to vector<16xf32>
    %swap3A_209 = arith.constant 3 : i32
    %swap3A_210 = arith.index_cast %swap3A_209 : i32 to index
    %swap3A_211 = arith.constant 32 : index
    %swap3A_212 = tpu.vector_load %arg10[%swap3A_210, %swap3A_211] {strides = array<i32>} : memref<8x128xf32, #tpu.memory_space<vmem>>, vector<1x16xf32>,
    %swap3A_213 = vector.shape_cast %swap3A_212 : vector<1x16xf32> to vector<16xf32>
    %swap3A_214 = vector.shape_cast %broadcast_in_dim3A_208 : vector<16xf32> to vector<1x16xf32>
    tpu.vector_store %arg10[%swap3A_210, %swap3A_211], %swap3A_214 {strides = array<i32>} : memref<8x128xf32, #tpu.memory_space<vmem>>, vector<1x16xf32>,
    %broadcast_in_dim3A_215 = arith.constant 0.000000e+00 : f32
    %broadcast_in_dim3A_216 = vector.broadcast %broadcast_in_dim3A_215 : f32 to vector<16xf32>
    %swap3A_217 = arith.constant 3 : i32
    %swap3A_218 = arith.index_cast %swap3A_217 : i32 to index
    %swap3A_219 = arith.constant 48 : index
    %swap3A_220 = tpu.vector_load %arg10[%swap3A_218, %swap3A_219] {strides = array<i32>} : memref<8x128xf32, #tpu.memory_space<vmem>>, vector<1x16xf32>,
    %swap3A_221 = vector.shape_cast %swap3A_220 : vector<1x16xf32> to vector<16xf32>
    %swap3A_222 = vector.shape_cast %broadcast_in_dim3A_216 : vector<16xf32> to vector<1x16xf32>
    tpu.vector_store %arg10[%swap3A_218, %swap3A_219], %swap3A_222 {strides = array<i32>} : memref<8x128xf32, #tpu.memory_space<vmem>>, vector<1x16xf32>,
    %broadcast_in_dim3A_223 = arith.constant 0.000000e+00 : f32
    %broadcast_in_dim3A_224 = vector.broadcast %broadcast_in_dim3A_223 : f32 to vector<16xf32>
    %swap3A_225 = arith.constant 3 : i32
    %swap3A_226 = arith.index_cast %swap3A_225 : i32 to index
    %swap3A_227 = arith.constant 64 : index
    %swap3A_228 = tpu.vector_load %arg10[%swap3A_226, %swap3A_227] {strides = array<i32>} : memref<8x128xf32, #tpu.memory_space<vmem>>, vector<1x16xf32>,
    %swap3A_229 = vector.shape_cast %swap3A_228 : vector<1x16xf32> to vector<16xf32>
    %swap3A_230 = vector.shape_cast %broadcast_in_dim3A_224 : vector<16xf32> to vector<1x16xf32>
    tpu.vector_store %arg10[%swap3A_226, %swap3A_227], %swap3A_230 {strides = array<i32>} : memref<8x128xf32, #tpu.memory_space<vmem>>, vector<1x16xf32>,
    %broadcast_in_dim3A_231 = arith.constant 0.000000e+00 : f32
    %broadcast_in_dim3A_232 = vector.broadcast %broadcast_in_dim3A_231 : f32 to vector<16xf32>
    %swap3A_233 = arith.constant 3 : i32
    %swap3A_234 = arith.index_cast %swap3A_233 : i32 to index
    %swap3A_235 = arith.constant 80 : index
    %swap3A_236 = tpu.vector_load %arg10[%swap3A_234, %swap3A_235] {strides = array<i32>} : memref<8x128xf32, #tpu.memory_space<vmem>>, vector<1x16xf32>,
    %swap3A_237 = vector.shape_cast %swap3A_236 : vector<1x16xf32> to vector<16xf32>
    %swap3A_238 = vector.shape_cast %broadcast_in_dim3A_232 : vector<16xf32> to vector<1x16xf32>
    tpu.vector_store %arg10[%swap3A_234, %swap3A_235], %swap3A_238 {strides = array<i32>} : memref<8x128xf32, #tpu.memory_space<vmem>>, vector<1x16xf32>,
    %broadcast_in_dim3A_239 = arith.constant 0.000000e+00 : f32
    %broadcast_in_dim3A_240 = vector.broadcast %broadcast_in_dim3A_239 : f32 to vector<16xf32>
    %swap3A_241 = arith.constant 3 : i32
    %swap3A_242 = arith.index_cast %swap3A_241 : i32 to index
    %swap3A_243 = arith.constant 96 : index
    %swap3A_244 = tpu.vector_load %arg10[%swap3A_242, %swap3A_243] {strides = array<i32>} : memref<8x128xf32, #tpu.memory_space<vmem>>, vector<1x16xf32>,
    %swap3A_245 = vector.shape_cast %swap3A_244 : vector<1x16xf32> to vector<16xf32>
    %swap3A_246 = vector.shape_cast %broadcast_in_dim3A_240 : vector<16xf32> to vector<1x16xf32>
    tpu.vector_store %arg10[%swap3A_242, %swap3A_243], %swap3A_246 {strides = array<i32>} : memref<8x128xf32, #tpu.memory_space<vmem>>, vector<1x16xf32>,
    %broadcast_in_dim3A_247 = arith.constant 0.000000e+00 : f32
    %broadcast_in_dim3A_248 = vector.broadcast %broadcast_in_dim3A_247 : f32 to vector<16xf32>
    %swap3A_249 = arith.constant 3 : i32
    %swap3A_250 = arith.index_cast %swap3A_249 : i32 to index
    %swap3A_251 = arith.constant 112 : index
    %swap3A_252 = tpu.vector_load %arg10[%swap3A_250, %swap3A_251] {strides = array<i32>} : memref<8x128xf32, #tpu.memory_space<vmem>>, vector<1x16xf32>,
    %swap3A_253 = vector.shape_cast %swap3A_252 : vector<1x16xf32> to vector<16xf32>
    %swap3A_254 = vector.shape_cast %broadcast_in_dim3A_248 : vector<16xf32> to vector<1x16xf32>
    tpu.vector_store %arg10[%swap3A_250, %swap3A_251], %swap3A_254 {strides = array<i32>} : memref<8x128xf32, #tpu.memory_space<vmem>>, vector<1x16xf32>,
    %broadcast_in_dim3A_255 = arith.constant 0.000000e+00 : f32
    %broadcast_in_dim3A_256 = vector.broadcast %broadcast_in_dim3A_255 : f32 to vector<16xf32>
    %swap3A_257 = arith.constant 4 : i32
    %swap3A_258 = arith.index_cast %swap3A_257 : i32 to index
    %swap3A_259 = arith.constant 0 : index
    %swap3A_260 = tpu.vector_load %arg10[%swap3A_258, %swap3A_259] {strides = array<i32>} : memref<8x128xf32, #tpu.memory_space<vmem>>, vector<1x16xf32>,
    %swap3A_261 = vector.shape_cast %swap3A_260 : vector<1x16xf32> to vector<16xf32>
    %swap3A_262 = vector.shape_cast %broadcast_in_dim3A_256 : vector<16xf32> to vector<1x16xf32>
    tpu.vector_store %arg10[%swap3A_258, %swap3A_259], %swap3A_262 {strides = array<i32>} : memref<8x128xf32, #tpu.memory_space<vmem>>, vector<1x16xf32>,
    %broadcast_in_dim3A_263 = arith.constant 0.000000e+00 : f32
    %broadcast_in_dim3A_264 = vector.broadcast %broadcast_in_dim3A_263 : f32 to vector<16xf32>
    %swap3A_265 = arith.constant 4 : i32
    %swap3A_266 = arith.index_cast %swap3A_265 : i32 to index
    %swap3A_267 = arith.constant 16 : index
    %swap3A_268 = tpu.vector_load %arg10[%swap3A_266, %swap3A_267] {strides = array<i32>} : memref<8x128xf32, #tpu.memory_space<vmem>>, vector<1x16xf32>,
    %swap3A_269 = vector.shape_cast %swap3A_268 : vector<1x16xf32> to vector<16xf32>
    %swap3A_270 = vector.shape_cast %broadcast_in_dim3A_264 : vector<16xf32> to vector<1x16xf32>
    tpu.vector_store %arg10[%swap3A_266, %swap3A_267], %swap3A_270 {strides = array<i32>} : memref<8x128xf32, #tpu.memory_space<vmem>>, vector<1x16xf32>,
    %broadcast_in_dim3A_271 = arith.constant 0.000000e+00 : f32
    %broadcast_in_dim3A_272 = vector.broadcast %broadcast_in_dim3A_271 : f32 to vector<16xf32>
    %swap3A_273 = arith.constant 4 : i32
    %swap3A_274 = arith.index_cast %swap3A_273 : i32 to index
    %swap3A_275 = arith.constant 32 : index
    %swap3A_276 = tpu.vector_load %arg10[%swap3A_274, %swap3A_275] {strides = array<i32>} : memref<8x128xf32, #tpu.memory_space<vmem>>, vector<1x16xf32>,
    %swap3A_277 = vector.shape_cast %swap3A_276 : vector<1x16xf32> to vector<16xf32>
    %swap3A_278 = vector.shape_cast %broadcast_in_dim3A_272 : vector<16xf32> to vector<1x16xf32>
    tpu.vector_store %arg10[%swap3A_274, %swap3A_275], %swap3A_278 {strides = array<i32>} : memref<8x128xf32, #tpu.memory_space<vmem>>, vector<1x16xf32>,
    %broadcast_in_dim3A_279 = arith.constant 0.000000e+00 : f32
    %broadcast_in_dim3A_280 = vector.broadcast %broadcast_in_dim3A_279 : f32 to vector<16xf32>
    %swap3A_281 = arith.constant 4 : i32
    %swap3A_282 = arith.index_cast %swap3A_281 : i32 to index
    %swap3A_283 = arith.constant 48 : index
    %swap3A_284 = tpu.vector_load %arg10[%swap3A_282, %swap3A_283] {strides = array<i32>} : memref<8x128xf32, #tpu.memory_space<vmem>>, vector<1x16xf32>,
    %swap3A_285 = vector.shape_cast %swap3A_284 : vector<1x16xf32> to vector<16xf32>
    %swap3A_286 = vector.shape_cast %broadcast_in_dim3A_280 : vector<16xf32> to vector<1x16xf32>
    tpu.vector_store %arg10[%swap3A_282, %swap3A_283], %swap3A_286 {strides = array<i32>} : memref<8x128xf32, #tpu.memory_space<vmem>>, vector<1x16xf32>,
    %broadcast_in_dim3A_287 = arith.constant 0.000000e+00 : f32
    %broadcast_in_dim3A_288 = vector.broadcast %broadcast_in_dim3A_287 : f32 to vector<16xf32>
    %swap3A_289 = arith.constant 4 : i32
    %swap3A_290 = arith.index_cast %swap3A_289 : i32 to index
    %swap3A_291 = arith.constant 64 : index
    %swap3A_292 = tpu.vector_load %arg10[%swap3A_290, %swap3A_291] {strides = array<i32>} : memref<8x128xf32, #tpu.memory_space<vmem>>, vector<1x16xf32>,
    %swap3A_293 = vector.shape_cast %swap3A_292 : vector<1x16xf32> to vector<16xf32>
    %swap3A_294 = vector.shape_cast %broadcast_in_dim3A_288 : vector<16xf32> to vector<1x16xf32>
    tpu.vector_store %arg10[%swap3A_290, %swap3A_291], %swap3A_294 {strides = array<i32>} : memref<8x128xf32, #tpu.memory_space<vmem>>, vector<1x16xf32>,
    %broadcast_in_dim3A_295 = arith.constant 0.000000e+00 : f32
    %broadcast_in_dim3A_296 = vector.broadcast %broadcast_in_dim3A_295 : f32 to vector<16xf32>
    %swap3A_297 = arith.constant 4 : i32
    %swap3A_298 = arith.index_cast %swap3A_297 : i32 to index
    %swap3A_299 = arith.constant 80 : index
    %swap3A_300 = tpu.vector_load %arg10[%swap3A_298, %swap3A_299] {strides = array<i32>} : memref<8x128xf32, #tpu.memory_space<vmem>>, vector<1x16xf32>,
    %swap3A_301 = vector.shape_cast %swap3A_300 : vector<1x16xf32> to vector<16xf32>
    %swap3A_302 = vector.shape_cast %broadcast_in_dim3A_296 : vector<16xf32> to vector<1x16xf32>
    tpu.vector_store %arg10[%swap3A_298, %swap3A_299], %swap3A_302 {strides = array<i32>} : memref<8x128xf32, #tpu.memory_space<vmem>>, vector<1x16xf32>,
    %broadcast_in_dim3A_303 = arith.constant 0.000000e+00 : f32
    %broadcast_in_dim3A_304 = vector.broadcast %broadcast_in_dim3A_303 : f32 to vector<16xf32>
    %swap3A_305 = arith.constant 4 : i32
    %swap3A_306 = arith.index_cast %swap3A_305 : i32 to index
    %swap3A_307 = arith.constant 96 : index
    %swap3A_308 = tpu.vector_load %arg10[%swap3A_306, %swap3A_307] {strides = array<i32>} : memref<8x128xf32, #tpu.memory_space<vmem>>, vector<1x16xf32>,
    %swap3A_309 = vector.shape_cast %swap3A_308 : vector<1x16xf32> to vector<16xf32>
    %swap3A_310 = vector.shape_cast %broadcast_in_dim3A_304 : vector<16xf32> to vector<1x16xf32>
    tpu.vector_store %arg10[%swap3A_306, %swap3A_307], %swap3A_310 {strides = array<i32>} : memref<8x128xf32, #tpu.memory_space<vmem>>, vector<1x16xf32>,
    %broadcast_in_dim3A_311 = arith.constant 0.000000e+00 : f32
    %broadcast_in_dim3A_312 = vector.broadcast %broadcast_in_dim3A_311 : f32 to vector<16xf32>
    %swap3A_313 = arith.constant 4 : i32
    %swap3A_314 = arith.index_cast %swap3A_313 : i32 to index
    %swap3A_315 = arith.constant 112 : index
    %swap3A_316 = tpu.vector_load %arg10[%swap3A_314, %swap3A_315] {strides = array<i32>} : memref<8x128xf32, #tpu.memory_space<vmem>>, vector<1x16xf32>,
    %swap3A_317 = vector.shape_cast %swap3A_316 : vector<1x16xf32> to vector<16xf32>
    %swap3A_318 = vector.shape_cast %broadcast_in_dim3A_312 : vector<16xf32> to vector<1x16xf32>
    tpu.vector_store %arg10[%swap3A_314, %swap3A_315], %swap3A_318 {strides = array<i32>} : memref<8x128xf32, #tpu.memory_space<vmem>>, vector<1x16xf32>,
    %broadcast_in_dim3A_319 = arith.constant 0.000000e+00 : f32
    %broadcast_in_dim3A_320 = vector.broadcast %broadcast_in_dim3A_319 : f32 to vector<16xf32>
    %swap3A_321 = arith.constant 5 : i32
    %swap3A_322 = arith.index_cast %swap3A_321 : i32 to index
    %swap3A_323 = arith.constant 0 : index
    %swap3A_324 = tpu.vector_load %arg10[%swap3A_322, %swap3A_323] {strides = array<i32>} : memref<8x128xf32, #tpu.memory_space<vmem>>, vector<1x16xf32>,
    %swap3A_325 = vector.shape_cast %swap3A_324 : vector<1x16xf32> to vector<16xf32>
    %swap3A_326 = vector.shape_cast %broadcast_in_dim3A_320 : vector<16xf32> to vector<1x16xf32>
    tpu.vector_store %arg10[%swap3A_322, %swap3A_323], %swap3A_326 {strides = array<i32>} : memref<8x128xf32, #tpu.memory_space<vmem>>, vector<1x16xf32>,
    %broadcast_in_dim3A_327 = arith.constant 0.000000e+00 : f32
    %broadcast_in_dim3A_328 = vector.broadcast %broadcast_in_dim3A_327 : f32 to vector<16xf32>
    %swap3A_329 = arith.constant 5 : i32
    %swap3A_330 = arith.index_cast %swap3A_329 : i32 to index
    %swap3A_331 = arith.constant 16 : index
    %swap3A_332 = tpu.vector_load %arg10[%swap3A_330, %swap3A_331] {strides = array<i32>} : memref<8x128xf32, #tpu.memory_space<vmem>>, vector<1x16xf32>,
    %swap3A_333 = vector.shape_cast %swap3A_332 : vector<1x16xf32> to vector<16xf32>
    %swap3A_334 = vector.shape_cast %broadcast_in_dim3A_328 : vector<16xf32> to vector<1x16xf32>
    tpu.vector_store %arg10[%swap3A_330, %swap3A_331], %swap3A_334 {strides = array<i32>} : memref<8x128xf32, #tpu.memory_space<vmem>>, vector<1x16xf32>,
    %broadcast_in_dim3A_335 = arith.constant 0.000000e+00 : f32
    %broadcast_in_dim3A_336 = vector.broadcast %broadcast_in_dim3A_335 : f32 to vector<16xf32>
    %swap3A_337 = arith.constant 5 : i32
    %swap3A_338 = arith.index_cast %swap3A_337 : i32 to index
    %swap3A_339 = arith.constant 32 : index
    %swap3A_340 = tpu.vector_load %arg10[%swap3A_338, %swap3A_339] {strides = array<i32>} : memref<8x128xf32, #tpu.memory_space<vmem>>, vector<1x16xf32>,
    %swap3A_341 = vector.shape_cast %swap3A_340 : vector<1x16xf32> to vector<16xf32>
    %swap3A_342 = vector.shape_cast %broadcast_in_dim3A_336 : vector<16xf32> to vector<1x16xf32>
    tpu.vector_store %arg10[%swap3A_338, %swap3A_339], %swap3A_342 {strides = array<i32>} : memref<8x128xf32, #tpu.memory_space<vmem>>, vector<1x16xf32>,
    %broadcast_in_dim3A_343 = arith.constant 0.000000e+00 : f32
    %broadcast_in_dim3A_344 = vector.broadcast %broadcast_in_dim3A_343 : f32 to vector<16xf32>
    %swap3A_345 = arith.constant 5 : i32
    %swap3A_346 = arith.index_cast %swap3A_345 : i32 to index
    %swap3A_347 = arith.constant 48 : index
    %swap3A_348 = tpu.vector_load %arg10[%swap3A_346, %swap3A_347] {strides = array<i32>} : memref<8x128xf32, #tpu.memory_space<vmem>>, vector<1x16xf32>,
    %swap3A_349 = vector.shape_cast %swap3A_348 : vector<1x16xf32> to vector<16xf32>
    %swap3A_350 = vector.shape_cast %broadcast_in_dim3A_344 : vector<16xf32> to vector<1x16xf32>
    tpu.vector_store %arg10[%swap3A_346, %swap3A_347], %swap3A_350 {strides = array<i32>} : memref<8x128xf32, #tpu.memory_space<vmem>>, vector<1x16xf32>,
    %broadcast_in_dim3A_351 = arith.constant 0.000000e+00 : f32
    %broadcast_in_dim3A_352 = vector.broadcast %broadcast_in_dim3A_351 : f32 to vector<16xf32>
    %swap3A_353 = arith.constant 5 : i32
    %swap3A_354 = arith.index_cast %swap3A_353 : i32 to index
    %swap3A_355 = arith.constant 64 : index
    %swap3A_356 = tpu.vector_load %arg10[%swap3A_354, %swap3A_355] {strides = array<i32>} : memref<8x128xf32, #tpu.memory_space<vmem>>, vector<1x16xf32>,
    %swap3A_357 = vector.shape_cast %swap3A_356 : vector<1x16xf32> to vector<16xf32>
    %swap3A_358 = vector.shape_cast %broadcast_in_dim3A_352 : vector<16xf32> to vector<1x16xf32>
    tpu.vector_store %arg10[%swap3A_354, %swap3A_355], %swap3A_358 {strides = array<i32>} : memref<8x128xf32, #tpu.memory_space<vmem>>, vector<1x16xf32>,
    %broadcast_in_dim3A_359 = arith.constant 0.000000e+00 : f32
    %broadcast_in_dim3A_360 = vector.broadcast %broadcast_in_dim3A_359 : f32 to vector<16xf32>
    %swap3A_361 = arith.constant 5 : i32
    %swap3A_362 = arith.index_cast %swap3A_361 : i32 to index
    %swap3A_363 = arith.constant 80 : index
    %swap3A_364 = tpu.vector_load %arg10[%swap3A_362, %swap3A_363] {strides = array<i32>} : memref<8x128xf32, #tpu.memory_space<vmem>>, vector<1x16xf32>,
    %swap3A_365 = vector.shape_cast %swap3A_364 : vector<1x16xf32> to vector<16xf32>
    %swap3A_366 = vector.shape_cast %broadcast_in_dim3A_360 : vector<16xf32> to vector<1x16xf32>
    tpu.vector_store %arg10[%swap3A_362, %swap3A_363], %swap3A_366 {strides = array<i32>} : memref<8x128xf32, #tpu.memory_space<vmem>>, vector<1x16xf32>,
    %broadcast_in_dim3A_367 = arith.constant 0.000000e+00 : f32
    %broadcast_in_dim3A_368 = vector.broadcast %broadcast_in_dim3A_367 : f32 to vector<16xf32>
    %swap3A_369 = arith.constant 5 : i32
    %swap3A_370 = arith.index_cast %swap3A_369 : i32 to index
    %swap3A_371 = arith.constant 96 : index
    %swap3A_372 = tpu.vector_load %arg10[%swap3A_370, %swap3A_371] {strides = array<i32>} : memref<8x128xf32, #tpu.memory_space<vmem>>, vector<1x16xf32>,
    %swap3A_373 = vector.shape_cast %swap3A_372 : vector<1x16xf32> to vector<16xf32>
    %swap3A_374 = vector.shape_cast %broadcast_in_dim3A_368 : vector<16xf32> to vector<1x16xf32>
    tpu.vector_store %arg10[%swap3A_370, %swap3A_371], %swap3A_374 {strides = array<i32>} : memref<8x128xf32, #tpu.memory_space<vmem>>, vector<1x16xf32>,
    %broadcast_in_dim3A_375 = arith.constant 0.000000e+00 : f32
    %broadcast_in_dim3A_376 = vector.broadcast %broadcast_in_dim3A_375 : f32 to vector<16xf32>
    %swap3A_377 = arith.constant 5 : i32
    %swap3A_378 = arith.index_cast %swap3A_377 : i32 to index
    %swap3A_379 = arith.constant 112 : index
    %swap3A_380 = tpu.vector_load %arg10[%swap3A_378, %swap3A_379] {strides = array<i32>} : memref<8x128xf32, #tpu.memory_space<vmem>>, vector<1x16xf32>,
    %swap3A_381 = vector.shape_cast %swap3A_380 : vector<1x16xf32> to vector<16xf32>
    %swap3A_382 = vector.shape_cast %broadcast_in_dim3A_376 : vector<16xf32> to vector<1x16xf32>
    tpu.vector_store %arg10[%swap3A_378, %swap3A_379], %swap3A_382 {strides = array<i32>} : memref<8x128xf32, #tpu.memory_space<vmem>>, vector<1x16xf32>,
    %broadcast_in_dim3A_383 = arith.constant 0.000000e+00 : f32
    %broadcast_in_dim3A_384 = vector.broadcast %broadcast_in_dim3A_383 : f32 to vector<16xf32>
    %swap3A_385 = arith.constant 6 : i32
    %swap3A_386 = arith.index_cast %swap3A_385 : i32 to index
    %swap3A_387 = arith.constant 0 : index
    %swap3A_388 = tpu.vector_load %arg10[%swap3A_386, %swap3A_387] {strides = array<i32>} : memref<8x128xf32, #tpu.memory_space<vmem>>, vector<1x16xf32>,
    %swap3A_389 = vector.shape_cast %swap3A_388 : vector<1x16xf32> to vector<16xf32>
    %swap3A_390 = vector.shape_cast %broadcast_in_dim3A_384 : vector<16xf32> to vector<1x16xf32>
    tpu.vector_store %arg10[%swap3A_386, %swap3A_387], %swap3A_390 {strides = array<i32>} : memref<8x128xf32, #tpu.memory_space<vmem>>, vector<1x16xf32>,
    %broadcast_in_dim3A_391 = arith.constant 0.000000e+00 : f32
    %broadcast_in_dim3A_392 = vector.broadcast %broadcast_in_dim3A_391 : f32 to vector<16xf32>
    %swap3A_393 = arith.constant 6 : i32
    %swap3A_394 = arith.index_cast %swap3A_393 : i32 to index
    %swap3A_395 = arith.constant 16 : index
    %swap3A_396 = tpu.vector_load %arg10[%swap3A_394, %swap3A_395] {strides = array<i32>} : memref<8x128xf32, #tpu.memory_space<vmem>>, vector<1x16xf32>,
    %swap3A_397 = vector.shape_cast %swap3A_396 : vector<1x16xf32> to vector<16xf32>
    %swap3A_398 = vector.shape_cast %broadcast_in_dim3A_392 : vector<16xf32> to vector<1x16xf32>
    tpu.vector_store %arg10[%swap3A_394, %swap3A_395], %swap3A_398 {strides = array<i32>} : memref<8x128xf32, #tpu.memory_space<vmem>>, vector<1x16xf32>,
    %broadcast_in_dim3A_399 = arith.constant 0.000000e+00 : f32
    %broadcast_in_dim3A_400 = vector.broadcast %broadcast_in_dim3A_399 : f32 to vector<16xf32>
    %swap3A_401 = arith.constant 6 : i32
    %swap3A_402 = arith.index_cast %swap3A_401 : i32 to index
    %swap3A_403 = arith.constant 32 : index
    %swap3A_404 = tpu.vector_load %arg10[%swap3A_402, %swap3A_403] {strides = array<i32>} : memref<8x128xf32, #tpu.memory_space<vmem>>, vector<1x16xf32>,
    %swap3A_405 = vector.shape_cast %swap3A_404 : vector<1x16xf32> to vector<16xf32>
    %swap3A_406 = vector.shape_cast %broadcast_in_dim3A_400 : vector<16xf32> to vector<1x16xf32>
    tpu.vector_store %arg10[%swap3A_402, %swap3A_403], %swap3A_406 {strides = array<i32>} : memref<8x128xf32, #tpu.memory_space<vmem>>, vector<1x16xf32>,
    %broadcast_in_dim3A_407 = arith.constant 0.000000e+00 : f32
    %broadcast_in_dim3A_408 = vector.broadcast %broadcast_in_dim3A_407 : f32 to vector<16xf32>
    %swap3A_409 = arith.constant 6 : i32
    %swap3A_410 = arith.index_cast %swap3A_409 : i32 to index
    %swap3A_411 = arith.constant 48 : index
    %swap3A_412 = tpu.vector_load %arg10[%swap3A_410, %swap3A_411] {strides = array<i32>} : memref<8x128xf32, #tpu.memory_space<vmem>>, vector<1x16xf32>,
    %swap3A_413 = vector.shape_cast %swap3A_412 : vector<1x16xf32> to vector<16xf32>
    %swap3A_414 = vector.shape_cast %broadcast_in_dim3A_408 : vector<16xf32> to vector<1x16xf32>
    tpu.vector_store %arg10[%swap3A_410, %swap3A_411], %swap3A_414 {strides = array<i32>} : memref<8x128xf32, #tpu.memory_space<vmem>>, vector<1x16xf32>,
    %broadcast_in_dim3A_415 = arith.constant 0.000000e+00 : f32
    %broadcast_in_dim3A_416 = vector.broadcast %broadcast_in_dim3A_415 : f32 to vector<16xf32>
    %swap3A_417 = arith.constant 6 : i32
    %swap3A_418 = arith.index_cast %swap3A_417 : i32 to index
    %swap3A_419 = arith.constant 64 : index
    %swap3A_420 = tpu.vector_load %arg10[%swap3A_418, %swap3A_419] {strides = array<i32>} : memref<8x128xf32, #tpu.memory_space<vmem>>, vector<1x16xf32>,
    %swap3A_421 = vector.shape_cast %swap3A_420 : vector<1x16xf32> to vector<16xf32>
    %swap3A_422 = vector.shape_cast %broadcast_in_dim3A_416 : vector<16xf32> to vector<1x16xf32>
    tpu.vector_store %arg10[%swap3A_418, %swap3A_419], %swap3A_422 {strides = array<i32>} : memref<8x128xf32, #tpu.memory_space<vmem>>, vector<1x16xf32>,
    %broadcast_in_dim3A_423 = arith.constant 0.000000e+00 : f32
    %broadcast_in_dim3A_424 = vector.broadcast %broadcast_in_dim3A_423 : f32 to vector<16xf32>
    %swap3A_425 = arith.constant 6 : i32
    %swap3A_426 = arith.index_cast %swap3A_425 : i32 to index
    %swap3A_427 = arith.constant 80 : index
    %swap3A_428 = tpu.vector_load %arg10[%swap3A_426, %swap3A_427] {strides = array<i32>} : memref<8x128xf32, #tpu.memory_space<vmem>>, vector<1x16xf32>,
    %swap3A_429 = vector.shape_cast %swap3A_428 : vector<1x16xf32> to vector<16xf32>
    %swap3A_430 = vector.shape_cast %broadcast_in_dim3A_424 : vector<16xf32> to vector<1x16xf32>
    tpu.vector_store %arg10[%swap3A_426, %swap3A_427], %swap3A_430 {strides = array<i32>} : memref<8x128xf32, #tpu.memory_space<vmem>>, vector<1x16xf32>,
    %broadcast_in_dim3A_431 = arith.constant 0.000000e+00 : f32
    %broadcast_in_dim3A_432 = vector.broadcast %broadcast_in_dim3A_431 : f32 to vector<16xf32>
    %swap3A_433 = arith.constant 6 : i32
    %swap3A_434 = arith.index_cast %swap3A_433 : i32 to index
    %swap3A_435 = arith.constant 96 : index
    %swap3A_436 = tpu.vector_load %arg10[%swap3A_434, %swap3A_435] {strides = array<i32>} : memref<8x128xf32, #tpu.memory_space<vmem>>, vector<1x16xf32>,
    %swap3A_437 = vector.shape_cast %swap3A_436 : vector<1x16xf32> to vector<16xf32>
    %swap3A_438 = vector.shape_cast %broadcast_in_dim3A_432 : vector<16xf32> to vector<1x16xf32>
    tpu.vector_store %arg10[%swap3A_434, %swap3A_435], %swap3A_438 {strides = array<i32>} : memref<8x128xf32, #tpu.memory_space<vmem>>, vector<1x16xf32>,
    %broadcast_in_dim3A_439 = arith.constant 0.000000e+00 : f32
    %broadcast_in_dim3A_440 = vector.broadcast %broadcast_in_dim3A_439 : f32 to vector<16xf32>
    %swap3A_441 = arith.constant 6 : i32
    %swap3A_442 = arith.index_cast %swap3A_441 : i32 to index
    %swap3A_443 = arith.constant 112 : index
    %swap3A_444 = tpu.vector_load %arg10[%swap3A_442, %swap3A_443] {strides = array<i32>} : memref<8x128xf32, #tpu.memory_space<vmem>>, vector<1x16xf32>,
    %swap3A_445 = vector.shape_cast %swap3A_444 : vector<1x16xf32> to vector<16xf32>
    %swap3A_446 = vector.shape_cast %broadcast_in_dim3A_440 : vector<16xf32> to vector<1x16xf32>
    tpu.vector_store %arg10[%swap3A_442, %swap3A_443], %swap3A_446 {strides = array<i32>} : memref<8x128xf32, #tpu.memory_space<vmem>>, vector<1x16xf32>,
    %broadcast_in_dim3A_447 = arith.constant 0.000000e+00 : f32
    %broadcast_in_dim3A_448 = vector.broadcast %broadcast_in_dim3A_447 : f32 to vector<16xf32>
    %swap3A_449 = arith.constant 7 : i32
    %swap3A_450 = arith.index_cast %swap3A_449 : i32 to index
    %swap3A_451 = arith.constant 0 : index
    %swap3A_452 = tpu.vector_load %arg10[%swap3A_450, %swap3A_451] {strides = array<i32>} : memref<8x128xf32, #tpu.memory_space<vmem>>, vector<1x16xf32>,
    %swap3A_453 = vector.shape_cast %swap3A_452 : vector<1x16xf32> to vector<16xf32>
    %swap3A_454 = vector.shape_cast %broadcast_in_dim3A_448 : vector<16xf32> to vector<1x16xf32>
    tpu.vector_store %arg10[%swap3A_450, %swap3A_451], %swap3A_454 {strides = array<i32>} : memref<8x128xf32, #tpu.memory_space<vmem>>, vector<1x16xf32>,
    %broadcast_in_dim3A_455 = arith.constant 0.000000e+00 : f32
    %broadcast_in_dim3A_456 = vector.broadcast %broadcast_in_dim3A_455 : f32 to vector<16xf32>
    %swap3A_457 = arith.constant 7 : i32
    %swap3A_458 = arith.index_cast %swap3A_457 : i32 to index
    %swap3A_459 = arith.constant 16 : index
    %swap3A_460 = tpu.vector_load %arg10[%swap3A_458, %swap3A_459] {strides = array<i32>} : memref<8x128xf32, #tpu.memory_space<vmem>>, vector<1x16xf32>,
    %swap3A_461 = vector.shape_cast %swap3A_460 : vector<1x16xf32> to vector<16xf32>
    %swap3A_462 = vector.shape_cast %broadcast_in_dim3A_456 : vector<16xf32> to vector<1x16xf32>
    tpu.vector_store %arg10[%swap3A_458, %swap3A_459], %swap3A_462 {strides = array<i32>} : memref<8x128xf32, #tpu.memory_space<vmem>>, vector<1x16xf32>,
    %broadcast_in_dim3A_463 = arith.constant 0.000000e+00 : f32
    %broadcast_in_dim3A_464 = vector.broadcast %broadcast_in_dim3A_463 : f32 to vector<16xf32>
    %swap3A_465 = arith.constant 7 : i32
    %swap3A_466 = arith.index_cast %swap3A_465 : i32 to index
    %swap3A_467 = arith.constant 32 : index
    %swap3A_468 = tpu.vector_load %arg10[%swap3A_466, %swap3A_467] {strides = array<i32>} : memref<8x128xf32, #tpu.memory_space<vmem>>, vector<1x16xf32>,
    %swap3A_469 = vector.shape_cast %swap3A_468 : vector<1x16xf32> to vector<16xf32>
    %swap3A_470 = vector.shape_cast %broadcast_in_dim3A_464 : vector<16xf32> to vector<1x16xf32>
    tpu.vector_store %arg10[%swap3A_466, %swap3A_467], %swap3A_470 {strides = array<i32>} : memref<8x128xf32, #tpu.memory_space<vmem>>, vector<1x16xf32>,
    %broadcast_in_dim3A_471 = arith.constant 0.000000e+00 : f32
    %broadcast_in_dim3A_472 = vector.broadcast %broadcast_in_dim3A_471 : f32 to vector<16xf32>
    %swap3A_473 = arith.constant 7 : i32
    %swap3A_474 = arith.index_cast %swap3A_473 : i32 to index
    %swap3A_475 = arith.constant 48 : index
    %swap3A_476 = tpu.vector_load %arg10[%swap3A_474, %swap3A_475] {strides = array<i32>} : memref<8x128xf32, #tpu.memory_space<vmem>>, vector<1x16xf32>,
    %swap3A_477 = vector.shape_cast %swap3A_476 : vector<1x16xf32> to vector<16xf32>
    %swap3A_478 = vector.shape_cast %broadcast_in_dim3A_472 : vector<16xf32> to vector<1x16xf32>
    tpu.vector_store %arg10[%swap3A_474, %swap3A_475], %swap3A_478 {strides = array<i32>} : memref<8x128xf32, #tpu.memory_space<vmem>>, vector<1x16xf32>,
    %broadcast_in_dim3A_479 = arith.constant 0.000000e+00 : f32
    %broadcast_in_dim3A_480 = vector.broadcast %broadcast_in_dim3A_479 : f32 to vector<16xf32>
    %swap3A_481 = arith.constant 7 : i32
    %swap3A_482 = arith.index_cast %swap3A_481 : i32 to index
    %swap3A_483 = arith.constant 64 : index
    %swap3A_484 = tpu.vector_load %arg10[%swap3A_482, %swap3A_483] {strides = array<i32>} : memref<8x128xf32, #tpu.memory_space<vmem>>, vector<1x16xf32>,
    %swap3A_485 = vector.shape_cast %swap3A_484 : vector<1x16xf32> to vector<16xf32>
    %swap3A_486 = vector.shape_cast %broadcast_in_dim3A_480 : vector<16xf32> to vector<1x16xf32>
    tpu.vector_store %arg10[%swap3A_482, %swap3A_483], %swap3A_486 {strides = array<i32>} : memref<8x128xf32, #tpu.memory_space<vmem>>, vector<1x16xf32>,
    %broadcast_in_dim3A_487 = arith.constant 0.000000e+00 : f32
    %broadcast_in_dim3A_488 = vector.broadcast %broadcast_in_dim3A_487 : f32 to vector<16xf32>
    %swap3A_489 = arith.constant 7 : i32
    %swap3A_490 = arith.index_cast %swap3A_489 : i32 to index
    %swap3A_491 = arith.constant 80 : index
    %swap3A_492 = tpu.vector_load %arg10[%swap3A_490, %swap3A_491] {strides = array<i32>} : memref<8x128xf32, #tpu.memory_space<vmem>>, vector<1x16xf32>,
    %swap3A_493 = vector.shape_cast %swap3A_492 : vector<1x16xf32> to vector<16xf32>
    %swap3A_494 = vector.shape_cast %broadcast_in_dim3A_488 : vector<16xf32> to vector<1x16xf32>
    tpu.vector_store %arg10[%swap3A_490, %swap3A_491], %swap3A_494 {strides = array<i32>} : memref<8x128xf32, #tpu.memory_space<vmem>>, vector<1x16xf32>,
    %broadcast_in_dim3A_495 = arith.constant 0.000000e+00 : f32
    %broadcast_in_dim3A_496 = vector.broadcast %broadcast_in_dim3A_495 : f32 to vector<16xf32>
    %swap3A_497 = arith.constant 7 : i32
    %swap3A_498 = arith.index_cast %swap3A_497 : i32 to index
    %swap3A_499 = arith.constant 96 : index
    %swap3A_500 = tpu.vector_load %arg10[%swap3A_498, %swap3A_499] {strides = array<i32>} : memref<8x128xf32, #tpu.memory_space<vmem>>, vector<1x16xf32>,
    %swap3A_501 = vector.shape_cast %swap3A_500 : vector<1x16xf32> to vector<16xf32>
    %swap3A_502 = vector.shape_cast %broadcast_in_dim3A_496 : vector<16xf32> to vector<1x16xf32>
    tpu.vector_store %arg10[%swap3A_498, %swap3A_499], %swap3A_502 {strides = array<i32>} : memref<8x128xf32, #tpu.memory_space<vmem>>, vector<1x16xf32>,
    %broadcast_in_dim3A_503 = arith.constant 0.000000e+00 : f32
    %broadcast_in_dim3A_504 = vector.broadcast %broadcast_in_dim3A_503 : f32 to vector<16xf32>
    %swap3A_505 = arith.constant 7 : i32
    %swap3A_506 = arith.index_cast %swap3A_505 : i32 to index
    %swap3A_507 = arith.constant 112 : index
    %swap3A_508 = tpu.vector_load %arg10[%swap3A_506, %swap3A_507] {strides = array<i32>} : memref<8x128xf32, #tpu.memory_space<vmem>>, vector<1x16xf32>,
    %swap3A_509 = vector.shape_cast %swap3A_508 : vector<1x16xf32> to vector<16xf32>
    %swap3A_510 = vector.shape_cast %broadcast_in_dim3A_504 : vector<16xf32> to vector<1x16xf32>
    tpu.vector_store %arg10[%swap3A_506, %swap3A_507], %swap3A_510 {strides = array<i32>} : memref<8x128xf32, #tpu.memory_space<vmem>>, vector<1x16xf32>,
    %mul3A_511 = arith.constant 640 : i32
    %mul3A_512 = arith.muli %arg1, %mul3A_511 : i32
    %add3A_513 = arith.constant 0 : i32
    %add3A_514 = arith.addi %mul3A_512, %add3A_513 : i32
    "tpu.region"() ({
      %run_scoped3A = tpu.sem_alloc : memref<!tpu.dma_semaphore, #tpu.memory_space<semaphore_mem>>
      %dma_start3A = arith.constant 0 : i32
      %dma_start3A_841 = tpu.memref_slice %arg11[%add3A_514, %dma_start3A] : memref<10240x128xf32, #tpu.memory_space<vmem_shared>> -> memref<8x128xf32, #tpu.memory_space<vmem_shared>>
      %dma_start3A_842 = arith.constant 0 : i32
      %dma_start3A_843 = tpu.memref_slice %arg11[%add3A_514, %dma_start3A_842] : memref<10240x128xf32, #tpu.memory_space<vmem_shared>> -> memref<8x128xf32, #tpu.memory_space<vmem_shared>>
      tpu.enqueue_dma source(%arg10 : memref<8x128xf32, #tpu.memory_space<vmem>>) target(%dma_start3A_843 : memref<8x128xf32, #tpu.memory_space<vmem_shared>>) target_semaphore(%run_scoped3A : memref<!tpu.dma_semaphore, #tpu.memory_space<semaphore_mem>>)
      %dma_wait3A = arith.constant 0 : i32
      %dma_wait3A_844 = tpu.memref_slice %arg11[%add3A_514, %dma_wait3A] : memref<10240x128xf32, #tpu.memory_space<vmem_shared>> -> memref<8x128xf32, #tpu.memory_space<vmem_shared>>
      %dma_wait3A_845 = arith.constant 0 : i32
      %dma_wait3A_846 = tpu.memref_slice %arg11[%add3A_514, %dma_wait3A_845] : memref<10240x128xf32, #tpu.memory_space<vmem_shared>> -> memref<8x128xf32, #tpu.memory_space<vmem_shared>>
      tpu.wait_dma2 semaphore(%run_scoped3A : memref<!tpu.dma_semaphore, #tpu.memory_space<semaphore_mem>>) src(%arg10 : memref<8x128xf32, #tpu.memory_space<vmem>>) dst(%dma_wait3A_846 : memref<8x128xf32, #tpu.memory_space<vmem_shared>>)
      tpu.yield
    }) : () -> ()
    %mul3A_515 = arith.constant 640 : i32
    %mul3A_516 = arith.muli %arg1, %mul3A_515 : i32
    %add3A_517 = arith.constant 8 : i32
    %add3A_518 = arith.addi %mul3A_516, %add3A_517 : i32
    "tpu.region"() ({
      %run_scoped3A = tpu.sem_alloc : memref<!tpu.dma_semaphore, #tpu.memory_space<semaphore_mem>>
      %dma_start3A = arith.constant 0 : i32
      %dma_start3A_841 = tpu.memref_slice %arg11[%add3A_518, %dma_start3A] : memref<10240x128xf32, #tpu.memory_space<vmem_shared>> -> memref<8x128xf32, #tpu.memory_space<vmem_shared>>
      %dma_start3A_842 = arith.constant 0 : i32
      %dma_start3A_843 = tpu.memref_slice %arg11[%add3A_518, %dma_start3A_842] : memref<10240x128xf32, #tpu.memory_space<vmem_shared>> -> memref<8x128xf32, #tpu.memory_space<vmem_shared>>
      tpu.enqueue_dma source(%arg10 : memref<8x128xf32, #tpu.memory_space<vmem>>) target(%dma_start3A_843 : memref<8x128xf32, #tpu.memory_space<vmem_shared>>) target_semaphore(%run_scoped3A : memref<!tpu.dma_semaphore, #tpu.memory_space<semaphore_mem>>)
      %dma_wait3A = arith.constant 0 : i32
      %dma_wait3A_844 = tpu.memref_slice %arg11[%add3A_518, %dma_wait3A] : memref<10240x128xf32, #tpu.memory_space<vmem_shared>> -> memref<8x128xf32, #tpu.memory_space<vmem_shared>>
      %dma_wait3A_845 = arith.constant 0 : i32
      %dma_wait3A_846 = tpu.memref_slice %arg11[%add3A_518, %dma_wait3A_845] : memref<10240x128xf32, #tpu.memory_space<vmem_shared>> -> memref<8x128xf32, #tpu.memory_space<vmem_shared>>
      tpu.wait_dma2 semaphore(%run_scoped3A : memref<!tpu.dma_semaphore, #tpu.memory_space<semaphore_mem>>) src(%arg10 : memref<8x128xf32, #tpu.memory_space<vmem>>) dst(%dma_wait3A_846 : memref<8x128xf32, #tpu.memory_space<vmem_shared>>)
      tpu.yield
    }) : () -> ()
    %mul3A_519 = arith.constant 640 : i32
    %mul3A_520 = arith.muli %arg1, %mul3A_519 : i32
    %add3A_521 = arith.constant 16 : i32
    %add3A_522 = arith.addi %mul3A_520, %add3A_521 : i32
    "tpu.region"() ({
      %run_scoped3A = tpu.sem_alloc : memref<!tpu.dma_semaphore, #tpu.memory_space<semaphore_mem>>
      %dma_start3A = arith.constant 0 : i32
      %dma_start3A_841 = tpu.memref_slice %arg11[%add3A_522, %dma_start3A] : memref<10240x128xf32, #tpu.memory_space<vmem_shared>> -> memref<8x128xf32, #tpu.memory_space<vmem_shared>>
      %dma_start3A_842 = arith.constant 0 : i32
      %dma_start3A_843 = tpu.memref_slice %arg11[%add3A_522, %dma_start3A_842] : memref<10240x128xf32, #tpu.memory_space<vmem_shared>> -> memref<8x128xf32, #tpu.memory_space<vmem_shared>>
      tpu.enqueue_dma source(%arg10 : memref<8x128xf32, #tpu.memory_space<vmem>>) target(%dma_start3A_843 : memref<8x128xf32, #tpu.memory_space<vmem_shared>>) target_semaphore(%run_scoped3A : memref<!tpu.dma_semaphore, #tpu.memory_space<semaphore_mem>>)
      %dma_wait3A = arith.constant 0 : i32
      %dma_wait3A_844 = tpu.memref_slice %arg11[%add3A_522, %dma_wait3A] : memref<10240x128xf32, #tpu.memory_space<vmem_shared>> -> memref<8x128xf32, #tpu.memory_space<vmem_shared>>
      %dma_wait3A_845 = arith.constant 0 : i32
      %dma_wait3A_846 = tpu.memref_slice %arg11[%add3A_522, %dma_wait3A_845] : memref<10240x128xf32, #tpu.memory_space<vmem_shared>> -> memref<8x128xf32, #tpu.memory_space<vmem_shared>>
      tpu.wait_dma2 semaphore(%run_scoped3A : memref<!tpu.dma_semaphore, #tpu.memory_space<semaphore_mem>>) src(%arg10 : memref<8x128xf32, #tpu.memory_space<vmem>>) dst(%dma_wait3A_846 : memref<8x128xf32, #tpu.memory_space<vmem_shared>>)
      tpu.yield
    }) : () -> ()
    %mul3A_523 = arith.constant 640 : i32
    %mul3A_524 = arith.muli %arg1, %mul3A_523 : i32
    %add3A_525 = arith.constant 24 : i32
    %add3A_526 = arith.addi %mul3A_524, %add3A_525 : i32
    "tpu.region"() ({
      %run_scoped3A = tpu.sem_alloc : memref<!tpu.dma_semaphore, #tpu.memory_space<semaphore_mem>>
      %dma_start3A = arith.constant 0 : i32
      %dma_start3A_841 = tpu.memref_slice %arg11[%add3A_526, %dma_start3A] : memref<10240x128xf32, #tpu.memory_space<vmem_shared>> -> memref<8x128xf32, #tpu.memory_space<vmem_shared>>
      %dma_start3A_842 = arith.constant 0 : i32
      %dma_start3A_843 = tpu.memref_slice %arg11[%add3A_526, %dma_start3A_842] : memref<10240x128xf32, #tpu.memory_space<vmem_shared>> -> memref<8x128xf32, #tpu.memory_space<vmem_shared>>
      tpu.enqueue_dma source(%arg10 : memref<8x128xf32, #tpu.memory_space<vmem>>) target(%dma_start3A_843 : memref<8x128xf32, #tpu.memory_space<vmem_shared>>) target_semaphore(%run_scoped3A : memref<!tpu.dma_semaphore, #tpu.memory_space<semaphore_mem>>)
      %dma_wait3A = arith.constant 0 : i32
      %dma_wait3A_844 = tpu.memref_slice %arg11[%add3A_526, %dma_wait3A] : memref<10240x128xf32, #tpu.memory_space<vmem_shared>> -> memref<8x128xf32, #tpu.memory_space<vmem_shared>>
      %dma_wait3A_845 = arith.constant 0 : i32
      %dma_wait3A_846 = tpu.memref_slice %arg11[%add3A_526, %dma_wait3A_845] : memref<10240x128xf32, #tpu.memory_space<vmem_shared>> -> memref<8x128xf32, #tpu.memory_space<vmem_shared>>
      tpu.wait_dma2 semaphore(%run_scoped3A : memref<!tpu.dma_semaphore, #tpu.memory_space<semaphore_mem>>) src(%arg10 : memref<8x128xf32, #tpu.memory_space<vmem>>) dst(%dma_wait3A_846 : memref<8x128xf32, #tpu.memory_space<vmem_shared>>)
      tpu.yield
    }) : () -> ()
    %mul3A_527 = arith.constant 640 : i32
    %mul3A_528 = arith.muli %arg1, %mul3A_527 : i32
    %add3A_529 = arith.constant 32 : i32
    %add3A_530 = arith.addi %mul3A_528, %add3A_529 : i32
    "tpu.region"() ({
      %run_scoped3A = tpu.sem_alloc : memref<!tpu.dma_semaphore, #tpu.memory_space<semaphore_mem>>
      %dma_start3A = arith.constant 0 : i32
      %dma_start3A_841 = tpu.memref_slice %arg11[%add3A_530, %dma_start3A] : memref<10240x128xf32, #tpu.memory_space<vmem_shared>> -> memref<8x128xf32, #tpu.memory_space<vmem_shared>>
      %dma_start3A_842 = arith.constant 0 : i32
      %dma_start3A_843 = tpu.memref_slice %arg11[%add3A_530, %dma_start3A_842] : memref<10240x128xf32, #tpu.memory_space<vmem_shared>> -> memref<8x128xf32, #tpu.memory_space<vmem_shared>>
      tpu.enqueue_dma source(%arg10 : memref<8x128xf32, #tpu.memory_space<vmem>>) target(%dma_start3A_843 : memref<8x128xf32, #tpu.memory_space<vmem_shared>>) target_semaphore(%run_scoped3A : memref<!tpu.dma_semaphore, #tpu.memory_space<semaphore_mem>>)
      %dma_wait3A = arith.constant 0 : i32
      %dma_wait3A_844 = tpu.memref_slice %arg11[%add3A_530, %dma_wait3A] : memref<10240x128xf32, #tpu.memory_space<vmem_shared>> -> memref<8x128xf32, #tpu.memory_space<vmem_shared>>
      %dma_wait3A_845 = arith.constant 0 : i32
      %dma_wait3A_846 = tpu.memref_slice %arg11[%add3A_530, %dma_wait3A_845] : memref<10240x128xf32, #tpu.memory_space<vmem_shared>> -> memref<8x128xf32, #tpu.memory_space<vmem_shared>>
      tpu.wait_dma2 semaphore(%run_scoped3A : memref<!tpu.dma_semaphore, #tpu.memory_space<semaphore_mem>>) src(%arg10 : memref<8x128xf32, #tpu.memory_space<vmem>>) dst(%dma_wait3A_846 : memref<8x128xf32, #tpu.memory_space<vmem_shared>>)
      tpu.yield
    }) : () -> ()
    %mul3A_531 = arith.constant 640 : i32
    %mul3A_532 = arith.muli %arg1, %mul3A_531 : i32
    %add3A_533 = arith.constant 40 : i32
    %add3A_534 = arith.addi %mul3A_532, %add3A_533 : i32
    "tpu.region"() ({
      %run_scoped3A = tpu.sem_alloc : memref<!tpu.dma_semaphore, #tpu.memory_space<semaphore_mem>>
      %dma_start3A = arith.constant 0 : i32
      %dma_start3A_841 = tpu.memref_slice %arg11[%add3A_534, %dma_start3A] : memref<10240x128xf32, #tpu.memory_space<vmem_shared>> -> memref<8x128xf32, #tpu.memory_space<vmem_shared>>
      %dma_start3A_842 = arith.constant 0 : i32
      %dma_start3A_843 = tpu.memref_slice %arg11[%add3A_534, %dma_start3A_842] : memref<10240x128xf32, #tpu.memory_space<vmem_shared>> -> memref<8x128xf32, #tpu.memory_space<vmem_shared>>
      tpu.enqueue_dma source(%arg10 : memref<8x128xf32, #tpu.memory_space<vmem>>) target(%dma_start3A_843 : memref<8x128xf32, #tpu.memory_space<vmem_shared>>) target_semaphore(%run_scoped3A : memref<!tpu.dma_semaphore, #tpu.memory_space<semaphore_mem>>)
      %dma_wait3A = arith.constant 0 : i32
      %dma_wait3A_844 = tpu.memref_slice %arg11[%add3A_534, %dma_wait3A] : memref<10240x128xf32, #tpu.memory_space<vmem_shared>> -> memref<8x128xf32, #tpu.memory_space<vmem_shared>>
      %dma_wait3A_845 = arith.constant 0 : i32
      %dma_wait3A_846 = tpu.memref_slice %arg11[%add3A_534, %dma_wait3A_845] : memref<10240x128xf32, #tpu.memory_space<vmem_shared>> -> memref<8x128xf32, #tpu.memory_space<vmem_shared>>
      tpu.wait_dma2 semaphore(%run_scoped3A : memref<!tpu.dma_semaphore, #tpu.memory_space<semaphore_mem>>) src(%arg10 : memref<8x128xf32, #tpu.memory_space<vmem>>) dst(%dma_wait3A_846 : memref<8x128xf32, #tpu.memory_space<vmem_shared>>)
      tpu.yield
    }) : () -> ()
    %mul3A_535 = arith.constant 640 : i32
    %mul3A_536 = arith.muli %arg1, %mul3A_535 : i32
    %add3A_537 = arith.constant 48 : i32
    %add3A_538 = arith.addi %mul3A_536, %add3A_537 : i32
    "tpu.region"() ({
      %run_scoped3A = tpu.sem_alloc : memref<!tpu.dma_semaphore, #tpu.memory_space<semaphore_mem>>
      %dma_start3A = arith.constant 0 : i32
      %dma_start3A_841 = tpu.memref_slice %arg11[%add3A_538, %dma_start3A] : memref<10240x128xf32, #tpu.memory_space<vmem_shared>> -> memref<8x128xf32, #tpu.memory_space<vmem_shared>>
      %dma_start3A_842 = arith.constant 0 : i32
      %dma_start3A_843 = tpu.memref_slice %arg11[%add3A_538, %dma_start3A_842] : memref<10240x128xf32, #tpu.memory_space<vmem_shared>> -> memref<8x128xf32, #tpu.memory_space<vmem_shared>>
      tpu.enqueue_dma source(%arg10 : memref<8x128xf32, #tpu.memory_space<vmem>>) target(%dma_start3A_843 : memref<8x128xf32, #tpu.memory_space<vmem_shared>>) target_semaphore(%run_scoped3A : memref<!tpu.dma_semaphore, #tpu.memory_space<semaphore_mem>>)
      %dma_wait3A = arith.constant 0 : i32
      %dma_wait3A_844 = tpu.memref_slice %arg11[%add3A_538, %dma_wait3A] : memref<10240x128xf32, #tpu.memory_space<vmem_shared>> -> memref<8x128xf32, #tpu.memory_space<vmem_shared>>
      %dma_wait3A_845 = arith.constant 0 : i32
      %dma_wait3A_846 = tpu.memref_slice %arg11[%add3A_538, %dma_wait3A_845] : memref<10240x128xf32, #tpu.memory_space<vmem_shared>> -> memref<8x128xf32, #tpu.memory_space<vmem_shared>>
      tpu.wait_dma2 semaphore(%run_scoped3A : memref<!tpu.dma_semaphore, #tpu.memory_space<semaphore_mem>>) src(%arg10 : memref<8x128xf32, #tpu.memory_space<vmem>>) dst(%dma_wait3A_846 : memref<8x128xf32, #tpu.memory_space<vmem_shared>>)
      tpu.yield
    }) : () -> ()
    %mul3A_539 = arith.constant 640 : i32
    %mul3A_540 = arith.muli %arg1, %mul3A_539 : i32
    %add3A_541 = arith.constant 56 : i32
    %add3A_542 = arith.addi %mul3A_540, %add3A_541 : i32
    "tpu.region"() ({
      %run_scoped3A = tpu.sem_alloc : memref<!tpu.dma_semaphore, #tpu.memory_space<semaphore_mem>>
      %dma_start3A = arith.constant 0 : i32
      %dma_start3A_841 = tpu.memref_slice %arg11[%add3A_542, %dma_start3A] : memref<10240x128xf32, #tpu.memory_space<vmem_shared>> -> memref<8x128xf32, #tpu.memory_space<vmem_shared>>
      %dma_start3A_842 = arith.constant 0 : i32
      %dma_start3A_843 = tpu.memref_slice %arg11[%add3A_542, %dma_start3A_842] : memref<10240x128xf32, #tpu.memory_space<vmem_shared>> -> memref<8x128xf32, #tpu.memory_space<vmem_shared>>
      tpu.enqueue_dma source(%arg10 : memref<8x128xf32, #tpu.memory_space<vmem>>) target(%dma_start3A_843 : memref<8x128xf32, #tpu.memory_space<vmem_shared>>) target_semaphore(%run_scoped3A : memref<!tpu.dma_semaphore, #tpu.memory_space<semaphore_mem>>)
      %dma_wait3A = arith.constant 0 : i32
      %dma_wait3A_844 = tpu.memref_slice %arg11[%add3A_542, %dma_wait3A] : memref<10240x128xf32, #tpu.memory_space<vmem_shared>> -> memref<8x128xf32, #tpu.memory_space<vmem_shared>>
      %dma_wait3A_845 = arith.constant 0 : i32
      %dma_wait3A_846 = tpu.memref_slice %arg11[%add3A_542, %dma_wait3A_845] : memref<10240x128xf32, #tpu.memory_space<vmem_shared>> -> memref<8x128xf32, #tpu.memory_space<vmem_shared>>
      tpu.wait_dma2 semaphore(%run_scoped3A : memref<!tpu.dma_semaphore, #tpu.memory_space<semaphore_mem>>) src(%arg10 : memref<8x128xf32, #tpu.memory_space<vmem>>) dst(%dma_wait3A_846 : memref<8x128xf32, #tpu.memory_space<vmem_shared>>)
      tpu.yield
    }) : () -> ()
    %mul3A_543 = arith.constant 640 : i32
    %mul3A_544 = arith.muli %arg1, %mul3A_543 : i32
    %add3A_545 = arith.constant 64 : i32
    %add3A_546 = arith.addi %mul3A_544, %add3A_545 : i32
    "tpu.region"() ({
      %run_scoped3A = tpu.sem_alloc : memref<!tpu.dma_semaphore, #tpu.memory_space<semaphore_mem>>
      %dma_start3A = arith.constant 0 : i32
      %dma_start3A_841 = tpu.memref_slice %arg11[%add3A_546, %dma_start3A] : memref<10240x128xf32, #tpu.memory_space<vmem_shared>> -> memref<8x128xf32, #tpu.memory_space<vmem_shared>>
      %dma_start3A_842 = arith.constant 0 : i32
      %dma_start3A_843 = tpu.memref_slice %arg11[%add3A_546, %dma_start3A_842] : memref<10240x128xf32, #tpu.memory_space<vmem_shared>> -> memref<8x128xf32, #tpu.memory_space<vmem_shared>>
      tpu.enqueue_dma source(%arg10 : memref<8x128xf32, #tpu.memory_space<vmem>>) target(%dma_start3A_843 : memref<8x128xf32, #tpu.memory_space<vmem_shared>>) target_semaphore(%run_scoped3A : memref<!tpu.dma_semaphore, #tpu.memory_space<semaphore_mem>>)
      %dma_wait3A = arith.constant 0 : i32
      %dma_wait3A_844 = tpu.memref_slice %arg11[%add3A_546, %dma_wait3A] : memref<10240x128xf32, #tpu.memory_space<vmem_shared>> -> memref<8x128xf32, #tpu.memory_space<vmem_shared>>
      %dma_wait3A_845 = arith.constant 0 : i32
      %dma_wait3A_846 = tpu.memref_slice %arg11[%add3A_546, %dma_wait3A_845] : memref<10240x128xf32, #tpu.memory_space<vmem_shared>> -> memref<8x128xf32, #tpu.memory_space<vmem_shared>>
      tpu.wait_dma2 semaphore(%run_scoped3A : memref<!tpu.dma_semaphore, #tpu.memory_space<semaphore_mem>>) src(%arg10 : memref<8x128xf32, #tpu.memory_space<vmem>>) dst(%dma_wait3A_846 : memref<8x128xf32, #tpu.memory_space<vmem_shared>>)
      tpu.yield
    }) : () -> ()
    %mul3A_547 = arith.constant 640 : i32
    %mul3A_548 = arith.muli %arg1, %mul3A_547 : i32
    %add3A_549 = arith.constant 72 : i32
    %add3A_550 = arith.addi %mul3A_548, %add3A_549 : i32
    "tpu.region"() ({
      %run_scoped3A = tpu.sem_alloc : memref<!tpu.dma_semaphore, #tpu.memory_space<semaphore_mem>>
      %dma_start3A = arith.constant 0 : i32
      %dma_start3A_841 = tpu.memref_slice %arg11[%add3A_550, %dma_start3A] : memref<10240x128xf32, #tpu.memory_space<vmem_shared>> -> memref<8x128xf32, #tpu.memory_space<vmem_shared>>
      %dma_start3A_842 = arith.constant 0 : i32
      %dma_start3A_843 = tpu.memref_slice %arg11[%add3A_550, %dma_start3A_842] : memref<10240x128xf32, #tpu.memory_space<vmem_shared>> -> memref<8x128xf32, #tpu.memory_space<vmem_shared>>
      tpu.enqueue_dma source(%arg10 : memref<8x128xf32, #tpu.memory_space<vmem>>) target(%dma_start3A_843 : memref<8x128xf32, #tpu.memory_space<vmem_shared>>) target_semaphore(%run_scoped3A : memref<!tpu.dma_semaphore, #tpu.memory_space<semaphore_mem>>)
      %dma_wait3A = arith.constant 0 : i32
      %dma_wait3A_844 = tpu.memref_slice %arg11[%add3A_550, %dma_wait3A] : memref<10240x128xf32, #tpu.memory_space<vmem_shared>> -> memref<8x128xf32, #tpu.memory_space<vmem_shared>>
      %dma_wait3A_845 = arith.constant 0 : i32
      %dma_wait3A_846 = tpu.memref_slice %arg11[%add3A_550, %dma_wait3A_845] : memref<10240x128xf32, #tpu.memory_space<vmem_shared>> -> memref<8x128xf32, #tpu.memory_space<vmem_shared>>
      tpu.wait_dma2 semaphore(%run_scoped3A : memref<!tpu.dma_semaphore, #tpu.memory_space<semaphore_mem>>) src(%arg10 : memref<8x128xf32, #tpu.memory_space<vmem>>) dst(%dma_wait3A_846 : memref<8x128xf32, #tpu.memory_space<vmem_shared>>)
      tpu.yield
    }) : () -> ()
    %mul3A_551 = arith.constant 640 : i32
    %mul3A_552 = arith.muli %arg1, %mul3A_551 : i32
    %add3A_553 = arith.constant 80 : i32
    %add3A_554 = arith.addi %mul3A_552, %add3A_553 : i32
    "tpu.region"() ({
      %run_scoped3A = tpu.sem_alloc : memref<!tpu.dma_semaphore, #tpu.memory_space<semaphore_mem>>
      %dma_start3A = arith.constant 0 : i32
      %dma_start3A_841 = tpu.memref_slice %arg11[%add3A_554, %dma_start3A] : memref<10240x128xf32, #tpu.memory_space<vmem_shared>> -> memref<8x128xf32, #tpu.memory_space<vmem_shared>>
      %dma_start3A_842 = arith.constant 0 : i32
      %dma_start3A_843 = tpu.memref_slice %arg11[%add3A_554, %dma_start3A_842] : memref<10240x128xf32, #tpu.memory_space<vmem_shared>> -> memref<8x128xf32, #tpu.memory_space<vmem_shared>>
      tpu.enqueue_dma source(%arg10 : memref<8x128xf32, #tpu.memory_space<vmem>>) target(%dma_start3A_843 : memref<8x128xf32, #tpu.memory_space<vmem_shared>>) target_semaphore(%run_scoped3A : memref<!tpu.dma_semaphore, #tpu.memory_space<semaphore_mem>>)
      %dma_wait3A = arith.constant 0 : i32
      %dma_wait3A_844 = tpu.memref_slice %arg11[%add3A_554, %dma_wait3A] : memref<10240x128xf32, #tpu.memory_space<vmem_shared>> -> memref<8x128xf32, #tpu.memory_space<vmem_shared>>
      %dma_wait3A_845 = arith.constant 0 : i32
      %dma_wait3A_846 = tpu.memref_slice %arg11[%add3A_554, %dma_wait3A_845] : memref<10240x128xf32, #tpu.memory_space<vmem_shared>> -> memref<8x128xf32, #tpu.memory_space<vmem_shared>>
      tpu.wait_dma2 semaphore(%run_scoped3A : memref<!tpu.dma_semaphore, #tpu.memory_space<semaphore_mem>>) src(%arg10 : memref<8x128xf32, #tpu.memory_space<vmem>>) dst(%dma_wait3A_846 : memref<8x128xf32, #tpu.memory_space<vmem_shared>>)
      tpu.yield
    }) : () -> ()
    %mul3A_555 = arith.constant 640 : i32
    %mul3A_556 = arith.muli %arg1, %mul3A_555 : i32
    %add3A_557 = arith.constant 88 : i32
    %add3A_558 = arith.addi %mul3A_556, %add3A_557 : i32
    "tpu.region"() ({
      %run_scoped3A = tpu.sem_alloc : memref<!tpu.dma_semaphore, #tpu.memory_space<semaphore_mem>>
      %dma_start3A = arith.constant 0 : i32
      %dma_start3A_841 = tpu.memref_slice %arg11[%add3A_558, %dma_start3A] : memref<10240x128xf32, #tpu.memory_space<vmem_shared>> -> memref<8x128xf32, #tpu.memory_space<vmem_shared>>
      %dma_start3A_842 = arith.constant 0 : i32
      %dma_start3A_843 = tpu.memref_slice %arg11[%add3A_558, %dma_start3A_842] : memref<10240x128xf32, #tpu.memory_space<vmem_shared>> -> memref<8x128xf32, #tpu.memory_space<vmem_shared>>
      tpu.enqueue_dma source(%arg10 : memref<8x128xf32, #tpu.memory_space<vmem>>) target(%dma_start3A_843 : memref<8x128xf32, #tpu.memory_space<vmem_shared>>) target_semaphore(%run_scoped3A : memref<!tpu.dma_semaphore, #tpu.memory_space<semaphore_mem>>)
      %dma_wait3A = arith.constant 0 : i32
      %dma_wait3A_844 = tpu.memref_slice %arg11[%add3A_558, %dma_wait3A] : memref<10240x128xf32, #tpu.memory_space<vmem_shared>> -> memref<8x128xf32, #tpu.memory_space<vmem_shared>>
      %dma_wait3A_845 = arith.constant 0 : i32
      %dma_wait3A_846 = tpu.memref_slice %arg11[%add3A_558, %dma_wait3A_845] : memref<10240x128xf32, #tpu.memory_space<vmem_shared>> -> memref<8x128xf32, #tpu.memory_space<vmem_shared>>
      tpu.wait_dma2 semaphore(%run_scoped3A : memref<!tpu.dma_semaphore, #tpu.memory_space<semaphore_mem>>) src(%arg10 : memref<8x128xf32, #tpu.memory_space<vmem>>) dst(%dma_wait3A_846 : memref<8x128xf32, #tpu.memory_space<vmem_shared>>)
      tpu.yield
    }) : () -> ()
    %mul3A_559 = arith.constant 640 : i32
    %mul3A_560 = arith.muli %arg1, %mul3A_559 : i32
    %add3A_561 = arith.constant 96 : i32
    %add3A_562 = arith.addi %mul3A_560, %add3A_561 : i32
    "tpu.region"() ({
      %run_scoped3A = tpu.sem_alloc : memref<!tpu.dma_semaphore, #tpu.memory_space<semaphore_mem>>
      %dma_start3A = arith.constant 0 : i32
      %dma_start3A_841 = tpu.memref_slice %arg11[%add3A_562, %dma_start3A] : memref<10240x128xf32, #tpu.memory_space<vmem_shared>> -> memref<8x128xf32, #tpu.memory_space<vmem_shared>>
      %dma_start3A_842 = arith.constant 0 : i32
      %dma_start3A_843 = tpu.memref_slice %arg11[%add3A_562, %dma_start3A_842] : memref<10240x128xf32, #tpu.memory_space<vmem_shared>> -> memref<8x128xf32, #tpu.memory_space<vmem_shared>>
      tpu.enqueue_dma source(%arg10 : memref<8x128xf32, #tpu.memory_space<vmem>>) target(%dma_start3A_843 : memref<8x128xf32, #tpu.memory_space<vmem_shared>>) target_semaphore(%run_scoped3A : memref<!tpu.dma_semaphore, #tpu.memory_space<semaphore_mem>>)
      %dma_wait3A = arith.constant 0 : i32
      %dma_wait3A_844 = tpu.memref_slice %arg11[%add3A_562, %dma_wait3A] : memref<10240x128xf32, #tpu.memory_space<vmem_shared>> -> memref<8x128xf32, #tpu.memory_space<vmem_shared>>
      %dma_wait3A_845 = arith.constant 0 : i32
      %dma_wait3A_846 = tpu.memref_slice %arg11[%add3A_562, %dma_wait3A_845] : memref<10240x128xf32, #tpu.memory_space<vmem_shared>> -> memref<8x128xf32, #tpu.memory_space<vmem_shared>>
      tpu.wait_dma2 semaphore(%run_scoped3A : memref<!tpu.dma_semaphore, #tpu.memory_space<semaphore_mem>>) src(%arg10 : memref<8x128xf32, #tpu.memory_space<vmem>>) dst(%dma_wait3A_846 : memref<8x128xf32, #tpu.memory_space<vmem_shared>>)
      tpu.yield
    }) : () -> ()
    %mul3A_563 = arith.constant 640 : i32
    %mul3A_564 = arith.muli %arg1, %mul3A_563 : i32
    %add3A_565 = arith.constant 104 : i32
    %add3A_566 = arith.addi %mul3A_564, %add3A_565 : i32
    "tpu.region"() ({
      %run_scoped3A = tpu.sem_alloc : memref<!tpu.dma_semaphore, #tpu.memory_space<semaphore_mem>>
      %dma_start3A = arith.constant 0 : i32
      %dma_start3A_841 = tpu.memref_slice %arg11[%add3A_566, %dma_start3A] : memref<10240x128xf32, #tpu.memory_space<vmem_shared>> -> memref<8x128xf32, #tpu.memory_space<vmem_shared>>
      %dma_start3A_842 = arith.constant 0 : i32
      %dma_start3A_843 = tpu.memref_slice %arg11[%add3A_566, %dma_start3A_842] : memref<10240x128xf32, #tpu.memory_space<vmem_shared>> -> memref<8x128xf32, #tpu.memory_space<vmem_shared>>
      tpu.enqueue_dma source(%arg10 : memref<8x128xf32, #tpu.memory_space<vmem>>) target(%dma_start3A_843 : memref<8x128xf32, #tpu.memory_space<vmem_shared>>) target_semaphore(%run_scoped3A : memref<!tpu.dma_semaphore, #tpu.memory_space<semaphore_mem>>)
      %dma_wait3A = arith.constant 0 : i32
      %dma_wait3A_844 = tpu.memref_slice %arg11[%add3A_566, %dma_wait3A] : memref<10240x128xf32, #tpu.memory_space<vmem_shared>> -> memref<8x128xf32, #tpu.memory_space<vmem_shared>>
      %dma_wait3A_845 = arith.constant 0 : i32
      %dma_wait3A_846 = tpu.memref_slice %arg11[%add3A_566, %dma_wait3A_845] : memref<10240x128xf32, #tpu.memory_space<vmem_shared>> -> memref<8x128xf32, #tpu.memory_space<vmem_shared>>
      tpu.wait_dma2 semaphore(%run_scoped3A : memref<!tpu.dma_semaphore, #tpu.memory_space<semaphore_mem>>) src(%arg10 : memref<8x128xf32, #tpu.memory_space<vmem>>) dst(%dma_wait3A_846 : memref<8x128xf32, #tpu.memory_space<vmem_shared>>)
      tpu.yield
    }) : () -> ()
    %mul3A_567 = arith.constant 640 : i32
    %mul3A_568 = arith.muli %arg1, %mul3A_567 : i32
    %add3A_569 = arith.constant 112 : i32
    %add3A_570 = arith.addi %mul3A_568, %add3A_569 : i32
    "tpu.region"() ({
      %run_scoped3A = tpu.sem_alloc : memref<!tpu.dma_semaphore, #tpu.memory_space<semaphore_mem>>
      %dma_start3A = arith.constant 0 : i32
      %dma_start3A_841 = tpu.memref_slice %arg11[%add3A_570, %dma_start3A] : memref<10240x128xf32, #tpu.memory_space<vmem_shared>> -> memref<8x128xf32, #tpu.memory_space<vmem_shared>>
      %dma_start3A_842 = arith.constant 0 : i32
      %dma_start3A_843 = tpu.memref_slice %arg11[%add3A_570, %dma_start3A_842] : memref<10240x128xf32, #tpu.memory_space<vmem_shared>> -> memref<8x128xf32, #tpu.memory_space<vmem_shared>>
      tpu.enqueue_dma source(%arg10 : memref<8x128xf32, #tpu.memory_space<vmem>>) target(%dma_start3A_843 : memref<8x128xf32, #tpu.memory_space<vmem_shared>>) target_semaphore(%run_scoped3A : memref<!tpu.dma_semaphore, #tpu.memory_space<semaphore_mem>>)
      %dma_wait3A = arith.constant 0 : i32
      %dma_wait3A_844 = tpu.memref_slice %arg11[%add3A_570, %dma_wait3A] : memref<10240x128xf32, #tpu.memory_space<vmem_shared>> -> memref<8x128xf32, #tpu.memory_space<vmem_shared>>
      %dma_wait3A_845 = arith.constant 0 : i32
      %dma_wait3A_846 = tpu.memref_slice %arg11[%add3A_570, %dma_wait3A_845] : memref<10240x128xf32, #tpu.memory_space<vmem_shared>> -> memref<8x128xf32, #tpu.memory_space<vmem_shared>>
      tpu.wait_dma2 semaphore(%run_scoped3A : memref<!tpu.dma_semaphore, #tpu.memory_space<semaphore_mem>>) src(%arg10 : memref<8x128xf32, #tpu.memory_space<vmem>>) dst(%dma_wait3A_846 : memref<8x128xf32, #tpu.memory_space<vmem_shared>>)
      tpu.yield
    }) : () -> ()
    %mul3A_571 = arith.constant 640 : i32
    %mul3A_572 = arith.muli %arg1, %mul3A_571 : i32
    %add3A_573 = arith.constant 120 : i32
    %add3A_574 = arith.addi %mul3A_572, %add3A_573 : i32
    "tpu.region"() ({
      %run_scoped3A = tpu.sem_alloc : memref<!tpu.dma_semaphore, #tpu.memory_space<semaphore_mem>>
      %dma_start3A = arith.constant 0 : i32
      %dma_start3A_841 = tpu.memref_slice %arg11[%add3A_574, %dma_start3A] : memref<10240x128xf32, #tpu.memory_space<vmem_shared>> -> memref<8x128xf32, #tpu.memory_space<vmem_shared>>
      %dma_start3A_842 = arith.constant 0 : i32
      %dma_start3A_843 = tpu.memref_slice %arg11[%add3A_574, %dma_start3A_842] : memref<10240x128xf32, #tpu.memory_space<vmem_shared>> -> memref<8x128xf32, #tpu.memory_space<vmem_shared>>
      tpu.enqueue_dma source(%arg10 : memref<8x128xf32, #tpu.memory_space<vmem>>) target(%dma_start3A_843 : memref<8x128xf32, #tpu.memory_space<vmem_shared>>) target_semaphore(%run_scoped3A : memref<!tpu.dma_semaphore, #tpu.memory_space<semaphore_mem>>)
      %dma_wait3A = arith.constant 0 : i32
      %dma_wait3A_844 = tpu.memref_slice %arg11[%add3A_574, %dma_wait3A] : memref<10240x128xf32, #tpu.memory_space<vmem_shared>> -> memref<8x128xf32, #tpu.memory_space<vmem_shared>>
      %dma_wait3A_845 = arith.constant 0 : i32
      %dma_wait3A_846 = tpu.memref_slice %arg11[%add3A_574, %dma_wait3A_845] : memref<10240x128xf32, #tpu.memory_space<vmem_shared>> -> memref<8x128xf32, #tpu.memory_space<vmem_shared>>
      tpu.wait_dma2 semaphore(%run_scoped3A : memref<!tpu.dma_semaphore, #tpu.memory_space<semaphore_mem>>) src(%arg10 : memref<8x128xf32, #tpu.memory_space<vmem>>) dst(%dma_wait3A_846 : memref<8x128xf32, #tpu.memory_space<vmem_shared>>)
      tpu.yield
    }) : () -> ()
    %mul3A_575 = arith.constant 640 : i32
    %mul3A_576 = arith.muli %arg1, %mul3A_575 : i32
    %add3A_577 = arith.constant 128 : i32
    %add3A_578 = arith.addi %mul3A_576, %add3A_577 : i32
    "tpu.region"() ({
      %run_scoped3A = tpu.sem_alloc : memref<!tpu.dma_semaphore, #tpu.memory_space<semaphore_mem>>
      %dma_start3A = arith.constant 0 : i32
      %dma_start3A_841 = tpu.memref_slice %arg11[%add3A_578, %dma_start3A] : memref<10240x128xf32, #tpu.memory_space<vmem_shared>> -> memref<8x128xf32, #tpu.memory_space<vmem_shared>>
      %dma_start3A_842 = arith.constant 0 : i32
      %dma_start3A_843 = tpu.memref_slice %arg11[%add3A_578, %dma_start3A_842] : memref<10240x128xf32, #tpu.memory_space<vmem_shared>> -> memref<8x128xf32, #tpu.memory_space<vmem_shared>>
      tpu.enqueue_dma source(%arg10 : memref<8x128xf32, #tpu.memory_space<vmem>>) target(%dma_start3A_843 : memref<8x128xf32, #tpu.memory_space<vmem_shared>>) target_semaphore(%run_scoped3A : memref<!tpu.dma_semaphore, #tpu.memory_space<semaphore_mem>>)
      %dma_wait3A = arith.constant 0 : i32
      %dma_wait3A_844 = tpu.memref_slice %arg11[%add3A_578, %dma_wait3A] : memref<10240x128xf32, #tpu.memory_space<vmem_shared>> -> memref<8x128xf32, #tpu.memory_space<vmem_shared>>
      %dma_wait3A_845 = arith.constant 0 : i32
      %dma_wait3A_846 = tpu.memref_slice %arg11[%add3A_578, %dma_wait3A_845] : memref<10240x128xf32, #tpu.memory_space<vmem_shared>> -> memref<8x128xf32, #tpu.memory_space<vmem_shared>>
      tpu.wait_dma2 semaphore(%run_scoped3A : memref<!tpu.dma_semaphore, #tpu.memory_space<semaphore_mem>>) src(%arg10 : memref<8x128xf32, #tpu.memory_space<vmem>>) dst(%dma_wait3A_846 : memref<8x128xf32, #tpu.memory_space<vmem_shared>>)
      tpu.yield
    }) : () -> ()
    %mul3A_579 = arith.constant 640 : i32
    %mul3A_580 = arith.muli %arg1, %mul3A_579 : i32
    %add3A_581 = arith.constant 136 : i32
    %add3A_582 = arith.addi %mul3A_580, %add3A_581 : i32
    "tpu.region"() ({
      %run_scoped3A = tpu.sem_alloc : memref<!tpu.dma_semaphore, #tpu.memory_space<semaphore_mem>>
      %dma_start3A = arith.constant 0 : i32
      %dma_start3A_841 = tpu.memref_slice %arg11[%add3A_582, %dma_start3A] : memref<10240x128xf32, #tpu.memory_space<vmem_shared>> -> memref<8x128xf32, #tpu.memory_space<vmem_shared>>
      %dma_start3A_842 = arith.constant 0 : i32
      %dma_start3A_843 = tpu.memref_slice %arg11[%add3A_582, %dma_start3A_842] : memref<10240x128xf32, #tpu.memory_space<vmem_shared>> -> memref<8x128xf32, #tpu.memory_space<vmem_shared>>
      tpu.enqueue_dma source(%arg10 : memref<8x128xf32, #tpu.memory_space<vmem>>) target(%dma_start3A_843 : memref<8x128xf32, #tpu.memory_space<vmem_shared>>) target_semaphore(%run_scoped3A : memref<!tpu.dma_semaphore, #tpu.memory_space<semaphore_mem>>)
      %dma_wait3A = arith.constant 0 : i32
      %dma_wait3A_844 = tpu.memref_slice %arg11[%add3A_582, %dma_wait3A] : memref<10240x128xf32, #tpu.memory_space<vmem_shared>> -> memref<8x128xf32, #tpu.memory_space<vmem_shared>>
      %dma_wait3A_845 = arith.constant 0 : i32
      %dma_wait3A_846 = tpu.memref_slice %arg11[%add3A_582, %dma_wait3A_845] : memref<10240x128xf32, #tpu.memory_space<vmem_shared>> -> memref<8x128xf32, #tpu.memory_space<vmem_shared>>
      tpu.wait_dma2 semaphore(%run_scoped3A : memref<!tpu.dma_semaphore, #tpu.memory_space<semaphore_mem>>) src(%arg10 : memref<8x128xf32, #tpu.memory_space<vmem>>) dst(%dma_wait3A_846 : memref<8x128xf32, #tpu.memory_space<vmem_shared>>)
      tpu.yield
    }) : () -> ()
    %mul3A_583 = arith.constant 640 : i32
    %mul3A_584 = arith.muli %arg1, %mul3A_583 : i32
    %add3A_585 = arith.constant 144 : i32
    %add3A_586 = arith.addi %mul3A_584, %add3A_585 : i32
    "tpu.region"() ({
      %run_scoped3A = tpu.sem_alloc : memref<!tpu.dma_semaphore, #tpu.memory_space<semaphore_mem>>
      %dma_start3A = arith.constant 0 : i32
      %dma_start3A_841 = tpu.memref_slice %arg11[%add3A_586, %dma_start3A] : memref<10240x128xf32, #tpu.memory_space<vmem_shared>> -> memref<8x128xf32, #tpu.memory_space<vmem_shared>>
      %dma_start3A_842 = arith.constant 0 : i32
      %dma_start3A_843 = tpu.memref_slice %arg11[%add3A_586, %dma_start3A_842] : memref<10240x128xf32, #tpu.memory_space<vmem_shared>> -> memref<8x128xf32, #tpu.memory_space<vmem_shared>>
      tpu.enqueue_dma source(%arg10 : memref<8x128xf32, #tpu.memory_space<vmem>>) target(%dma_start3A_843 : memref<8x128xf32, #tpu.memory_space<vmem_shared>>) target_semaphore(%run_scoped3A : memref<!tpu.dma_semaphore, #tpu.memory_space<semaphore_mem>>)
      %dma_wait3A = arith.constant 0 : i32
      %dma_wait3A_844 = tpu.memref_slice %arg11[%add3A_586, %dma_wait3A] : memref<10240x128xf32, #tpu.memory_space<vmem_shared>> -> memref<8x128xf32, #tpu.memory_space<vmem_shared>>
      %dma_wait3A_845 = arith.constant 0 : i32
      %dma_wait3A_846 = tpu.memref_slice %arg11[%add3A_586, %dma_wait3A_845] : memref<10240x128xf32, #tpu.memory_space<vmem_shared>> -> memref<8x128xf32, #tpu.memory_space<vmem_shared>>
      tpu.wait_dma2 semaphore(%run_scoped3A : memref<!tpu.dma_semaphore, #tpu.memory_space<semaphore_mem>>) src(%arg10 : memref<8x128xf32, #tpu.memory_space<vmem>>) dst(%dma_wait3A_846 : memref<8x128xf32, #tpu.memory_space<vmem_shared>>)
      tpu.yield
    }) : () -> ()
    %mul3A_587 = arith.constant 640 : i32
    %mul3A_588 = arith.muli %arg1, %mul3A_587 : i32
    %add3A_589 = arith.constant 152 : i32
    %add3A_590 = arith.addi %mul3A_588, %add3A_589 : i32
    "tpu.region"() ({
      %run_scoped3A = tpu.sem_alloc : memref<!tpu.dma_semaphore, #tpu.memory_space<semaphore_mem>>
      %dma_start3A = arith.constant 0 : i32
      %dma_start3A_841 = tpu.memref_slice %arg11[%add3A_590, %dma_start3A] : memref<10240x128xf32, #tpu.memory_space<vmem_shared>> -> memref<8x128xf32, #tpu.memory_space<vmem_shared>>
      %dma_start3A_842 = arith.constant 0 : i32
      %dma_start3A_843 = tpu.memref_slice %arg11[%add3A_590, %dma_start3A_842] : memref<10240x128xf32, #tpu.memory_space<vmem_shared>> -> memref<8x128xf32, #tpu.memory_space<vmem_shared>>
      tpu.enqueue_dma source(%arg10 : memref<8x128xf32, #tpu.memory_space<vmem>>) target(%dma_start3A_843 : memref<8x128xf32, #tpu.memory_space<vmem_shared>>) target_semaphore(%run_scoped3A : memref<!tpu.dma_semaphore, #tpu.memory_space<semaphore_mem>>)
      %dma_wait3A = arith.constant 0 : i32
      %dma_wait3A_844 = tpu.memref_slice %arg11[%add3A_590, %dma_wait3A] : memref<10240x128xf32, #tpu.memory_space<vmem_shared>> -> memref<8x128xf32, #tpu.memory_space<vmem_shared>>
      %dma_wait3A_845 = arith.constant 0 : i32
      %dma_wait3A_846 = tpu.memref_slice %arg11[%add3A_590, %dma_wait3A_845] : memref<10240x128xf32, #tpu.memory_space<vmem_shared>> -> memref<8x128xf32, #tpu.memory_space<vmem_shared>>
      tpu.wait_dma2 semaphore(%run_scoped3A : memref<!tpu.dma_semaphore, #tpu.memory_space<semaphore_mem>>) src(%arg10 : memref<8x128xf32, #tpu.memory_space<vmem>>) dst(%dma_wait3A_846 : memref<8x128xf32, #tpu.memory_space<vmem_shared>>)
      tpu.yield
    }) : () -> ()
    %mul3A_591 = arith.constant 640 : i32
    %mul3A_592 = arith.muli %arg1, %mul3A_591 : i32
    %add3A_593 = arith.constant 160 : i32
    %add3A_594 = arith.addi %mul3A_592, %add3A_593 : i32
    "tpu.region"() ({
      %run_scoped3A = tpu.sem_alloc : memref<!tpu.dma_semaphore, #tpu.memory_space<semaphore_mem>>
      %dma_start3A = arith.constant 0 : i32
      %dma_start3A_841 = tpu.memref_slice %arg11[%add3A_594, %dma_start3A] : memref<10240x128xf32, #tpu.memory_space<vmem_shared>> -> memref<8x128xf32, #tpu.memory_space<vmem_shared>>
      %dma_start3A_842 = arith.constant 0 : i32
      %dma_start3A_843 = tpu.memref_slice %arg11[%add3A_594, %dma_start3A_842] : memref<10240x128xf32, #tpu.memory_space<vmem_shared>> -> memref<8x128xf32, #tpu.memory_space<vmem_shared>>
      tpu.enqueue_dma source(%arg10 : memref<8x128xf32, #tpu.memory_space<vmem>>) target(%dma_start3A_843 : memref<8x128xf32, #tpu.memory_space<vmem_shared>>) target_semaphore(%run_scoped3A : memref<!tpu.dma_semaphore, #tpu.memory_space<semaphore_mem>>)
      %dma_wait3A = arith.constant 0 : i32
      %dma_wait3A_844 = tpu.memref_slice %arg11[%add3A_594, %dma_wait3A] : memref<10240x128xf32, #tpu.memory_space<vmem_shared>> -> memref<8x128xf32, #tpu.memory_space<vmem_shared>>
      %dma_wait3A_845 = arith.constant 0 : i32
      %dma_wait3A_846 = tpu.memref_slice %arg11[%add3A_594, %dma_wait3A_845] : memref<10240x128xf32, #tpu.memory_space<vmem_shared>> -> memref<8x128xf32, #tpu.memory_space<vmem_shared>>
      tpu.wait_dma2 semaphore(%run_scoped3A : memref<!tpu.dma_semaphore, #tpu.memory_space<semaphore_mem>>) src(%arg10 : memref<8x128xf32, #tpu.memory_space<vmem>>) dst(%dma_wait3A_846 : memref<8x128xf32, #tpu.memory_space<vmem_shared>>)
      tpu.yield
    }) : () -> ()
    %mul3A_595 = arith.constant 640 : i32
    %mul3A_596 = arith.muli %arg1, %mul3A_595 : i32
    %add3A_597 = arith.constant 168 : i32
    %add3A_598 = arith.addi %mul3A_596, %add3A_597 : i32
    "tpu.region"() ({
      %run_scoped3A = tpu.sem_alloc : memref<!tpu.dma_semaphore, #tpu.memory_space<semaphore_mem>>
      %dma_start3A = arith.constant 0 : i32
      %dma_start3A_841 = tpu.memref_slice %arg11[%add3A_598, %dma_start3A] : memref<10240x128xf32, #tpu.memory_space<vmem_shared>> -> memref<8x128xf32, #tpu.memory_space<vmem_shared>>
      %dma_start3A_842 = arith.constant 0 : i32
      %dma_start3A_843 = tpu.memref_slice %arg11[%add3A_598, %dma_start3A_842] : memref<10240x128xf32, #tpu.memory_space<vmem_shared>> -> memref<8x128xf32, #tpu.memory_space<vmem_shared>>
      tpu.enqueue_dma source(%arg10 : memref<8x128xf32, #tpu.memory_space<vmem>>) target(%dma_start3A_843 : memref<8x128xf32, #tpu.memory_space<vmem_shared>>) target_semaphore(%run_scoped3A : memref<!tpu.dma_semaphore, #tpu.memory_space<semaphore_mem>>)
      %dma_wait3A = arith.constant 0 : i32
      %dma_wait3A_844 = tpu.memref_slice %arg11[%add3A_598, %dma_wait3A] : memref<10240x128xf32, #tpu.memory_space<vmem_shared>> -> memref<8x128xf32, #tpu.memory_space<vmem_shared>>
      %dma_wait3A_845 = arith.constant 0 : i32
      %dma_wait3A_846 = tpu.memref_slice %arg11[%add3A_598, %dma_wait3A_845] : memref<10240x128xf32, #tpu.memory_space<vmem_shared>> -> memref<8x128xf32, #tpu.memory_space<vmem_shared>>
      tpu.wait_dma2 semaphore(%run_scoped3A : memref<!tpu.dma_semaphore, #tpu.memory_space<semaphore_mem>>) src(%arg10 : memref<8x128xf32, #tpu.memory_space<vmem>>) dst(%dma_wait3A_846 : memref<8x128xf32, #tpu.memory_space<vmem_shared>>)
      tpu.yield
    }) : () -> ()
    %mul3A_599 = arith.constant 640 : i32
    %mul3A_600 = arith.muli %arg1, %mul3A_599 : i32
    %add3A_601 = arith.constant 176 : i32
    %add3A_602 = arith.addi %mul3A_600, %add3A_601 : i32
    "tpu.region"() ({
      %run_scoped3A = tpu.sem_alloc : memref<!tpu.dma_semaphore, #tpu.memory_space<semaphore_mem>>
      %dma_start3A = arith.constant 0 : i32
      %dma_start3A_841 = tpu.memref_slice %arg11[%add3A_602, %dma_start3A] : memref<10240x128xf32, #tpu.memory_space<vmem_shared>> -> memref<8x128xf32, #tpu.memory_space<vmem_shared>>
      %dma_start3A_842 = arith.constant 0 : i32
      %dma_start3A_843 = tpu.memref_slice %arg11[%add3A_602, %dma_start3A_842] : memref<10240x128xf32, #tpu.memory_space<vmem_shared>> -> memref<8x128xf32, #tpu.memory_space<vmem_shared>>
      tpu.enqueue_dma source(%arg10 : memref<8x128xf32, #tpu.memory_space<vmem>>) target(%dma_start3A_843 : memref<8x128xf32, #tpu.memory_space<vmem_shared>>) target_semaphore(%run_scoped3A : memref<!tpu.dma_semaphore, #tpu.memory_space<semaphore_mem>>)
      %dma_wait3A = arith.constant 0 : i32
      %dma_wait3A_844 = tpu.memref_slice %arg11[%add3A_602, %dma_wait3A] : memref<10240x128xf32, #tpu.memory_space<vmem_shared>> -> memref<8x128xf32, #tpu.memory_space<vmem_shared>>
      %dma_wait3A_845 = arith.constant 0 : i32
      %dma_wait3A_846 = tpu.memref_slice %arg11[%add3A_602, %dma_wait3A_845] : memref<10240x128xf32, #tpu.memory_space<vmem_shared>> -> memref<8x128xf32, #tpu.memory_space<vmem_shared>>
      tpu.wait_dma2 semaphore(%run_scoped3A : memref<!tpu.dma_semaphore, #tpu.memory_space<semaphore_mem>>) src(%arg10 : memref<8x128xf32, #tpu.memory_space<vmem>>) dst(%dma_wait3A_846 : memref<8x128xf32, #tpu.memory_space<vmem_shared>>)
      tpu.yield
    }) : () -> ()
    %mul3A_603 = arith.constant 640 : i32
    %mul3A_604 = arith.muli %arg1, %mul3A_603 : i32
    %add3A_605 = arith.constant 184 : i32
    %add3A_606 = arith.addi %mul3A_604, %add3A_605 : i32
    "tpu.region"() ({
      %run_scoped3A = tpu.sem_alloc : memref<!tpu.dma_semaphore, #tpu.memory_space<semaphore_mem>>
      %dma_start3A = arith.constant 0 : i32
      %dma_start3A_841 = tpu.memref_slice %arg11[%add3A_606, %dma_start3A] : memref<10240x128xf32, #tpu.memory_space<vmem_shared>> -> memref<8x128xf32, #tpu.memory_space<vmem_shared>>
      %dma_start3A_842 = arith.constant 0 : i32
      %dma_start3A_843 = tpu.memref_slice %arg11[%add3A_606, %dma_start3A_842] : memref<10240x128xf32, #tpu.memory_space<vmem_shared>> -> memref<8x128xf32, #tpu.memory_space<vmem_shared>>
      tpu.enqueue_dma source(%arg10 : memref<8x128xf32, #tpu.memory_space<vmem>>) target(%dma_start3A_843 : memref<8x128xf32, #tpu.memory_space<vmem_shared>>) target_semaphore(%run_scoped3A : memref<!tpu.dma_semaphore, #tpu.memory_space<semaphore_mem>>)
      %dma_wait3A = arith.constant 0 : i32
      %dma_wait3A_844 = tpu.memref_slice %arg11[%add3A_606, %dma_wait3A] : memref<10240x128xf32, #tpu.memory_space<vmem_shared>> -> memref<8x128xf32, #tpu.memory_space<vmem_shared>>
      %dma_wait3A_845 = arith.constant 0 : i32
      %dma_wait3A_846 = tpu.memref_slice %arg11[%add3A_606, %dma_wait3A_845] : memref<10240x128xf32, #tpu.memory_space<vmem_shared>> -> memref<8x128xf32, #tpu.memory_space<vmem_shared>>
      tpu.wait_dma2 semaphore(%run_scoped3A : memref<!tpu.dma_semaphore, #tpu.memory_space<semaphore_mem>>) src(%arg10 : memref<8x128xf32, #tpu.memory_space<vmem>>) dst(%dma_wait3A_846 : memref<8x128xf32, #tpu.memory_space<vmem_shared>>)
      tpu.yield
    }) : () -> ()
    %mul3A_607 = arith.constant 640 : i32
    %mul3A_608 = arith.muli %arg1, %mul3A_607 : i32
    %add3A_609 = arith.constant 192 : i32
    %add3A_610 = arith.addi %mul3A_608, %add3A_609 : i32
    "tpu.region"() ({
      %run_scoped3A = tpu.sem_alloc : memref<!tpu.dma_semaphore, #tpu.memory_space<semaphore_mem>>
      %dma_start3A = arith.constant 0 : i32
      %dma_start3A_841 = tpu.memref_slice %arg11[%add3A_610, %dma_start3A] : memref<10240x128xf32, #tpu.memory_space<vmem_shared>> -> memref<8x128xf32, #tpu.memory_space<vmem_shared>>
      %dma_start3A_842 = arith.constant 0 : i32
      %dma_start3A_843 = tpu.memref_slice %arg11[%add3A_610, %dma_start3A_842] : memref<10240x128xf32, #tpu.memory_space<vmem_shared>> -> memref<8x128xf32, #tpu.memory_space<vmem_shared>>
      tpu.enqueue_dma source(%arg10 : memref<8x128xf32, #tpu.memory_space<vmem>>) target(%dma_start3A_843 : memref<8x128xf32, #tpu.memory_space<vmem_shared>>) target_semaphore(%run_scoped3A : memref<!tpu.dma_semaphore, #tpu.memory_space<semaphore_mem>>)
      %dma_wait3A = arith.constant 0 : i32
      %dma_wait3A_844 = tpu.memref_slice %arg11[%add3A_610, %dma_wait3A] : memref<10240x128xf32, #tpu.memory_space<vmem_shared>> -> memref<8x128xf32, #tpu.memory_space<vmem_shared>>
      %dma_wait3A_845 = arith.constant 0 : i32
      %dma_wait3A_846 = tpu.memref_slice %arg11[%add3A_610, %dma_wait3A_845] : memref<10240x128xf32, #tpu.memory_space<vmem_shared>> -> memref<8x128xf32, #tpu.memory_space<vmem_shared>>
      tpu.wait_dma2 semaphore(%run_scoped3A : memref<!tpu.dma_semaphore, #tpu.memory_space<semaphore_mem>>) src(%arg10 : memref<8x128xf32, #tpu.memory_space<vmem>>) dst(%dma_wait3A_846 : memref<8x128xf32, #tpu.memory_space<vmem_shared>>)
      tpu.yield
    }) : () -> ()
    %mul3A_611 = arith.constant 640 : i32
    %mul3A_612 = arith.muli %arg1, %mul3A_611 : i32
    %add3A_613 = arith.constant 200 : i32
    %add3A_614 = arith.addi %mul3A_612, %add3A_613 : i32
    "tpu.region"() ({
      %run_scoped3A = tpu.sem_alloc : memref<!tpu.dma_semaphore, #tpu.memory_space<semaphore_mem>>
      %dma_start3A = arith.constant 0 : i32
      %dma_start3A_841 = tpu.memref_slice %arg11[%add3A_614, %dma_start3A] : memref<10240x128xf32, #tpu.memory_space<vmem_shared>> -> memref<8x128xf32, #tpu.memory_space<vmem_shared>>
      %dma_start3A_842 = arith.constant 0 : i32
      %dma_start3A_843 = tpu.memref_slice %arg11[%add3A_614, %dma_start3A_842] : memref<10240x128xf32, #tpu.memory_space<vmem_shared>> -> memref<8x128xf32, #tpu.memory_space<vmem_shared>>
      tpu.enqueue_dma source(%arg10 : memref<8x128xf32, #tpu.memory_space<vmem>>) target(%dma_start3A_843 : memref<8x128xf32, #tpu.memory_space<vmem_shared>>) target_semaphore(%run_scoped3A : memref<!tpu.dma_semaphore, #tpu.memory_space<semaphore_mem>>)
      %dma_wait3A = arith.constant 0 : i32
      %dma_wait3A_844 = tpu.memref_slice %arg11[%add3A_614, %dma_wait3A] : memref<10240x128xf32, #tpu.memory_space<vmem_shared>> -> memref<8x128xf32, #tpu.memory_space<vmem_shared>>
      %dma_wait3A_845 = arith.constant 0 : i32
      %dma_wait3A_846 = tpu.memref_slice %arg11[%add3A_614, %dma_wait3A_845] : memref<10240x128xf32, #tpu.memory_space<vmem_shared>> -> memref<8x128xf32, #tpu.memory_space<vmem_shared>>
      tpu.wait_dma2 semaphore(%run_scoped3A : memref<!tpu.dma_semaphore, #tpu.memory_space<semaphore_mem>>) src(%arg10 : memref<8x128xf32, #tpu.memory_space<vmem>>) dst(%dma_wait3A_846 : memref<8x128xf32, #tpu.memory_space<vmem_shared>>)
      tpu.yield
    }) : () -> ()
    %mul3A_615 = arith.constant 640 : i32
    %mul3A_616 = arith.muli %arg1, %mul3A_615 : i32
    %add3A_617 = arith.constant 208 : i32
    %add3A_618 = arith.addi %mul3A_616, %add3A_617 : i32
    "tpu.region"() ({
      %run_scoped3A = tpu.sem_alloc : memref<!tpu.dma_semaphore, #tpu.memory_space<semaphore_mem>>
      %dma_start3A = arith.constant 0 : i32
      %dma_start3A_841 = tpu.memref_slice %arg11[%add3A_618, %dma_start3A] : memref<10240x128xf32, #tpu.memory_space<vmem_shared>> -> memref<8x128xf32, #tpu.memory_space<vmem_shared>>
      %dma_start3A_842 = arith.constant 0 : i32
      %dma_start3A_843 = tpu.memref_slice %arg11[%add3A_618, %dma_start3A_842] : memref<10240x128xf32, #tpu.memory_space<vmem_shared>> -> memref<8x128xf32, #tpu.memory_space<vmem_shared>>
      tpu.enqueue_dma source(%arg10 : memref<8x128xf32, #tpu.memory_space<vmem>>) target(%dma_start3A_843 : memref<8x128xf32, #tpu.memory_space<vmem_shared>>) target_semaphore(%run_scoped3A : memref<!tpu.dma_semaphore, #tpu.memory_space<semaphore_mem>>)
      %dma_wait3A = arith.constant 0 : i32
      %dma_wait3A_844 = tpu.memref_slice %arg11[%add3A_618, %dma_wait3A] : memref<10240x128xf32, #tpu.memory_space<vmem_shared>> -> memref<8x128xf32, #tpu.memory_space<vmem_shared>>
      %dma_wait3A_845 = arith.constant 0 : i32
      %dma_wait3A_846 = tpu.memref_slice %arg11[%add3A_618, %dma_wait3A_845] : memref<10240x128xf32, #tpu.memory_space<vmem_shared>> -> memref<8x128xf32, #tpu.memory_space<vmem_shared>>
      tpu.wait_dma2 semaphore(%run_scoped3A : memref<!tpu.dma_semaphore, #tpu.memory_space<semaphore_mem>>) src(%arg10 : memref<8x128xf32, #tpu.memory_space<vmem>>) dst(%dma_wait3A_846 : memref<8x128xf32, #tpu.memory_space<vmem_shared>>)
      tpu.yield
    }) : () -> ()
    %mul3A_619 = arith.constant 640 : i32
    %mul3A_620 = arith.muli %arg1, %mul3A_619 : i32
    %add3A_621 = arith.constant 216 : i32
    %add3A_622 = arith.addi %mul3A_620, %add3A_621 : i32
    "tpu.region"() ({
      %run_scoped3A = tpu.sem_alloc : memref<!tpu.dma_semaphore, #tpu.memory_space<semaphore_mem>>
      %dma_start3A = arith.constant 0 : i32
      %dma_start3A_841 = tpu.memref_slice %arg11[%add3A_622, %dma_start3A] : memref<10240x128xf32, #tpu.memory_space<vmem_shared>> -> memref<8x128xf32, #tpu.memory_space<vmem_shared>>
      %dma_start3A_842 = arith.constant 0 : i32
      %dma_start3A_843 = tpu.memref_slice %arg11[%add3A_622, %dma_start3A_842] : memref<10240x128xf32, #tpu.memory_space<vmem_shared>> -> memref<8x128xf32, #tpu.memory_space<vmem_shared>>
      tpu.enqueue_dma source(%arg10 : memref<8x128xf32, #tpu.memory_space<vmem>>) target(%dma_start3A_843 : memref<8x128xf32, #tpu.memory_space<vmem_shared>>) target_semaphore(%run_scoped3A : memref<!tpu.dma_semaphore, #tpu.memory_space<semaphore_mem>>)
      %dma_wait3A = arith.constant 0 : i32
      %dma_wait3A_844 = tpu.memref_slice %arg11[%add3A_622, %dma_wait3A] : memref<10240x128xf32, #tpu.memory_space<vmem_shared>> -> memref<8x128xf32, #tpu.memory_space<vmem_shared>>
      %dma_wait3A_845 = arith.constant 0 : i32
      %dma_wait3A_846 = tpu.memref_slice %arg11[%add3A_622, %dma_wait3A_845] : memref<10240x128xf32, #tpu.memory_space<vmem_shared>> -> memref<8x128xf32, #tpu.memory_space<vmem_shared>>
      tpu.wait_dma2 semaphore(%run_scoped3A : memref<!tpu.dma_semaphore, #tpu.memory_space<semaphore_mem>>) src(%arg10 : memref<8x128xf32, #tpu.memory_space<vmem>>) dst(%dma_wait3A_846 : memref<8x128xf32, #tpu.memory_space<vmem_shared>>)
      tpu.yield
    }) : () -> ()
    %mul3A_623 = arith.constant 640 : i32
    %mul3A_624 = arith.muli %arg1, %mul3A_623 : i32
    %add3A_625 = arith.constant 224 : i32
    %add3A_626 = arith.addi %mul3A_624, %add3A_625 : i32
    "tpu.region"() ({
      %run_scoped3A = tpu.sem_alloc : memref<!tpu.dma_semaphore, #tpu.memory_space<semaphore_mem>>
      %dma_start3A = arith.constant 0 : i32
      %dma_start3A_841 = tpu.memref_slice %arg11[%add3A_626, %dma_start3A] : memref<10240x128xf32, #tpu.memory_space<vmem_shared>> -> memref<8x128xf32, #tpu.memory_space<vmem_shared>>
      %dma_start3A_842 = arith.constant 0 : i32
      %dma_start3A_843 = tpu.memref_slice %arg11[%add3A_626, %dma_start3A_842] : memref<10240x128xf32, #tpu.memory_space<vmem_shared>> -> memref<8x128xf32, #tpu.memory_space<vmem_shared>>
      tpu.enqueue_dma source(%arg10 : memref<8x128xf32, #tpu.memory_space<vmem>>) target(%dma_start3A_843 : memref<8x128xf32, #tpu.memory_space<vmem_shared>>) target_semaphore(%run_scoped3A : memref<!tpu.dma_semaphore, #tpu.memory_space<semaphore_mem>>)
      %dma_wait3A = arith.constant 0 : i32
      %dma_wait3A_844 = tpu.memref_slice %arg11[%add3A_626, %dma_wait3A] : memref<10240x128xf32, #tpu.memory_space<vmem_shared>> -> memref<8x128xf32, #tpu.memory_space<vmem_shared>>
      %dma_wait3A_845 = arith.constant 0 : i32
      %dma_wait3A_846 = tpu.memref_slice %arg11[%add3A_626, %dma_wait3A_845] : memref<10240x128xf32, #tpu.memory_space<vmem_shared>> -> memref<8x128xf32, #tpu.memory_space<vmem_shared>>
      tpu.wait_dma2 semaphore(%run_scoped3A : memref<!tpu.dma_semaphore, #tpu.memory_space<semaphore_mem>>) src(%arg10 : memref<8x128xf32, #tpu.memory_space<vmem>>) dst(%dma_wait3A_846 : memref<8x128xf32, #tpu.memory_space<vmem_shared>>)
      tpu.yield
    }) : () -> ()
    %mul3A_627 = arith.constant 640 : i32
    %mul3A_628 = arith.muli %arg1, %mul3A_627 : i32
    %add3A_629 = arith.constant 232 : i32
    %add3A_630 = arith.addi %mul3A_628, %add3A_629 : i32
    "tpu.region"() ({
      %run_scoped3A = tpu.sem_alloc : memref<!tpu.dma_semaphore, #tpu.memory_space<semaphore_mem>>
      %dma_start3A = arith.constant 0 : i32
      %dma_start3A_841 = tpu.memref_slice %arg11[%add3A_630, %dma_start3A] : memref<10240x128xf32, #tpu.memory_space<vmem_shared>> -> memref<8x128xf32, #tpu.memory_space<vmem_shared>>
      %dma_start3A_842 = arith.constant 0 : i32
      %dma_start3A_843 = tpu.memref_slice %arg11[%add3A_630, %dma_start3A_842] : memref<10240x128xf32, #tpu.memory_space<vmem_shared>> -> memref<8x128xf32, #tpu.memory_space<vmem_shared>>
      tpu.enqueue_dma source(%arg10 : memref<8x128xf32, #tpu.memory_space<vmem>>) target(%dma_start3A_843 : memref<8x128xf32, #tpu.memory_space<vmem_shared>>) target_semaphore(%run_scoped3A : memref<!tpu.dma_semaphore, #tpu.memory_space<semaphore_mem>>)
      %dma_wait3A = arith.constant 0 : i32
      %dma_wait3A_844 = tpu.memref_slice %arg11[%add3A_630, %dma_wait3A] : memref<10240x128xf32, #tpu.memory_space<vmem_shared>> -> memref<8x128xf32, #tpu.memory_space<vmem_shared>>
      %dma_wait3A_845 = arith.constant 0 : i32
      %dma_wait3A_846 = tpu.memref_slice %arg11[%add3A_630, %dma_wait3A_845] : memref<10240x128xf32, #tpu.memory_space<vmem_shared>> -> memref<8x128xf32, #tpu.memory_space<vmem_shared>>
      tpu.wait_dma2 semaphore(%run_scoped3A : memref<!tpu.dma_semaphore, #tpu.memory_space<semaphore_mem>>) src(%arg10 : memref<8x128xf32, #tpu.memory_space<vmem>>) dst(%dma_wait3A_846 : memref<8x128xf32, #tpu.memory_space<vmem_shared>>)
      tpu.yield
    }) : () -> ()
    %mul3A_631 = arith.constant 640 : i32
    %mul3A_632 = arith.muli %arg1, %mul3A_631 : i32
    %add3A_633 = arith.constant 240 : i32
    %add3A_634 = arith.addi %mul3A_632, %add3A_633 : i32
    "tpu.region"() ({
      %run_scoped3A = tpu.sem_alloc : memref<!tpu.dma_semaphore, #tpu.memory_space<semaphore_mem>>
      %dma_start3A = arith.constant 0 : i32
      %dma_start3A_841 = tpu.memref_slice %arg11[%add3A_634, %dma_start3A] : memref<10240x128xf32, #tpu.memory_space<vmem_shared>> -> memref<8x128xf32, #tpu.memory_space<vmem_shared>>
      %dma_start3A_842 = arith.constant 0 : i32
      %dma_start3A_843 = tpu.memref_slice %arg11[%add3A_634, %dma_start3A_842] : memref<10240x128xf32, #tpu.memory_space<vmem_shared>> -> memref<8x128xf32, #tpu.memory_space<vmem_shared>>
      tpu.enqueue_dma source(%arg10 : memref<8x128xf32, #tpu.memory_space<vmem>>) target(%dma_start3A_843 : memref<8x128xf32, #tpu.memory_space<vmem_shared>>) target_semaphore(%run_scoped3A : memref<!tpu.dma_semaphore, #tpu.memory_space<semaphore_mem>>)
      %dma_wait3A = arith.constant 0 : i32
      %dma_wait3A_844 = tpu.memref_slice %arg11[%add3A_634, %dma_wait3A] : memref<10240x128xf32, #tpu.memory_space<vmem_shared>> -> memref<8x128xf32, #tpu.memory_space<vmem_shared>>
      %dma_wait3A_845 = arith.constant 0 : i32
      %dma_wait3A_846 = tpu.memref_slice %arg11[%add3A_634, %dma_wait3A_845] : memref<10240x128xf32, #tpu.memory_space<vmem_shared>> -> memref<8x128xf32, #tpu.memory_space<vmem_shared>>
      tpu.wait_dma2 semaphore(%run_scoped3A : memref<!tpu.dma_semaphore, #tpu.memory_space<semaphore_mem>>) src(%arg10 : memref<8x128xf32, #tpu.memory_space<vmem>>) dst(%dma_wait3A_846 : memref<8x128xf32, #tpu.memory_space<vmem_shared>>)
      tpu.yield
    }) : () -> ()
    %mul3A_635 = arith.constant 640 : i32
    %mul3A_636 = arith.muli %arg1, %mul3A_635 : i32
    %add3A_637 = arith.constant 248 : i32
    %add3A_638 = arith.addi %mul3A_636, %add3A_637 : i32
    "tpu.region"() ({
      %run_scoped3A = tpu.sem_alloc : memref<!tpu.dma_semaphore, #tpu.memory_space<semaphore_mem>>
      %dma_start3A = arith.constant 0 : i32
      %dma_start3A_841 = tpu.memref_slice %arg11[%add3A_638, %dma_start3A] : memref<10240x128xf32, #tpu.memory_space<vmem_shared>> -> memref<8x128xf32, #tpu.memory_space<vmem_shared>>
      %dma_start3A_842 = arith.constant 0 : i32
      %dma_start3A_843 = tpu.memref_slice %arg11[%add3A_638, %dma_start3A_842] : memref<10240x128xf32, #tpu.memory_space<vmem_shared>> -> memref<8x128xf32, #tpu.memory_space<vmem_shared>>
      tpu.enqueue_dma source(%arg10 : memref<8x128xf32, #tpu.memory_space<vmem>>) target(%dma_start3A_843 : memref<8x128xf32, #tpu.memory_space<vmem_shared>>) target_semaphore(%run_scoped3A : memref<!tpu.dma_semaphore, #tpu.memory_space<semaphore_mem>>)
      %dma_wait3A = arith.constant 0 : i32
      %dma_wait3A_844 = tpu.memref_slice %arg11[%add3A_638, %dma_wait3A] : memref<10240x128xf32, #tpu.memory_space<vmem_shared>> -> memref<8x128xf32, #tpu.memory_space<vmem_shared>>
      %dma_wait3A_845 = arith.constant 0 : i32
      %dma_wait3A_846 = tpu.memref_slice %arg11[%add3A_638, %dma_wait3A_845] : memref<10240x128xf32, #tpu.memory_space<vmem_shared>> -> memref<8x128xf32, #tpu.memory_space<vmem_shared>>
      tpu.wait_dma2 semaphore(%run_scoped3A : memref<!tpu.dma_semaphore, #tpu.memory_space<semaphore_mem>>) src(%arg10 : memref<8x128xf32, #tpu.memory_space<vmem>>) dst(%dma_wait3A_846 : memref<8x128xf32, #tpu.memory_space<vmem_shared>>)
      tpu.yield
    }) : () -> ()
    %mul3A_639 = arith.constant 640 : i32
    %mul3A_640 = arith.muli %arg1, %mul3A_639 : i32
    %add3A_641 = arith.constant 256 : i32
    %add3A_642 = arith.addi %mul3A_640, %add3A_641 : i32
    "tpu.region"() ({
      %run_scoped3A = tpu.sem_alloc : memref<!tpu.dma_semaphore, #tpu.memory_space<semaphore_mem>>
      %dma_start3A = arith.constant 0 : i32
      %dma_start3A_841 = tpu.memref_slice %arg11[%add3A_642, %dma_start3A] : memref<10240x128xf32, #tpu.memory_space<vmem_shared>> -> memref<8x128xf32, #tpu.memory_space<vmem_shared>>
      %dma_start3A_842 = arith.constant 0 : i32
      %dma_start3A_843 = tpu.memref_slice %arg11[%add3A_642, %dma_start3A_842] : memref<10240x128xf32, #tpu.memory_space<vmem_shared>> -> memref<8x128xf32, #tpu.memory_space<vmem_shared>>
      tpu.enqueue_dma source(%arg10 : memref<8x128xf32, #tpu.memory_space<vmem>>) target(%dma_start3A_843 : memref<8x128xf32, #tpu.memory_space<vmem_shared>>) target_semaphore(%run_scoped3A : memref<!tpu.dma_semaphore, #tpu.memory_space<semaphore_mem>>)
      %dma_wait3A = arith.constant 0 : i32
      %dma_wait3A_844 = tpu.memref_slice %arg11[%add3A_642, %dma_wait3A] : memref<10240x128xf32, #tpu.memory_space<vmem_shared>> -> memref<8x128xf32, #tpu.memory_space<vmem_shared>>
      %dma_wait3A_845 = arith.constant 0 : i32
      %dma_wait3A_846 = tpu.memref_slice %arg11[%add3A_642, %dma_wait3A_845] : memref<10240x128xf32, #tpu.memory_space<vmem_shared>> -> memref<8x128xf32, #tpu.memory_space<vmem_shared>>
      tpu.wait_dma2 semaphore(%run_scoped3A : memref<!tpu.dma_semaphore, #tpu.memory_space<semaphore_mem>>) src(%arg10 : memref<8x128xf32, #tpu.memory_space<vmem>>) dst(%dma_wait3A_846 : memref<8x128xf32, #tpu.memory_space<vmem_shared>>)
      tpu.yield
    }) : () -> ()
    %mul3A_643 = arith.constant 640 : i32
    %mul3A_644 = arith.muli %arg1, %mul3A_643 : i32
    %add3A_645 = arith.constant 264 : i32
    %add3A_646 = arith.addi %mul3A_644, %add3A_645 : i32
    "tpu.region"() ({
      %run_scoped3A = tpu.sem_alloc : memref<!tpu.dma_semaphore, #tpu.memory_space<semaphore_mem>>
      %dma_start3A = arith.constant 0 : i32
      %dma_start3A_841 = tpu.memref_slice %arg11[%add3A_646, %dma_start3A] : memref<10240x128xf32, #tpu.memory_space<vmem_shared>> -> memref<8x128xf32, #tpu.memory_space<vmem_shared>>
      %dma_start3A_842 = arith.constant 0 : i32
      %dma_start3A_843 = tpu.memref_slice %arg11[%add3A_646, %dma_start3A_842] : memref<10240x128xf32, #tpu.memory_space<vmem_shared>> -> memref<8x128xf32, #tpu.memory_space<vmem_shared>>
      tpu.enqueue_dma source(%arg10 : memref<8x128xf32, #tpu.memory_space<vmem>>) target(%dma_start3A_843 : memref<8x128xf32, #tpu.memory_space<vmem_shared>>) target_semaphore(%run_scoped3A : memref<!tpu.dma_semaphore, #tpu.memory_space<semaphore_mem>>)
      %dma_wait3A = arith.constant 0 : i32
      %dma_wait3A_844 = tpu.memref_slice %arg11[%add3A_646, %dma_wait3A] : memref<10240x128xf32, #tpu.memory_space<vmem_shared>> -> memref<8x128xf32, #tpu.memory_space<vmem_shared>>
      %dma_wait3A_845 = arith.constant 0 : i32
      %dma_wait3A_846 = tpu.memref_slice %arg11[%add3A_646, %dma_wait3A_845] : memref<10240x128xf32, #tpu.memory_space<vmem_shared>> -> memref<8x128xf32, #tpu.memory_space<vmem_shared>>
      tpu.wait_dma2 semaphore(%run_scoped3A : memref<!tpu.dma_semaphore, #tpu.memory_space<semaphore_mem>>) src(%arg10 : memref<8x128xf32, #tpu.memory_space<vmem>>) dst(%dma_wait3A_846 : memref<8x128xf32, #tpu.memory_space<vmem_shared>>)
      tpu.yield
    }) : () -> ()
    %mul3A_647 = arith.constant 640 : i32
    %mul3A_648 = arith.muli %arg1, %mul3A_647 : i32
    %add3A_649 = arith.constant 272 : i32
    %add3A_650 = arith.addi %mul3A_648, %add3A_649 : i32
    "tpu.region"() ({
      %run_scoped3A = tpu.sem_alloc : memref<!tpu.dma_semaphore, #tpu.memory_space<semaphore_mem>>
      %dma_start3A = arith.constant 0 : i32
      %dma_start3A_841 = tpu.memref_slice %arg11[%add3A_650, %dma_start3A] : memref<10240x128xf32, #tpu.memory_space<vmem_shared>> -> memref<8x128xf32, #tpu.memory_space<vmem_shared>>
      %dma_start3A_842 = arith.constant 0 : i32
      %dma_start3A_843 = tpu.memref_slice %arg11[%add3A_650, %dma_start3A_842] : memref<10240x128xf32, #tpu.memory_space<vmem_shared>> -> memref<8x128xf32, #tpu.memory_space<vmem_shared>>
      tpu.enqueue_dma source(%arg10 : memref<8x128xf32, #tpu.memory_space<vmem>>) target(%dma_start3A_843 : memref<8x128xf32, #tpu.memory_space<vmem_shared>>) target_semaphore(%run_scoped3A : memref<!tpu.dma_semaphore, #tpu.memory_space<semaphore_mem>>)
      %dma_wait3A = arith.constant 0 : i32
      %dma_wait3A_844 = tpu.memref_slice %arg11[%add3A_650, %dma_wait3A] : memref<10240x128xf32, #tpu.memory_space<vmem_shared>> -> memref<8x128xf32, #tpu.memory_space<vmem_shared>>
      %dma_wait3A_845 = arith.constant 0 : i32
      %dma_wait3A_846 = tpu.memref_slice %arg11[%add3A_650, %dma_wait3A_845] : memref<10240x128xf32, #tpu.memory_space<vmem_shared>> -> memref<8x128xf32, #tpu.memory_space<vmem_shared>>
      tpu.wait_dma2 semaphore(%run_scoped3A : memref<!tpu.dma_semaphore, #tpu.memory_space<semaphore_mem>>) src(%arg10 : memref<8x128xf32, #tpu.memory_space<vmem>>) dst(%dma_wait3A_846 : memref<8x128xf32, #tpu.memory_space<vmem_shared>>)
      tpu.yield
    }) : () -> ()
    %mul3A_651 = arith.constant 640 : i32
    %mul3A_652 = arith.muli %arg1, %mul3A_651 : i32
    %add3A_653 = arith.constant 280 : i32
    %add3A_654 = arith.addi %mul3A_652, %add3A_653 : i32
    "tpu.region"() ({
      %run_scoped3A = tpu.sem_alloc : memref<!tpu.dma_semaphore, #tpu.memory_space<semaphore_mem>>
      %dma_start3A = arith.constant 0 : i32
      %dma_start3A_841 = tpu.memref_slice %arg11[%add3A_654, %dma_start3A] : memref<10240x128xf32, #tpu.memory_space<vmem_shared>> -> memref<8x128xf32, #tpu.memory_space<vmem_shared>>
      %dma_start3A_842 = arith.constant 0 : i32
      %dma_start3A_843 = tpu.memref_slice %arg11[%add3A_654, %dma_start3A_842] : memref<10240x128xf32, #tpu.memory_space<vmem_shared>> -> memref<8x128xf32, #tpu.memory_space<vmem_shared>>
      tpu.enqueue_dma source(%arg10 : memref<8x128xf32, #tpu.memory_space<vmem>>) target(%dma_start3A_843 : memref<8x128xf32, #tpu.memory_space<vmem_shared>>) target_semaphore(%run_scoped3A : memref<!tpu.dma_semaphore, #tpu.memory_space<semaphore_mem>>)
      %dma_wait3A = arith.constant 0 : i32
      %dma_wait3A_844 = tpu.memref_slice %arg11[%add3A_654, %dma_wait3A] : memref<10240x128xf32, #tpu.memory_space<vmem_shared>> -> memref<8x128xf32, #tpu.memory_space<vmem_shared>>
      %dma_wait3A_845 = arith.constant 0 : i32
      %dma_wait3A_846 = tpu.memref_slice %arg11[%add3A_654, %dma_wait3A_845] : memref<10240x128xf32, #tpu.memory_space<vmem_shared>> -> memref<8x128xf32, #tpu.memory_space<vmem_shared>>
      tpu.wait_dma2 semaphore(%run_scoped3A : memref<!tpu.dma_semaphore, #tpu.memory_space<semaphore_mem>>) src(%arg10 : memref<8x128xf32, #tpu.memory_space<vmem>>) dst(%dma_wait3A_846 : memref<8x128xf32, #tpu.memory_space<vmem_shared>>)
      tpu.yield
    }) : () -> ()
    %mul3A_655 = arith.constant 640 : i32
    %mul3A_656 = arith.muli %arg1, %mul3A_655 : i32
    %add3A_657 = arith.constant 288 : i32
    %add3A_658 = arith.addi %mul3A_656, %add3A_657 : i32
    "tpu.region"() ({
      %run_scoped3A = tpu.sem_alloc : memref<!tpu.dma_semaphore, #tpu.memory_space<semaphore_mem>>
      %dma_start3A = arith.constant 0 : i32
      %dma_start3A_841 = tpu.memref_slice %arg11[%add3A_658, %dma_start3A] : memref<10240x128xf32, #tpu.memory_space<vmem_shared>> -> memref<8x128xf32, #tpu.memory_space<vmem_shared>>
      %dma_start3A_842 = arith.constant 0 : i32
      %dma_start3A_843 = tpu.memref_slice %arg11[%add3A_658, %dma_start3A_842] : memref<10240x128xf32, #tpu.memory_space<vmem_shared>> -> memref<8x128xf32, #tpu.memory_space<vmem_shared>>
      tpu.enqueue_dma source(%arg10 : memref<8x128xf32, #tpu.memory_space<vmem>>) target(%dma_start3A_843 : memref<8x128xf32, #tpu.memory_space<vmem_shared>>) target_semaphore(%run_scoped3A : memref<!tpu.dma_semaphore, #tpu.memory_space<semaphore_mem>>)
      %dma_wait3A = arith.constant 0 : i32
      %dma_wait3A_844 = tpu.memref_slice %arg11[%add3A_658, %dma_wait3A] : memref<10240x128xf32, #tpu.memory_space<vmem_shared>> -> memref<8x128xf32, #tpu.memory_space<vmem_shared>>
      %dma_wait3A_845 = arith.constant 0 : i32
      %dma_wait3A_846 = tpu.memref_slice %arg11[%add3A_658, %dma_wait3A_845] : memref<10240x128xf32, #tpu.memory_space<vmem_shared>> -> memref<8x128xf32, #tpu.memory_space<vmem_shared>>
      tpu.wait_dma2 semaphore(%run_scoped3A : memref<!tpu.dma_semaphore, #tpu.memory_space<semaphore_mem>>) src(%arg10 : memref<8x128xf32, #tpu.memory_space<vmem>>) dst(%dma_wait3A_846 : memref<8x128xf32, #tpu.memory_space<vmem_shared>>)
      tpu.yield
    }) : () -> ()
    %mul3A_659 = arith.constant 640 : i32
    %mul3A_660 = arith.muli %arg1, %mul3A_659 : i32
    %add3A_661 = arith.constant 296 : i32
    %add3A_662 = arith.addi %mul3A_660, %add3A_661 : i32
    "tpu.region"() ({
      %run_scoped3A = tpu.sem_alloc : memref<!tpu.dma_semaphore, #tpu.memory_space<semaphore_mem>>
      %dma_start3A = arith.constant 0 : i32
      %dma_start3A_841 = tpu.memref_slice %arg11[%add3A_662, %dma_start3A] : memref<10240x128xf32, #tpu.memory_space<vmem_shared>> -> memref<8x128xf32, #tpu.memory_space<vmem_shared>>
      %dma_start3A_842 = arith.constant 0 : i32
      %dma_start3A_843 = tpu.memref_slice %arg11[%add3A_662, %dma_start3A_842] : memref<10240x128xf32, #tpu.memory_space<vmem_shared>> -> memref<8x128xf32, #tpu.memory_space<vmem_shared>>
      tpu.enqueue_dma source(%arg10 : memref<8x128xf32, #tpu.memory_space<vmem>>) target(%dma_start3A_843 : memref<8x128xf32, #tpu.memory_space<vmem_shared>>) target_semaphore(%run_scoped3A : memref<!tpu.dma_semaphore, #tpu.memory_space<semaphore_mem>>)
      %dma_wait3A = arith.constant 0 : i32
      %dma_wait3A_844 = tpu.memref_slice %arg11[%add3A_662, %dma_wait3A] : memref<10240x128xf32, #tpu.memory_space<vmem_shared>> -> memref<8x128xf32, #tpu.memory_space<vmem_shared>>
      %dma_wait3A_845 = arith.constant 0 : i32
      %dma_wait3A_846 = tpu.memref_slice %arg11[%add3A_662, %dma_wait3A_845] : memref<10240x128xf32, #tpu.memory_space<vmem_shared>> -> memref<8x128xf32, #tpu.memory_space<vmem_shared>>
      tpu.wait_dma2 semaphore(%run_scoped3A : memref<!tpu.dma_semaphore, #tpu.memory_space<semaphore_mem>>) src(%arg10 : memref<8x128xf32, #tpu.memory_space<vmem>>) dst(%dma_wait3A_846 : memref<8x128xf32, #tpu.memory_space<vmem_shared>>)
      tpu.yield
    }) : () -> ()
    %mul3A_663 = arith.constant 640 : i32
    %mul3A_664 = arith.muli %arg1, %mul3A_663 : i32
    %add3A_665 = arith.constant 304 : i32
    %add3A_666 = arith.addi %mul3A_664, %add3A_665 : i32
    "tpu.region"() ({
      %run_scoped3A = tpu.sem_alloc : memref<!tpu.dma_semaphore, #tpu.memory_space<semaphore_mem>>
      %dma_start3A = arith.constant 0 : i32
      %dma_start3A_841 = tpu.memref_slice %arg11[%add3A_666, %dma_start3A] : memref<10240x128xf32, #tpu.memory_space<vmem_shared>> -> memref<8x128xf32, #tpu.memory_space<vmem_shared>>
      %dma_start3A_842 = arith.constant 0 : i32
      %dma_start3A_843 = tpu.memref_slice %arg11[%add3A_666, %dma_start3A_842] : memref<10240x128xf32, #tpu.memory_space<vmem_shared>> -> memref<8x128xf32, #tpu.memory_space<vmem_shared>>
      tpu.enqueue_dma source(%arg10 : memref<8x128xf32, #tpu.memory_space<vmem>>) target(%dma_start3A_843 : memref<8x128xf32, #tpu.memory_space<vmem_shared>>) target_semaphore(%run_scoped3A : memref<!tpu.dma_semaphore, #tpu.memory_space<semaphore_mem>>)
      %dma_wait3A = arith.constant 0 : i32
      %dma_wait3A_844 = tpu.memref_slice %arg11[%add3A_666, %dma_wait3A] : memref<10240x128xf32, #tpu.memory_space<vmem_shared>> -> memref<8x128xf32, #tpu.memory_space<vmem_shared>>
      %dma_wait3A_845 = arith.constant 0 : i32
      %dma_wait3A_846 = tpu.memref_slice %arg11[%add3A_666, %dma_wait3A_845] : memref<10240x128xf32, #tpu.memory_space<vmem_shared>> -> memref<8x128xf32, #tpu.memory_space<vmem_shared>>
      tpu.wait_dma2 semaphore(%run_scoped3A : memref<!tpu.dma_semaphore, #tpu.memory_space<semaphore_mem>>) src(%arg10 : memref<8x128xf32, #tpu.memory_space<vmem>>) dst(%dma_wait3A_846 : memref<8x128xf32, #tpu.memory_space<vmem_shared>>)
      tpu.yield
    }) : () -> ()
    %mul3A_667 = arith.constant 640 : i32
    %mul3A_668 = arith.muli %arg1, %mul3A_667 : i32
    %add3A_669 = arith.constant 312 : i32
    %add3A_670 = arith.addi %mul3A_668, %add3A_669 : i32
    "tpu.region"() ({
      %run_scoped3A = tpu.sem_alloc : memref<!tpu.dma_semaphore, #tpu.memory_space<semaphore_mem>>
      %dma_start3A = arith.constant 0 : i32
      %dma_start3A_841 = tpu.memref_slice %arg11[%add3A_670, %dma_start3A] : memref<10240x128xf32, #tpu.memory_space<vmem_shared>> -> memref<8x128xf32, #tpu.memory_space<vmem_shared>>
      %dma_start3A_842 = arith.constant 0 : i32
      %dma_start3A_843 = tpu.memref_slice %arg11[%add3A_670, %dma_start3A_842] : memref<10240x128xf32, #tpu.memory_space<vmem_shared>> -> memref<8x128xf32, #tpu.memory_space<vmem_shared>>
      tpu.enqueue_dma source(%arg10 : memref<8x128xf32, #tpu.memory_space<vmem>>) target(%dma_start3A_843 : memref<8x128xf32, #tpu.memory_space<vmem_shared>>) target_semaphore(%run_scoped3A : memref<!tpu.dma_semaphore, #tpu.memory_space<semaphore_mem>>)
      %dma_wait3A = arith.constant 0 : i32
      %dma_wait3A_844 = tpu.memref_slice %arg11[%add3A_670, %dma_wait3A] : memref<10240x128xf32, #tpu.memory_space<vmem_shared>> -> memref<8x128xf32, #tpu.memory_space<vmem_shared>>
      %dma_wait3A_845 = arith.constant 0 : i32
      %dma_wait3A_846 = tpu.memref_slice %arg11[%add3A_670, %dma_wait3A_845] : memref<10240x128xf32, #tpu.memory_space<vmem_shared>> -> memref<8x128xf32, #tpu.memory_space<vmem_shared>>
      tpu.wait_dma2 semaphore(%run_scoped3A : memref<!tpu.dma_semaphore, #tpu.memory_space<semaphore_mem>>) src(%arg10 : memref<8x128xf32, #tpu.memory_space<vmem>>) dst(%dma_wait3A_846 : memref<8x128xf32, #tpu.memory_space<vmem_shared>>)
      tpu.yield
    }) : () -> ()
    %mul3A_671 = arith.constant 640 : i32
    %mul3A_672 = arith.muli %arg1, %mul3A_671 : i32
    %add3A_673 = arith.constant 320 : i32
    %add3A_674 = arith.addi %mul3A_672, %add3A_673 : i32
    "tpu.region"() ({
      %run_scoped3A = tpu.sem_alloc : memref<!tpu.dma_semaphore, #tpu.memory_space<semaphore_mem>>
      %dma_start3A = arith.constant 0 : i32
      %dma_start3A_841 = tpu.memref_slice %arg11[%add3A_674, %dma_start3A] : memref<10240x128xf32, #tpu.memory_space<vmem_shared>> -> memref<8x128xf32, #tpu.memory_space<vmem_shared>>
      %dma_start3A_842 = arith.constant 0 : i32
      %dma_start3A_843 = tpu.memref_slice %arg11[%add3A_674, %dma_start3A_842] : memref<10240x128xf32, #tpu.memory_space<vmem_shared>> -> memref<8x128xf32, #tpu.memory_space<vmem_shared>>
      tpu.enqueue_dma source(%arg10 : memref<8x128xf32, #tpu.memory_space<vmem>>) target(%dma_start3A_843 : memref<8x128xf32, #tpu.memory_space<vmem_shared>>) target_semaphore(%run_scoped3A : memref<!tpu.dma_semaphore, #tpu.memory_space<semaphore_mem>>)
      %dma_wait3A = arith.constant 0 : i32
      %dma_wait3A_844 = tpu.memref_slice %arg11[%add3A_674, %dma_wait3A] : memref<10240x128xf32, #tpu.memory_space<vmem_shared>> -> memref<8x128xf32, #tpu.memory_space<vmem_shared>>
      %dma_wait3A_845 = arith.constant 0 : i32
      %dma_wait3A_846 = tpu.memref_slice %arg11[%add3A_674, %dma_wait3A_845] : memref<10240x128xf32, #tpu.memory_space<vmem_shared>> -> memref<8x128xf32, #tpu.memory_space<vmem_shared>>
      tpu.wait_dma2 semaphore(%run_scoped3A : memref<!tpu.dma_semaphore, #tpu.memory_space<semaphore_mem>>) src(%arg10 : memref<8x128xf32, #tpu.memory_space<vmem>>) dst(%dma_wait3A_846 : memref<8x128xf32, #tpu.memory_space<vmem_shared>>)
      tpu.yield
    }) : () -> ()
    %mul3A_675 = arith.constant 640 : i32
    %mul3A_676 = arith.muli %arg1, %mul3A_675 : i32
    %add3A_677 = arith.constant 328 : i32
    %add3A_678 = arith.addi %mul3A_676, %add3A_677 : i32
    "tpu.region"() ({
      %run_scoped3A = tpu.sem_alloc : memref<!tpu.dma_semaphore, #tpu.memory_space<semaphore_mem>>
      %dma_start3A = arith.constant 0 : i32
      %dma_start3A_841 = tpu.memref_slice %arg11[%add3A_678, %dma_start3A] : memref<10240x128xf32, #tpu.memory_space<vmem_shared>> -> memref<8x128xf32, #tpu.memory_space<vmem_shared>>
      %dma_start3A_842 = arith.constant 0 : i32
      %dma_start3A_843 = tpu.memref_slice %arg11[%add3A_678, %dma_start3A_842] : memref<10240x128xf32, #tpu.memory_space<vmem_shared>> -> memref<8x128xf32, #tpu.memory_space<vmem_shared>>
      tpu.enqueue_dma source(%arg10 : memref<8x128xf32, #tpu.memory_space<vmem>>) target(%dma_start3A_843 : memref<8x128xf32, #tpu.memory_space<vmem_shared>>) target_semaphore(%run_scoped3A : memref<!tpu.dma_semaphore, #tpu.memory_space<semaphore_mem>>)
      %dma_wait3A = arith.constant 0 : i32
      %dma_wait3A_844 = tpu.memref_slice %arg11[%add3A_678, %dma_wait3A] : memref<10240x128xf32, #tpu.memory_space<vmem_shared>> -> memref<8x128xf32, #tpu.memory_space<vmem_shared>>
      %dma_wait3A_845 = arith.constant 0 : i32
      %dma_wait3A_846 = tpu.memref_slice %arg11[%add3A_678, %dma_wait3A_845] : memref<10240x128xf32, #tpu.memory_space<vmem_shared>> -> memref<8x128xf32, #tpu.memory_space<vmem_shared>>
      tpu.wait_dma2 semaphore(%run_scoped3A : memref<!tpu.dma_semaphore, #tpu.memory_space<semaphore_mem>>) src(%arg10 : memref<8x128xf32, #tpu.memory_space<vmem>>) dst(%dma_wait3A_846 : memref<8x128xf32, #tpu.memory_space<vmem_shared>>)
      tpu.yield
    }) : () -> ()
    %mul3A_679 = arith.constant 640 : i32
    %mul3A_680 = arith.muli %arg1, %mul3A_679 : i32
    %add3A_681 = arith.constant 336 : i32
    %add3A_682 = arith.addi %mul3A_680, %add3A_681 : i32
    "tpu.region"() ({
      %run_scoped3A = tpu.sem_alloc : memref<!tpu.dma_semaphore, #tpu.memory_space<semaphore_mem>>
      %dma_start3A = arith.constant 0 : i32
      %dma_start3A_841 = tpu.memref_slice %arg11[%add3A_682, %dma_start3A] : memref<10240x128xf32, #tpu.memory_space<vmem_shared>> -> memref<8x128xf32, #tpu.memory_space<vmem_shared>>
      %dma_start3A_842 = arith.constant 0 : i32
      %dma_start3A_843 = tpu.memref_slice %arg11[%add3A_682, %dma_start3A_842] : memref<10240x128xf32, #tpu.memory_space<vmem_shared>> -> memref<8x128xf32, #tpu.memory_space<vmem_shared>>
      tpu.enqueue_dma source(%arg10 : memref<8x128xf32, #tpu.memory_space<vmem>>) target(%dma_start3A_843 : memref<8x128xf32, #tpu.memory_space<vmem_shared>>) target_semaphore(%run_scoped3A : memref<!tpu.dma_semaphore, #tpu.memory_space<semaphore_mem>>)
      %dma_wait3A = arith.constant 0 : i32
      %dma_wait3A_844 = tpu.memref_slice %arg11[%add3A_682, %dma_wait3A] : memref<10240x128xf32, #tpu.memory_space<vmem_shared>> -> memref<8x128xf32, #tpu.memory_space<vmem_shared>>
      %dma_wait3A_845 = arith.constant 0 : i32
      %dma_wait3A_846 = tpu.memref_slice %arg11[%add3A_682, %dma_wait3A_845] : memref<10240x128xf32, #tpu.memory_space<vmem_shared>> -> memref<8x128xf32, #tpu.memory_space<vmem_shared>>
      tpu.wait_dma2 semaphore(%run_scoped3A : memref<!tpu.dma_semaphore, #tpu.memory_space<semaphore_mem>>) src(%arg10 : memref<8x128xf32, #tpu.memory_space<vmem>>) dst(%dma_wait3A_846 : memref<8x128xf32, #tpu.memory_space<vmem_shared>>)
      tpu.yield
    }) : () -> ()
    %mul3A_683 = arith.constant 640 : i32
    %mul3A_684 = arith.muli %arg1, %mul3A_683 : i32
    %add3A_685 = arith.constant 344 : i32
    %add3A_686 = arith.addi %mul3A_684, %add3A_685 : i32
    "tpu.region"() ({
      %run_scoped3A = tpu.sem_alloc : memref<!tpu.dma_semaphore, #tpu.memory_space<semaphore_mem>>
      %dma_start3A = arith.constant 0 : i32
      %dma_start3A_841 = tpu.memref_slice %arg11[%add3A_686, %dma_start3A] : memref<10240x128xf32, #tpu.memory_space<vmem_shared>> -> memref<8x128xf32, #tpu.memory_space<vmem_shared>>
      %dma_start3A_842 = arith.constant 0 : i32
      %dma_start3A_843 = tpu.memref_slice %arg11[%add3A_686, %dma_start3A_842] : memref<10240x128xf32, #tpu.memory_space<vmem_shared>> -> memref<8x128xf32, #tpu.memory_space<vmem_shared>>
      tpu.enqueue_dma source(%arg10 : memref<8x128xf32, #tpu.memory_space<vmem>>) target(%dma_start3A_843 : memref<8x128xf32, #tpu.memory_space<vmem_shared>>) target_semaphore(%run_scoped3A : memref<!tpu.dma_semaphore, #tpu.memory_space<semaphore_mem>>)
      %dma_wait3A = arith.constant 0 : i32
      %dma_wait3A_844 = tpu.memref_slice %arg11[%add3A_686, %dma_wait3A] : memref<10240x128xf32, #tpu.memory_space<vmem_shared>> -> memref<8x128xf32, #tpu.memory_space<vmem_shared>>
      %dma_wait3A_845 = arith.constant 0 : i32
      %dma_wait3A_846 = tpu.memref_slice %arg11[%add3A_686, %dma_wait3A_845] : memref<10240x128xf32, #tpu.memory_space<vmem_shared>> -> memref<8x128xf32, #tpu.memory_space<vmem_shared>>
      tpu.wait_dma2 semaphore(%run_scoped3A : memref<!tpu.dma_semaphore, #tpu.memory_space<semaphore_mem>>) src(%arg10 : memref<8x128xf32, #tpu.memory_space<vmem>>) dst(%dma_wait3A_846 : memref<8x128xf32, #tpu.memory_space<vmem_shared>>)
      tpu.yield
    }) : () -> ()
    %mul3A_687 = arith.constant 640 : i32
    %mul3A_688 = arith.muli %arg1, %mul3A_687 : i32
    %add3A_689 = arith.constant 352 : i32
    %add3A_690 = arith.addi %mul3A_688, %add3A_689 : i32
    "tpu.region"() ({
      %run_scoped3A = tpu.sem_alloc : memref<!tpu.dma_semaphore, #tpu.memory_space<semaphore_mem>>
      %dma_start3A = arith.constant 0 : i32
      %dma_start3A_841 = tpu.memref_slice %arg11[%add3A_690, %dma_start3A] : memref<10240x128xf32, #tpu.memory_space<vmem_shared>> -> memref<8x128xf32, #tpu.memory_space<vmem_shared>>
      %dma_start3A_842 = arith.constant 0 : i32
      %dma_start3A_843 = tpu.memref_slice %arg11[%add3A_690, %dma_start3A_842] : memref<10240x128xf32, #tpu.memory_space<vmem_shared>> -> memref<8x128xf32, #tpu.memory_space<vmem_shared>>
      tpu.enqueue_dma source(%arg10 : memref<8x128xf32, #tpu.memory_space<vmem>>) target(%dma_start3A_843 : memref<8x128xf32, #tpu.memory_space<vmem_shared>>) target_semaphore(%run_scoped3A : memref<!tpu.dma_semaphore, #tpu.memory_space<semaphore_mem>>)
      %dma_wait3A = arith.constant 0 : i32
      %dma_wait3A_844 = tpu.memref_slice %arg11[%add3A_690, %dma_wait3A] : memref<10240x128xf32, #tpu.memory_space<vmem_shared>> -> memref<8x128xf32, #tpu.memory_space<vmem_shared>>
      %dma_wait3A_845 = arith.constant 0 : i32
      %dma_wait3A_846 = tpu.memref_slice %arg11[%add3A_690, %dma_wait3A_845] : memref<10240x128xf32, #tpu.memory_space<vmem_shared>> -> memref<8x128xf32, #tpu.memory_space<vmem_shared>>
      tpu.wait_dma2 semaphore(%run_scoped3A : memref<!tpu.dma_semaphore, #tpu.memory_space<semaphore_mem>>) src(%arg10 : memref<8x128xf32, #tpu.memory_space<vmem>>) dst(%dma_wait3A_846 : memref<8x128xf32, #tpu.memory_space<vmem_shared>>)
      tpu.yield
    }) : () -> ()
    %mul3A_691 = arith.constant 640 : i32
    %mul3A_692 = arith.muli %arg1, %mul3A_691 : i32
    %add3A_693 = arith.constant 360 : i32
    %add3A_694 = arith.addi %mul3A_692, %add3A_693 : i32
    "tpu.region"() ({
      %run_scoped3A = tpu.sem_alloc : memref<!tpu.dma_semaphore, #tpu.memory_space<semaphore_mem>>
      %dma_start3A = arith.constant 0 : i32
      %dma_start3A_841 = tpu.memref_slice %arg11[%add3A_694, %dma_start3A] : memref<10240x128xf32, #tpu.memory_space<vmem_shared>> -> memref<8x128xf32, #tpu.memory_space<vmem_shared>>
      %dma_start3A_842 = arith.constant 0 : i32
      %dma_start3A_843 = tpu.memref_slice %arg11[%add3A_694, %dma_start3A_842] : memref<10240x128xf32, #tpu.memory_space<vmem_shared>> -> memref<8x128xf32, #tpu.memory_space<vmem_shared>>
      tpu.enqueue_dma source(%arg10 : memref<8x128xf32, #tpu.memory_space<vmem>>) target(%dma_start3A_843 : memref<8x128xf32, #tpu.memory_space<vmem_shared>>) target_semaphore(%run_scoped3A : memref<!tpu.dma_semaphore, #tpu.memory_space<semaphore_mem>>)
      %dma_wait3A = arith.constant 0 : i32
      %dma_wait3A_844 = tpu.memref_slice %arg11[%add3A_694, %dma_wait3A] : memref<10240x128xf32, #tpu.memory_space<vmem_shared>> -> memref<8x128xf32, #tpu.memory_space<vmem_shared>>
      %dma_wait3A_845 = arith.constant 0 : i32
      %dma_wait3A_846 = tpu.memref_slice %arg11[%add3A_694, %dma_wait3A_845] : memref<10240x128xf32, #tpu.memory_space<vmem_shared>> -> memref<8x128xf32, #tpu.memory_space<vmem_shared>>
      tpu.wait_dma2 semaphore(%run_scoped3A : memref<!tpu.dma_semaphore, #tpu.memory_space<semaphore_mem>>) src(%arg10 : memref<8x128xf32, #tpu.memory_space<vmem>>) dst(%dma_wait3A_846 : memref<8x128xf32, #tpu.memory_space<vmem_shared>>)
      tpu.yield
    }) : () -> ()
    %mul3A_695 = arith.constant 640 : i32
    %mul3A_696 = arith.muli %arg1, %mul3A_695 : i32
    %add3A_697 = arith.constant 368 : i32
    %add3A_698 = arith.addi %mul3A_696, %add3A_697 : i32
    "tpu.region"() ({
      %run_scoped3A = tpu.sem_alloc : memref<!tpu.dma_semaphore, #tpu.memory_space<semaphore_mem>>
      %dma_start3A = arith.constant 0 : i32
      %dma_start3A_841 = tpu.memref_slice %arg11[%add3A_698, %dma_start3A] : memref<10240x128xf32, #tpu.memory_space<vmem_shared>> -> memref<8x128xf32, #tpu.memory_space<vmem_shared>>
      %dma_start3A_842 = arith.constant 0 : i32
      %dma_start3A_843 = tpu.memref_slice %arg11[%add3A_698, %dma_start3A_842] : memref<10240x128xf32, #tpu.memory_space<vmem_shared>> -> memref<8x128xf32, #tpu.memory_space<vmem_shared>>
      tpu.enqueue_dma source(%arg10 : memref<8x128xf32, #tpu.memory_space<vmem>>) target(%dma_start3A_843 : memref<8x128xf32, #tpu.memory_space<vmem_shared>>) target_semaphore(%run_scoped3A : memref<!tpu.dma_semaphore, #tpu.memory_space<semaphore_mem>>)
      %dma_wait3A = arith.constant 0 : i32
      %dma_wait3A_844 = tpu.memref_slice %arg11[%add3A_698, %dma_wait3A] : memref<10240x128xf32, #tpu.memory_space<vmem_shared>> -> memref<8x128xf32, #tpu.memory_space<vmem_shared>>
      %dma_wait3A_845 = arith.constant 0 : i32
      %dma_wait3A_846 = tpu.memref_slice %arg11[%add3A_698, %dma_wait3A_845] : memref<10240x128xf32, #tpu.memory_space<vmem_shared>> -> memref<8x128xf32, #tpu.memory_space<vmem_shared>>
      tpu.wait_dma2 semaphore(%run_scoped3A : memref<!tpu.dma_semaphore, #tpu.memory_space<semaphore_mem>>) src(%arg10 : memref<8x128xf32, #tpu.memory_space<vmem>>) dst(%dma_wait3A_846 : memref<8x128xf32, #tpu.memory_space<vmem_shared>>)
      tpu.yield
    }) : () -> ()
    %mul3A_699 = arith.constant 640 : i32
    %mul3A_700 = arith.muli %arg1, %mul3A_699 : i32
    %add3A_701 = arith.constant 376 : i32
    %add3A_702 = arith.addi %mul3A_700, %add3A_701 : i32
    "tpu.region"() ({
      %run_scoped3A = tpu.sem_alloc : memref<!tpu.dma_semaphore, #tpu.memory_space<semaphore_mem>>
      %dma_start3A = arith.constant 0 : i32
      %dma_start3A_841 = tpu.memref_slice %arg11[%add3A_702, %dma_start3A] : memref<10240x128xf32, #tpu.memory_space<vmem_shared>> -> memref<8x128xf32, #tpu.memory_space<vmem_shared>>
      %dma_start3A_842 = arith.constant 0 : i32
      %dma_start3A_843 = tpu.memref_slice %arg11[%add3A_702, %dma_start3A_842] : memref<10240x128xf32, #tpu.memory_space<vmem_shared>> -> memref<8x128xf32, #tpu.memory_space<vmem_shared>>
      tpu.enqueue_dma source(%arg10 : memref<8x128xf32, #tpu.memory_space<vmem>>) target(%dma_start3A_843 : memref<8x128xf32, #tpu.memory_space<vmem_shared>>) target_semaphore(%run_scoped3A : memref<!tpu.dma_semaphore, #tpu.memory_space<semaphore_mem>>)
      %dma_wait3A = arith.constant 0 : i32
      %dma_wait3A_844 = tpu.memref_slice %arg11[%add3A_702, %dma_wait3A] : memref<10240x128xf32, #tpu.memory_space<vmem_shared>> -> memref<8x128xf32, #tpu.memory_space<vmem_shared>>
      %dma_wait3A_845 = arith.constant 0 : i32
      %dma_wait3A_846 = tpu.memref_slice %arg11[%add3A_702, %dma_wait3A_845] : memref<10240x128xf32, #tpu.memory_space<vmem_shared>> -> memref<8x128xf32, #tpu.memory_space<vmem_shared>>
      tpu.wait_dma2 semaphore(%run_scoped3A : memref<!tpu.dma_semaphore, #tpu.memory_space<semaphore_mem>>) src(%arg10 : memref<8x128xf32, #tpu.memory_space<vmem>>) dst(%dma_wait3A_846 : memref<8x128xf32, #tpu.memory_space<vmem_shared>>)
      tpu.yield
    }) : () -> ()
    %mul3A_703 = arith.constant 640 : i32
    %mul3A_704 = arith.muli %arg1, %mul3A_703 : i32
    %add3A_705 = arith.constant 384 : i32
    %add3A_706 = arith.addi %mul3A_704, %add3A_705 : i32
    "tpu.region"() ({
      %run_scoped3A = tpu.sem_alloc : memref<!tpu.dma_semaphore, #tpu.memory_space<semaphore_mem>>
      %dma_start3A = arith.constant 0 : i32
      %dma_start3A_841 = tpu.memref_slice %arg11[%add3A_706, %dma_start3A] : memref<10240x128xf32, #tpu.memory_space<vmem_shared>> -> memref<8x128xf32, #tpu.memory_space<vmem_shared>>
      %dma_start3A_842 = arith.constant 0 : i32
      %dma_start3A_843 = tpu.memref_slice %arg11[%add3A_706, %dma_start3A_842] : memref<10240x128xf32, #tpu.memory_space<vmem_shared>> -> memref<8x128xf32, #tpu.memory_space<vmem_shared>>
      tpu.enqueue_dma source(%arg10 : memref<8x128xf32, #tpu.memory_space<vmem>>) target(%dma_start3A_843 : memref<8x128xf32, #tpu.memory_space<vmem_shared>>) target_semaphore(%run_scoped3A : memref<!tpu.dma_semaphore, #tpu.memory_space<semaphore_mem>>)
      %dma_wait3A = arith.constant 0 : i32
      %dma_wait3A_844 = tpu.memref_slice %arg11[%add3A_706, %dma_wait3A] : memref<10240x128xf32, #tpu.memory_space<vmem_shared>> -> memref<8x128xf32, #tpu.memory_space<vmem_shared>>
      %dma_wait3A_845 = arith.constant 0 : i32
      %dma_wait3A_846 = tpu.memref_slice %arg11[%add3A_706, %dma_wait3A_845] : memref<10240x128xf32, #tpu.memory_space<vmem_shared>> -> memref<8x128xf32, #tpu.memory_space<vmem_shared>>
      tpu.wait_dma2 semaphore(%run_scoped3A : memref<!tpu.dma_semaphore, #tpu.memory_space<semaphore_mem>>) src(%arg10 : memref<8x128xf32, #tpu.memory_space<vmem>>) dst(%dma_wait3A_846 : memref<8x128xf32, #tpu.memory_space<vmem_shared>>)
      tpu.yield
    }) : () -> ()
    %mul3A_707 = arith.constant 640 : i32
    %mul3A_708 = arith.muli %arg1, %mul3A_707 : i32
    %add3A_709 = arith.constant 392 : i32
    %add3A_710 = arith.addi %mul3A_708, %add3A_709 : i32
    "tpu.region"() ({
      %run_scoped3A = tpu.sem_alloc : memref<!tpu.dma_semaphore, #tpu.memory_space<semaphore_mem>>
      %dma_start3A = arith.constant 0 : i32
      %dma_start3A_841 = tpu.memref_slice %arg11[%add3A_710, %dma_start3A] : memref<10240x128xf32, #tpu.memory_space<vmem_shared>> -> memref<8x128xf32, #tpu.memory_space<vmem_shared>>
      %dma_start3A_842 = arith.constant 0 : i32
      %dma_start3A_843 = tpu.memref_slice %arg11[%add3A_710, %dma_start3A_842] : memref<10240x128xf32, #tpu.memory_space<vmem_shared>> -> memref<8x128xf32, #tpu.memory_space<vmem_shared>>
      tpu.enqueue_dma source(%arg10 : memref<8x128xf32, #tpu.memory_space<vmem>>) target(%dma_start3A_843 : memref<8x128xf32, #tpu.memory_space<vmem_shared>>) target_semaphore(%run_scoped3A : memref<!tpu.dma_semaphore, #tpu.memory_space<semaphore_mem>>)
      %dma_wait3A = arith.constant 0 : i32
      %dma_wait3A_844 = tpu.memref_slice %arg11[%add3A_710, %dma_wait3A] : memref<10240x128xf32, #tpu.memory_space<vmem_shared>> -> memref<8x128xf32, #tpu.memory_space<vmem_shared>>
      %dma_wait3A_845 = arith.constant 0 : i32
      %dma_wait3A_846 = tpu.memref_slice %arg11[%add3A_710, %dma_wait3A_845] : memref<10240x128xf32, #tpu.memory_space<vmem_shared>> -> memref<8x128xf32, #tpu.memory_space<vmem_shared>>
      tpu.wait_dma2 semaphore(%run_scoped3A : memref<!tpu.dma_semaphore, #tpu.memory_space<semaphore_mem>>) src(%arg10 : memref<8x128xf32, #tpu.memory_space<vmem>>) dst(%dma_wait3A_846 : memref<8x128xf32, #tpu.memory_space<vmem_shared>>)
      tpu.yield
    }) : () -> ()
    %mul3A_711 = arith.constant 640 : i32
    %mul3A_712 = arith.muli %arg1, %mul3A_711 : i32
    %add3A_713 = arith.constant 400 : i32
    %add3A_714 = arith.addi %mul3A_712, %add3A_713 : i32
    "tpu.region"() ({
      %run_scoped3A = tpu.sem_alloc : memref<!tpu.dma_semaphore, #tpu.memory_space<semaphore_mem>>
      %dma_start3A = arith.constant 0 : i32
      %dma_start3A_841 = tpu.memref_slice %arg11[%add3A_714, %dma_start3A] : memref<10240x128xf32, #tpu.memory_space<vmem_shared>> -> memref<8x128xf32, #tpu.memory_space<vmem_shared>>
      %dma_start3A_842 = arith.constant 0 : i32
      %dma_start3A_843 = tpu.memref_slice %arg11[%add3A_714, %dma_start3A_842] : memref<10240x128xf32, #tpu.memory_space<vmem_shared>> -> memref<8x128xf32, #tpu.memory_space<vmem_shared>>
      tpu.enqueue_dma source(%arg10 : memref<8x128xf32, #tpu.memory_space<vmem>>) target(%dma_start3A_843 : memref<8x128xf32, #tpu.memory_space<vmem_shared>>) target_semaphore(%run_scoped3A : memref<!tpu.dma_semaphore, #tpu.memory_space<semaphore_mem>>)
      %dma_wait3A = arith.constant 0 : i32
      %dma_wait3A_844 = tpu.memref_slice %arg11[%add3A_714, %dma_wait3A] : memref<10240x128xf32, #tpu.memory_space<vmem_shared>> -> memref<8x128xf32, #tpu.memory_space<vmem_shared>>
      %dma_wait3A_845 = arith.constant 0 : i32
      %dma_wait3A_846 = tpu.memref_slice %arg11[%add3A_714, %dma_wait3A_845] : memref<10240x128xf32, #tpu.memory_space<vmem_shared>> -> memref<8x128xf32, #tpu.memory_space<vmem_shared>>
      tpu.wait_dma2 semaphore(%run_scoped3A : memref<!tpu.dma_semaphore, #tpu.memory_space<semaphore_mem>>) src(%arg10 : memref<8x128xf32, #tpu.memory_space<vmem>>) dst(%dma_wait3A_846 : memref<8x128xf32, #tpu.memory_space<vmem_shared>>)
      tpu.yield
    }) : () -> ()
    %mul3A_715 = arith.constant 640 : i32
    %mul3A_716 = arith.muli %arg1, %mul3A_715 : i32
    %add3A_717 = arith.constant 408 : i32
    %add3A_718 = arith.addi %mul3A_716, %add3A_717 : i32
    "tpu.region"() ({
      %run_scoped3A = tpu.sem_alloc : memref<!tpu.dma_semaphore, #tpu.memory_space<semaphore_mem>>
      %dma_start3A = arith.constant 0 : i32
      %dma_start3A_841 = tpu.memref_slice %arg11[%add3A_718, %dma_start3A] : memref<10240x128xf32, #tpu.memory_space<vmem_shared>> -> memref<8x128xf32, #tpu.memory_space<vmem_shared>>
      %dma_start3A_842 = arith.constant 0 : i32
      %dma_start3A_843 = tpu.memref_slice %arg11[%add3A_718, %dma_start3A_842] : memref<10240x128xf32, #tpu.memory_space<vmem_shared>> -> memref<8x128xf32, #tpu.memory_space<vmem_shared>>
      tpu.enqueue_dma source(%arg10 : memref<8x128xf32, #tpu.memory_space<vmem>>) target(%dma_start3A_843 : memref<8x128xf32, #tpu.memory_space<vmem_shared>>) target_semaphore(%run_scoped3A : memref<!tpu.dma_semaphore, #tpu.memory_space<semaphore_mem>>)
      %dma_wait3A = arith.constant 0 : i32
      %dma_wait3A_844 = tpu.memref_slice %arg11[%add3A_718, %dma_wait3A] : memref<10240x128xf32, #tpu.memory_space<vmem_shared>> -> memref<8x128xf32, #tpu.memory_space<vmem_shared>>
      %dma_wait3A_845 = arith.constant 0 : i32
      %dma_wait3A_846 = tpu.memref_slice %arg11[%add3A_718, %dma_wait3A_845] : memref<10240x128xf32, #tpu.memory_space<vmem_shared>> -> memref<8x128xf32, #tpu.memory_space<vmem_shared>>
      tpu.wait_dma2 semaphore(%run_scoped3A : memref<!tpu.dma_semaphore, #tpu.memory_space<semaphore_mem>>) src(%arg10 : memref<8x128xf32, #tpu.memory_space<vmem>>) dst(%dma_wait3A_846 : memref<8x128xf32, #tpu.memory_space<vmem_shared>>)
      tpu.yield
    }) : () -> ()
    %mul3A_719 = arith.constant 640 : i32
    %mul3A_720 = arith.muli %arg1, %mul3A_719 : i32
    %add3A_721 = arith.constant 416 : i32
    %add3A_722 = arith.addi %mul3A_720, %add3A_721 : i32
    "tpu.region"() ({
      %run_scoped3A = tpu.sem_alloc : memref<!tpu.dma_semaphore, #tpu.memory_space<semaphore_mem>>
      %dma_start3A = arith.constant 0 : i32
      %dma_start3A_841 = tpu.memref_slice %arg11[%add3A_722, %dma_start3A] : memref<10240x128xf32, #tpu.memory_space<vmem_shared>> -> memref<8x128xf32, #tpu.memory_space<vmem_shared>>
      %dma_start3A_842 = arith.constant 0 : i32
      %dma_start3A_843 = tpu.memref_slice %arg11[%add3A_722, %dma_start3A_842] : memref<10240x128xf32, #tpu.memory_space<vmem_shared>> -> memref<8x128xf32, #tpu.memory_space<vmem_shared>>
      tpu.enqueue_dma source(%arg10 : memref<8x128xf32, #tpu.memory_space<vmem>>) target(%dma_start3A_843 : memref<8x128xf32, #tpu.memory_space<vmem_shared>>) target_semaphore(%run_scoped3A : memref<!tpu.dma_semaphore, #tpu.memory_space<semaphore_mem>>)
      %dma_wait3A = arith.constant 0 : i32
      %dma_wait3A_844 = tpu.memref_slice %arg11[%add3A_722, %dma_wait3A] : memref<10240x128xf32, #tpu.memory_space<vmem_shared>> -> memref<8x128xf32, #tpu.memory_space<vmem_shared>>
      %dma_wait3A_845 = arith.constant 0 : i32
      %dma_wait3A_846 = tpu.memref_slice %arg11[%add3A_722, %dma_wait3A_845] : memref<10240x128xf32, #tpu.memory_space<vmem_shared>> -> memref<8x128xf32, #tpu.memory_space<vmem_shared>>
      tpu.wait_dma2 semaphore(%run_scoped3A : memref<!tpu.dma_semaphore, #tpu.memory_space<semaphore_mem>>) src(%arg10 : memref<8x128xf32, #tpu.memory_space<vmem>>) dst(%dma_wait3A_846 : memref<8x128xf32, #tpu.memory_space<vmem_shared>>)
      tpu.yield
    }) : () -> ()
    %mul3A_723 = arith.constant 640 : i32
    %mul3A_724 = arith.muli %arg1, %mul3A_723 : i32
    %add3A_725 = arith.constant 424 : i32
    %add3A_726 = arith.addi %mul3A_724, %add3A_725 : i32
    "tpu.region"() ({
      %run_scoped3A = tpu.sem_alloc : memref<!tpu.dma_semaphore, #tpu.memory_space<semaphore_mem>>
      %dma_start3A = arith.constant 0 : i32
      %dma_start3A_841 = tpu.memref_slice %arg11[%add3A_726, %dma_start3A] : memref<10240x128xf32, #tpu.memory_space<vmem_shared>> -> memref<8x128xf32, #tpu.memory_space<vmem_shared>>
      %dma_start3A_842 = arith.constant 0 : i32
      %dma_start3A_843 = tpu.memref_slice %arg11[%add3A_726, %dma_start3A_842] : memref<10240x128xf32, #tpu.memory_space<vmem_shared>> -> memref<8x128xf32, #tpu.memory_space<vmem_shared>>
      tpu.enqueue_dma source(%arg10 : memref<8x128xf32, #tpu.memory_space<vmem>>) target(%dma_start3A_843 : memref<8x128xf32, #tpu.memory_space<vmem_shared>>) target_semaphore(%run_scoped3A : memref<!tpu.dma_semaphore, #tpu.memory_space<semaphore_mem>>)
      %dma_wait3A = arith.constant 0 : i32
      %dma_wait3A_844 = tpu.memref_slice %arg11[%add3A_726, %dma_wait3A] : memref<10240x128xf32, #tpu.memory_space<vmem_shared>> -> memref<8x128xf32, #tpu.memory_space<vmem_shared>>
      %dma_wait3A_845 = arith.constant 0 : i32
      %dma_wait3A_846 = tpu.memref_slice %arg11[%add3A_726, %dma_wait3A_845] : memref<10240x128xf32, #tpu.memory_space<vmem_shared>> -> memref<8x128xf32, #tpu.memory_space<vmem_shared>>
      tpu.wait_dma2 semaphore(%run_scoped3A : memref<!tpu.dma_semaphore, #tpu.memory_space<semaphore_mem>>) src(%arg10 : memref<8x128xf32, #tpu.memory_space<vmem>>) dst(%dma_wait3A_846 : memref<8x128xf32, #tpu.memory_space<vmem_shared>>)
      tpu.yield
    }) : () -> ()
    %mul3A_727 = arith.constant 640 : i32
    %mul3A_728 = arith.muli %arg1, %mul3A_727 : i32
    %add3A_729 = arith.constant 432 : i32
    %add3A_730 = arith.addi %mul3A_728, %add3A_729 : i32
    "tpu.region"() ({
      %run_scoped3A = tpu.sem_alloc : memref<!tpu.dma_semaphore, #tpu.memory_space<semaphore_mem>>
      %dma_start3A = arith.constant 0 : i32
      %dma_start3A_841 = tpu.memref_slice %arg11[%add3A_730, %dma_start3A] : memref<10240x128xf32, #tpu.memory_space<vmem_shared>> -> memref<8x128xf32, #tpu.memory_space<vmem_shared>>
      %dma_start3A_842 = arith.constant 0 : i32
      %dma_start3A_843 = tpu.memref_slice %arg11[%add3A_730, %dma_start3A_842] : memref<10240x128xf32, #tpu.memory_space<vmem_shared>> -> memref<8x128xf32, #tpu.memory_space<vmem_shared>>
      tpu.enqueue_dma source(%arg10 : memref<8x128xf32, #tpu.memory_space<vmem>>) target(%dma_start3A_843 : memref<8x128xf32, #tpu.memory_space<vmem_shared>>) target_semaphore(%run_scoped3A : memref<!tpu.dma_semaphore, #tpu.memory_space<semaphore_mem>>)
      %dma_wait3A = arith.constant 0 : i32
      %dma_wait3A_844 = tpu.memref_slice %arg11[%add3A_730, %dma_wait3A] : memref<10240x128xf32, #tpu.memory_space<vmem_shared>> -> memref<8x128xf32, #tpu.memory_space<vmem_shared>>
      %dma_wait3A_845 = arith.constant 0 : i32
      %dma_wait3A_846 = tpu.memref_slice %arg11[%add3A_730, %dma_wait3A_845] : memref<10240x128xf32, #tpu.memory_space<vmem_shared>> -> memref<8x128xf32, #tpu.memory_space<vmem_shared>>
      tpu.wait_dma2 semaphore(%run_scoped3A : memref<!tpu.dma_semaphore, #tpu.memory_space<semaphore_mem>>) src(%arg10 : memref<8x128xf32, #tpu.memory_space<vmem>>) dst(%dma_wait3A_846 : memref<8x128xf32, #tpu.memory_space<vmem_shared>>)
      tpu.yield
    }) : () -> ()
    %mul3A_731 = arith.constant 640 : i32
    %mul3A_732 = arith.muli %arg1, %mul3A_731 : i32
    %add3A_733 = arith.constant 440 : i32
    %add3A_734 = arith.addi %mul3A_732, %add3A_733 : i32
    "tpu.region"() ({
      %run_scoped3A = tpu.sem_alloc : memref<!tpu.dma_semaphore, #tpu.memory_space<semaphore_mem>>
      %dma_start3A = arith.constant 0 : i32
      %dma_start3A_841 = tpu.memref_slice %arg11[%add3A_734, %dma_start3A] : memref<10240x128xf32, #tpu.memory_space<vmem_shared>> -> memref<8x128xf32, #tpu.memory_space<vmem_shared>>
      %dma_start3A_842 = arith.constant 0 : i32
      %dma_start3A_843 = tpu.memref_slice %arg11[%add3A_734, %dma_start3A_842] : memref<10240x128xf32, #tpu.memory_space<vmem_shared>> -> memref<8x128xf32, #tpu.memory_space<vmem_shared>>
      tpu.enqueue_dma source(%arg10 : memref<8x128xf32, #tpu.memory_space<vmem>>) target(%dma_start3A_843 : memref<8x128xf32, #tpu.memory_space<vmem_shared>>) target_semaphore(%run_scoped3A : memref<!tpu.dma_semaphore, #tpu.memory_space<semaphore_mem>>)
      %dma_wait3A = arith.constant 0 : i32
      %dma_wait3A_844 = tpu.memref_slice %arg11[%add3A_734, %dma_wait3A] : memref<10240x128xf32, #tpu.memory_space<vmem_shared>> -> memref<8x128xf32, #tpu.memory_space<vmem_shared>>
      %dma_wait3A_845 = arith.constant 0 : i32
      %dma_wait3A_846 = tpu.memref_slice %arg11[%add3A_734, %dma_wait3A_845] : memref<10240x128xf32, #tpu.memory_space<vmem_shared>> -> memref<8x128xf32, #tpu.memory_space<vmem_shared>>
      tpu.wait_dma2 semaphore(%run_scoped3A : memref<!tpu.dma_semaphore, #tpu.memory_space<semaphore_mem>>) src(%arg10 : memref<8x128xf32, #tpu.memory_space<vmem>>) dst(%dma_wait3A_846 : memref<8x128xf32, #tpu.memory_space<vmem_shared>>)
      tpu.yield
    }) : () -> ()
    %mul3A_735 = arith.constant 640 : i32
    %mul3A_736 = arith.muli %arg1, %mul3A_735 : i32
    %add3A_737 = arith.constant 448 : i32
    %add3A_738 = arith.addi %mul3A_736, %add3A_737 : i32
    "tpu.region"() ({
      %run_scoped3A = tpu.sem_alloc : memref<!tpu.dma_semaphore, #tpu.memory_space<semaphore_mem>>
      %dma_start3A = arith.constant 0 : i32
      %dma_start3A_841 = tpu.memref_slice %arg11[%add3A_738, %dma_start3A] : memref<10240x128xf32, #tpu.memory_space<vmem_shared>> -> memref<8x128xf32, #tpu.memory_space<vmem_shared>>
      %dma_start3A_842 = arith.constant 0 : i32
      %dma_start3A_843 = tpu.memref_slice %arg11[%add3A_738, %dma_start3A_842] : memref<10240x128xf32, #tpu.memory_space<vmem_shared>> -> memref<8x128xf32, #tpu.memory_space<vmem_shared>>
      tpu.enqueue_dma source(%arg10 : memref<8x128xf32, #tpu.memory_space<vmem>>) target(%dma_start3A_843 : memref<8x128xf32, #tpu.memory_space<vmem_shared>>) target_semaphore(%run_scoped3A : memref<!tpu.dma_semaphore, #tpu.memory_space<semaphore_mem>>)
      %dma_wait3A = arith.constant 0 : i32
      %dma_wait3A_844 = tpu.memref_slice %arg11[%add3A_738, %dma_wait3A] : memref<10240x128xf32, #tpu.memory_space<vmem_shared>> -> memref<8x128xf32, #tpu.memory_space<vmem_shared>>
      %dma_wait3A_845 = arith.constant 0 : i32
      %dma_wait3A_846 = tpu.memref_slice %arg11[%add3A_738, %dma_wait3A_845] : memref<10240x128xf32, #tpu.memory_space<vmem_shared>> -> memref<8x128xf32, #tpu.memory_space<vmem_shared>>
      tpu.wait_dma2 semaphore(%run_scoped3A : memref<!tpu.dma_semaphore, #tpu.memory_space<semaphore_mem>>) src(%arg10 : memref<8x128xf32, #tpu.memory_space<vmem>>) dst(%dma_wait3A_846 : memref<8x128xf32, #tpu.memory_space<vmem_shared>>)
      tpu.yield
    }) : () -> ()
    %mul3A_739 = arith.constant 640 : i32
    %mul3A_740 = arith.muli %arg1, %mul3A_739 : i32
    %add3A_741 = arith.constant 456 : i32
    %add3A_742 = arith.addi %mul3A_740, %add3A_741 : i32
    "tpu.region"() ({
      %run_scoped3A = tpu.sem_alloc : memref<!tpu.dma_semaphore, #tpu.memory_space<semaphore_mem>>
      %dma_start3A = arith.constant 0 : i32
      %dma_start3A_841 = tpu.memref_slice %arg11[%add3A_742, %dma_start3A] : memref<10240x128xf32, #tpu.memory_space<vmem_shared>> -> memref<8x128xf32, #tpu.memory_space<vmem_shared>>
      %dma_start3A_842 = arith.constant 0 : i32
      %dma_start3A_843 = tpu.memref_slice %arg11[%add3A_742, %dma_start3A_842] : memref<10240x128xf32, #tpu.memory_space<vmem_shared>> -> memref<8x128xf32, #tpu.memory_space<vmem_shared>>
      tpu.enqueue_dma source(%arg10 : memref<8x128xf32, #tpu.memory_space<vmem>>) target(%dma_start3A_843 : memref<8x128xf32, #tpu.memory_space<vmem_shared>>) target_semaphore(%run_scoped3A : memref<!tpu.dma_semaphore, #tpu.memory_space<semaphore_mem>>)
      %dma_wait3A = arith.constant 0 : i32
      %dma_wait3A_844 = tpu.memref_slice %arg11[%add3A_742, %dma_wait3A] : memref<10240x128xf32, #tpu.memory_space<vmem_shared>> -> memref<8x128xf32, #tpu.memory_space<vmem_shared>>
      %dma_wait3A_845 = arith.constant 0 : i32
      %dma_wait3A_846 = tpu.memref_slice %arg11[%add3A_742, %dma_wait3A_845] : memref<10240x128xf32, #tpu.memory_space<vmem_shared>> -> memref<8x128xf32, #tpu.memory_space<vmem_shared>>
      tpu.wait_dma2 semaphore(%run_scoped3A : memref<!tpu.dma_semaphore, #tpu.memory_space<semaphore_mem>>) src(%arg10 : memref<8x128xf32, #tpu.memory_space<vmem>>) dst(%dma_wait3A_846 : memref<8x128xf32, #tpu.memory_space<vmem_shared>>)
      tpu.yield
    }) : () -> ()
    %mul3A_743 = arith.constant 640 : i32
    %mul3A_744 = arith.muli %arg1, %mul3A_743 : i32
    %add3A_745 = arith.constant 464 : i32
    %add3A_746 = arith.addi %mul3A_744, %add3A_745 : i32
    "tpu.region"() ({
      %run_scoped3A = tpu.sem_alloc : memref<!tpu.dma_semaphore, #tpu.memory_space<semaphore_mem>>
      %dma_start3A = arith.constant 0 : i32
      %dma_start3A_841 = tpu.memref_slice %arg11[%add3A_746, %dma_start3A] : memref<10240x128xf32, #tpu.memory_space<vmem_shared>> -> memref<8x128xf32, #tpu.memory_space<vmem_shared>>
      %dma_start3A_842 = arith.constant 0 : i32
      %dma_start3A_843 = tpu.memref_slice %arg11[%add3A_746, %dma_start3A_842] : memref<10240x128xf32, #tpu.memory_space<vmem_shared>> -> memref<8x128xf32, #tpu.memory_space<vmem_shared>>
      tpu.enqueue_dma source(%arg10 : memref<8x128xf32, #tpu.memory_space<vmem>>) target(%dma_start3A_843 : memref<8x128xf32, #tpu.memory_space<vmem_shared>>) target_semaphore(%run_scoped3A : memref<!tpu.dma_semaphore, #tpu.memory_space<semaphore_mem>>)
      %dma_wait3A = arith.constant 0 : i32
      %dma_wait3A_844 = tpu.memref_slice %arg11[%add3A_746, %dma_wait3A] : memref<10240x128xf32, #tpu.memory_space<vmem_shared>> -> memref<8x128xf32, #tpu.memory_space<vmem_shared>>
      %dma_wait3A_845 = arith.constant 0 : i32
      %dma_wait3A_846 = tpu.memref_slice %arg11[%add3A_746, %dma_wait3A_845] : memref<10240x128xf32, #tpu.memory_space<vmem_shared>> -> memref<8x128xf32, #tpu.memory_space<vmem_shared>>
      tpu.wait_dma2 semaphore(%run_scoped3A : memref<!tpu.dma_semaphore, #tpu.memory_space<semaphore_mem>>) src(%arg10 : memref<8x128xf32, #tpu.memory_space<vmem>>) dst(%dma_wait3A_846 : memref<8x128xf32, #tpu.memory_space<vmem_shared>>)
      tpu.yield
    }) : () -> ()
    %mul3A_747 = arith.constant 640 : i32
    %mul3A_748 = arith.muli %arg1, %mul3A_747 : i32
    %add3A_749 = arith.constant 472 : i32
    %add3A_750 = arith.addi %mul3A_748, %add3A_749 : i32
    "tpu.region"() ({
      %run_scoped3A = tpu.sem_alloc : memref<!tpu.dma_semaphore, #tpu.memory_space<semaphore_mem>>
      %dma_start3A = arith.constant 0 : i32
      %dma_start3A_841 = tpu.memref_slice %arg11[%add3A_750, %dma_start3A] : memref<10240x128xf32, #tpu.memory_space<vmem_shared>> -> memref<8x128xf32, #tpu.memory_space<vmem_shared>>
      %dma_start3A_842 = arith.constant 0 : i32
      %dma_start3A_843 = tpu.memref_slice %arg11[%add3A_750, %dma_start3A_842] : memref<10240x128xf32, #tpu.memory_space<vmem_shared>> -> memref<8x128xf32, #tpu.memory_space<vmem_shared>>
      tpu.enqueue_dma source(%arg10 : memref<8x128xf32, #tpu.memory_space<vmem>>) target(%dma_start3A_843 : memref<8x128xf32, #tpu.memory_space<vmem_shared>>) target_semaphore(%run_scoped3A : memref<!tpu.dma_semaphore, #tpu.memory_space<semaphore_mem>>)
      %dma_wait3A = arith.constant 0 : i32
      %dma_wait3A_844 = tpu.memref_slice %arg11[%add3A_750, %dma_wait3A] : memref<10240x128xf32, #tpu.memory_space<vmem_shared>> -> memref<8x128xf32, #tpu.memory_space<vmem_shared>>
      %dma_wait3A_845 = arith.constant 0 : i32
      %dma_wait3A_846 = tpu.memref_slice %arg11[%add3A_750, %dma_wait3A_845] : memref<10240x128xf32, #tpu.memory_space<vmem_shared>> -> memref<8x128xf32, #tpu.memory_space<vmem_shared>>
      tpu.wait_dma2 semaphore(%run_scoped3A : memref<!tpu.dma_semaphore, #tpu.memory_space<semaphore_mem>>) src(%arg10 : memref<8x128xf32, #tpu.memory_space<vmem>>) dst(%dma_wait3A_846 : memref<8x128xf32, #tpu.memory_space<vmem_shared>>)
      tpu.yield
    }) : () -> ()
    %mul3A_751 = arith.constant 640 : i32
    %mul3A_752 = arith.muli %arg1, %mul3A_751 : i32
    %add3A_753 = arith.constant 480 : i32
    %add3A_754 = arith.addi %mul3A_752, %add3A_753 : i32
    "tpu.region"() ({
      %run_scoped3A = tpu.sem_alloc : memref<!tpu.dma_semaphore, #tpu.memory_space<semaphore_mem>>
      %dma_start3A = arith.constant 0 : i32
      %dma_start3A_841 = tpu.memref_slice %arg11[%add3A_754, %dma_start3A] : memref<10240x128xf32, #tpu.memory_space<vmem_shared>> -> memref<8x128xf32, #tpu.memory_space<vmem_shared>>
      %dma_start3A_842 = arith.constant 0 : i32
      %dma_start3A_843 = tpu.memref_slice %arg11[%add3A_754, %dma_start3A_842] : memref<10240x128xf32, #tpu.memory_space<vmem_shared>> -> memref<8x128xf32, #tpu.memory_space<vmem_shared>>
      tpu.enqueue_dma source(%arg10 : memref<8x128xf32, #tpu.memory_space<vmem>>) target(%dma_start3A_843 : memref<8x128xf32, #tpu.memory_space<vmem_shared>>) target_semaphore(%run_scoped3A : memref<!tpu.dma_semaphore, #tpu.memory_space<semaphore_mem>>)
      %dma_wait3A = arith.constant 0 : i32
      %dma_wait3A_844 = tpu.memref_slice %arg11[%add3A_754, %dma_wait3A] : memref<10240x128xf32, #tpu.memory_space<vmem_shared>> -> memref<8x128xf32, #tpu.memory_space<vmem_shared>>
      %dma_wait3A_845 = arith.constant 0 : i32
      %dma_wait3A_846 = tpu.memref_slice %arg11[%add3A_754, %dma_wait3A_845] : memref<10240x128xf32, #tpu.memory_space<vmem_shared>> -> memref<8x128xf32, #tpu.memory_space<vmem_shared>>
      tpu.wait_dma2 semaphore(%run_scoped3A : memref<!tpu.dma_semaphore, #tpu.memory_space<semaphore_mem>>) src(%arg10 : memref<8x128xf32, #tpu.memory_space<vmem>>) dst(%dma_wait3A_846 : memref<8x128xf32, #tpu.memory_space<vmem_shared>>)
      tpu.yield
    }) : () -> ()
    %mul3A_755 = arith.constant 640 : i32
    %mul3A_756 = arith.muli %arg1, %mul3A_755 : i32
    %add3A_757 = arith.constant 488 : i32
    %add3A_758 = arith.addi %mul3A_756, %add3A_757 : i32
    "tpu.region"() ({
      %run_scoped3A = tpu.sem_alloc : memref<!tpu.dma_semaphore, #tpu.memory_space<semaphore_mem>>
      %dma_start3A = arith.constant 0 : i32
      %dma_start3A_841 = tpu.memref_slice %arg11[%add3A_758, %dma_start3A] : memref<10240x128xf32, #tpu.memory_space<vmem_shared>> -> memref<8x128xf32, #tpu.memory_space<vmem_shared>>
      %dma_start3A_842 = arith.constant 0 : i32
      %dma_start3A_843 = tpu.memref_slice %arg11[%add3A_758, %dma_start3A_842] : memref<10240x128xf32, #tpu.memory_space<vmem_shared>> -> memref<8x128xf32, #tpu.memory_space<vmem_shared>>
      tpu.enqueue_dma source(%arg10 : memref<8x128xf32, #tpu.memory_space<vmem>>) target(%dma_start3A_843 : memref<8x128xf32, #tpu.memory_space<vmem_shared>>) target_semaphore(%run_scoped3A : memref<!tpu.dma_semaphore, #tpu.memory_space<semaphore_mem>>)
      %dma_wait3A = arith.constant 0 : i32
      %dma_wait3A_844 = tpu.memref_slice %arg11[%add3A_758, %dma_wait3A] : memref<10240x128xf32, #tpu.memory_space<vmem_shared>> -> memref<8x128xf32, #tpu.memory_space<vmem_shared>>
      %dma_wait3A_845 = arith.constant 0 : i32
      %dma_wait3A_846 = tpu.memref_slice %arg11[%add3A_758, %dma_wait3A_845] : memref<10240x128xf32, #tpu.memory_space<vmem_shared>> -> memref<8x128xf32, #tpu.memory_space<vmem_shared>>
      tpu.wait_dma2 semaphore(%run_scoped3A : memref<!tpu.dma_semaphore, #tpu.memory_space<semaphore_mem>>) src(%arg10 : memref<8x128xf32, #tpu.memory_space<vmem>>) dst(%dma_wait3A_846 : memref<8x128xf32, #tpu.memory_space<vmem_shared>>)
      tpu.yield
    }) : () -> ()
    %mul3A_759 = arith.constant 640 : i32
    %mul3A_760 = arith.muli %arg1, %mul3A_759 : i32
    %add3A_761 = arith.constant 496 : i32
    %add3A_762 = arith.addi %mul3A_760, %add3A_761 : i32
    "tpu.region"() ({
      %run_scoped3A = tpu.sem_alloc : memref<!tpu.dma_semaphore, #tpu.memory_space<semaphore_mem>>
      %dma_start3A = arith.constant 0 : i32
      %dma_start3A_841 = tpu.memref_slice %arg11[%add3A_762, %dma_start3A] : memref<10240x128xf32, #tpu.memory_space<vmem_shared>> -> memref<8x128xf32, #tpu.memory_space<vmem_shared>>
      %dma_start3A_842 = arith.constant 0 : i32
      %dma_start3A_843 = tpu.memref_slice %arg11[%add3A_762, %dma_start3A_842] : memref<10240x128xf32, #tpu.memory_space<vmem_shared>> -> memref<8x128xf32, #tpu.memory_space<vmem_shared>>
      tpu.enqueue_dma source(%arg10 : memref<8x128xf32, #tpu.memory_space<vmem>>) target(%dma_start3A_843 : memref<8x128xf32, #tpu.memory_space<vmem_shared>>) target_semaphore(%run_scoped3A : memref<!tpu.dma_semaphore, #tpu.memory_space<semaphore_mem>>)
      %dma_wait3A = arith.constant 0 : i32
      %dma_wait3A_844 = tpu.memref_slice %arg11[%add3A_762, %dma_wait3A] : memref<10240x128xf32, #tpu.memory_space<vmem_shared>> -> memref<8x128xf32, #tpu.memory_space<vmem_shared>>
      %dma_wait3A_845 = arith.constant 0 : i32
      %dma_wait3A_846 = tpu.memref_slice %arg11[%add3A_762, %dma_wait3A_845] : memref<10240x128xf32, #tpu.memory_space<vmem_shared>> -> memref<8x128xf32, #tpu.memory_space<vmem_shared>>
      tpu.wait_dma2 semaphore(%run_scoped3A : memref<!tpu.dma_semaphore, #tpu.memory_space<semaphore_mem>>) src(%arg10 : memref<8x128xf32, #tpu.memory_space<vmem>>) dst(%dma_wait3A_846 : memref<8x128xf32, #tpu.memory_space<vmem_shared>>)
      tpu.yield
    }) : () -> ()
    %mul3A_763 = arith.constant 640 : i32
    %mul3A_764 = arith.muli %arg1, %mul3A_763 : i32
    %add3A_765 = arith.constant 504 : i32
    %add3A_766 = arith.addi %mul3A_764, %add3A_765 : i32
    "tpu.region"() ({
      %run_scoped3A = tpu.sem_alloc : memref<!tpu.dma_semaphore, #tpu.memory_space<semaphore_mem>>
      %dma_start3A = arith.constant 0 : i32
      %dma_start3A_841 = tpu.memref_slice %arg11[%add3A_766, %dma_start3A] : memref<10240x128xf32, #tpu.memory_space<vmem_shared>> -> memref<8x128xf32, #tpu.memory_space<vmem_shared>>
      %dma_start3A_842 = arith.constant 0 : i32
      %dma_start3A_843 = tpu.memref_slice %arg11[%add3A_766, %dma_start3A_842] : memref<10240x128xf32, #tpu.memory_space<vmem_shared>> -> memref<8x128xf32, #tpu.memory_space<vmem_shared>>
      tpu.enqueue_dma source(%arg10 : memref<8x128xf32, #tpu.memory_space<vmem>>) target(%dma_start3A_843 : memref<8x128xf32, #tpu.memory_space<vmem_shared>>) target_semaphore(%run_scoped3A : memref<!tpu.dma_semaphore, #tpu.memory_space<semaphore_mem>>)
      %dma_wait3A = arith.constant 0 : i32
      %dma_wait3A_844 = tpu.memref_slice %arg11[%add3A_766, %dma_wait3A] : memref<10240x128xf32, #tpu.memory_space<vmem_shared>> -> memref<8x128xf32, #tpu.memory_space<vmem_shared>>
      %dma_wait3A_845 = arith.constant 0 : i32
      %dma_wait3A_846 = tpu.memref_slice %arg11[%add3A_766, %dma_wait3A_845] : memref<10240x128xf32, #tpu.memory_space<vmem_shared>> -> memref<8x128xf32, #tpu.memory_space<vmem_shared>>
      tpu.wait_dma2 semaphore(%run_scoped3A : memref<!tpu.dma_semaphore, #tpu.memory_space<semaphore_mem>>) src(%arg10 : memref<8x128xf32, #tpu.memory_space<vmem>>) dst(%dma_wait3A_846 : memref<8x128xf32, #tpu.memory_space<vmem_shared>>)
      tpu.yield
    }) : () -> ()
    %mul3A_767 = arith.constant 640 : i32
    %mul3A_768 = arith.muli %arg1, %mul3A_767 : i32
    %add3A_769 = arith.constant 512 : i32
    %add3A_770 = arith.addi %mul3A_768, %add3A_769 : i32
    "tpu.region"() ({
      %run_scoped3A = tpu.sem_alloc : memref<!tpu.dma_semaphore, #tpu.memory_space<semaphore_mem>>
      %dma_start3A = arith.constant 0 : i32
      %dma_start3A_841 = tpu.memref_slice %arg11[%add3A_770, %dma_start3A] : memref<10240x128xf32, #tpu.memory_space<vmem_shared>> -> memref<8x128xf32, #tpu.memory_space<vmem_shared>>
      %dma_start3A_842 = arith.constant 0 : i32
      %dma_start3A_843 = tpu.memref_slice %arg11[%add3A_770, %dma_start3A_842] : memref<10240x128xf32, #tpu.memory_space<vmem_shared>> -> memref<8x128xf32, #tpu.memory_space<vmem_shared>>
      tpu.enqueue_dma source(%arg10 : memref<8x128xf32, #tpu.memory_space<vmem>>) target(%dma_start3A_843 : memref<8x128xf32, #tpu.memory_space<vmem_shared>>) target_semaphore(%run_scoped3A : memref<!tpu.dma_semaphore, #tpu.memory_space<semaphore_mem>>)
      %dma_wait3A = arith.constant 0 : i32
      %dma_wait3A_844 = tpu.memref_slice %arg11[%add3A_770, %dma_wait3A] : memref<10240x128xf32, #tpu.memory_space<vmem_shared>> -> memref<8x128xf32, #tpu.memory_space<vmem_shared>>
      %dma_wait3A_845 = arith.constant 0 : i32
      %dma_wait3A_846 = tpu.memref_slice %arg11[%add3A_770, %dma_wait3A_845] : memref<10240x128xf32, #tpu.memory_space<vmem_shared>> -> memref<8x128xf32, #tpu.memory_space<vmem_shared>>
      tpu.wait_dma2 semaphore(%run_scoped3A : memref<!tpu.dma_semaphore, #tpu.memory_space<semaphore_mem>>) src(%arg10 : memref<8x128xf32, #tpu.memory_space<vmem>>) dst(%dma_wait3A_846 : memref<8x128xf32, #tpu.memory_space<vmem_shared>>)
      tpu.yield
    }) : () -> ()
    %mul3A_771 = arith.constant 640 : i32
    %mul3A_772 = arith.muli %arg1, %mul3A_771 : i32
    %add3A_773 = arith.constant 520 : i32
    %add3A_774 = arith.addi %mul3A_772, %add3A_773 : i32
    "tpu.region"() ({
      %run_scoped3A = tpu.sem_alloc : memref<!tpu.dma_semaphore, #tpu.memory_space<semaphore_mem>>
      %dma_start3A = arith.constant 0 : i32
      %dma_start3A_841 = tpu.memref_slice %arg11[%add3A_774, %dma_start3A] : memref<10240x128xf32, #tpu.memory_space<vmem_shared>> -> memref<8x128xf32, #tpu.memory_space<vmem_shared>>
      %dma_start3A_842 = arith.constant 0 : i32
      %dma_start3A_843 = tpu.memref_slice %arg11[%add3A_774, %dma_start3A_842] : memref<10240x128xf32, #tpu.memory_space<vmem_shared>> -> memref<8x128xf32, #tpu.memory_space<vmem_shared>>
      tpu.enqueue_dma source(%arg10 : memref<8x128xf32, #tpu.memory_space<vmem>>) target(%dma_start3A_843 : memref<8x128xf32, #tpu.memory_space<vmem_shared>>) target_semaphore(%run_scoped3A : memref<!tpu.dma_semaphore, #tpu.memory_space<semaphore_mem>>)
      %dma_wait3A = arith.constant 0 : i32
      %dma_wait3A_844 = tpu.memref_slice %arg11[%add3A_774, %dma_wait3A] : memref<10240x128xf32, #tpu.memory_space<vmem_shared>> -> memref<8x128xf32, #tpu.memory_space<vmem_shared>>
      %dma_wait3A_845 = arith.constant 0 : i32
      %dma_wait3A_846 = tpu.memref_slice %arg11[%add3A_774, %dma_wait3A_845] : memref<10240x128xf32, #tpu.memory_space<vmem_shared>> -> memref<8x128xf32, #tpu.memory_space<vmem_shared>>
      tpu.wait_dma2 semaphore(%run_scoped3A : memref<!tpu.dma_semaphore, #tpu.memory_space<semaphore_mem>>) src(%arg10 : memref<8x128xf32, #tpu.memory_space<vmem>>) dst(%dma_wait3A_846 : memref<8x128xf32, #tpu.memory_space<vmem_shared>>)
      tpu.yield
    }) : () -> ()
    %mul3A_775 = arith.constant 640 : i32
    %mul3A_776 = arith.muli %arg1, %mul3A_775 : i32
    %add3A_777 = arith.constant 528 : i32
    %add3A_778 = arith.addi %mul3A_776, %add3A_777 : i32
    "tpu.region"() ({
      %run_scoped3A = tpu.sem_alloc : memref<!tpu.dma_semaphore, #tpu.memory_space<semaphore_mem>>
      %dma_start3A = arith.constant 0 : i32
      %dma_start3A_841 = tpu.memref_slice %arg11[%add3A_778, %dma_start3A] : memref<10240x128xf32, #tpu.memory_space<vmem_shared>> -> memref<8x128xf32, #tpu.memory_space<vmem_shared>>
      %dma_start3A_842 = arith.constant 0 : i32
      %dma_start3A_843 = tpu.memref_slice %arg11[%add3A_778, %dma_start3A_842] : memref<10240x128xf32, #tpu.memory_space<vmem_shared>> -> memref<8x128xf32, #tpu.memory_space<vmem_shared>>
      tpu.enqueue_dma source(%arg10 : memref<8x128xf32, #tpu.memory_space<vmem>>) target(%dma_start3A_843 : memref<8x128xf32, #tpu.memory_space<vmem_shared>>) target_semaphore(%run_scoped3A : memref<!tpu.dma_semaphore, #tpu.memory_space<semaphore_mem>>)
      %dma_wait3A = arith.constant 0 : i32
      %dma_wait3A_844 = tpu.memref_slice %arg11[%add3A_778, %dma_wait3A] : memref<10240x128xf32, #tpu.memory_space<vmem_shared>> -> memref<8x128xf32, #tpu.memory_space<vmem_shared>>
      %dma_wait3A_845 = arith.constant 0 : i32
      %dma_wait3A_846 = tpu.memref_slice %arg11[%add3A_778, %dma_wait3A_845] : memref<10240x128xf32, #tpu.memory_space<vmem_shared>> -> memref<8x128xf32, #tpu.memory_space<vmem_shared>>
      tpu.wait_dma2 semaphore(%run_scoped3A : memref<!tpu.dma_semaphore, #tpu.memory_space<semaphore_mem>>) src(%arg10 : memref<8x128xf32, #tpu.memory_space<vmem>>) dst(%dma_wait3A_846 : memref<8x128xf32, #tpu.memory_space<vmem_shared>>)
      tpu.yield
    }) : () -> ()
    %mul3A_779 = arith.constant 640 : i32
    %mul3A_780 = arith.muli %arg1, %mul3A_779 : i32
    %add3A_781 = arith.constant 536 : i32
    %add3A_782 = arith.addi %mul3A_780, %add3A_781 : i32
    "tpu.region"() ({
      %run_scoped3A = tpu.sem_alloc : memref<!tpu.dma_semaphore, #tpu.memory_space<semaphore_mem>>
      %dma_start3A = arith.constant 0 : i32
      %dma_start3A_841 = tpu.memref_slice %arg11[%add3A_782, %dma_start3A] : memref<10240x128xf32, #tpu.memory_space<vmem_shared>> -> memref<8x128xf32, #tpu.memory_space<vmem_shared>>
      %dma_start3A_842 = arith.constant 0 : i32
      %dma_start3A_843 = tpu.memref_slice %arg11[%add3A_782, %dma_start3A_842] : memref<10240x128xf32, #tpu.memory_space<vmem_shared>> -> memref<8x128xf32, #tpu.memory_space<vmem_shared>>
      tpu.enqueue_dma source(%arg10 : memref<8x128xf32, #tpu.memory_space<vmem>>) target(%dma_start3A_843 : memref<8x128xf32, #tpu.memory_space<vmem_shared>>) target_semaphore(%run_scoped3A : memref<!tpu.dma_semaphore, #tpu.memory_space<semaphore_mem>>)
      %dma_wait3A = arith.constant 0 : i32
      %dma_wait3A_844 = tpu.memref_slice %arg11[%add3A_782, %dma_wait3A] : memref<10240x128xf32, #tpu.memory_space<vmem_shared>> -> memref<8x128xf32, #tpu.memory_space<vmem_shared>>
      %dma_wait3A_845 = arith.constant 0 : i32
      %dma_wait3A_846 = tpu.memref_slice %arg11[%add3A_782, %dma_wait3A_845] : memref<10240x128xf32, #tpu.memory_space<vmem_shared>> -> memref<8x128xf32, #tpu.memory_space<vmem_shared>>
      tpu.wait_dma2 semaphore(%run_scoped3A : memref<!tpu.dma_semaphore, #tpu.memory_space<semaphore_mem>>) src(%arg10 : memref<8x128xf32, #tpu.memory_space<vmem>>) dst(%dma_wait3A_846 : memref<8x128xf32, #tpu.memory_space<vmem_shared>>)
      tpu.yield
    }) : () -> ()
    %mul3A_783 = arith.constant 640 : i32
    %mul3A_784 = arith.muli %arg1, %mul3A_783 : i32
    %add3A_785 = arith.constant 544 : i32
    %add3A_786 = arith.addi %mul3A_784, %add3A_785 : i32
    "tpu.region"() ({
      %run_scoped3A = tpu.sem_alloc : memref<!tpu.dma_semaphore, #tpu.memory_space<semaphore_mem>>
      %dma_start3A = arith.constant 0 : i32
      %dma_start3A_841 = tpu.memref_slice %arg11[%add3A_786, %dma_start3A] : memref<10240x128xf32, #tpu.memory_space<vmem_shared>> -> memref<8x128xf32, #tpu.memory_space<vmem_shared>>
      %dma_start3A_842 = arith.constant 0 : i32
      %dma_start3A_843 = tpu.memref_slice %arg11[%add3A_786, %dma_start3A_842] : memref<10240x128xf32, #tpu.memory_space<vmem_shared>> -> memref<8x128xf32, #tpu.memory_space<vmem_shared>>
      tpu.enqueue_dma source(%arg10 : memref<8x128xf32, #tpu.memory_space<vmem>>) target(%dma_start3A_843 : memref<8x128xf32, #tpu.memory_space<vmem_shared>>) target_semaphore(%run_scoped3A : memref<!tpu.dma_semaphore, #tpu.memory_space<semaphore_mem>>)
      %dma_wait3A = arith.constant 0 : i32
      %dma_wait3A_844 = tpu.memref_slice %arg11[%add3A_786, %dma_wait3A] : memref<10240x128xf32, #tpu.memory_space<vmem_shared>> -> memref<8x128xf32, #tpu.memory_space<vmem_shared>>
      %dma_wait3A_845 = arith.constant 0 : i32
      %dma_wait3A_846 = tpu.memref_slice %arg11[%add3A_786, %dma_wait3A_845] : memref<10240x128xf32, #tpu.memory_space<vmem_shared>> -> memref<8x128xf32, #tpu.memory_space<vmem_shared>>
      tpu.wait_dma2 semaphore(%run_scoped3A : memref<!tpu.dma_semaphore, #tpu.memory_space<semaphore_mem>>) src(%arg10 : memref<8x128xf32, #tpu.memory_space<vmem>>) dst(%dma_wait3A_846 : memref<8x128xf32, #tpu.memory_space<vmem_shared>>)
      tpu.yield
    }) : () -> ()
    %mul3A_787 = arith.constant 640 : i32
    %mul3A_788 = arith.muli %arg1, %mul3A_787 : i32
    %add3A_789 = arith.constant 552 : i32
    %add3A_790 = arith.addi %mul3A_788, %add3A_789 : i32
    "tpu.region"() ({
      %run_scoped3A = tpu.sem_alloc : memref<!tpu.dma_semaphore, #tpu.memory_space<semaphore_mem>>
      %dma_start3A = arith.constant 0 : i32
      %dma_start3A_841 = tpu.memref_slice %arg11[%add3A_790, %dma_start3A] : memref<10240x128xf32, #tpu.memory_space<vmem_shared>> -> memref<8x128xf32, #tpu.memory_space<vmem_shared>>
      %dma_start3A_842 = arith.constant 0 : i32
      %dma_start3A_843 = tpu.memref_slice %arg11[%add3A_790, %dma_start3A_842] : memref<10240x128xf32, #tpu.memory_space<vmem_shared>> -> memref<8x128xf32, #tpu.memory_space<vmem_shared>>
      tpu.enqueue_dma source(%arg10 : memref<8x128xf32, #tpu.memory_space<vmem>>) target(%dma_start3A_843 : memref<8x128xf32, #tpu.memory_space<vmem_shared>>) target_semaphore(%run_scoped3A : memref<!tpu.dma_semaphore, #tpu.memory_space<semaphore_mem>>)
      %dma_wait3A = arith.constant 0 : i32
      %dma_wait3A_844 = tpu.memref_slice %arg11[%add3A_790, %dma_wait3A] : memref<10240x128xf32, #tpu.memory_space<vmem_shared>> -> memref<8x128xf32, #tpu.memory_space<vmem_shared>>
      %dma_wait3A_845 = arith.constant 0 : i32
      %dma_wait3A_846 = tpu.memref_slice %arg11[%add3A_790, %dma_wait3A_845] : memref<10240x128xf32, #tpu.memory_space<vmem_shared>> -> memref<8x128xf32, #tpu.memory_space<vmem_shared>>
      tpu.wait_dma2 semaphore(%run_scoped3A : memref<!tpu.dma_semaphore, #tpu.memory_space<semaphore_mem>>) src(%arg10 : memref<8x128xf32, #tpu.memory_space<vmem>>) dst(%dma_wait3A_846 : memref<8x128xf32, #tpu.memory_space<vmem_shared>>)
      tpu.yield
    }) : () -> ()
    %mul3A_791 = arith.constant 640 : i32
    %mul3A_792 = arith.muli %arg1, %mul3A_791 : i32
    %add3A_793 = arith.constant 560 : i32
    %add3A_794 = arith.addi %mul3A_792, %add3A_793 : i32
    "tpu.region"() ({
      %run_scoped3A = tpu.sem_alloc : memref<!tpu.dma_semaphore, #tpu.memory_space<semaphore_mem>>
      %dma_start3A = arith.constant 0 : i32
      %dma_start3A_841 = tpu.memref_slice %arg11[%add3A_794, %dma_start3A] : memref<10240x128xf32, #tpu.memory_space<vmem_shared>> -> memref<8x128xf32, #tpu.memory_space<vmem_shared>>
      %dma_start3A_842 = arith.constant 0 : i32
      %dma_start3A_843 = tpu.memref_slice %arg11[%add3A_794, %dma_start3A_842] : memref<10240x128xf32, #tpu.memory_space<vmem_shared>> -> memref<8x128xf32, #tpu.memory_space<vmem_shared>>
      tpu.enqueue_dma source(%arg10 : memref<8x128xf32, #tpu.memory_space<vmem>>) target(%dma_start3A_843 : memref<8x128xf32, #tpu.memory_space<vmem_shared>>) target_semaphore(%run_scoped3A : memref<!tpu.dma_semaphore, #tpu.memory_space<semaphore_mem>>)
      %dma_wait3A = arith.constant 0 : i32
      %dma_wait3A_844 = tpu.memref_slice %arg11[%add3A_794, %dma_wait3A] : memref<10240x128xf32, #tpu.memory_space<vmem_shared>> -> memref<8x128xf32, #tpu.memory_space<vmem_shared>>
      %dma_wait3A_845 = arith.constant 0 : i32
      %dma_wait3A_846 = tpu.memref_slice %arg11[%add3A_794, %dma_wait3A_845] : memref<10240x128xf32, #tpu.memory_space<vmem_shared>> -> memref<8x128xf32, #tpu.memory_space<vmem_shared>>
      tpu.wait_dma2 semaphore(%run_scoped3A : memref<!tpu.dma_semaphore, #tpu.memory_space<semaphore_mem>>) src(%arg10 : memref<8x128xf32, #tpu.memory_space<vmem>>) dst(%dma_wait3A_846 : memref<8x128xf32, #tpu.memory_space<vmem_shared>>)
      tpu.yield
    }) : () -> ()
    %mul3A_795 = arith.constant 640 : i32
    %mul3A_796 = arith.muli %arg1, %mul3A_795 : i32
    %add3A_797 = arith.constant 568 : i32
    %add3A_798 = arith.addi %mul3A_796, %add3A_797 : i32
    "tpu.region"() ({
      %run_scoped3A = tpu.sem_alloc : memref<!tpu.dma_semaphore, #tpu.memory_space<semaphore_mem>>
      %dma_start3A = arith.constant 0 : i32
      %dma_start3A_841 = tpu.memref_slice %arg11[%add3A_798, %dma_start3A] : memref<10240x128xf32, #tpu.memory_space<vmem_shared>> -> memref<8x128xf32, #tpu.memory_space<vmem_shared>>
      %dma_start3A_842 = arith.constant 0 : i32
      %dma_start3A_843 = tpu.memref_slice %arg11[%add3A_798, %dma_start3A_842] : memref<10240x128xf32, #tpu.memory_space<vmem_shared>> -> memref<8x128xf32, #tpu.memory_space<vmem_shared>>
      tpu.enqueue_dma source(%arg10 : memref<8x128xf32, #tpu.memory_space<vmem>>) target(%dma_start3A_843 : memref<8x128xf32, #tpu.memory_space<vmem_shared>>) target_semaphore(%run_scoped3A : memref<!tpu.dma_semaphore, #tpu.memory_space<semaphore_mem>>)
      %dma_wait3A = arith.constant 0 : i32
      %dma_wait3A_844 = tpu.memref_slice %arg11[%add3A_798, %dma_wait3A] : memref<10240x128xf32, #tpu.memory_space<vmem_shared>> -> memref<8x128xf32, #tpu.memory_space<vmem_shared>>
      %dma_wait3A_845 = arith.constant 0 : i32
      %dma_wait3A_846 = tpu.memref_slice %arg11[%add3A_798, %dma_wait3A_845] : memref<10240x128xf32, #tpu.memory_space<vmem_shared>> -> memref<8x128xf32, #tpu.memory_space<vmem_shared>>
      tpu.wait_dma2 semaphore(%run_scoped3A : memref<!tpu.dma_semaphore, #tpu.memory_space<semaphore_mem>>) src(%arg10 : memref<8x128xf32, #tpu.memory_space<vmem>>) dst(%dma_wait3A_846 : memref<8x128xf32, #tpu.memory_space<vmem_shared>>)
      tpu.yield
    }) : () -> ()
    %mul3A_799 = arith.constant 640 : i32
    %mul3A_800 = arith.muli %arg1, %mul3A_799 : i32
    %add3A_801 = arith.constant 576 : i32
    %add3A_802 = arith.addi %mul3A_800, %add3A_801 : i32
    "tpu.region"() ({
      %run_scoped3A = tpu.sem_alloc : memref<!tpu.dma_semaphore, #tpu.memory_space<semaphore_mem>>
      %dma_start3A = arith.constant 0 : i32
      %dma_start3A_841 = tpu.memref_slice %arg11[%add3A_802, %dma_start3A] : memref<10240x128xf32, #tpu.memory_space<vmem_shared>> -> memref<8x128xf32, #tpu.memory_space<vmem_shared>>
      %dma_start3A_842 = arith.constant 0 : i32
      %dma_start3A_843 = tpu.memref_slice %arg11[%add3A_802, %dma_start3A_842] : memref<10240x128xf32, #tpu.memory_space<vmem_shared>> -> memref<8x128xf32, #tpu.memory_space<vmem_shared>>
      tpu.enqueue_dma source(%arg10 : memref<8x128xf32, #tpu.memory_space<vmem>>) target(%dma_start3A_843 : memref<8x128xf32, #tpu.memory_space<vmem_shared>>) target_semaphore(%run_scoped3A : memref<!tpu.dma_semaphore, #tpu.memory_space<semaphore_mem>>)
      %dma_wait3A = arith.constant 0 : i32
      %dma_wait3A_844 = tpu.memref_slice %arg11[%add3A_802, %dma_wait3A] : memref<10240x128xf32, #tpu.memory_space<vmem_shared>> -> memref<8x128xf32, #tpu.memory_space<vmem_shared>>
      %dma_wait3A_845 = arith.constant 0 : i32
      %dma_wait3A_846 = tpu.memref_slice %arg11[%add3A_802, %dma_wait3A_845] : memref<10240x128xf32, #tpu.memory_space<vmem_shared>> -> memref<8x128xf32, #tpu.memory_space<vmem_shared>>
      tpu.wait_dma2 semaphore(%run_scoped3A : memref<!tpu.dma_semaphore, #tpu.memory_space<semaphore_mem>>) src(%arg10 : memref<8x128xf32, #tpu.memory_space<vmem>>) dst(%dma_wait3A_846 : memref<8x128xf32, #tpu.memory_space<vmem_shared>>)
      tpu.yield
    }) : () -> ()
    %mul3A_803 = arith.constant 640 : i32
    %mul3A_804 = arith.muli %arg1, %mul3A_803 : i32
    %add3A_805 = arith.constant 584 : i32
    %add3A_806 = arith.addi %mul3A_804, %add3A_805 : i32
    "tpu.region"() ({
      %run_scoped3A = tpu.sem_alloc : memref<!tpu.dma_semaphore, #tpu.memory_space<semaphore_mem>>
      %dma_start3A = arith.constant 0 : i32
      %dma_start3A_841 = tpu.memref_slice %arg11[%add3A_806, %dma_start3A] : memref<10240x128xf32, #tpu.memory_space<vmem_shared>> -> memref<8x128xf32, #tpu.memory_space<vmem_shared>>
      %dma_start3A_842 = arith.constant 0 : i32
      %dma_start3A_843 = tpu.memref_slice %arg11[%add3A_806, %dma_start3A_842] : memref<10240x128xf32, #tpu.memory_space<vmem_shared>> -> memref<8x128xf32, #tpu.memory_space<vmem_shared>>
      tpu.enqueue_dma source(%arg10 : memref<8x128xf32, #tpu.memory_space<vmem>>) target(%dma_start3A_843 : memref<8x128xf32, #tpu.memory_space<vmem_shared>>) target_semaphore(%run_scoped3A : memref<!tpu.dma_semaphore, #tpu.memory_space<semaphore_mem>>)
      %dma_wait3A = arith.constant 0 : i32
      %dma_wait3A_844 = tpu.memref_slice %arg11[%add3A_806, %dma_wait3A] : memref<10240x128xf32, #tpu.memory_space<vmem_shared>> -> memref<8x128xf32, #tpu.memory_space<vmem_shared>>
      %dma_wait3A_845 = arith.constant 0 : i32
      %dma_wait3A_846 = tpu.memref_slice %arg11[%add3A_806, %dma_wait3A_845] : memref<10240x128xf32, #tpu.memory_space<vmem_shared>> -> memref<8x128xf32, #tpu.memory_space<vmem_shared>>
      tpu.wait_dma2 semaphore(%run_scoped3A : memref<!tpu.dma_semaphore, #tpu.memory_space<semaphore_mem>>) src(%arg10 : memref<8x128xf32, #tpu.memory_space<vmem>>) dst(%dma_wait3A_846 : memref<8x128xf32, #tpu.memory_space<vmem_shared>>)
      tpu.yield
    }) : () -> ()
    %mul3A_807 = arith.constant 640 : i32
    %mul3A_808 = arith.muli %arg1, %mul3A_807 : i32
    %add3A_809 = arith.constant 592 : i32
    %add3A_810 = arith.addi %mul3A_808, %add3A_809 : i32
    "tpu.region"() ({
      %run_scoped3A = tpu.sem_alloc : memref<!tpu.dma_semaphore, #tpu.memory_space<semaphore_mem>>
      %dma_start3A = arith.constant 0 : i32
      %dma_start3A_841 = tpu.memref_slice %arg11[%add3A_810, %dma_start3A] : memref<10240x128xf32, #tpu.memory_space<vmem_shared>> -> memref<8x128xf32, #tpu.memory_space<vmem_shared>>
      %dma_start3A_842 = arith.constant 0 : i32
      %dma_start3A_843 = tpu.memref_slice %arg11[%add3A_810, %dma_start3A_842] : memref<10240x128xf32, #tpu.memory_space<vmem_shared>> -> memref<8x128xf32, #tpu.memory_space<vmem_shared>>
      tpu.enqueue_dma source(%arg10 : memref<8x128xf32, #tpu.memory_space<vmem>>) target(%dma_start3A_843 : memref<8x128xf32, #tpu.memory_space<vmem_shared>>) target_semaphore(%run_scoped3A : memref<!tpu.dma_semaphore, #tpu.memory_space<semaphore_mem>>)
      %dma_wait3A = arith.constant 0 : i32
      %dma_wait3A_844 = tpu.memref_slice %arg11[%add3A_810, %dma_wait3A] : memref<10240x128xf32, #tpu.memory_space<vmem_shared>> -> memref<8x128xf32, #tpu.memory_space<vmem_shared>>
      %dma_wait3A_845 = arith.constant 0 : i32
      %dma_wait3A_846 = tpu.memref_slice %arg11[%add3A_810, %dma_wait3A_845] : memref<10240x128xf32, #tpu.memory_space<vmem_shared>> -> memref<8x128xf32, #tpu.memory_space<vmem_shared>>
      tpu.wait_dma2 semaphore(%run_scoped3A : memref<!tpu.dma_semaphore, #tpu.memory_space<semaphore_mem>>) src(%arg10 : memref<8x128xf32, #tpu.memory_space<vmem>>) dst(%dma_wait3A_846 : memref<8x128xf32, #tpu.memory_space<vmem_shared>>)
      tpu.yield
    }) : () -> ()
    %mul3A_811 = arith.constant 640 : i32
    %mul3A_812 = arith.muli %arg1, %mul3A_811 : i32
    %add3A_813 = arith.constant 600 : i32
    %add3A_814 = arith.addi %mul3A_812, %add3A_813 : i32
    "tpu.region"() ({
      %run_scoped3A = tpu.sem_alloc : memref<!tpu.dma_semaphore, #tpu.memory_space<semaphore_mem>>
      %dma_start3A = arith.constant 0 : i32
      %dma_start3A_841 = tpu.memref_slice %arg11[%add3A_814, %dma_start3A] : memref<10240x128xf32, #tpu.memory_space<vmem_shared>> -> memref<8x128xf32, #tpu.memory_space<vmem_shared>>
      %dma_start3A_842 = arith.constant 0 : i32
      %dma_start3A_843 = tpu.memref_slice %arg11[%add3A_814, %dma_start3A_842] : memref<10240x128xf32, #tpu.memory_space<vmem_shared>> -> memref<8x128xf32, #tpu.memory_space<vmem_shared>>
      tpu.enqueue_dma source(%arg10 : memref<8x128xf32, #tpu.memory_space<vmem>>) target(%dma_start3A_843 : memref<8x128xf32, #tpu.memory_space<vmem_shared>>) target_semaphore(%run_scoped3A : memref<!tpu.dma_semaphore, #tpu.memory_space<semaphore_mem>>)
      %dma_wait3A = arith.constant 0 : i32
      %dma_wait3A_844 = tpu.memref_slice %arg11[%add3A_814, %dma_wait3A] : memref<10240x128xf32, #tpu.memory_space<vmem_shared>> -> memref<8x128xf32, #tpu.memory_space<vmem_shared>>
      %dma_wait3A_845 = arith.constant 0 : i32
      %dma_wait3A_846 = tpu.memref_slice %arg11[%add3A_814, %dma_wait3A_845] : memref<10240x128xf32, #tpu.memory_space<vmem_shared>> -> memref<8x128xf32, #tpu.memory_space<vmem_shared>>
      tpu.wait_dma2 semaphore(%run_scoped3A : memref<!tpu.dma_semaphore, #tpu.memory_space<semaphore_mem>>) src(%arg10 : memref<8x128xf32, #tpu.memory_space<vmem>>) dst(%dma_wait3A_846 : memref<8x128xf32, #tpu.memory_space<vmem_shared>>)
      tpu.yield
    }) : () -> ()
    %mul3A_815 = arith.constant 640 : i32
    %mul3A_816 = arith.muli %arg1, %mul3A_815 : i32
    %add3A_817 = arith.constant 608 : i32
    %add3A_818 = arith.addi %mul3A_816, %add3A_817 : i32
    "tpu.region"() ({
      %run_scoped3A = tpu.sem_alloc : memref<!tpu.dma_semaphore, #tpu.memory_space<semaphore_mem>>
      %dma_start3A = arith.constant 0 : i32
      %dma_start3A_841 = tpu.memref_slice %arg11[%add3A_818, %dma_start3A] : memref<10240x128xf32, #tpu.memory_space<vmem_shared>> -> memref<8x128xf32, #tpu.memory_space<vmem_shared>>
      %dma_start3A_842 = arith.constant 0 : i32
      %dma_start3A_843 = tpu.memref_slice %arg11[%add3A_818, %dma_start3A_842] : memref<10240x128xf32, #tpu.memory_space<vmem_shared>> -> memref<8x128xf32, #tpu.memory_space<vmem_shared>>
      tpu.enqueue_dma source(%arg10 : memref<8x128xf32, #tpu.memory_space<vmem>>) target(%dma_start3A_843 : memref<8x128xf32, #tpu.memory_space<vmem_shared>>) target_semaphore(%run_scoped3A : memref<!tpu.dma_semaphore, #tpu.memory_space<semaphore_mem>>)
      %dma_wait3A = arith.constant 0 : i32
      %dma_wait3A_844 = tpu.memref_slice %arg11[%add3A_818, %dma_wait3A] : memref<10240x128xf32, #tpu.memory_space<vmem_shared>> -> memref<8x128xf32, #tpu.memory_space<vmem_shared>>
      %dma_wait3A_845 = arith.constant 0 : i32
      %dma_wait3A_846 = tpu.memref_slice %arg11[%add3A_818, %dma_wait3A_845] : memref<10240x128xf32, #tpu.memory_space<vmem_shared>> -> memref<8x128xf32, #tpu.memory_space<vmem_shared>>
      tpu.wait_dma2 semaphore(%run_scoped3A : memref<!tpu.dma_semaphore, #tpu.memory_space<semaphore_mem>>) src(%arg10 : memref<8x128xf32, #tpu.memory_space<vmem>>) dst(%dma_wait3A_846 : memref<8x128xf32, #tpu.memory_space<vmem_shared>>)
      tpu.yield
    }) : () -> ()
    %mul3A_819 = arith.constant 640 : i32
    %mul3A_820 = arith.muli %arg1, %mul3A_819 : i32
    %add3A_821 = arith.constant 616 : i32
    %add3A_822 = arith.addi %mul3A_820, %add3A_821 : i32
    "tpu.region"() ({
      %run_scoped3A = tpu.sem_alloc : memref<!tpu.dma_semaphore, #tpu.memory_space<semaphore_mem>>
      %dma_start3A = arith.constant 0 : i32
      %dma_start3A_841 = tpu.memref_slice %arg11[%add3A_822, %dma_start3A] : memref<10240x128xf32, #tpu.memory_space<vmem_shared>> -> memref<8x128xf32, #tpu.memory_space<vmem_shared>>
      %dma_start3A_842 = arith.constant 0 : i32
      %dma_start3A_843 = tpu.memref_slice %arg11[%add3A_822, %dma_start3A_842] : memref<10240x128xf32, #tpu.memory_space<vmem_shared>> -> memref<8x128xf32, #tpu.memory_space<vmem_shared>>
      tpu.enqueue_dma source(%arg10 : memref<8x128xf32, #tpu.memory_space<vmem>>) target(%dma_start3A_843 : memref<8x128xf32, #tpu.memory_space<vmem_shared>>) target_semaphore(%run_scoped3A : memref<!tpu.dma_semaphore, #tpu.memory_space<semaphore_mem>>)
      %dma_wait3A = arith.constant 0 : i32
      %dma_wait3A_844 = tpu.memref_slice %arg11[%add3A_822, %dma_wait3A] : memref<10240x128xf32, #tpu.memory_space<vmem_shared>> -> memref<8x128xf32, #tpu.memory_space<vmem_shared>>
      %dma_wait3A_845 = arith.constant 0 : i32
      %dma_wait3A_846 = tpu.memref_slice %arg11[%add3A_822, %dma_wait3A_845] : memref<10240x128xf32, #tpu.memory_space<vmem_shared>> -> memref<8x128xf32, #tpu.memory_space<vmem_shared>>
      tpu.wait_dma2 semaphore(%run_scoped3A : memref<!tpu.dma_semaphore, #tpu.memory_space<semaphore_mem>>) src(%arg10 : memref<8x128xf32, #tpu.memory_space<vmem>>) dst(%dma_wait3A_846 : memref<8x128xf32, #tpu.memory_space<vmem_shared>>)
      tpu.yield
    }) : () -> ()
    %mul3A_823 = arith.constant 640 : i32
    %mul3A_824 = arith.muli %arg1, %mul3A_823 : i32
    %add3A_825 = arith.constant 624 : i32
    %add3A_826 = arith.addi %mul3A_824, %add3A_825 : i32
    "tpu.region"() ({
      %run_scoped3A = tpu.sem_alloc : memref<!tpu.dma_semaphore, #tpu.memory_space<semaphore_mem>>
      %dma_start3A = arith.constant 0 : i32
      %dma_start3A_841 = tpu.memref_slice %arg11[%add3A_826, %dma_start3A] : memref<10240x128xf32, #tpu.memory_space<vmem_shared>> -> memref<8x128xf32, #tpu.memory_space<vmem_shared>>
      %dma_start3A_842 = arith.constant 0 : i32
      %dma_start3A_843 = tpu.memref_slice %arg11[%add3A_826, %dma_start3A_842] : memref<10240x128xf32, #tpu.memory_space<vmem_shared>> -> memref<8x128xf32, #tpu.memory_space<vmem_shared>>
      tpu.enqueue_dma source(%arg10 : memref<8x128xf32, #tpu.memory_space<vmem>>) target(%dma_start3A_843 : memref<8x128xf32, #tpu.memory_space<vmem_shared>>) target_semaphore(%run_scoped3A : memref<!tpu.dma_semaphore, #tpu.memory_space<semaphore_mem>>)
      %dma_wait3A = arith.constant 0 : i32
      %dma_wait3A_844 = tpu.memref_slice %arg11[%add3A_826, %dma_wait3A] : memref<10240x128xf32, #tpu.memory_space<vmem_shared>> -> memref<8x128xf32, #tpu.memory_space<vmem_shared>>
      %dma_wait3A_845 = arith.constant 0 : i32
      %dma_wait3A_846 = tpu.memref_slice %arg11[%add3A_826, %dma_wait3A_845] : memref<10240x128xf32, #tpu.memory_space<vmem_shared>> -> memref<8x128xf32, #tpu.memory_space<vmem_shared>>
      tpu.wait_dma2 semaphore(%run_scoped3A : memref<!tpu.dma_semaphore, #tpu.memory_space<semaphore_mem>>) src(%arg10 : memref<8x128xf32, #tpu.memory_space<vmem>>) dst(%dma_wait3A_846 : memref<8x128xf32, #tpu.memory_space<vmem_shared>>)
      tpu.yield
    }) : () -> ()
    %mul3A_827 = arith.constant 640 : i32
    %mul3A_828 = arith.muli %arg1, %mul3A_827 : i32
    %add3A_829 = arith.constant 632 : i32
    %add3A_830 = arith.addi %mul3A_828, %add3A_829 : i32
    "tpu.region"() ({
      %run_scoped3A = tpu.sem_alloc : memref<!tpu.dma_semaphore, #tpu.memory_space<semaphore_mem>>
      %dma_start3A = arith.constant 0 : i32
      %dma_start3A_841 = tpu.memref_slice %arg11[%add3A_830, %dma_start3A] : memref<10240x128xf32, #tpu.memory_space<vmem_shared>> -> memref<8x128xf32, #tpu.memory_space<vmem_shared>>
      %dma_start3A_842 = arith.constant 0 : i32
      %dma_start3A_843 = tpu.memref_slice %arg11[%add3A_830, %dma_start3A_842] : memref<10240x128xf32, #tpu.memory_space<vmem_shared>> -> memref<8x128xf32, #tpu.memory_space<vmem_shared>>
      tpu.enqueue_dma source(%arg10 : memref<8x128xf32, #tpu.memory_space<vmem>>) target(%dma_start3A_843 : memref<8x128xf32, #tpu.memory_space<vmem_shared>>) target_semaphore(%run_scoped3A : memref<!tpu.dma_semaphore, #tpu.memory_space<semaphore_mem>>)
      %dma_wait3A = arith.constant 0 : i32
      %dma_wait3A_844 = tpu.memref_slice %arg11[%add3A_830, %dma_wait3A] : memref<10240x128xf32, #tpu.memory_space<vmem_shared>> -> memref<8x128xf32, #tpu.memory_space<vmem_shared>>
      %dma_wait3A_845 = arith.constant 0 : i32
      %dma_wait3A_846 = tpu.memref_slice %arg11[%add3A_830, %dma_wait3A_845] : memref<10240x128xf32, #tpu.memory_space<vmem_shared>> -> memref<8x128xf32, #tpu.memory_space<vmem_shared>>
      tpu.wait_dma2 semaphore(%run_scoped3A : memref<!tpu.dma_semaphore, #tpu.memory_space<semaphore_mem>>) src(%arg10 : memref<8x128xf32, #tpu.memory_space<vmem>>) dst(%dma_wait3A_846 : memref<8x128xf32, #tpu.memory_space<vmem_shared>>)
      tpu.yield
    }) : () -> ()
    %barrier3A = arith.constant 0 : index
    tpu.barrier barrier_id(%barrier3A)
    %scan3A = arith.constant 0 : i32
    %scan3A_831 = arith.constant 0 : i32
    %scan3A_832 = arith.constant 2 : i32
    %scan3A_833 = arith.addi %scan3A_831, %scan3A_832 : i32
    %scan3A_834 = arith.constant 1 : i32
    scf.for %scan3A_841 = %scan3A_831 to %scan3A_833 step %scan3A_834  : i32 {
      %mul3A_842 = arith.constant 80 : i32
      %mul3A_843 = arith.muli %add3A, %mul3A_842 : i32
      %mul3A_844 = arith.constant 40 : i32
      %mul3A_845 = arith.muli %scan3A_841, %mul3A_844 : i32
      %add3A_846 = arith.addi %mul3A_843, %mul3A_845 : i32
      "tpu.region"() ({
        %run_scoped3A = tpu.sem_alloc : memref<!tpu.dma_semaphore, #tpu.memory_space<semaphore_mem>>
        %dma_start3A_872 = arith.constant 0 : i32
        %dma_start3A_873 = tpu.memref_slice %arg3[%add3A_846, %dma_start3A_872] : memref<2560x128xi32, #tpu.memory_space<hbm>> -> memref<40x128xi32, #tpu.memory_space<hbm>>
        %dma_start3A_874 = arith.constant 0 : i32
        %dma_start3A_875 = tpu.memref_slice %arg3[%add3A_846, %dma_start3A_874] : memref<2560x128xi32, #tpu.memory_space<hbm>> -> memref<40x128xi32, #tpu.memory_space<hbm>>
        tpu.enqueue_dma source(%dma_start3A_875 : memref<40x128xi32, #tpu.memory_space<hbm>>) target(%arg6 : memref<40x128xi32, #tpu.memory_space<vmem>>) target_semaphore(%run_scoped3A : memref<!tpu.dma_semaphore, #tpu.memory_space<semaphore_mem>>)
        %dma_wait3A_876 = arith.constant 0 : i32
        %dma_wait3A_877 = tpu.memref_slice %arg3[%add3A_846, %dma_wait3A_876] : memref<2560x128xi32, #tpu.memory_space<hbm>> -> memref<40x128xi32, #tpu.memory_space<hbm>>
        %dma_wait3A_878 = arith.constant 0 : i32
        %dma_wait3A_879 = tpu.memref_slice %arg3[%add3A_846, %dma_wait3A_878] : memref<2560x128xi32, #tpu.memory_space<hbm>> -> memref<40x128xi32, #tpu.memory_space<hbm>>
        tpu.wait_dma2 semaphore(%run_scoped3A : memref<!tpu.dma_semaphore, #tpu.memory_space<semaphore_mem>>) src(%dma_wait3A_879 : memref<40x128xi32, #tpu.memory_space<hbm>>) dst(%arg6 : memref<40x128xi32, #tpu.memory_space<vmem>>)
        tpu.yield
      }) : () -> ()
      "tpu.region"() ({
        %run_scoped3A = tpu.sem_alloc : memref<!tpu.dma_semaphore, #tpu.memory_space<semaphore_mem>>
        %dma_start3A_872 = arith.constant 0 : i32
        %dma_start3A_873 = tpu.memref_slice %arg4[%add3A_846, %dma_start3A_872] : memref<2560x128xi32, #tpu.memory_space<hbm>> -> memref<40x128xi32, #tpu.memory_space<hbm>>
        %dma_start3A_874 = arith.constant 0 : i32
        %dma_start3A_875 = tpu.memref_slice %arg4[%add3A_846, %dma_start3A_874] : memref<2560x128xi32, #tpu.memory_space<hbm>> -> memref<40x128xi32, #tpu.memory_space<hbm>>
        tpu.enqueue_dma source(%dma_start3A_875 : memref<40x128xi32, #tpu.memory_space<hbm>>) target(%arg7 : memref<40x128xi32, #tpu.memory_space<vmem>>) target_semaphore(%run_scoped3A : memref<!tpu.dma_semaphore, #tpu.memory_space<semaphore_mem>>)
        %dma_wait3A_876 = arith.constant 0 : i32
        %dma_wait3A_877 = tpu.memref_slice %arg4[%add3A_846, %dma_wait3A_876] : memref<2560x128xi32, #tpu.memory_space<hbm>> -> memref<40x128xi32, #tpu.memory_space<hbm>>
        %dma_wait3A_878 = arith.constant 0 : i32
        %dma_wait3A_879 = tpu.memref_slice %arg4[%add3A_846, %dma_wait3A_878] : memref<2560x128xi32, #tpu.memory_space<hbm>> -> memref<40x128xi32, #tpu.memory_space<hbm>>
        tpu.wait_dma2 semaphore(%run_scoped3A : memref<!tpu.dma_semaphore, #tpu.memory_space<semaphore_mem>>) src(%dma_wait3A_879 : memref<40x128xi32, #tpu.memory_space<hbm>>) dst(%arg7 : memref<40x128xi32, #tpu.memory_space<vmem>>)
        tpu.yield
      }) : () -> ()
      %dma_start3A = arith.constant 0 : i32
      %dma_start3A_847 = arith.constant 0 : i32
      %dma_start3A_848 = tpu.memref_slice %arg6[%dma_start3A, %dma_start3A_847] : memref<40x128xi32, #tpu.memory_space<vmem>> -> memref<1x128xi32, #tpu.memory_space<vmem>>
      %dma_start3A_849 = tpu.memref_squeeze %dma_start3A_848 : memref<1x128xi32, #tpu.memory_space<vmem>> -> memref<128xi32, #tpu.memory_space<vmem>>
      %dma_start3A_850 = arith.constant 0 : i32
      %dma_start3A_851 = arith.constant 0 : i32
      %dma_start3A_852 = tpu.memref_slice %arg2[%dma_start3A_850, %dma_start3A_851] : memref<10000x128xf32, #tpu.memory_space<hbm>> -> memref<10000x128xf32, #tpu.memory_space<hbm>>
      tpu.enqueue_indirect_dma source(%dma_start3A_852 : memref<10000x128xf32, #tpu.memory_space<hbm>>) target(%arg8 : memref<128x128xf32, #tpu.memory_space<vmem>>) offsets(%dma_start3A_849 : memref<128xi32, #tpu.memory_space<vmem>>) semaphore(%arg12 : memref<!tpu.dma_semaphore, #tpu.memory_space<semaphore_mem>>)
      %scan3A_853 = arith.constant 0 : i32
      %scan3A_854 = arith.constant 0 : i32
      %scan3A_855 = arith.constant 20 : i32
      %scan3A_856 = arith.addi %scan3A_854, %scan3A_855 : i32
      %scan3A_857 = arith.constant 1 : i32
      scf.for %scan3A_872 = %scan3A_854 to %scan3A_856 step %scan3A_857  : i32 {
        %mul3A_873 = arith.constant 2 : i32
        %mul3A_874 = arith.muli %mul3A_873, %scan3A_872 : i32
        %add3A_875 = arith.constant 0 : i32
        %add3A_876 = arith.addi %mul3A_874, %add3A_875 : i32
        %add3A_877 = arith.constant 1 : i32
        %add3A_878 = arith.addi %add3A_876, %add3A_877 : i32
        %lt3A = arith.constant 40 : i32
        %lt3A_879 = arith.cmpi slt, %add3A_878, %lt3A : i32
        %convert_element_type3A = arith.extui %lt3A_879 : i1 to i32
        %cond3A = arith.constant 0 : i32
        %cond3A_880 = arith.cmpi ne, %convert_element_type3A, %cond3A : i32
        scf.if %cond3A_880 {
          %ge3A = arith.constant 1 : i32
          %ge3A_916 = arith.cmpi sge, %add3A_876, %ge3A : i32
          %convert_element_type3A_917 = arith.extui %ge3A_916 : i1 to i32
          %cond3A_918 = arith.constant 0 : i32
          %cond3A_919 = arith.cmpi ne, %convert_element_type3A_917, %cond3A_918 : i32
          scf.if %cond3A_919 {
            %dma_wait3A_928 = arith.constant 0 : i32
            %dma_wait3A_929 = tpu.memref_slice %arg7[%add3A_876, %dma_wait3A_928] : memref<40x128xi32, #tpu.memory_space<vmem>> -> memref<1x128xi32, #tpu.memory_space<vmem>>
            %dma_wait3A_930 = tpu.memref_squeeze %dma_wait3A_929 : memref<1x128xi32, #tpu.memory_space<vmem>> -> memref<128xi32, #tpu.memory_space<vmem>>
            %dma_wait3A_931 = arith.constant 0 : i32
            %dma_wait3A_932 = arith.constant 0 : i32
            %dma_wait3A_933 = tpu.memref_slice %arg11[%dma_wait3A_931, %dma_wait3A_932] : memref<10240x128xf32, #tpu.memory_space<vmem_shared>> -> memref<10240x128xf32, #tpu.memory_space<vmem_shared>>
            tpu.wait_indirect_dma semaphore(%arg15 : memref<!tpu.dma_semaphore, #tpu.memory_space<semaphore_mem>>) src(%arg9 : memref<128x128xf32, #tpu.memory_space<vmem>>) dst(%dma_wait3A_933 : memref<10240x128xf32, #tpu.memory_space<vmem_shared>>)
          } else {
          }
          %add3A_920 = arith.constant 1 : i32
          %add3A_921 = arith.addi %add3A_876, %add3A_920 : i32
          %dma_start3A_922 = arith.constant 0 : i32
          %dma_start3A_923 = tpu.memref_slice %arg6[%add3A_921, %dma_start3A_922] : memref<40x128xi32, #tpu.memory_space<vmem>> -> memref<1x128xi32, #tpu.memory_space<vmem>>
          %dma_start3A_924 = tpu.memref_squeeze %dma_start3A_923 : memref<1x128xi32, #tpu.memory_space<vmem>> -> memref<128xi32, #tpu.memory_space<vmem>>
          %dma_start3A_925 = arith.constant 0 : i32
          %dma_start3A_926 = arith.constant 0 : i32
          %dma_start3A_927 = tpu.memref_slice %arg2[%dma_start3A_925, %dma_start3A_926] : memref<10000x128xf32, #tpu.memory_space<hbm>> -> memref<10000x128xf32, #tpu.memory_space<hbm>>
          tpu.enqueue_indirect_dma source(%dma_start3A_927 : memref<10000x128xf32, #tpu.memory_space<hbm>>) target(%arg9 : memref<128x128xf32, #tpu.memory_space<vmem>>) offsets(%dma_start3A_924 : memref<128xi32, #tpu.memory_space<vmem>>) semaphore(%arg13 : memref<!tpu.dma_semaphore, #tpu.memory_space<semaphore_mem>>)
        } else {
        }
        %dma_wait3A_881 = arith.constant 0 : i32
        %dma_wait3A_882 = tpu.memref_slice %arg6[%add3A_876, %dma_wait3A_881] : memref<40x128xi32, #tpu.memory_space<vmem>> -> memref<1x128xi32, #tpu.memory_space<vmem>>
        %dma_wait3A_883 = tpu.memref_squeeze %dma_wait3A_882 : memref<1x128xi32, #tpu.memory_space<vmem>> -> memref<128xi32, #tpu.memory_space<vmem>>
        %dma_wait3A_884 = arith.constant 0 : i32
        %dma_wait3A_885 = arith.constant 0 : i32
        %dma_wait3A_886 = tpu.memref_slice %arg2[%dma_wait3A_884, %dma_wait3A_885] : memref<10000x128xf32, #tpu.memory_space<hbm>> -> memref<10000x128xf32, #tpu.memory_space<hbm>>
        tpu.wait_indirect_dma semaphore(%arg12 : memref<!tpu.dma_semaphore, #tpu.memory_space<semaphore_mem>>) src(%dma_wait3A_886 : memref<10000x128xf32, #tpu.memory_space<hbm>>) dst(%arg8 : memref<128x128xf32, #tpu.memory_space<vmem>>)
        %dma_start3A_887 = arith.constant 0 : i32
        %dma_start3A_888 = tpu.memref_slice %arg7[%add3A_876, %dma_start3A_887] : memref<40x128xi32, #tpu.memory_space<vmem>> -> memref<1x128xi32, #tpu.memory_space<vmem>>
        %dma_start3A_889 = tpu.memref_squeeze %dma_start3A_888 : memref<1x128xi32, #tpu.memory_space<vmem>> -> memref<128xi32, #tpu.memory_space<vmem>>
        %dma_start3A_890 = arith.constant 0 : i32
        %dma_start3A_891 = arith.constant 0 : i32
        %dma_start3A_892 = tpu.memref_slice %arg11[%dma_start3A_890, %dma_start3A_891] : memref<10240x128xf32, #tpu.memory_space<vmem_shared>> -> memref<10240x128xf32, #tpu.memory_space<vmem_shared>>
        tpu.enqueue_indirect_dma source(%arg8 : memref<128x128xf32, #tpu.memory_space<vmem>>) target(%dma_start3A_892 : memref<10240x128xf32, #tpu.memory_space<vmem_shared>>) offsets(%dma_start3A_889 : memref<128xi32, #tpu.memory_space<vmem>>) semaphore(%arg14 : memref<!tpu.dma_semaphore, #tpu.memory_space<semaphore_mem>>) {add = true}
        %mul3A_893 = arith.constant 2 : i32
        %mul3A_894 = arith.muli %mul3A_893, %scan3A_872 : i32
        %add3A_895 = arith.constant 1 : i32
        %add3A_896 = arith.addi %mul3A_894, %add3A_895 : i32
        %add3A_897 = arith.constant 1 : i32
        %add3A_898 = arith.addi %add3A_896, %add3A_897 : i32
        %lt3A_899 = arith.constant 40 : i32
        %lt3A_900 = arith.cmpi slt, %add3A_898, %lt3A_899 : i32
        %convert_element_type3A_901 = arith.extui %lt3A_900 : i1 to i32
        %cond3A_902 = arith.constant 0 : i32
        %cond3A_903 = arith.cmpi ne, %convert_element_type3A_901, %cond3A_902 : i32
        scf.if %cond3A_903 {
          %ge3A = arith.constant 1 : i32
          %ge3A_916 = arith.cmpi sge, %add3A_896, %ge3A : i32
          %convert_element_type3A_917 = arith.extui %ge3A_916 : i1 to i32
          %cond3A_918 = arith.constant 0 : i32
          %cond3A_919 = arith.cmpi ne, %convert_element_type3A_917, %cond3A_918 : i32
          scf.if %cond3A_919 {
            %dma_wait3A_928 = arith.constant 0 : i32
            %dma_wait3A_929 = tpu.memref_slice %arg7[%add3A_896, %dma_wait3A_928] : memref<40x128xi32, #tpu.memory_space<vmem>> -> memref<1x128xi32, #tpu.memory_space<vmem>>
            %dma_wait3A_930 = tpu.memref_squeeze %dma_wait3A_929 : memref<1x128xi32, #tpu.memory_space<vmem>> -> memref<128xi32, #tpu.memory_space<vmem>>
            %dma_wait3A_931 = arith.constant 0 : i32
            %dma_wait3A_932 = arith.constant 0 : i32
            %dma_wait3A_933 = tpu.memref_slice %arg11[%dma_wait3A_931, %dma_wait3A_932] : memref<10240x128xf32, #tpu.memory_space<vmem_shared>> -> memref<10240x128xf32, #tpu.memory_space<vmem_shared>>
            tpu.wait_indirect_dma semaphore(%arg14 : memref<!tpu.dma_semaphore, #tpu.memory_space<semaphore_mem>>) src(%arg8 : memref<128x128xf32, #tpu.memory_space<vmem>>) dst(%dma_wait3A_933 : memref<10240x128xf32, #tpu.memory_space<vmem_shared>>)
          } else {
          }
          %add3A_920 = arith.constant 1 : i32
          %add3A_921 = arith.addi %add3A_896, %add3A_920 : i32
          %dma_start3A_922 = arith.constant 0 : i32
          %dma_start3A_923 = tpu.memref_slice %arg6[%add3A_921, %dma_start3A_922] : memref<40x128xi32, #tpu.memory_space<vmem>> -> memref<1x128xi32, #tpu.memory_space<vmem>>
          %dma_start3A_924 = tpu.memref_squeeze %dma_start3A_923 : memref<1x128xi32, #tpu.memory_space<vmem>> -> memref<128xi32, #tpu.memory_space<vmem>>
          %dma_start3A_925 = arith.constant 0 : i32
          %dma_start3A_926 = arith.constant 0 : i32
          %dma_start3A_927 = tpu.memref_slice %arg2[%dma_start3A_925, %dma_start3A_926] : memref<10000x128xf32, #tpu.memory_space<hbm>> -> memref<10000x128xf32, #tpu.memory_space<hbm>>
          tpu.enqueue_indirect_dma source(%dma_start3A_927 : memref<10000x128xf32, #tpu.memory_space<hbm>>) target(%arg8 : memref<128x128xf32, #tpu.memory_space<vmem>>) offsets(%dma_start3A_924 : memref<128xi32, #tpu.memory_space<vmem>>) semaphore(%arg12 : memref<!tpu.dma_semaphore, #tpu.memory_space<semaphore_mem>>)
        } else {
        }
        %dma_wait3A_904 = arith.constant 0 : i32
        %dma_wait3A_905 = tpu.memref_slice %arg6[%add3A_896, %dma_wait3A_904] : memref<40x128xi32, #tpu.memory_space<vmem>> -> memref<1x128xi32, #tpu.memory_space<vmem>>
        %dma_wait3A_906 = tpu.memref_squeeze %dma_wait3A_905 : memref<1x128xi32, #tpu.memory_space<vmem>> -> memref<128xi32, #tpu.memory_space<vmem>>
        %dma_wait3A_907 = arith.constant 0 : i32
        %dma_wait3A_908 = arith.constant 0 : i32
        %dma_wait3A_909 = tpu.memref_slice %arg2[%dma_wait3A_907, %dma_wait3A_908] : memref<10000x128xf32, #tpu.memory_space<hbm>> -> memref<10000x128xf32, #tpu.memory_space<hbm>>
        tpu.wait_indirect_dma semaphore(%arg13 : memref<!tpu.dma_semaphore, #tpu.memory_space<semaphore_mem>>) src(%dma_wait3A_909 : memref<10000x128xf32, #tpu.memory_space<hbm>>) dst(%arg9 : memref<128x128xf32, #tpu.memory_space<vmem>>)
        %dma_start3A_910 = arith.constant 0 : i32
        %dma_start3A_911 = tpu.memref_slice %arg7[%add3A_896, %dma_start3A_910] : memref<40x128xi32, #tpu.memory_space<vmem>> -> memref<1x128xi32, #tpu.memory_space<vmem>>
        %dma_start3A_912 = tpu.memref_squeeze %dma_start3A_911 : memref<1x128xi32, #tpu.memory_space<vmem>> -> memref<128xi32, #tpu.memory_space<vmem>>
        %dma_start3A_913 = arith.constant 0 : i32
        %dma_start3A_914 = arith.constant 0 : i32
        %dma_start3A_915 = tpu.memref_slice %arg11[%dma_start3A_913, %dma_start3A_914] : memref<10240x128xf32, #tpu.memory_space<vmem_shared>> -> memref<10240x128xf32, #tpu.memory_space<vmem_shared>>
        tpu.enqueue_indirect_dma source(%arg9 : memref<128x128xf32, #tpu.memory_space<vmem>>) target(%dma_start3A_915 : memref<10240x128xf32, #tpu.memory_space<vmem_shared>>) offsets(%dma_start3A_912 : memref<128xi32, #tpu.memory_space<vmem>>) semaphore(%arg15 : memref<!tpu.dma_semaphore, #tpu.memory_space<semaphore_mem>>) {add = true}
      }
      %scan3A_858 = arith.constant 20 : i32
      %dma_wait3A = arith.constant 0 : i32
      %dma_wait3A_859 = arith.constant 0 : i32
      %dma_wait3A_860 = tpu.memref_slice %arg7[%dma_wait3A, %dma_wait3A_859] : memref<40x128xi32, #tpu.memory_space<vmem>> -> memref<1x128xi32, #tpu.memory_space<vmem>>
      %dma_wait3A_861 = tpu.memref_squeeze %dma_wait3A_860 : memref<1x128xi32, #tpu.memory_space<vmem>> -> memref<128xi32, #tpu.memory_space<vmem>>
      %dma_wait3A_862 = arith.constant 0 : i32
      %dma_wait3A_863 = arith.constant 0 : i32
      %dma_wait3A_864 = tpu.memref_slice %arg11[%dma_wait3A_862, %dma_wait3A_863] : memref<10240x128xf32, #tpu.memory_space<vmem_shared>> -> memref<10240x128xf32, #tpu.memory_space<vmem_shared>>
      tpu.wait_indirect_dma semaphore(%arg14 : memref<!tpu.dma_semaphore, #tpu.memory_space<semaphore_mem>>) src(%arg8 : memref<128x128xf32, #tpu.memory_space<vmem>>) dst(%dma_wait3A_864 : memref<10240x128xf32, #tpu.memory_space<vmem_shared>>)
      %dma_wait3A_865 = arith.constant 0 : i32
      %dma_wait3A_866 = arith.constant 0 : i32
      %dma_wait3A_867 = tpu.memref_slice %arg7[%dma_wait3A_865, %dma_wait3A_866] : memref<40x128xi32, #tpu.memory_space<vmem>> -> memref<1x128xi32, #tpu.memory_space<vmem>>
      %dma_wait3A_868 = tpu.memref_squeeze %dma_wait3A_867 : memref<1x128xi32, #tpu.memory_space<vmem>> -> memref<128xi32, #tpu.memory_space<vmem>>
      %dma_wait3A_869 = arith.constant 0 : i32
      %dma_wait3A_870 = arith.constant 0 : i32
      %dma_wait3A_871 = tpu.memref_slice %arg11[%dma_wait3A_869, %dma_wait3A_870] : memref<10240x128xf32, #tpu.memory_space<vmem_shared>> -> memref<10240x128xf32, #tpu.memory_space<vmem_shared>>
      tpu.wait_indirect_dma semaphore(%arg15 : memref<!tpu.dma_semaphore, #tpu.memory_space<semaphore_mem>>) src(%arg9 : memref<128x128xf32, #tpu.memory_space<vmem>>) dst(%dma_wait3A_871 : memref<10240x128xf32, #tpu.memory_space<vmem_shared>>)
    }
    %scan3A_835 = arith.constant 2 : i32
    %barrier3A_836 = arith.constant 0 : index
    tpu.barrier barrier_id(%barrier3A_836)
    %mul3A_837 = arith.constant 640 : i32
    %mul3A_838 = arith.muli %arg1, %mul3A_837 : i32
    %mul3A_839 = arith.constant 640 : i32
    %mul3A_840 = arith.muli %arg1, %mul3A_839 : i32
    "tpu.region"() ({
      %run_scoped3A = tpu.sem_alloc : memref<!tpu.dma_semaphore, #tpu.memory_space<semaphore_mem>>
      %dma_start3A = arith.constant 0 : i32
      %dma_start3A_841 = tpu.memref_slice %arg5[%arg0, %mul3A_840, %dma_start3A] : memref<2x10240x128xf32, #tpu.memory_space<hbm>> -> memref<1x640x128xf32, #tpu.memory_space<hbm>>
      %dma_start3A_842 = tpu.memref_squeeze %dma_start3A_841 : memref<1x640x128xf32, #tpu.memory_space<hbm>> -> memref<640x128xf32, #tpu.memory_space<hbm>>
      %dma_start3A_843 = arith.constant 0 : i32
      %dma_start3A_844 = tpu.memref_slice %arg11[%mul3A_838, %dma_start3A_843] : memref<10240x128xf32, #tpu.memory_space<vmem_shared>> -> memref<640x128xf32, #tpu.memory_space<vmem_shared>>
      tpu.enqueue_dma source(%dma_start3A_844 : memref<640x128xf32, #tpu.memory_space<vmem_shared>>) target(%dma_start3A_842 : memref<640x128xf32, #tpu.memory_space<hbm>>) target_semaphore(%run_scoped3A : memref<!tpu.dma_semaphore, #tpu.memory_space<semaphore_mem>>)
      %dma_wait3A = arith.constant 0 : i32
      %dma_wait3A_845 = tpu.memref_slice %arg5[%arg0, %mul3A_840, %dma_wait3A] : memref<2x10240x128xf32, #tpu.memory_space<hbm>> -> memref<1x640x128xf32, #tpu.memory_space<hbm>>
      %dma_wait3A_846 = tpu.memref_squeeze %dma_wait3A_845 : memref<1x640x128xf32, #tpu.memory_space<hbm>> -> memref<640x128xf32, #tpu.memory_space<hbm>>
      %dma_wait3A_847 = arith.constant 0 : i32
      %dma_wait3A_848 = tpu.memref_slice %arg11[%mul3A_838, %dma_wait3A_847] : memref<10240x128xf32, #tpu.memory_space<vmem_shared>> -> memref<640x128xf32, #tpu.memory_space<vmem_shared>>
      tpu.wait_dma2 semaphore(%run_scoped3A : memref<!tpu.dma_semaphore, #tpu.memory_space<semaphore_mem>>) src(%dma_wait3A_848 : memref<640x128xf32, #tpu.memory_space<vmem_shared>>) dst(%dma_wait3A_846 : memref<640x128xf32, #tpu.memory_space<hbm>>)
      tpu.yield
    }) : () -> ()
    return
  }
}

module attributes {stable_mosaic.version = 14 : i64} {
  func.func @_combine_body(%arg0: memref<2x10240x128xf32, #tpu.memory_space<vmem>>, %arg1: memref<10000x128xf32, #tpu.memory_space<vmem>>, %arg2: memref<2x10240xf32, #tpu.memory_space<vmem>>, %arg3: memref<1x128xf32, #tpu.memory_space<vmem>>, %arg4: memref<128x16xf32, #tpu.memory_space<vmem>>, %arg5: memref<1x16xf32, #tpu.memory_space<vmem>>, %arg6: memref<10000x16xf32, #tpu.memory_space<vmem>>) attributes {dimension_semantics = [], scalar_prefetch = 0 : i64, scratch_operands = 0 : i64, tpu.core_type = #tpu.core_type<tc>} {
    %get3A = arith.constant 0 : index
    %get3A_0 = arith.constant 0 : index
    %get3A_1 = arith.constant 0 : index
    %get3A_2 = vector.load %arg0[%get3A, %get3A_0, %get3A_1] : memref<2x10240x128xf32, #tpu.memory_space<vmem>>, vector<1x10000x128xf32>
    %get3A_3 = vector.shape_cast %get3A_2 : vector<1x10000x128xf32> to vector<10000x128xf32>
    %get3A_4 = arith.constant 1 : index
    %get3A_5 = arith.constant 0 : index
    %get3A_6 = arith.constant 0 : index
    %get3A_7 = vector.load %arg0[%get3A_4, %get3A_5, %get3A_6] : memref<2x10240x128xf32, #tpu.memory_space<vmem>>, vector<1x10000x128xf32>
    %get3A_8 = vector.shape_cast %get3A_7 : vector<1x10000x128xf32> to vector<10000x128xf32>
    %add3A = arith.addf %get3A_3, %get3A_8 : vector<10000x128xf32>
    %get3A_9 = arith.constant 0 : index
    %get3A_10 = arith.constant 0 : index
    %get3A_11 = vector.load %arg1[%get3A_9, %get3A_10] : memref<10000x128xf32, #tpu.memory_space<vmem>>, vector<10000x128xf32>
    %add3A_12 = arith.addf %add3A, %get3A_11 : vector<10000x128xf32>
    %get3A_13 = arith.constant 0 : index
    %get3A_14 = arith.constant 0 : index
    %get3A_15 = vector.load %arg2[%get3A_13, %get3A_14] : memref<2x10240xf32, #tpu.memory_space<vmem>>, vector<1x10240xf32>
    %get3A_16 = arith.constant 1 : index
    %get3A_17 = arith.constant 0 : index
    %get3A_18 = vector.load %arg2[%get3A_16, %get3A_17] : memref<2x10240xf32, #tpu.memory_space<vmem>>, vector<1x10240xf32>
    %add3A_19 = arith.addf %get3A_15, %get3A_18 : vector<1x10240xf32>
    %add3A_20 = arith.constant 1.000000e+00 : f32
    %add3A_21 = vector.broadcast %add3A_20 : f32 to vector<1x10240xf32>
    %add3A_22 = arith.addf %add3A_19, %add3A_21 : vector<1x10240xf32>
    %rsqrt3A = math.rsqrt %add3A_22 : vector<1x10240xf32>
    %transpose3A = tpu.transpose %rsqrt3A, [1, 0] : vector<1x10240xf32> -> vector<10240x1xf32>
    %slice3A = vector.extract_strided_slice %transpose3A {offsets = [0, 0], sizes = [10000, 1], strides = [1, 1]} : vector<10240x1xf32> to vector<10000x1xf32>
    %mul3A = vector.broadcast %slice3A : vector<10000x1xf32> to vector<10000x128xf32>
    %mul3A_23 = arith.mulf %mul3A, %add3A_12 : vector<10000x128xf32>
    %get3A_24 = arith.constant 0 : index
    %get3A_25 = arith.constant 0 : index
    %get3A_26 = vector.load %arg3[%get3A_24, %get3A_25] : memref<1x128xf32, #tpu.memory_space<vmem>>, vector<1x128xf32>
    %add3A_27 = vector.broadcast %get3A_26 : vector<1x128xf32> to vector<10000x128xf32>
    %add3A_28 = arith.addf %mul3A_23, %add3A_27 : vector<10000x128xf32>
    %max3A = arith.constant 0.000000e+00 : f32
    %max3A_29 = vector.broadcast %max3A : f32 to vector<10000x128xf32>
    %max3A_30 = arith.maximumf %add3A_28, %max3A_29 : vector<10000x128xf32>
    %get3A_31 = arith.constant 0 : index
    %get3A_32 = arith.constant 0 : index
    %get3A_33 = vector.load %arg4[%get3A_31, %get3A_32] : memref<128x16xf32, #tpu.memory_space<vmem>>, vector<128x16xf32>
    %dot_general3A = arith.constant dense<0.000000e+00> : vector<10000x16xf32>
    %dot_general3A_34 = tpu.matmul %max3A_30, %get3A_33, %dot_general3A {dimension_numbers = #tpu.dot_dimension_numbers<[1], [0], [0], [1], [0, 0, 1, 1], [], []>, transpose_lhs_hint = false} : vector<10000x128xf32>, vector<128x16xf32>, vector<10000x16xf32> -> vector<10000x16xf32>
    %get3A_35 = arith.constant 0 : index
    %get3A_36 = arith.constant 0 : index
    %get3A_37 = vector.load %arg5[%get3A_35, %get3A_36] : memref<1x16xf32, #tpu.memory_space<vmem>>, vector<1x16xf32>
    %add3A_38 = vector.broadcast %get3A_37 : vector<1x16xf32> to vector<10000x16xf32>
    %add3A_39 = arith.addf %dot_general3A_34, %add3A_38 : vector<10000x16xf32>
    %reduce_max3A = arith.constant dense<0xFF800000> : vector<10000xf32>
    %reduce_max3A_40 = vector.multi_reduction <maximumf>, %add3A_39, %reduce_max3A [1] : vector<10000x16xf32> to vector<10000xf32>
    %broadcast_in_dim3A = vector.shape_cast %reduce_max3A_40 : vector<10000xf32> to vector<10000x1xf32>
    %sub3A = vector.broadcast %broadcast_in_dim3A : vector<10000x1xf32> to vector<10000x16xf32>
    %sub3A_41 = arith.subf %add3A_39, %sub3A : vector<10000x16xf32>
    %exp3A = math.exp %sub3A_41 : vector<10000x16xf32>
    %reduce_sum3A = arith.constant dense<0.000000e+00> : vector<10000xf32>
    %reduce_sum3A_42 = vector.multi_reduction <add>, %exp3A, %reduce_sum3A [1] : vector<10000x16xf32> to vector<10000xf32>
    %broadcast_in_dim3A_43 = vector.shape_cast %reduce_sum3A_42 : vector<10000xf32> to vector<10000x1xf32>
    %log3A = math.log %broadcast_in_dim3A_43 : vector<10000x1xf32>
    %sub3A_44 = vector.broadcast %broadcast_in_dim3A : vector<10000x1xf32> to vector<10000x16xf32>
    %sub3A_45 = arith.subf %add3A_39, %sub3A_44 : vector<10000x16xf32>
    %sub3A_46 = vector.broadcast %log3A : vector<10000x1xf32> to vector<10000x16xf32>
    %sub3A_47 = arith.subf %sub3A_45, %sub3A_46 : vector<10000x16xf32>
    %swap3A = arith.constant 0 : index
    %swap3A_48 = arith.constant 0 : index
    %swap3A_49 = vector.load %arg6[%swap3A, %swap3A_48] : memref<10000x16xf32, #tpu.memory_space<vmem>>, vector<10000x16xf32>
    tpu.vector_store %arg6[%swap3A, %swap3A_48], %sub3A_47 {strides = array<i32>} : memref<10000x16xf32, #tpu.memory_space<vmem>>, vector<10000x16xf32>,
    return
  }
}

module attributes {stable_mosaic.version = 14 : i64} {
  func.func @_scale_body(%arg0: memref<10000x128xf32, #tpu.memory_space<vmem>>, %arg1: memref<2x10240xf32, #tpu.memory_space<vmem>>, %arg2: memref<10000x128xf32, #tpu.memory_space<vmem>>) attributes {dimension_semantics = [], scalar_prefetch = 0 : i64, scratch_operands = 0 : i64, tpu.core_type = #tpu.core_type<tc>} {
    %get3A = arith.constant 0 : index
    %get3A_0 = arith.constant 0 : index
    %get3A_1 = vector.load %arg1[%get3A, %get3A_0] : memref<2x10240xf32, #tpu.memory_space<vmem>>, vector<1x10240xf32>
    %get3A_2 = arith.constant 1 : index
    %get3A_3 = arith.constant 0 : index
    %get3A_4 = vector.load %arg1[%get3A_2, %get3A_3] : memref<2x10240xf32, #tpu.memory_space<vmem>>, vector<1x10240xf32>
    %add3A = arith.addf %get3A_1, %get3A_4 : vector<1x10240xf32>
    %add3A_5 = arith.constant 1.000000e+00 : f32
    %add3A_6 = vector.broadcast %add3A_5 : f32 to vector<1x10240xf32>
    %add3A_7 = arith.addf %add3A, %add3A_6 : vector<1x10240xf32>
    %rsqrt3A = math.rsqrt %add3A_7 : vector<1x10240xf32>
    %transpose3A = tpu.transpose %rsqrt3A, [1, 0] : vector<1x10240xf32> -> vector<10240x1xf32>
    %slice3A = vector.extract_strided_slice %transpose3A {offsets = [0, 0], sizes = [10000, 1], strides = [1, 1]} : vector<10240x1xf32> to vector<10000x1xf32>
    %get3A_8 = arith.constant 0 : index
    %get3A_9 = arith.constant 0 : index
    %get3A_10 = vector.load %arg0[%get3A_8, %get3A_9] : memref<10000x128xf32, #tpu.memory_space<vmem>>, vector<10000x128xf32>
    %mul3A = vector.broadcast %slice3A : vector<10000x1xf32> to vector<10000x128xf32>
    %mul3A_11 = arith.mulf %mul3A, %get3A_10 : vector<10000x128xf32>
    %swap3A = arith.constant 0 : index
    %swap3A_12 = arith.constant 0 : index
    %swap3A_13 = vector.load %arg2[%swap3A, %swap3A_12] : memref<10000x128xf32, #tpu.memory_space<vmem>>, vector<10000x128xf32>
    tpu.vector_store %arg2[%swap3A, %swap3A_12], %mul3A_11 {strides = array<i32>} : memref<10000x128xf32, #tpu.memory_space<vmem>>, vector<10000x128xf32>,
    return
  }
}

module attributes {stable_mosaic.version = 14 : i64} {
  func.func @_pad_body(%arg0: memref<2x320000xi32, #tpu.memory_space<vmem>>, %arg1: memref<2560x128xi32, #tpu.memory_space<vmem>>, %arg2: memref<2560x128xi32, #tpu.memory_space<vmem>>) attributes {dimension_semantics = [], scalar_prefetch = 0 : i64, scratch_operands = 0 : i64, tpu.core_type = #tpu.core_type<tc>} {
    %get3A = arith.constant 0 : index
    %get3A_0 = arith.constant 0 : index
    %get3A_1 = vector.load %arg0[%get3A, %get3A_0] : memref<2x320000xi32, #tpu.memory_space<vmem>>, vector<1x320000xi32>
    %reshape3A = vector.shape_cast %get3A_1 : vector<1x320000xi32> to vector<2500x128xi32>
    %get3A_2 = arith.constant 1 : index
    %get3A_3 = arith.constant 0 : index
    %get3A_4 = vector.load %arg0[%get3A_2, %get3A_3] : memref<2x320000xi32, #tpu.memory_space<vmem>>, vector<1x320000xi32>
    %reshape3A_5 = vector.shape_cast %get3A_4 : vector<1x320000xi32> to vector<2500x128xi32>
    %iota3A = tpu.iota {dimensions = array<i32: 0>} : vector<60x128xi32>
    %mul3A = arith.constant 128 : i32
    %mul3A_6 = vector.broadcast %mul3A : i32 to vector<60x128xi32>
    %mul3A_7 = arith.muli %iota3A, %mul3A_6 : vector<60x128xi32>
    %iota3A_8 = tpu.iota {dimensions = array<i32: 1>} : vector<60x128xi32>
    %add3A = arith.addi %mul3A_7, %iota3A_8 : vector<60x128xi32>
    %jit3A = arith.constant 10000 : i32
    %eq3A = arith.constant 0 : i32
    %eq3A_9 = arith.cmpi eq, %jit3A, %eq3A : i32
    %jit3A_10 = arith.constant 1 : i32
    %select_n3A = arith.select %eq3A_9, %jit3A_10, %jit3A : i32
    %rem3A = vector.broadcast %select_n3A : i32 to vector<60x128xi32>
    %rem3A_11 = arith.remsi %add3A, %rem3A : vector<60x128xi32>
    %ne3A = arith.constant 0 : i32
    %ne3A_12 = vector.broadcast %ne3A : i32 to vector<60x128xi32>
    %ne3A_13 = arith.cmpi ne, %rem3A_11, %ne3A_12 : vector<60x128xi32>
    %lt3A = arith.constant 0 : i32
    %lt3A_14 = vector.broadcast %lt3A : i32 to vector<60x128xi32>
    %lt3A_15 = arith.cmpi slt, %rem3A_11, %lt3A_14 : vector<60x128xi32>
    %lt3A_16 = arith.constant 0 : i32
    %lt3A_17 = arith.cmpi slt, %select_n3A, %lt3A_16 : i32
    %ne3A_18 = vector.broadcast %lt3A_17 : i1 to vector<60x128xi1>
    %ne3A_19 = vector.broadcast %ne3A_18 : vector<60x128xi1> to vector<60x128xi1>
    %ne3A_20 = arith.xori %lt3A_15, %ne3A_19 : vector<60x128xi1>
    %and3A = arith.andi %ne3A_20, %ne3A_13 : vector<60x128xi1>
    %add3A_21 = vector.broadcast %select_n3A : i32 to vector<60x128xi32>
    %add3A_22 = arith.addi %rem3A_11, %add3A_21 : vector<60x128xi32>
    %select_n3A_23 = arith.select %and3A, %add3A_22, %rem3A_11 : vector<60x128xi1>, vector<60x128xi32>
    %concatenate3A = tpu.concatenate %reshape3A, %select_n3A_23 in 0 : vector<2500x128xi32>, vector<60x128xi32> -> vector<2560x128xi32>
    %swap3A = arith.constant 0 : index
    %swap3A_24 = arith.constant 0 : index
    %swap3A_25 = vector.load %arg1[%swap3A, %swap3A_24] : memref<2560x128xi32, #tpu.memory_space<vmem>>, vector<2560x128xi32>
    tpu.vector_store %arg1[%swap3A, %swap3A_24], %concatenate3A {strides = array<i32>} : memref<2560x128xi32, #tpu.memory_space<vmem>>, vector<2560x128xi32>,
    %jit3A_26 = arith.constant 240 : i32
    %eq3A_27 = arith.constant 0 : i32
    %eq3A_28 = arith.cmpi eq, %jit3A_26, %eq3A_27 : i32
    %jit3A_29 = arith.constant 1 : i32
    %select_n3A_30 = arith.select %eq3A_28, %jit3A_29, %jit3A_26 : i32
    %rem3A_31 = vector.broadcast %select_n3A_30 : i32 to vector<60x128xi32>
    %rem3A_32 = arith.remsi %add3A, %rem3A_31 : vector<60x128xi32>
    %ne3A_33 = arith.constant 0 : i32
    %ne3A_34 = vector.broadcast %ne3A_33 : i32 to vector<60x128xi32>
    %ne3A_35 = arith.cmpi ne, %rem3A_32, %ne3A_34 : vector<60x128xi32>
    %lt3A_36 = arith.constant 0 : i32
    %lt3A_37 = vector.broadcast %lt3A_36 : i32 to vector<60x128xi32>
    %lt3A_38 = arith.cmpi slt, %rem3A_32, %lt3A_37 : vector<60x128xi32>
    %lt3A_39 = arith.constant 0 : i32
    %lt3A_40 = arith.cmpi slt, %select_n3A_30, %lt3A_39 : i32
    %ne3A_41 = vector.broadcast %lt3A_40 : i1 to vector<60x128xi1>
    %ne3A_42 = vector.broadcast %ne3A_41 : vector<60x128xi1> to vector<60x128xi1>
    %ne3A_43 = arith.xori %lt3A_38, %ne3A_42 : vector<60x128xi1>
    %and3A_44 = arith.andi %ne3A_43, %ne3A_35 : vector<60x128xi1>
    %add3A_45 = vector.broadcast %select_n3A_30 : i32 to vector<60x128xi32>
    %add3A_46 = arith.addi %rem3A_32, %add3A_45 : vector<60x128xi32>
    %select_n3A_47 = arith.select %and3A_44, %add3A_46, %rem3A_32 : vector<60x128xi1>, vector<60x128xi32>
    %add3A_48 = arith.constant 10000 : i32
    %add3A_49 = vector.broadcast %add3A_48 : i32 to vector<60x128xi32>
    %add3A_50 = arith.addi %add3A_49, %select_n3A_47 : vector<60x128xi32>
    %concatenate3A_51 = tpu.concatenate %reshape3A_5, %add3A_50 in 0 : vector<2500x128xi32>, vector<60x128xi32> -> vector<2560x128xi32>
    %swap3A_52 = arith.constant 0 : index
    %swap3A_53 = arith.constant 0 : index
    %swap3A_54 = vector.load %arg2[%swap3A_52, %swap3A_53] : memref<2560x128xi32, #tpu.memory_space<vmem>>, vector<2560x128xi32>
    tpu.vector_store %arg2[%swap3A_52, %swap3A_53], %concatenate3A_51 {strides = array<i32>} : memref<2560x128xi32, #tpu.memory_space<vmem>>, vector<2560x128xi32>,
    return
  }
}

module attributes {stable_mosaic.version = 14 : i64} {
  func.func @_dense_body(%arg0: memref<10000x128xf32, #tpu.memory_space<vmem>>, %arg1: memref<1x128xf32, #tpu.memory_space<vmem>>, %arg2: memref<1x128xf32, #tpu.memory_space<vmem>>, %arg3: memref<128x128xf32, #tpu.memory_space<vmem>>, %arg4: memref<1x128xf32, #tpu.memory_space<vmem>>, %arg5: memref<1x128xf32, #tpu.memory_space<vmem>>, %arg6: memref<1x128xf32, #tpu.memory_space<vmem>>, %arg7: memref<128x128xf32, #tpu.memory_space<vmem>>, %arg8: memref<10000x128xf32, #tpu.memory_space<vmem>>) attributes {dimension_semantics = [], scalar_prefetch = 0 : i64, scratch_operands = 0 : i64, tpu.core_type = #tpu.core_type<tc>} {
    %get3A = arith.constant 0 : index
    %get3A_0 = arith.constant 0 : index
    %get3A_1 = vector.load %arg0[%get3A, %get3A_0] : memref<10000x128xf32, #tpu.memory_space<vmem>>, vector<10000x128xf32>
    %reduce_sum3A = arith.constant dense<0.000000e+00> : vector<128xf32>
    %reduce_sum3A_2 = vector.multi_reduction <add>, %get3A_1, %reduce_sum3A [0] : vector<10000x128xf32> to vector<128xf32>
    %broadcast_in_dim3A = vector.shape_cast %reduce_sum3A_2 : vector<128xf32> to vector<1x128xf32>
    %div3A = arith.constant 1.000000e+04 : f32
    %div3A_3 = vector.broadcast %div3A : f32 to vector<1x128xf32>
    %div3A_4 = arith.divf %broadcast_in_dim3A, %div3A_3 : vector<1x128xf32>
    %sub3A = vector.broadcast %div3A_4 : vector<1x128xf32> to vector<10000x128xf32>
    %sub3A_5 = arith.subf %get3A_1, %sub3A : vector<10000x128xf32>
    %mul3A = arith.mulf %sub3A_5, %sub3A_5 : vector<10000x128xf32>
    %reduce_sum3A_6 = arith.constant dense<0.000000e+00> : vector<128xf32>
    %reduce_sum3A_7 = vector.multi_reduction <add>, %mul3A, %reduce_sum3A_6 [0] : vector<10000x128xf32> to vector<128xf32>
    %broadcast_in_dim3A_8 = vector.shape_cast %reduce_sum3A_7 : vector<128xf32> to vector<1x128xf32>
    %div3A_9 = arith.constant 1.000000e+04 : f32
    %div3A_10 = vector.broadcast %div3A_9 : f32 to vector<1x128xf32>
    %div3A_11 = arith.divf %broadcast_in_dim3A_8, %div3A_10 : vector<1x128xf32>
    %get3A_12 = arith.constant 0 : index
    %get3A_13 = arith.constant 0 : index
    %get3A_14 = vector.load %arg1[%get3A_12, %get3A_13] : memref<1x128xf32, #tpu.memory_space<vmem>>, vector<1x128xf32>
    %mul3A_15 = vector.broadcast %get3A_14 : vector<1x128xf32> to vector<10000x128xf32>
    %mul3A_16 = arith.mulf %mul3A_15, %sub3A_5 : vector<10000x128xf32>
    %add3A = arith.constant 9.99999974E-6 : f32
    %add3A_17 = vector.broadcast %add3A : f32 to vector<1x128xf32>
    %add3A_18 = arith.addf %div3A_11, %add3A_17 : vector<1x128xf32>
    %rsqrt3A = math.rsqrt %add3A_18 : vector<1x128xf32>
    %mul3A_19 = vector.broadcast %rsqrt3A : vector<1x128xf32> to vector<10000x128xf32>
    %mul3A_20 = arith.mulf %mul3A_16, %mul3A_19 : vector<10000x128xf32>
    %get3A_21 = arith.constant 0 : index
    %get3A_22 = arith.constant 0 : index
    %get3A_23 = vector.load %arg2[%get3A_21, %get3A_22] : memref<1x128xf32, #tpu.memory_space<vmem>>, vector<1x128xf32>
    %add3A_24 = vector.broadcast %get3A_23 : vector<1x128xf32> to vector<10000x128xf32>
    %add3A_25 = arith.addf %mul3A_20, %add3A_24 : vector<10000x128xf32>
    %get3A_26 = arith.constant 0 : index
    %get3A_27 = arith.constant 0 : index
    %get3A_28 = vector.load %arg3[%get3A_26, %get3A_27] : memref<128x128xf32, #tpu.memory_space<vmem>>, vector<128x128xf32>
    %dot_general3A = arith.constant dense<0.000000e+00> : vector<10000x128xf32>
    %dot_general3A_29 = tpu.matmul %add3A_25, %get3A_28, %dot_general3A {dimension_numbers = #tpu.dot_dimension_numbers<[1], [0], [0], [1], [0, 0, 1, 1], [], []>, transpose_lhs_hint = false} : vector<10000x128xf32>, vector<128x128xf32>, vector<10000x128xf32> -> vector<10000x128xf32>
    %get3A_30 = arith.constant 0 : index
    %get3A_31 = arith.constant 0 : index
    %get3A_32 = vector.load %arg4[%get3A_30, %get3A_31] : memref<1x128xf32, #tpu.memory_space<vmem>>, vector<1x128xf32>
    %add3A_33 = vector.broadcast %get3A_32 : vector<1x128xf32> to vector<10000x128xf32>
    %add3A_34 = arith.addf %dot_general3A_29, %add3A_33 : vector<10000x128xf32>
    %max3A = arith.constant 0.000000e+00 : f32
    %max3A_35 = vector.broadcast %max3A : f32 to vector<10000x128xf32>
    %max3A_36 = arith.maximumf %add3A_34, %max3A_35 : vector<10000x128xf32>
    %reduce_sum3A_37 = arith.constant dense<0.000000e+00> : vector<128xf32>
    %reduce_sum3A_38 = vector.multi_reduction <add>, %max3A_36, %reduce_sum3A_37 [0] : vector<10000x128xf32> to vector<128xf32>
    %broadcast_in_dim3A_39 = vector.shape_cast %reduce_sum3A_38 : vector<128xf32> to vector<1x128xf32>
    %div3A_40 = arith.constant 1.000000e+04 : f32
    %div3A_41 = vector.broadcast %div3A_40 : f32 to vector<1x128xf32>
    %div3A_42 = arith.divf %broadcast_in_dim3A_39, %div3A_41 : vector<1x128xf32>
    %sub3A_43 = vector.broadcast %div3A_42 : vector<1x128xf32> to vector<10000x128xf32>
    %sub3A_44 = arith.subf %max3A_36, %sub3A_43 : vector<10000x128xf32>
    %mul3A_45 = arith.mulf %sub3A_44, %sub3A_44 : vector<10000x128xf32>
    %reduce_sum3A_46 = arith.constant dense<0.000000e+00> : vector<128xf32>
    %reduce_sum3A_47 = vector.multi_reduction <add>, %mul3A_45, %reduce_sum3A_46 [0] : vector<10000x128xf32> to vector<128xf32>
    %broadcast_in_dim3A_48 = vector.shape_cast %reduce_sum3A_47 : vector<128xf32> to vector<1x128xf32>
    %div3A_49 = arith.constant 1.000000e+04 : f32
    %div3A_50 = vector.broadcast %div3A_49 : f32 to vector<1x128xf32>
    %div3A_51 = arith.divf %broadcast_in_dim3A_48, %div3A_50 : vector<1x128xf32>
    %get3A_52 = arith.constant 0 : index
    %get3A_53 = arith.constant 0 : index
    %get3A_54 = vector.load %arg5[%get3A_52, %get3A_53] : memref<1x128xf32, #tpu.memory_space<vmem>>, vector<1x128xf32>
    %mul3A_55 = vector.broadcast %get3A_54 : vector<1x128xf32> to vector<10000x128xf32>
    %mul3A_56 = arith.mulf %mul3A_55, %sub3A_44 : vector<10000x128xf32>
    %add3A_57 = arith.constant 9.99999974E-6 : f32
    %add3A_58 = vector.broadcast %add3A_57 : f32 to vector<1x128xf32>
    %add3A_59 = arith.addf %div3A_51, %add3A_58 : vector<1x128xf32>
    %rsqrt3A_60 = math.rsqrt %add3A_59 : vector<1x128xf32>
    %mul3A_61 = vector.broadcast %rsqrt3A_60 : vector<1x128xf32> to vector<10000x128xf32>
    %mul3A_62 = arith.mulf %mul3A_56, %mul3A_61 : vector<10000x128xf32>
    %get3A_63 = arith.constant 0 : index
    %get3A_64 = arith.constant 0 : index
    %get3A_65 = vector.load %arg6[%get3A_63, %get3A_64] : memref<1x128xf32, #tpu.memory_space<vmem>>, vector<1x128xf32>
    %add3A_66 = vector.broadcast %get3A_65 : vector<1x128xf32> to vector<10000x128xf32>
    %add3A_67 = arith.addf %mul3A_62, %add3A_66 : vector<10000x128xf32>
    %get3A_68 = arith.constant 0 : index
    %get3A_69 = arith.constant 0 : index
    %get3A_70 = vector.load %arg7[%get3A_68, %get3A_69] : memref<128x128xf32, #tpu.memory_space<vmem>>, vector<128x128xf32>
    %dot_general3A_71 = arith.constant dense<0.000000e+00> : vector<10000x128xf32>
    %dot_general3A_72 = tpu.matmul %add3A_67, %get3A_70, %dot_general3A_71 {dimension_numbers = #tpu.dot_dimension_numbers<[1], [0], [0], [1], [0, 0, 1, 1], [], []>, transpose_lhs_hint = false} : vector<10000x128xf32>, vector<128x128xf32>, vector<10000x128xf32> -> vector<10000x128xf32>
    %swap3A = arith.constant 0 : index
    %swap3A_73 = arith.constant 0 : index
    %swap3A_74 = vector.load %arg8[%swap3A, %swap3A_73] : memref<10000x128xf32, #tpu.memory_space<vmem>>, vector<10000x128xf32>
    tpu.vector_store %arg8[%swap3A, %swap3A_73], %dot_general3A_72 {strides = array<i32>} : memref<10000x128xf32, #tpu.memory_space<vmem>>, vector<10000x128xf32>,
    return
  }
}

</mosaic_0001>

<sc_bundles>
// kernel: kernel.11.cloned.1.call-start
scs
__scs_entry_jumppad:
0x0: {  	(pc) =	sbr.rel $0x88, $3  }
0x1: {  	(tag) =	ssettag $0x0;
	lr =	simm.s32 $0x1  }
0x2: {  	[smem:$0x3F95] =	sst lr;
	_ =	strace $0xD0000000  }
0x3: {  	_ = 	snop  }
0x4: {  	_ = 	snop  }
0x5: {  	_ = 	snop  }
0x6: {  	_ = 	snop  }
0x7: {  	_ = 	snop  }
__scs_overlays_trampoline_lowered:
0x8: {  	[smem:$0x3FA4] =	sst s0  }
0x9: {  	[smem:$0x3FA5] =	sst s1  }
0xa: {  	[smem:$0x3FA6] =	sst s2  }
0xb: {  	[smem:$0x3FA7] =	sst s3  }
0xc: {  	[smem:$0x3FA8] =	sst s4  }
0xd: {  	[smem:$0x3FA9] =	sst s5  }
0xe: {  	[smem:$0x3FAA] =	sst s6  }
0xf: {  	[smem:$0x3FAB] =	sst s7  }
0x10: {  	[smem:$0x3FAC] =	sst s8  }
0x11: {  	[smem:$0x3FAD] =	sst s9;
	s0 =	simm.s32 @!p0 $0x0  }
0x12: {  	s1 =	sld [smem:$0x3F93];
	s0 =	simm.s32 @p0 $0x1  }
0x13: {  	[smem:$0x3FAE] =	sst s0;
	s0 =	simm.s32 @!p1 $0x0  }
0x14: {  	s2 =	sld [smem:$0x3F92];
	s0 =	simm.s32 @p1 $0x1  }
0x15: {  	[smem:$0x3FAF] =	sst s0;
	s0 =	simm.s32 @!p2 $0x0  }
0x16: {  	s3 =	sld [smem:$0x3FDB];
	s0 =	simm.s32 @p2 $0x1  }
0x17: {  	s4 =	simm.s32 $0x1BF5;
	[smem:$0x3FB1] =	sst s0  }
0x18: {  	s0 =	sld [smem:$0x3F94];
	_ =	swait.ge [sflag:s4], $0x0  }
0x19: {  	s7 =	sld [smem:$0x3F95]  }
0x1a: {  	s8 =	sadd.s32 $0xFFFFE003, lr  }
0x1b: {  	s9 =	sadd.s32 $0xFFFFFEF7, lr;
	s5 =	simm.s32 $0xFFFFFFFF;
	p2 =	slt.u32 s8, $0xFFFFF086  }
0x1c: {  	p1 =	slt.u32 s9, $0xF7A;
	s5 =	simm.s32 @!p2 $0x0  }
0x1d: {  	s5 =	simm.s32 @p1 $0x1;
	p0 =	seq.s32 s7, s2  }
0x1e: {  	s7 =	smul.u32 @!p0 $0xF7A, s2;
	p2 =	seq.s32 @!p0 s5, $0x0  }
0x1f: {  	s9 =	smul.u32 $0xF7A, s1;
	s8 =	simm.s32 @!p0 $0x1BF5;
	p2 =	por !p2, p0  }
0x20: {  	[sflag:s8] =	ssyncset.s32 @!p0 $0xFFFFF086;
	s6 =	sadd.s32 @!p0 s3, s7;
	s7 =	simm.s32 @!p0 $0x108  }
0x21: {  	s3 =	sadd.s32 s3, s9;
	s6 =	sadd.s32 @!p0 $0x88, s6;
	s7 =	simm.s32 @p2 $0x1082  }
0x22: {  	[simem:s7], [sflag:s8] =	dma.local @!p0 [hbm:s6], $0xF7A  }
0x23: {  	s9 =	sor.u32 $0xD0000000, s2;
	s6 =	simm.s32 $0x108;
	_ =	swait.ge @!p0 [sflag:s8], $0x0  }
0x24: {  	s3 =	sadd.s32 $0x88, s3;
	s6 =	simm.s32 @!p1 $0x1082;
	[sflag:s4] =	ssyncset.s32 $0xFFFFF086  }
0x25: {  	[simem:s6], [sflag:s4] =	dma.local [hbm:s3], $0xF7A  }
0x26: {  	[smem:$0x3F95] =	sst s1;
	(tag) =	ssettag s2;
	_ =	strace s9  }
0x27: {  	s1 =	sld [smem:$0x3FA5]  }
0x28: {  	s2 =	sld [smem:$0x3FA6]  }
0x29: {  	s4 =	sld [smem:$0x3FA8]  }
0x2a: {  	p0 =	seq.s32 s5, $0x0;
	s5 =	sld [smem:$0x3FA9]  }
0x2b: {  	s6 =	sld [smem:$0x3FAA]  }
0x2c: {  	s7 =	sld [smem:$0x3FAB]  }
0x2d: {  	s3 =	simm.s32 $0x108;
	s8 =	sld [smem:$0x3FAC]  }
0x2e: {  	s3 =	simm.s32 @!p0 $0x1082;
	s9 =	sld [smem:$0x3FAD]  }
0x2f: {  	lr =	sadd.s32 s0, s3;
	s0 =	sld [smem:$0x3FA4]  }
0x30: {  	s3 =	sld [smem:$0x3FA7]  }
0x31: {  	[smem:$0x3FB0] =	sst s10  }
0x32: {  	s10 =	sld [smem:$0x3FAE];
	_ =	sdelay $0x3  }
0x33: {  	p0 =	seq.s32 s10, $0x1;
	s10 =	sld [smem:$0x3FB0];
	_ =	sdelay $0x3  }
0x34: {  	[smem:$0x3FB0] =	sst s10  }
0x35: {  	s10 =	sld [smem:$0x3FAF];
	_ =	sdelay $0x3  }
0x36: {  	p1 =	seq.s32 s10, $0x1;
	s10 =	sld [smem:$0x3FB0];
	_ =	sdelay $0x3  }
0x37: {  	[smem:$0x3FB0] =	sst s10  }
0x38: {  	s10 =	sld [smem:$0x3FB1]  }
0x39: {  	_ = 	snop;
	(pc) =	sbr.ind lr, $3  }
0x3a: {  	_ = 	snop  }
0x3b: {  	_ = 	snop  }
0x3c: {  	p2 =	seq.s32 s10, $0x1;
	s10 =	sld [smem:$0x3FB0]  }
0x3d: {  	_ =	shalt  }
0x3e: {  	_ =	shalt  }
0x3f: {  	_ =	shalt  }
0x40: {  	_ =	shalt  }
0x41: {  	_ =	shalt  }
0x42: {  	_ =	shalt  }
0x43: {  	_ =	shalt  }
0x44: {  	_ =	shalt  }
0x45: {  	_ =	shalt  }
0x46: {  	_ =	shalt  }
0x47: {  	_ =	shalt  }
0x48: {  	_ =	shalt  }
0x49: {  	_ =	shalt  }
0x4a: {  	_ =	shalt  }
0x4b: {  	_ =	shalt  }
0x4c: {  	_ =	shalt  }
0x4d: {  	_ =	shalt  }
0x4e: {  	_ =	shalt  }
0x4f: {  	_ =	shalt  }
0x50: {  	_ =	shalt  }
0x51: {  	_ =	shalt  }
0x52: {  	_ =	shalt  }
0x53: {  	_ =	shalt  }
0x54: {  	_ =	shalt  }
0x55: {  	_ =	shalt  }
0x56: {  	_ =	shalt  }
0x57: {  	_ =	shalt  }
0x58: {  	_ =	shalt  }
0x59: {  	_ =	shalt  }
0x5a: {  	_ =	shalt  }
0x5b: {  	_ =	shalt  }
0x5c: {  	_ =	shalt  }
0x5d: {  	_ =	shalt  }
0x5e: {  	_ =	shalt  }
0x5f: {  	_ =	shalt  }
0x60: {  	_ =	shalt  }
0x61: {  	_ =	shalt  }
0x62: {  	_ =	shalt  }
0x63: {  	_ =	shalt  }
0x64: {  	_ =	shalt  }
0x65: {  	_ =	shalt  }
0x66: {  	_ =	shalt  }
0x67: {  	_ =	shalt  }
0x68: {  	_ =	shalt  }
0x69: {  	_ =	shalt  }
0x6a: {  	_ =	shalt  }
0x6b: {  	_ =	shalt  }
0x6c: {  	_ =	shalt  }
0x6d: {  	_ =	shalt  }
0x6e: {  	_ =	shalt  }
0x6f: {  	_ =	shalt  }
0x70: {  	_ =	shalt  }
0x71: {  	_ =	shalt  }
0x72: {  	_ =	shalt  }
0x73: {  	_ =	shalt  }
0x74: {  	_ =	shalt  }
0x75: {  	_ =	shalt  }
0x76: {  	_ =	shalt  }
0x77: {  	_ =	shalt  }
0x78: {  	_ =	shalt  }
0x79: {  	_ =	shalt  }
0x7a: {  	_ =	shalt  }
0x7b: {  	_ =	shalt  }
0x7c: {  	_ =	shalt  }
0x7d: {  	_ =	shalt  }
0x7e: {  	_ =	shalt  }
0x7f: {  	_ =	shalt  }
0x80: {  	_ =	shalt  }
0x81: {  	_ =	shalt  }
0x82: {  	_ =	shalt  }
0x83: {  	_ =	shalt  }
0x84: {  	_ =	shalt  }
0x85: {  	_ =	shalt  }
0x86: {  	_ =	shalt  }
0x87: {  	_ =	shalt  }
.Lfunc_end0:
.L_simem_size_0:
called_computation.1_lowered:
.L_overlay_start_0:
0x88: {  	s2 =	sld [smem:$0x3FD9]  }
0x89: {  	s3 =	sld [smem:$0x3FFE];
	_ =	sdelay $0x1  }
0x8a: {  	s1 =	srdreg.scid  }
0x8b: {  	s0 =	sand.u32 $0x1, s1  }
0x8c: {  	s16 =	sshll.u32 s0, $0xA;
	s2 =	sadd.s32 s3, s2  }
0x8d: {  	s2 =	sadd.s32 s2, s16  }
0x8e: {  	[smem:$0x3FBC] =	sst s2  }
0x8f: {  	_ = 	snop  }
0x90: {  	(tm) =	ssettm $0x1  }
0x91: {  	s17 =	sld [smem:$0x3FFB];
	_ =	sdelay $0x3  }
0x92: {  	_ =	strace s17  }
0x93: {  	s2 =	sld [smem:$0x3FFC];
	_ =	sdelay $0x3  }
0x94: {  	_ =	strace s2  }
0x95: {  	s2 =	sld [smem:$0x3FFD];
	_ =	sdelay $0x3  }
0x96: {  	_ =	strace s2  }
0x97: {  	_ =	strace $0x8FFFFFFF  }
0x98: {  	s18 =	sld [smem:$0x3FDB];
	_ =	sdelay $0x1  }
0x99: {  	s19 =	simm.s32 $_scs_section_size  }
0x9a: {  	s4 =	simm.s32 $_size__tile_overlayer_lowered;
	s5 =	simm.s32 $_tile_overlayer_lowered  }
0x9b: {  	s22 =	simm.s32 $0x1BFF;
	s21 =	sshll.u32 s5, $0x1;
	s2 =	sadd.s32 s19, s18  }
0x9c: {  	s6 =	simm.s32 $0x0;
	s20 =	sshll.u32 s4, $0x1;
	s4 =	sadd.s32 s21, s2  }
0x9d: {  	[timem:s6], [sflag:s22] =	dma.local [hbm:s4], s20  }
0x9e: {  	_ =	swait.ge [sflag:s22], s20  }
0x9f: {  	s3 =	ssub.s32 $0x0, s20;
	[sflag:s22] =	ssyncset.done $0x0  }
0xa0: {  	[sflag:s22] =	ssyncadd.s32 s3;
	_ =	sdelay $0x1  }
0xa1: {  	s23 =	simm.s32 $0x1B8B  }
0xa2: {  	_ =	swait.ge [sflag:s23], $0x1  }
0xa3: {  	[sflag:s23] =	ssyncset.done $0x0  }
0xa4: {  	s25 =	simm.s32 $0x1B8E;
	s24 =	sld [smem:$0x3FFE];
	[sflag:s23] =	ssyncadd.s32 $0xFFFFFFFF  }
0xa5: {  	s26 =	simm.s32 $execute0_lowered;
	[smem:$0x3FD2] =	sst s25  }
0xa6: {  	s4 =	sshll.u32 s26, $0x1;
	_ =	strace $0x80000049;
	[dreg:$0x1] =	wrdreg $0xFFFFFFFF  }
0xa7: {  	s28 =	simm.s32 $_size_execute0_lowered;
	s2 =	sadd.s32 s2, s4;
	[dreg:$0x0] =	wrdreg $0x0  }
0xa8: {  	s4 =	sshll.u32 s28, $0x1;
	[dreg:$0x2] =	wrdreg s2  }
0xa9: {  	[dreg:$0x3] =	wrdreg s4  }
0xaa: {  	[dreg:$0x4] =	wrdreg $0xC0  }
0xab: {  	_ =	task [dreg:s6], $0x5FFFF  }
0xac: {  	[dreg:$0x1] =	wrdreg $0xFFFFFFFF  }
0xad: {  	[dreg:$0x0] =	wrdreg $0x60  }
0xae: {  	[dreg:$0x2] =	wrdreg s24  }
0xaf: {  	[dreg:$0x3] =	wrdreg $0xAC000  }
0xb0: {  	[dreg:$0x4] =	wrdreg $0x9  }
0xb1: {  	_ =	task.clear_ibuf [dreg:s6], $0x5FFFF;
	_ =	strace $0x90000049  }
0xb2: {  	s29 =	simm.s32 $0x9;
	_ =	strace $0x8000004B  }
0xb3: {  	_ =	swait.ge [sflag:s29], $0x1  }
0xb4: {  	[sflag:s29] =	ssyncadd.s32 $0xFFFFFFFF  }
0xb5: {  	_ =	strace $0x9000004B  }
0xb6: {  	_ =	sfence  }
0xb7: {  	s30 =	sld [smem:$0x0];
	_ =	sdelay $0x2  }
0xb8: {  	s31 =	sshll.u32 s1, $0xD;
	s1 =	sshrl.u32 s1, $0x2  }
0xb9: {  	s3 =	sand.u32 $0x4000, s31;
	s1 =	sadd.s32 s1, s30  }
0xba: {  	s0 =	sor.u32 s3, s0;
	s1 =	sshll.u32 s1, $0x11  }
0xbb: {  	s0 =	sor.u32 s1, s0  }
0xbc: {  	s0 =	sadd.s32 $0x8F2B, s0  }
0xbd: {  	[sflag:s0] =	ssyncadd.remote.s32 $0x1  }
0xbe: {  	_ =	sfence.sel $0xFFFF  }
0xbf: {  	[dreg:$0x0] =	wrdreg $0xFFFFFFFF;
	(pc) =	sbr.abs _section_cstart, $3  }
0xc0: {  	[dreg:$0x1] =	wrdreg $0xFFFFFFFF  }
0xc1: {  	_ =	task.clear_ibuf [dreg:s6], $0x2FFFF;
	_ =	strace $0x9FFFFFFF  }
0xc2: {  	(tm) =	ssettm $0x7FFFFFFF  }
0xc3: {  	_ =	shalt  }
tec
execute0_lowered:
.L_overlay_start_1:
0x0: {  	(tag) =	ssettag $0x1  }
0x1: {  	s0 =	rddreg [dreg:$0x0]  }
0x2: {  	s1 =	rddreg [dreg:$0x1];
	s10 =	stileid.u32  }
0x3: {  	s2 =	srdreg.scid;
	s7 =	smul.u32 $0x14000, s10  }
0x4: {  	s3 =	simm.s32 $0x0;
	s2 =	sand.u32 $0x1, s2;
	s8 =	smul.u32 $0x50000, s10  }
0x5: {  	[smem:$0x7FF] =	sst s3;
	s4 =	sadd.s32 $0x16E00, s0;
	s6 =	smul.u32 $0x140000, s2  }
0x6: {  	s5 =	sadd.s32 $0xCE00, s0;
	s10 =	sshll.u32 s10, $0x1;
	s9 =	ssub.s32 $0x2, s2  }
0x7: {  	s26 =	sshrl.u32 s9, $0x1;
	s8 =	sshrl.u32 s8, $0x2;
	s7 =	sadd.s32 s7, s6  }
0x8: {  	s6 =	sadd.s32 $0x2E00, s0;
	s9 =	ssub.s32 s9, s26;
	s7 =	sshrl.u32 s7, $0x3  }
0x9: {  	s24 =	smax.u32 s9, $0x1;
	s0 =	sadd.s32 s7, s0;
	s7 =	sadd.s32 s8, s1  }
0xa: {  	_ =	strace $0x8000004A;
	[dreg:$0x13] =	wrdreg s24;
	s8 =	sadd.s32 $0x400, s7  }
0xb: {  	s2 =	sor.u32 s2, s10;
	s10 =	sadd.s32 $0x800, s7;
	[dreg:$0x3] =	wrdreg s8  }
0xc: {  	s11 =	sadd.s32 $0xC00, s7;
	[dreg:$0x4] =	wrdreg s10  }
0xd: {  	s12 =	sadd.s32 $0x1000, s7;
	[dreg:$0x5] =	wrdreg s11  }
0xe: {  	s13 =	sadd.s32 $0x1400, s7;
	[dreg:$0x6] =	wrdreg s12  }
0xf: {  	s14 =	sadd.s32 $0x1800, s7;
	[dreg:$0x7] =	wrdreg s13  }
0x10: {  	s15 =	sadd.s32 $0x1C00, s7;
	[dreg:$0x8] =	wrdreg s14  }
0x11: {  	s16 =	sadd.s32 $0x2000, s7;
	[dreg:$0x9] =	wrdreg s15  }
0x12: {  	s17 =	sadd.s32 $0x2400, s7;
	[dreg:$0xa] =	wrdreg s16  }
0x13: {  	s18 =	sadd.s32 $0x2800, s7;
	[dreg:$0xb] =	wrdreg s17  }
0x14: {  	s19 =	sadd.s32 $0x2C00, s7;
	[dreg:$0xc] =	wrdreg s18  }
0x15: {  	s20 =	sadd.s32 $0x3000, s7;
	[dreg:$0xd] =	wrdreg s19  }
0x16: {  	s21 =	sadd.s32 $0x3400, s7;
	[dreg:$0xe] =	wrdreg s20  }
0x17: {  	s22 =	sadd.s32 $0x3800, s7;
	[dreg:$0xf] =	wrdreg s21  }
0x18: {  	s23 =	sadd.s32 $0x3C00, s7;
	[dreg:$0x10] =	wrdreg s22  }
0x19: {  	s0 =	sadd.s32 $0x3E000, s0;
	[dreg:$0x11] =	wrdreg s23  }
0x1a: {  	s25 =	sadd.s32 $0x4000, s7;
	[dreg:$0x12] =	wrdreg s0  }
0x1b: {  	s26 =	sadd.s32 $0x4400, s7;
	[dreg:$0x14] =	wrdreg s25  }
0x1c: {  	s9 =	sadd.s32 $0x5000, s7;
	[dreg:$0x15] =	wrdreg s26  }
0x1d: {  	s24 =	sadd.s32 $0x8800, s7;
	[dreg:$0x18] =	wrdreg s9  }
0x1e: {  	s23 =	smul.u32 $0x50, s2;
	s2 =	sadd.s32 $0x4800, s7;
	[smem:$0x7D5] =	sst s24  }
0x1f: {  	s8 =	sadd.s32 $0x4C00, s7;
	[dreg:$0x16] =	wrdreg s2  }
0x20: {  	s10 =	sadd.s32 $0x5400, s7;
	[dreg:$0x17] =	wrdreg s8  }
0x21: {  	s11 =	sadd.s32 $0x5800, s7;
	[dreg:$0x19] =	wrdreg s10  }
0x22: {  	s12 =	sadd.s32 $0x5C00, s7;
	[dreg:$0x1a] =	wrdreg s11  }
0x23: {  	s13 =	sadd.s32 $0x6000, s7;
	[dreg:$0x1b] =	wrdreg s12  }
0x24: {  	s14 =	sadd.s32 $0x6400, s7;
	[dreg:$0x1c] =	wrdreg s13  }
0x25: {  	s15 =	sadd.s32 $0x6800, s7;
	[dreg:$0x1d] =	wrdreg s14  }
0x26: {  	s16 =	sadd.s32 $0x6C00, s7;
	[dreg:$0x1e] =	wrdreg s15  }
0x27: {  	s17 =	sadd.s32 $0x7000, s7;
	[dreg:$0x1f] =	wrdreg s16  }
0x28: {  	s18 =	sadd.s32 $0x7400, s7;
	[smem:$0x7CF] =	sst s17  }
0x29: {  	s19 =	sadd.s32 $0x7800, s7;
	[smem:$0x7D0] =	sst s18  }
0x2a: {  	s20 =	sadd.s32 $0x7C00, s7;
	[smem:$0x7D1] =	sst s19  }
0x2b: {  	s21 =	sadd.s32 $0x8000, s7;
	[smem:$0x7D2] =	sst s20  }
0x2c: {  	s22 =	sadd.s32 $0x8400, s7;
	[smem:$0x7D3] =	sst s21  }
0x2d: {  	s25 =	sadd.s32 $0x8C00, s7;
	[smem:$0x7D4] =	sst s22  }
0x2e: {  	s26 =	sadd.s32 $0x9000, s7;
	[smem:$0x7D6] =	sst s25  }
0x2f: {  	s9 =	sadd.s32 $0x9C00, s7;
	[smem:$0x7D7] =	sst s26  }
0x30: {  	s24 =	sadd.s32 $0xD400, s7;
	[smem:$0x7DA] =	sst s9  }
0x31: {  	s2 =	sadd.s32 $0x9400, s7;
	[smem:$0x7E8] =	sst s24  }
0x32: {  	s8 =	sadd.s32 $0x9800, s7;
	[smem:$0x7D8] =	sst s2  }
0x33: {  	s10 =	sadd.s32 $0xA000, s7;
	[smem:$0x7D9] =	sst s8  }
0x34: {  	s11 =	sadd.s32 $0xA400, s7;
	[smem:$0x7DB] =	sst s10  }
0x35: {  	s12 =	sadd.s32 $0xA800, s7;
	[smem:$0x7DC] =	sst s11  }
0x36: {  	s13 =	sadd.s32 $0xAC00, s7;
	[smem:$0x7DD] =	sst s12  }
0x37: {  	s14 =	sadd.s32 $0xB000, s7;
	[smem:$0x7DE] =	sst s13  }
0x38: {  	s15 =	sadd.s32 $0xB400, s7;
	[smem:$0x7DF] =	sst s14  }
0x39: {  	s16 =	sadd.s32 $0xB800, s7;
	[smem:$0x7E0] =	sst s15  }
0x3a: {  	s17 =	sadd.s32 $0xBC00, s7;
	[smem:$0x7E1] =	sst s16  }
0x3b: {  	s18 =	sadd.s32 $0xC000, s7;
	[smem:$0x7E2] =	sst s17  }
0x3c: {  	s19 =	sadd.s32 $0xC400, s7;
	[smem:$0x7E3] =	sst s18  }
0x3d: {  	s20 =	sadd.s32 $0xC800, s7;
	[smem:$0x7E4] =	sst s19  }
0x3e: {  	s21 =	sadd.s32 $0xCC00, s7;
	[smem:$0x7E5] =	sst s20  }
0x3f: {  	s22 =	sadd.s32 $0xD000, s7;
	[smem:$0x7E6] =	sst s21  }
0x40: {  	s25 =	sadd.s32 $0xD800, s7;
	[smem:$0x7E7] =	sst s22  }
0x41: {  	s26 =	sadd.s32 $0xDC00, s7;
	[smem:$0x7E9] =	sst s25  }
0x42: {  	s9 =	sadd.s32 $0xE800, s7;
	[smem:$0x7EA] =	sst s26  }
0x43: {  	s24 =	sadd.s32 $0x12000, s7;
	[smem:$0x7ED] =	sst s9  }
0x44: {  	s2 =	sadd.s32 $0xE000, s7;
	[smem:$0x7FB] =	sst s24  }
0x45: {  	s8 =	sadd.s32 $0xE400, s7;
	[smem:$0x7EB] =	sst s2  }
0x46: {  	s10 =	sadd.s32 $0xEC00, s7;
	[smem:$0x7EC] =	sst s8  }
0x47: {  	s11 =	sadd.s32 $0xF000, s7;
	[smem:$0x7EE] =	sst s10  }
0x48: {  	s12 =	sadd.s32 $0xF400, s7;
	[smem:$0x7EF] =	sst s11  }
0x49: {  	s13 =	sadd.s32 $0xF800, s7;
	[smem:$0x7F0] =	sst s12  }
0x4a: {  	s14 =	sadd.s32 $0xFC00, s7;
	[smem:$0x7F1] =	sst s13  }
0x4b: {  	s15 =	sadd.s32 $0x10000, s7;
	[smem:$0x7F2] =	sst s14  }
0x4c: {  	s16 =	sadd.s32 $0x10400, s7;
	[smem:$0x7F3] =	sst s15  }
0x4d: {  	s17 =	sadd.s32 $0x10800, s7;
	[smem:$0x7F4] =	sst s16  }
0x4e: {  	s18 =	sadd.s32 $0x10C00, s7;
	[smem:$0x7F5] =	sst s17  }
0x4f: {  	s19 =	sadd.s32 $0x11000, s7;
	[smem:$0x7F6] =	sst s18  }
0x50: {  	s20 =	sadd.s32 $0x11400, s7;
	[smem:$0x7F7] =	sst s19  }
0x51: {  	s28 =	simm.s32 $0x2;
	s21 =	sadd.s32 $0x11800, s7;
	[smem:$0x7F8] =	sst s20  }
0x52: {  	s29 =	simm.s32 $0x1480;
	s22 =	sadd.s32 $0x11C00, s7;
	[smem:$0x7F9] =	sst s21  }
0x53: {  	s30 =	simm.s32 $0x4;
	s25 =	sadd.s32 $0x12400, s7;
	[smem:$0x7FA] =	sst s22  }
0x54: {  	s31 =	simm.s32 $0x1380;
	s26 =	sadd.s32 $0x12800, s7;
	[smem:$0x7FC] =	sst s25  }
0x55: {  	s0 =	simm.s32 $0x2700;
	s24 =	simm.s32 $0x1;
	[smem:$0x7FD] =	sst s26  }
0x56: {  	s12 =	sadd.s32 $0x12C00, s7;
	s13 =	sadd.s32 $0x13000, s7;
	s14 =	sadd.s32 $0x13400, s7  }
0x57: {  	s15 =	sadd.s32 $0x13800, s7;
	s16 =	sadd.s32 $0x13C00, s7;
	s17 =	simm.s32 $0xA800  }
0x58: {  	s18 =	simm.s32 $0x5;
	s19 =	simm.s32 $0x1400;
	s20 =	simm.s32 $0x80  }
0x59: {  	s21 =	simm.s32 $0x2800;
	s22 =	simm.s32 $0x6800;
	s25 =	simm.s32 $0x3  }
0x5a: {  	v0 =	vimm.f32 $0.0e+00;
	s26 =	simm.s32 $0x100;
	s2 =	simm.s32 $0x2780;
	s8 =	simm.s32 $0x0  }
.LBB2_1:
0x5b: {  	[tilespmem:$0xA800] =	vst v0  }
0x5c: {  	[tilespmem:$0xA810] =	vst v0  }
0x5d: {  	[tilespmem:$0xA820] =	vst v0  }
0x5e: {  	[tilespmem:$0xA830] =	vst v0  }
0x5f: {  	[tilespmem:$0xA840] =	vst v0  }
0x60: {  	[tilespmem:$0xA850] =	vst v0  }
0x61: {  	[tilespmem:$0xA860] =	vst v0  }
0x62: {  	[tilespmem:$0xA870] =	vst v0  }
0x63: {  	[tilespmem:$0xA880] =	vst v0  }
0x64: {  	[tilespmem:$0xA890] =	vst v0  }
0x65: {  	[tilespmem:$0xA8A0] =	vst v0  }
0x66: {  	[tilespmem:$0xA8B0] =	vst v0  }
0x67: {  	[tilespmem:$0xA8C0] =	vst v0  }
0x68: {  	[tilespmem:$0xA8D0] =	vst v0  }
0x69: {  	[tilespmem:$0xA8E0] =	vst v0  }
0x6a: {  	[tilespmem:$0xA8F0] =	vst v0  }
0x6b: {  	[tilespmem:$0xA900] =	vst v0  }
0x6c: {  	[tilespmem:$0xA910] =	vst v0  }
0x6d: {  	[tilespmem:$0xA920] =	vst v0  }
0x6e: {  	[tilespmem:$0xA930] =	vst v0  }
0x6f: {  	[tilespmem:$0xA940] =	vst v0  }
0x70: {  	[tilespmem:$0xA950] =	vst v0  }
0x71: {  	[tilespmem:$0xA960] =	vst v0  }
0x72: {  	[tilespmem:$0xA970] =	vst v0  }
0x73: {  	[tilespmem:$0xA980] =	vst v0  }
0x74: {  	[tilespmem:$0xA990] =	vst v0  }
0x75: {  	[tilespmem:$0xA9A0] =	vst v0  }
0x76: {  	[tilespmem:$0xA9B0] =	vst v0  }
0x77: {  	[tilespmem:$0xA9C0] =	vst v0  }
0x78: {  	[tilespmem:$0xA9D0] =	vst v0  }
0x79: {  	[tilespmem:$0xA9E0] =	vst v0  }
0x7a: {  	[tilespmem:$0xA9F0] =	vst v0  }
0x7b: {  	[tilespmem:$0xAA00] =	vst v0  }
0x7c: {  	[tilespmem:$0xAA10] =	vst v0  }
0x7d: {  	[tilespmem:$0xAA20] =	vst v0  }
0x7e: {  	[tilespmem:$0xAA30] =	vst v0  }
0x7f: {  	[tilespmem:$0xAA40] =	vst v0  }
0x80: {  	[tilespmem:$0xAA50] =	vst v0  }
0x81: {  	[tilespmem:$0xAA60] =	vst v0  }
0x82: {  	[tilespmem:$0xAA70] =	vst v0  }
0x83: {  	[tilespmem:$0xAA80] =	vst v0  }
0x84: {  	[tilespmem:$0xAA90] =	vst v0  }
0x85: {  	[tilespmem:$0xAAA0] =	vst v0  }
0x86: {  	[tilespmem:$0xAAB0] =	vst v0  }
0x87: {  	[tilespmem:$0xAAC0] =	vst v0  }
0x88: {  	[tilespmem:$0xAAD0] =	vst v0  }
0x89: {  	[tilespmem:$0xAAE0] =	vst v0  }
0x8a: {  	[tilespmem:$0xAAF0] =	vst v0  }
0x8b: {  	[tilespmem:$0xAB00] =	vst v0  }
0x8c: {  	[tilespmem:$0xAB10] =	vst v0  }
0x8d: {  	[tilespmem:$0xAB20] =	vst v0  }
0x8e: {  	[tilespmem:$0xAB30] =	vst v0  }
0x8f: {  	[tilespmem:$0xAB40] =	vst v0  }
0x90: {  	[tilespmem:$0xAB50] =	vst v0  }
0x91: {  	[tilespmem:$0xAB60] =	vst v0  }
0x92: {  	[tilespmem:$0xAB70] =	vst v0  }
0x93: {  	[tilespmem:$0xAB80] =	vst v0  }
0x94: {  	[tilespmem:$0xAB90] =	vst v0  }
0x95: {  	[tilespmem:$0xABA0] =	vst v0  }
0x96: {  	[tilespmem:$0xABB0] =	vst v0  }
0x97: {  	[tilespmem:$0xABC0] =	vst v0  }
0x98: {  	[tilespmem:$0xABD0] =	vst v0  }
0x99: {  	[tilespmem:$0xABE0] =	vst v0  }
0x9a: {  	[tilespmem:$0xABF0] =	vst v0  }
0x9b: {  	[spmem:s7] =	stream.linear.scatter [tilespmem:s17], [sflag:$0x5], $0x400, $0x38;
	[tilespmem:$0x1EC00] =	vst v63  }
0x9c: {  	_ =	swait.ge [sflag:s18], $0x400  }
0x9d: {  	[sflag:s18] =	ssyncset.done $0x0  }
0x9e: {  	s9 =	rddreg [dreg:$0x3];
	[sflag:s18] =	ssyncadd.s32 $0xFFFFFC00  }
0x9f: {  	[spmem:s9] =	stream.linear.scatter [tilespmem:s17], [sflag:$0x5], $0x400, $0x38;
	[tilespmem:$0x1EC00] =	vst v63  }
0xa0: {  	_ =	swait.ge [sflag:s18], $0x400  }
0xa1: {  	[sflag:s18] =	ssyncset.done $0x0  }
0xa2: {  	s11 =	rddreg [dreg:$0x4];
	[sflag:s18] =	ssyncadd.s32 $0xFFFFFC00  }
0xa3: {  	[spmem:s11] =	stream.linear.scatter [tilespmem:s17], [sflag:$0x5], $0x400, $0x38;
	[tilespmem:$0x1EC00] =	vst v63  }
0xa4: {  	_ =	swait.ge [sflag:s18], $0x400  }
0xa5: {  	[sflag:s18] =	ssyncset.done $0x0  }
0xa6: {  	s10 =	rddreg [dreg:$0x5];
	[sflag:s18] =	ssyncadd.s32 $0xFFFFFC00  }
0xa7: {  	[spmem:s10] =	stream.linear.scatter [tilespmem:s17], [sflag:$0x5], $0x400, $0x38;
	[tilespmem:$0x1EC00] =	vst v63  }
0xa8: {  	_ =	swait.ge [sflag:s18], $0x400  }
0xa9: {  	[sflag:s18] =	ssyncset.done $0x0  }
0xaa: {  	s11 =	rddreg [dreg:$0x6];
	[sflag:s18] =	ssyncadd.s32 $0xFFFFFC00  }
0xab: {  	[spmem:s11] =	stream.linear.scatter [tilespmem:s17], [sflag:$0x5], $0x400, $0x38;
	[tilespmem:$0x1EC00] =	vst v63  }
0xac: {  	_ =	swait.ge [sflag:s18], $0x400  }
0xad: {  	[sflag:s18] =	ssyncset.done $0x0  }
0xae: {  	s10 =	rddreg [dreg:$0x7];
	[sflag:s18] =	ssyncadd.s32 $0xFFFFFC00  }
0xaf: {  	[spmem:s10] =	stream.linear.scatter [tilespmem:s17], [sflag:$0x5], $0x400, $0x38;
	[tilespmem:$0x1EC00] =	vst v63  }
0xb0: {  	_ =	swait.ge [sflag:s18], $0x400  }
0xb1: {  	[sflag:s18] =	ssyncset.done $0x0  }
0xb2: {  	s11 =	rddreg [dreg:$0x8];
	[sflag:s18] =	ssyncadd.s32 $0xFFFFFC00  }
0xb3: {  	[spmem:s11] =	stream.linear.scatter [tilespmem:s17], [sflag:$0x5], $0x400, $0x38;
	[tilespmem:$0x1EC00] =	vst v63  }
0xb4: {  	_ =	swait.ge [sflag:s18], $0x400  }
0xb5: {  	[sflag:s18] =	ssyncset.done $0x0  }
0xb6: {  	s10 =	rddreg [dreg:$0x9];
	[sflag:s18] =	ssyncadd.s32 $0xFFFFFC00  }
0xb7: {  	[spmem:s10] =	stream.linear.scatter [tilespmem:s17], [sflag:$0x5], $0x400, $0x38;
	[tilespmem:$0x1EC00] =	vst v63  }
0xb8: {  	_ =	swait.ge [sflag:s18], $0x400  }
0xb9: {  	[sflag:s18] =	ssyncset.done $0x0  }
0xba: {  	s11 =	rddreg [dreg:$0xa];
	[sflag:s18] =	ssyncadd.s32 $0xFFFFFC00  }
0xbb: {  	[spmem:s11] =	stream.linear.scatter [tilespmem:s17], [sflag:$0x5], $0x400, $0x38;
	[tilespmem:$0x1EC00] =	vst v63  }
0xbc: {  	_ =	swait.ge [sflag:s18], $0x400  }
0xbd: {  	[sflag:s18] =	ssyncset.done $0x0  }
0xbe: {  	s10 =	rddreg [dreg:$0xb];
	[sflag:s18] =	ssyncadd.s32 $0xFFFFFC00  }
0xbf: {  	[spmem:s10] =	stream.linear.scatter [tilespmem:s17], [sflag:$0x5], $0x400, $0x38;
	[tilespmem:$0x1EC00] =	vst v63  }
0xc0: {  	_ =	swait.ge [sflag:s18], $0x400  }
0xc1: {  	[sflag:s18] =	ssyncset.done $0x0  }
0xc2: {  	s11 =	rddreg [dreg:$0xc];
	[sflag:s18] =	ssyncadd.s32 $0xFFFFFC00  }
0xc3: {  	[spmem:s11] =	stream.linear.scatter [tilespmem:s17], [sflag:$0x5], $0x400, $0x38;
	[tilespmem:$0x1EC00] =	vst v63  }
0xc4: {  	_ =	swait.ge [sflag:s18], $0x400  }
0xc5: {  	[sflag:s18] =	ssyncset.done $0x0  }
0xc6: {  	s10 =	rddreg [dreg:$0xd];
	[sflag:s18] =	ssyncadd.s32 $0xFFFFFC00  }
0xc7: {  	[spmem:s10] =	stream.linear.scatter [tilespmem:s17], [sflag:$0x5], $0x400, $0x38;
	[tilespmem:$0x1EC00] =	vst v63  }
0xc8: {  	_ =	swait.ge [sflag:s18], $0x400  }
0xc9: {  	[sflag:s18] =	ssyncset.done $0x0  }
0xca: {  	s11 =	rddreg [dreg:$0xe];
	[sflag:s18] =	ssyncadd.s32 $0xFFFFFC00  }
0xcb: {  	[spmem:s11] =	stream.linear.scatter [tilespmem:s17], [sflag:$0x5], $0x400, $0x38;
	[tilespmem:$0x1EC00] =	vst v63  }
0xcc: {  	_ =	swait.ge [sflag:s18], $0x400  }
0xcd: {  	[sflag:s18] =	ssyncset.done $0x0  }
0xce: {  	s10 =	rddreg [dreg:$0xf];
	[sflag:s18] =	ssyncadd.s32 $0xFFFFFC00  }
0xcf: {  	[spmem:s10] =	stream.linear.scatter [tilespmem:s17], [sflag:$0x5], $0x400, $0x38;
	[tilespmem:$0x1EC00] =	vst v63  }
0xd0: {  	_ =	swait.ge [sflag:s18], $0x400  }
0xd1: {  	[sflag:s18] =	ssyncset.done $0x0  }
0xd2: {  	s11 =	rddreg [dreg:$0x10];
	[sflag:s18] =	ssyncadd.s32 $0xFFFFFC00  }
0xd3: {  	[spmem:s11] =	stream.linear.scatter [tilespmem:s17], [sflag:$0x5], $0x400, $0x38;
	[tilespmem:$0x1EC00] =	vst v63  }
0xd4: {  	_ =	swait.ge [sflag:s18], $0x400  }
0xd5: {  	[sflag:s18] =	ssyncset.done $0x0  }
0xd6: {  	s10 =	rddreg [dreg:$0x11];
	[sflag:s18] =	ssyncadd.s32 $0xFFFFFC00  }
0xd7: {  	[spmem:s10] =	stream.linear.scatter [tilespmem:s17], [sflag:$0x5], $0x400, $0x38;
	[tilespmem:$0x1EC00] =	vst v63  }
0xd8: {  	_ =	swait.ge [sflag:s18], $0x400  }
0xd9: {  	[sflag:s18] =	ssyncset.done $0x0  }
0xda: {  	s11 =	rddreg [dreg:$0x14];
	[sflag:s18] =	ssyncadd.s32 $0xFFFFFC00  }
0xdb: {  	[spmem:s11] =	stream.linear.scatter [tilespmem:s17], [sflag:$0x5], $0x400, $0x38;
	[tilespmem:$0x1EC00] =	vst v63  }
0xdc: {  	_ =	swait.ge [sflag:s18], $0x400  }
0xdd: {  	[sflag:s18] =	ssyncset.done $0x0  }
0xde: {  	s10 =	rddreg [dreg:$0x15];
	[sflag:s18] =	ssyncadd.s32 $0xFFFFFC00  }
0xdf: {  	[spmem:s10] =	stream.linear.scatter [tilespmem:s17], [sflag:$0x5], $0x400, $0x38;
	[tilespmem:$0x1EC00] =	vst v63  }
0xe0: {  	_ =	swait.ge [sflag:s18], $0x400  }
0xe1: {  	[sflag:s18] =	ssyncset.done $0x0  }
0xe2: {  	s11 =	rddreg [dreg:$0x16];
	[sflag:s18] =	ssyncadd.s32 $0xFFFFFC00  }
0xe3: {  	[spmem:s11] =	stream.linear.scatter [tilespmem:s17], [sflag:$0x5], $0x400, $0x38;
	[tilespmem:$0x1EC00] =	vst v63  }
0xe4: {  	_ =	swait.ge [sflag:s18], $0x400  }
0xe5: {  	[sflag:s18] =	ssyncset.done $0x0  }
0xe6: {  	s10 =	rddreg [dreg:$0x17];
	[sflag:s18] =	ssyncadd.s32 $0xFFFFFC00  }
0xe7: {  	[spmem:s10] =	stream.linear.scatter [tilespmem:s17], [sflag:$0x5], $0x400, $0x38;
	[tilespmem:$0x1EC00] =	vst v63  }
0xe8: {  	_ =	swait.ge [sflag:s18], $0x400  }
0xe9: {  	[sflag:s18] =	ssyncset.done $0x0  }
0xea: {  	s11 =	rddreg [dreg:$0x18];
	[sflag:s18] =	ssyncadd.s32 $0xFFFFFC00  }
0xeb: {  	[spmem:s11] =	stream.linear.scatter [tilespmem:s17], [sflag:$0x5], $0x400, $0x38;
	[tilespmem:$0x1EC00] =	vst v63  }
0xec: {  	_ =	swait.ge [sflag:s18], $0x400  }
0xed: {  	[sflag:s18] =	ssyncset.done $0x0  }
0xee: {  	s10 =	rddreg [dreg:$0x19];
	[sflag:s18] =	ssyncadd.s32 $0xFFFFFC00  }
0xef: {  	[spmem:s10] =	stream.linear.scatter [tilespmem:s17], [sflag:$0x5], $0x400, $0x38;
	[tilespmem:$0x1EC00] =	vst v63  }
0xf0: {  	_ =	swait.ge [sflag:s18], $0x400  }
0xf1: {  	[sflag:s18] =	ssyncset.done $0x0  }
0xf2: {  	s11 =	rddreg [dreg:$0x1a];
	[sflag:s18] =	ssyncadd.s32 $0xFFFFFC00  }
0xf3: {  	[spmem:s11] =	stream.linear.scatter [tilespmem:s17], [sflag:$0x5], $0x400, $0x38;
	[tilespmem:$0x1EC00] =	vst v63  }
0xf4: {  	_ =	swait.ge [sflag:s18], $0x400  }
0xf5: {  	[sflag:s18] =	ssyncset.done $0x0  }
0xf6: {  	s10 =	rddreg [dreg:$0x1b];
	[sflag:s18] =	ssyncadd.s32 $0xFFFFFC00  }
0xf7: {  	[spmem:s10] =	stream.linear.scatter [tilespmem:s17], [sflag:$0x5], $0x400, $0x38;
	[tilespmem:$0x1EC00] =	vst v63  }
0xf8: {  	_ =	swait.ge [sflag:s18], $0x400  }
0xf9: {  	[sflag:s18] =	ssyncset.done $0x0  }
0xfa: {  	s11 =	rddreg [dreg:$0x1c];
	[sflag:s18] =	ssyncadd.s32 $0xFFFFFC00  }
0xfb: {  	[spmem:s11] =	stream.linear.scatter [tilespmem:s17], [sflag:$0x5], $0x400, $0x38;
	[tilespmem:$0x1EC00] =	vst v63  }
0xfc: {  	_ =	swait.ge [sflag:s18], $0x400  }
0xfd: {  	[sflag:s18] =	ssyncset.done $0x0  }
0xfe: {  	s10 =	rddreg [dreg:$0x1d];
	[sflag:s18] =	ssyncadd.s32 $0xFFFFFC00  }
0xff: {  	[spmem:s10] =	stream.linear.scatter [tilespmem:s17], [sflag:$0x5], $0x400, $0x38;
	[tilespmem:$0x1EC00] =	vst v63  }
0x100: {  	_ =	swait.ge [sflag:s18], $0x400  }
0x101: {  	[sflag:s18] =	ssyncset.done $0x0  }
0x102: {  	s11 =	rddreg [dreg:$0x1e];
	[sflag:s18] =	ssyncadd.s32 $0xFFFFFC00  }
0x103: {  	[spmem:s11] =	stream.linear.scatter [tilespmem:s17], [sflag:$0x5], $0x400, $0x38;
	[tilespmem:$0x1EC00] =	vst v63  }
0x104: {  	_ =	swait.ge [sflag:s18], $0x400  }
0x105: {  	[sflag:s18] =	ssyncset.done $0x0  }
0x106: {  	s10 =	rddreg [dreg:$0x1f];
	[sflag:s18] =	ssyncadd.s32 $0xFFFFFC00  }
0x107: {  	[spmem:s10] =	stream.linear.scatter [tilespmem:s17], [sflag:$0x5], $0x400, $0x38;
	[tilespmem:$0x1EC00] =	vst v63  }
0x108: {  	_ =	swait.ge [sflag:s18], $0x400  }
0x109: {  	s11 =	sld [smem:$0x7CF]  }
0x10a: {  	[sflag:s18] =	ssyncset.done $0x0  }
0x10b: {  	[sflag:s18] =	ssyncadd.s32 $0xFFFFFC00  }
0x10c: {  	[spmem:s11] =	stream.linear.scatter [tilespmem:s17], [sflag:$0x5], $0x400, $0x38;
	[tilespmem:$0x1EC00] =	vst v63  }
0x10d: {  	_ =	swait.ge [sflag:s18], $0x400  }
0x10e: {  	s10 =	sld [smem:$0x7D0]  }
0x10f: {  	[sflag:s18] =	ssyncset.done $0x0  }
0x110: {  	[sflag:s18] =	ssyncadd.s32 $0xFFFFFC00  }
0x111: {  	[spmem:s10] =	stream.linear.scatter [tilespmem:s17], [sflag:$0x5], $0x400, $0x38;
	[tilespmem:$0x1EC00] =	vst v63  }
0x112: {  	_ =	swait.ge [sflag:s18], $0x400  }
0x113: {  	s11 =	sld [smem:$0x7D1]  }
0x114: {  	[sflag:s18] =	ssyncset.done $0x0  }
0x115: {  	[sflag:s18] =	ssyncadd.s32 $0xFFFFFC00  }
0x116: {  	[spmem:s11] =	stream.linear.scatter [tilespmem:s17], [sflag:$0x5], $0x400, $0x38;
	[tilespmem:$0x1EC00] =	vst v63  }
0x117: {  	_ =	swait.ge [sflag:s18], $0x400  }
0x118: {  	s10 =	sld [smem:$0x7D2]  }
0x119: {  	[sflag:s18] =	ssyncset.done $0x0  }
0x11a: {  	[sflag:s18] =	ssyncadd.s32 $0xFFFFFC00  }
0x11b: {  	[spmem:s10] =	stream.linear.scatter [tilespmem:s17], [sflag:$0x5], $0x400, $0x38;
	[tilespmem:$0x1EC00] =	vst v63  }
0x11c: {  	_ =	swait.ge [sflag:s18], $0x400  }
0x11d: {  	s11 =	sld [smem:$0x7D3]  }
0x11e: {  	[sflag:s18] =	ssyncset.done $0x0  }
0x11f: {  	[sflag:s18] =	ssyncadd.s32 $0xFFFFFC00  }
0x120: {  	[spmem:s11] =	stream.linear.scatter [tilespmem:s17], [sflag:$0x5], $0x400, $0x38;
	[tilespmem:$0x1EC00] =	vst v63  }
0x121: {  	_ =	swait.ge [sflag:s18], $0x400  }
0x122: {  	s10 =	sld [smem:$0x7D4]  }
0x123: {  	[sflag:s18] =	ssyncset.done $0x0  }
0x124: {  	[sflag:s18] =	ssyncadd.s32 $0xFFFFFC00  }
0x125: {  	[spmem:s10] =	stream.linear.scatter [tilespmem:s17], [sflag:$0x5], $0x400, $0x38;
	[tilespmem:$0x1EC00] =	vst v63  }
0x126: {  	_ =	swait.ge [sflag:s18], $0x400  }
0x127: {  	s11 =	sld [smem:$0x7D5]  }
0x128: {  	[sflag:s18] =	ssyncset.done $0x0  }
0x129: {  	[sflag:s18] =	ssyncadd.s32 $0xFFFFFC00  }
0x12a: {  	[spmem:s11] =	stream.linear.scatter [tilespmem:s17], [sflag:$0x5], $0x400, $0x38;
	[tilespmem:$0x1EC00] =	vst v63  }
0x12b: {  	_ =	swait.ge [sflag:s18], $0x400  }
0x12c: {  	s10 =	sld [smem:$0x7D6]  }
0x12d: {  	[sflag:s18] =	ssyncset.done $0x0  }
0x12e: {  	[sflag:s18] =	ssyncadd.s32 $0xFFFFFC00  }
0x12f: {  	[spmem:s10] =	stream.linear.scatter [tilespmem:s17], [sflag:$0x5], $0x400, $0x38;
	[tilespmem:$0x1EC00] =	vst v63  }
0x130: {  	_ =	swait.ge [sflag:s18], $0x400  }
0x131: {  	s11 =	sld [smem:$0x7D7]  }
0x132: {  	[sflag:s18] =	ssyncset.done $0x0  }
0x133: {  	[sflag:s18] =	ssyncadd.s32 $0xFFFFFC00  }
0x134: {  	[spmem:s11] =	stream.linear.scatter [tilespmem:s17], [sflag:$0x5], $0x400, $0x38;
	[tilespmem:$0x1EC00] =	vst v63  }
0x135: {  	_ =	swait.ge [sflag:s18], $0x400  }
0x136: {  	s10 =	sld [smem:$0x7D8]  }
0x137: {  	[sflag:s18] =	ssyncset.done $0x0  }
0x138: {  	[sflag:s18] =	ssyncadd.s32 $0xFFFFFC00  }
0x139: {  	[spmem:s10] =	stream.linear.scatter [tilespmem:s17], [sflag:$0x5], $0x400, $0x38;
	[tilespmem:$0x1EC00] =	vst v63  }
0x13a: {  	_ =	swait.ge [sflag:s18], $0x400  }
0x13b: {  	s11 =	sld [smem:$0x7D9]  }
0x13c: {  	[sflag:s18] =	ssyncset.done $0x0  }
0x13d: {  	[sflag:s18] =	ssyncadd.s32 $0xFFFFFC00  }
0x13e: {  	[spmem:s11] =	stream.linear.scatter [tilespmem:s17], [sflag:$0x5], $0x400, $0x38;
	[tilespmem:$0x1EC00] =	vst v63  }
0x13f: {  	_ =	swait.ge [sflag:s18], $0x400  }
0x140: {  	s10 =	sld [smem:$0x7DA]  }
0x141: {  	[sflag:s18] =	ssyncset.done $0x0  }
0x142: {  	[sflag:s18] =	ssyncadd.s32 $0xFFFFFC00  }
0x143: {  	[spmem:s10] =	stream.linear.scatter [tilespmem:s17], [sflag:$0x5], $0x400, $0x38;
	[tilespmem:$0x1EC00] =	vst v63  }
0x144: {  	_ =	swait.ge [sflag:s18], $0x400  }
0x145: {  	s11 =	sld [smem:$0x7DB]  }
0x146: {  	[sflag:s18] =	ssyncset.done $0x0  }
0x147: {  	[sflag:s18] =	ssyncadd.s32 $0xFFFFFC00  }
0x148: {  	[spmem:s11] =	stream.linear.scatter [tilespmem:s17], [sflag:$0x5], $0x400, $0x38;
	[tilespmem:$0x1EC00] =	vst v63  }
0x149: {  	_ =	swait.ge [sflag:s18], $0x400  }
0x14a: {  	s10 =	sld [smem:$0x7DC]  }
0x14b: {  	[sflag:s18] =	ssyncset.done $0x0  }
0x14c: {  	[sflag:s18] =	ssyncadd.s32 $0xFFFFFC00  }
0x14d: {  	[spmem:s10] =	stream.linear.scatter [tilespmem:s17], [sflag:$0x5], $0x400, $0x38;
	[tilespmem:$0x1EC00] =	vst v63  }
0x14e: {  	_ =	swait.ge [sflag:s18], $0x400  }
0x14f: {  	s11 =	sld [smem:$0x7DD]  }
0x150: {  	[sflag:s18] =	ssyncset.done $0x0  }
0x151: {  	[sflag:s18] =	ssyncadd.s32 $0xFFFFFC00  }
0x152: {  	[spmem:s11] =	stream.linear.scatter [tilespmem:s17], [sflag:$0x5], $0x400, $0x38;
	[tilespmem:$0x1EC00] =	vst v63  }
0x153: {  	_ =	swait.ge [sflag:s18], $0x400  }
0x154: {  	s10 =	sld [smem:$0x7DE]  }
0x155: {  	[sflag:s18] =	ssyncset.done $0x0  }
0x156: {  	[sflag:s18] =	ssyncadd.s32 $0xFFFFFC00  }
0x157: {  	[spmem:s10] =	stream.linear.scatter [tilespmem:s17], [sflag:$0x5], $0x400, $0x38;
	[tilespmem:$0x1EC00] =	vst v63  }
0x158: {  	_ =	swait.ge [sflag:s18], $0x400  }
0x159: {  	s11 =	sld [smem:$0x7DF]  }
0x15a: {  	[sflag:s18] =	ssyncset.done $0x0  }
0x15b: {  	[sflag:s18] =	ssyncadd.s32 $0xFFFFFC00  }
0x15c: {  	[spmem:s11] =	stream.linear.scatter [tilespmem:s17], [sflag:$0x5], $0x400, $0x38;
	[tilespmem:$0x1EC00] =	vst v63  }
0x15d: {  	_ =	swait.ge [sflag:s18], $0x400  }
0x15e: {  	s10 =	sld [smem:$0x7E0]  }
0x15f: {  	[sflag:s18] =	ssyncset.done $0x0  }
0x160: {  	[sflag:s18] =	ssyncadd.s32 $0xFFFFFC00  }
0x161: {  	[spmem:s10] =	stream.linear.scatter [tilespmem:s17], [sflag:$0x5], $0x400, $0x38;
	[tilespmem:$0x1EC00] =	vst v63  }
0x162: {  	_ =	swait.ge [sflag:s18], $0x400  }
0x163: {  	s11 =	sld [smem:$0x7E1]  }
0x164: {  	[sflag:s18] =	ssyncset.done $0x0  }
0x165: {  	[sflag:s18] =	ssyncadd.s32 $0xFFFFFC00  }
0x166: {  	[spmem:s11] =	stream.linear.scatter [tilespmem:s17], [sflag:$0x5], $0x400, $0x38;
	[tilespmem:$0x1EC00] =	vst v63  }
0x167: {  	_ =	swait.ge [sflag:s18], $0x400  }
0x168: {  	s10 =	sld [smem:$0x7E2]  }
0x169: {  	[sflag:s18] =	ssyncset.done $0x0  }
0x16a: {  	[sflag:s18] =	ssyncadd.s32 $0xFFFFFC00  }
0x16b: {  	[spmem:s10] =	stream.linear.scatter [tilespmem:s17], [sflag:$0x5], $0x400, $0x38;
	[tilespmem:$0x1EC00] =	vst v63  }
0x16c: {  	_ =	swait.ge [sflag:s18], $0x400  }
0x16d: {  	s11 =	sld [smem:$0x7E3]  }
0x16e: {  	[sflag:s18] =	ssyncset.done $0x0  }
0x16f: {  	[sflag:s18] =	ssyncadd.s32 $0xFFFFFC00  }
0x170: {  	[spmem:s11] =	stream.linear.scatter [tilespmem:s17], [sflag:$0x5], $0x400, $0x38;
	[tilespmem:$0x1EC00] =	vst v63  }
0x171: {  	_ =	swait.ge [sflag:s18], $0x400  }
0x172: {  	s10 =	sld [smem:$0x7E4]  }
0x173: {  	[sflag:s18] =	ssyncset.done $0x0  }
0x174: {  	[sflag:s18] =	ssyncadd.s32 $0xFFFFFC00  }
0x175: {  	[spmem:s10] =	stream.linear.scatter [tilespmem:s17], [sflag:$0x5], $0x400, $0x38;
	[tilespmem:$0x1EC00] =	vst v63  }
0x176: {  	_ =	swait.ge [sflag:s18], $0x400  }
0x177: {  	s11 =	sld [smem:$0x7E5]  }
0x178: {  	[sflag:s18] =	ssyncset.done $0x0  }
0x179: {  	[sflag:s18] =	ssyncadd.s32 $0xFFFFFC00  }
0x17a: {  	[spmem:s11] =	stream.linear.scatter [tilespmem:s17], [sflag:$0x5], $0x400, $0x38;
	[tilespmem:$0x1EC00] =	vst v63  }
0x17b: {  	_ =	swait.ge [sflag:s18], $0x400  }
0x17c: {  	s10 =	sld [smem:$0x7E6]  }
0x17d: {  	[sflag:s18] =	ssyncset.done $0x0  }
0x17e: {  	[sflag:s18] =	ssyncadd.s32 $0xFFFFFC00  }
0x17f: {  	[spmem:s10] =	stream.linear.scatter [tilespmem:s17], [sflag:$0x5], $0x400, $0x38;
	[tilespmem:$0x1EC00] =	vst v63  }
0x180: {  	_ =	swait.ge [sflag:s18], $0x400  }
0x181: {  	s11 =	sld [smem:$0x7E7]  }
0x182: {  	[sflag:s18] =	ssyncset.done $0x0  }
0x183: {  	[sflag:s18] =	ssyncadd.s32 $0xFFFFFC00  }
0x184: {  	[spmem:s11] =	stream.linear.scatter [tilespmem:s17], [sflag:$0x5], $0x400, $0x38;
	[tilespmem:$0x1EC00] =	vst v63  }
0x185: {  	_ =	swait.ge [sflag:s18], $0x400  }
0x186: {  	s10 =	sld [smem:$0x7E8]  }
0x187: {  	[sflag:s18] =	ssyncset.done $0x0  }
0x188: {  	[sflag:s18] =	ssyncadd.s32 $0xFFFFFC00  }
0x189: {  	[spmem:s10] =	stream.linear.scatter [tilespmem:s17], [sflag:$0x5], $0x400, $0x38;
	[tilespmem:$0x1EC00] =	vst v63  }
0x18a: {  	_ =	swait.ge [sflag:s18], $0x400  }
0x18b: {  	s11 =	sld [smem:$0x7E9]  }
0x18c: {  	[sflag:s18] =	ssyncset.done $0x0  }
0x18d: {  	[sflag:s18] =	ssyncadd.s32 $0xFFFFFC00  }
0x18e: {  	[spmem:s11] =	stream.linear.scatter [tilespmem:s17], [sflag:$0x5], $0x400, $0x38;
	[tilespmem:$0x1EC00] =	vst v63  }
0x18f: {  	_ =	swait.ge [sflag:s18], $0x400  }
0x190: {  	s10 =	sld [smem:$0x7EA]  }
0x191: {  	[sflag:s18] =	ssyncset.done $0x0  }
0x192: {  	[sflag:s18] =	ssyncadd.s32 $0xFFFFFC00  }
0x193: {  	[spmem:s10] =	stream.linear.scatter [tilespmem:s17], [sflag:$0x5], $0x400, $0x38;
	[tilespmem:$0x1EC00] =	vst v63  }
0x194: {  	_ =	swait.ge [sflag:s18], $0x400  }
0x195: {  	s11 =	sld [smem:$0x7EB]  }
0x196: {  	[sflag:s18] =	ssyncset.done $0x0  }
0x197: {  	[sflag:s18] =	ssyncadd.s32 $0xFFFFFC00  }
0x198: {  	[spmem:s11] =	stream.linear.scatter [tilespmem:s17], [sflag:$0x5], $0x400, $0x38;
	[tilespmem:$0x1EC00] =	vst v63  }
0x199: {  	_ =	swait.ge [sflag:s18], $0x400  }
0x19a: {  	s10 =	sld [smem:$0x7EC]  }
0x19b: {  	[sflag:s18] =	ssyncset.done $0x0  }
0x19c: {  	[sflag:s18] =	ssyncadd.s32 $0xFFFFFC00  }
0x19d: {  	[spmem:s10] =	stream.linear.scatter [tilespmem:s17], [sflag:$0x5], $0x400, $0x38;
	[tilespmem:$0x1EC00] =	vst v63  }
0x19e: {  	_ =	swait.ge [sflag:s18], $0x400  }
0x19f: {  	s11 =	sld [smem:$0x7ED]  }
0x1a0: {  	[sflag:s18] =	ssyncset.done $0x0  }
0x1a1: {  	[sflag:s18] =	ssyncadd.s32 $0xFFFFFC00  }
0x1a2: {  	[spmem:s11] =	stream.linear.scatter [tilespmem:s17], [sflag:$0x5], $0x400, $0x38;
	[tilespmem:$0x1EC00] =	vst v63  }
0x1a3: {  	_ =	swait.ge [sflag:s18], $0x400  }
0x1a4: {  	s10 =	sld [smem:$0x7EE]  }
0x1a5: {  	[sflag:s18] =	ssyncset.done $0x0  }
0x1a6: {  	[sflag:s18] =	ssyncadd.s32 $0xFFFFFC00  }
0x1a7: {  	[spmem:s10] =	stream.linear.scatter [tilespmem:s17], [sflag:$0x5], $0x400, $0x38;
	[tilespmem:$0x1EC00] =	vst v63  }
0x1a8: {  	_ =	swait.ge [sflag:s18], $0x400  }
0x1a9: {  	s11 =	sld [smem:$0x7EF]  }
0x1aa: {  	[sflag:s18] =	ssyncset.done $0x0  }
0x1ab: {  	[sflag:s18] =	ssyncadd.s32 $0xFFFFFC00  }
0x1ac: {  	[spmem:s11] =	stream.linear.scatter [tilespmem:s17], [sflag:$0x5], $0x400, $0x38;
	[tilespmem:$0x1EC00] =	vst v63  }
0x1ad: {  	_ =	swait.ge [sflag:s18], $0x400  }
0x1ae: {  	s10 =	sld [smem:$0x7F0]  }
0x1af: {  	[sflag:s18] =	ssyncset.done $0x0  }
0x1b0: {  	[sflag:s18] =	ssyncadd.s32 $0xFFFFFC00  }
0x1b1: {  	[spmem:s10] =	stream.linear.scatter [tilespmem:s17], [sflag:$0x5], $0x400, $0x38;
	[tilespmem:$0x1EC00] =	vst v63  }
0x1b2: {  	_ =	swait.ge [sflag:s18], $0x400  }
0x1b3: {  	s11 =	sld [smem:$0x7F1]  }
0x1b4: {  	[sflag:s18] =	ssyncset.done $0x0  }
0x1b5: {  	[sflag:s18] =	ssyncadd.s32 $0xFFFFFC00  }
0x1b6: {  	[spmem:s11] =	stream.linear.scatter [tilespmem:s17], [sflag:$0x5], $0x400, $0x38;
	[tilespmem:$0x1EC00] =	vst v63  }
0x1b7: {  	_ =	swait.ge [sflag:s18], $0x400  }
0x1b8: {  	s10 =	sld [smem:$0x7F2]  }
0x1b9: {  	[sflag:s18] =	ssyncset.done $0x0  }
0x1ba: {  	[sflag:s18] =	ssyncadd.s32 $0xFFFFFC00  }
0x1bb: {  	[spmem:s10] =	stream.linear.scatter [tilespmem:s17], [sflag:$0x5], $0x400, $0x38;
	[tilespmem:$0x1EC00] =	vst v63  }
0x1bc: {  	_ =	swait.ge [sflag:s18], $0x400  }
0x1bd: {  	s11 =	sld [smem:$0x7F3]  }
0x1be: {  	[sflag:s18] =	ssyncset.done $0x0  }
0x1bf: {  	[sflag:s18] =	ssyncadd.s32 $0xFFFFFC00  }
0x1c0: {  	[spmem:s11] =	stream.linear.scatter [tilespmem:s17], [sflag:$0x5], $0x400, $0x38;
	[tilespmem:$0x1EC00] =	vst v63  }
0x1c1: {  	_ =	swait.ge [sflag:s18], $0x400  }
0x1c2: {  	s10 =	sld [smem:$0x7F4]  }
0x1c3: {  	[sflag:s18] =	ssyncset.done $0x0  }
0x1c4: {  	[sflag:s18] =	ssyncadd.s32 $0xFFFFFC00  }
0x1c5: {  	[spmem:s10] =	stream.linear.scatter [tilespmem:s17], [sflag:$0x5], $0x400, $0x38;
	[tilespmem:$0x1EC00] =	vst v63  }
0x1c6: {  	_ =	swait.ge [sflag:s18], $0x400  }
0x1c7: {  	s11 =	sld [smem:$0x7F5]  }
0x1c8: {  	[sflag:s18] =	ssyncset.done $0x0  }
0x1c9: {  	[sflag:s18] =	ssyncadd.s32 $0xFFFFFC00  }
0x1ca: {  	[spmem:s11] =	stream.linear.scatter [tilespmem:s17], [sflag:$0x5], $0x400, $0x38;
	[tilespmem:$0x1EC00] =	vst v63  }
0x1cb: {  	_ =	swait.ge [sflag:s18], $0x400  }
0x1cc: {  	s10 =	sld [smem:$0x7F6]  }
0x1cd: {  	[sflag:s18] =	ssyncset.done $0x0  }
0x1ce: {  	[sflag:s18] =	ssyncadd.s32 $0xFFFFFC00  }
0x1cf: {  	[spmem:s10] =	stream.linear.scatter [tilespmem:s17], [sflag:$0x5], $0x400, $0x38;
	[tilespmem:$0x1EC00] =	vst v63  }
0x1d0: {  	_ =	swait.ge [sflag:s18], $0x400  }
0x1d1: {  	s11 =	sld [smem:$0x7F7]  }
0x1d2: {  	[sflag:s18] =	ssyncset.done $0x0  }
0x1d3: {  	[sflag:s18] =	ssyncadd.s32 $0xFFFFFC00  }
0x1d4: {  	[spmem:s11] =	stream.linear.scatter [tilespmem:s17], [sflag:$0x5], $0x400, $0x38;
	[tilespmem:$0x1EC00] =	vst v63  }
0x1d5: {  	_ =	swait.ge [sflag:s18], $0x400  }
0x1d6: {  	s10 =	sld [smem:$0x7F8]  }
0x1d7: {  	[sflag:s18] =	ssyncset.done $0x0  }
0x1d8: {  	[sflag:s18] =	ssyncadd.s32 $0xFFFFFC00  }
0x1d9: {  	[spmem:s10] =	stream.linear.scatter [tilespmem:s17], [sflag:$0x5], $0x400, $0x38;
	[tilespmem:$0x1EC00] =	vst v63  }
0x1da: {  	_ =	swait.ge [sflag:s18], $0x400  }
0x1db: {  	s11 =	sld [smem:$0x7F9]  }
0x1dc: {  	[sflag:s18] =	ssyncset.done $0x0  }
0x1dd: {  	[sflag:s18] =	ssyncadd.s32 $0xFFFFFC00  }
0x1de: {  	[spmem:s11] =	stream.linear.scatter [tilespmem:s17], [sflag:$0x5], $0x400, $0x38;
	[tilespmem:$0x1EC00] =	vst v63  }
0x1df: {  	_ =	swait.ge [sflag:s18], $0x400  }
0x1e0: {  	s10 =	sld [smem:$0x7FA]  }
0x1e1: {  	[sflag:s18] =	ssyncset.done $0x0  }
0x1e2: {  	[sflag:s18] =	ssyncadd.s32 $0xFFFFFC00  }
0x1e3: {  	[spmem:s10] =	stream.linear.scatter [tilespmem:s17], [sflag:$0x5], $0x400, $0x38;
	[tilespmem:$0x1EC00] =	vst v63  }
0x1e4: {  	_ =	swait.ge [sflag:s18], $0x400  }
0x1e5: {  	s11 =	sld [smem:$0x7FB]  }
0x1e6: {  	[sflag:s18] =	ssyncset.done $0x0  }
0x1e7: {  	[sflag:s18] =	ssyncadd.s32 $0xFFFFFC00  }
0x1e8: {  	[spmem:s11] =	stream.linear.scatter [tilespmem:s17], [sflag:$0x5], $0x400, $0x38;
	[tilespmem:$0x1EC00] =	vst v63  }
0x1e9: {  	_ =	swait.ge [sflag:s18], $0x400  }
0x1ea: {  	s10 =	sld [smem:$0x7FC]  }
0x1eb: {  	[sflag:s18] =	ssyncset.done $0x0  }
0x1ec: {  	[sflag:s18] =	ssyncadd.s32 $0xFFFFFC00  }
0x1ed: {  	[spmem:s10] =	stream.linear.scatter [tilespmem:s17], [sflag:$0x5], $0x400, $0x38;
	[tilespmem:$0x1EC00] =	vst v63  }
0x1ee: {  	_ =	swait.ge [sflag:s18], $0x400  }
0x1ef: {  	s11 =	sld [smem:$0x7FD]  }
0x1f0: {  	[sflag:s18] =	ssyncset.done $0x0  }
0x1f1: {  	[sflag:s18] =	ssyncadd.s32 $0xFFFFFC00  }
0x1f2: {  	[spmem:s11] =	stream.linear.scatter [tilespmem:s17], [sflag:$0x5], $0x400, $0x38;
	[tilespmem:$0x1EC00] =	vst v63  }
0x1f3: {  	_ =	swait.ge [sflag:s18], $0x400  }
0x1f4: {  	[sflag:s18] =	ssyncset.done $0x0  }
0x1f5: {  	[sflag:s18] =	ssyncadd.s32 $0xFFFFFC00  }
0x1f6: {  	[spmem:s12] =	stream.linear.scatter [tilespmem:s17], [sflag:$0x5], $0x400, $0x38;
	[tilespmem:$0x1EC00] =	vst v63  }
0x1f7: {  	_ =	swait.ge [sflag:s18], $0x400  }
0x1f8: {  	[sflag:s18] =	ssyncset.done $0x0  }
0x1f9: {  	[sflag:s18] =	ssyncadd.s32 $0xFFFFFC00  }
0x1fa: {  	[spmem:s13] =	stream.linear.scatter [tilespmem:s17], [sflag:$0x5], $0x400, $0x38;
	[tilespmem:$0x1EC00] =	vst v63  }
0x1fb: {  	_ =	swait.ge [sflag:s18], $0x400  }
0x1fc: {  	[sflag:s18] =	ssyncset.done $0x0  }
0x1fd: {  	[sflag:s18] =	ssyncadd.s32 $0xFFFFFC00  }
0x1fe: {  	[spmem:s14] =	stream.linear.scatter [tilespmem:s17], [sflag:$0x5], $0x400, $0x38;
	[tilespmem:$0x1EC00] =	vst v63  }
0x1ff: {  	_ =	swait.ge [sflag:s18], $0x400  }
0x200: {  	[sflag:s18] =	ssyncset.done $0x0  }
0x201: {  	[sflag:s18] =	ssyncadd.s32 $0xFFFFFC00  }
0x202: {  	[spmem:s15] =	stream.linear.scatter [tilespmem:s17], [sflag:$0x5], $0x400, $0x38;
	[tilespmem:$0x1EC00] =	vst v63  }
0x203: {  	_ =	swait.ge [sflag:s18], $0x400  }
0x204: {  	[sflag:s18] =	ssyncset.done $0x0  }
0x205: {  	[sflag:s18] =	ssyncadd.s32 $0xFFFFFC00  }
0x206: {  	[spmem:s16] =	stream.linear.scatter [tilespmem:s17], [sflag:$0x5], $0x400, $0x38;
	[tilespmem:$0x1EC00] =	vst v63  }
0x207: {  	_ =	swait.ge [sflag:s18], $0x400  }
0x208: {  	[sflag:s18] =	ssyncset.done $0x0  }
0x209: {  	[sflag:s18] =	ssyncadd.s32 $0xFFFFFC00  }
0x20a: {  	p1 =	por $0x1, $0x1;
	s9 =	simm.s32 $0x0;
	[bflag:$0x0] =	sbarrier.arrive $0xFFFF  }
.LBB2_2:
0x20b: {  	s9 =	sadd.s32 s23, s9  }
0x20c: {  	s9 =	sshll.u32 s9, $0x4  }
0x20d: {  	s10 =	sadd.s32 s5, s9  }
0x20e: {  	[tilespmem:s3], [sflag:$0x5] =	stream.linear.gather [hbm4b:s10+s3], $0x1400, $0x38;
	[tilespmem:$0x1EC00] =	vst v63  }
0x20f: {  	_ =	swait.ge [sflag:s18], $0x1400  }
0x210: {  	[sflag:s18] =	ssyncset.done $0x0  }
0x211: {  	s9 =	sadd.s32 s6, s9;
	[sflag:s18] =	ssyncadd.s32 $0xFFFFEC00  }
0x212: {  	[tilespmem:s19], [sflag:$0x5] =	stream.linear.gather [hbm4b:s9+s3], $0x1400, $0x38;
	[tilespmem:$0x1EC00] =	vst v63  }
0x213: {  	_ =	swait.ge [sflag:s18], $0x1400  }
0x214: {  	[sflag:s18] =	ssyncset.done $0x0  }
0x215: {  	[sflag:s18] =	ssyncadd.s32 $0xFFFFEC00  }
0x216: {  	[tilespmem:s21], [sflag:$0x1] =	stream.indirect.gather [hbm4b:s4+s20], $0x80, s3, s20, $0xb8;
	[tilespmem:$0x1EC00] =	vst v63  }
0x217: {  	_ = 	snop  }
0x218: {  	[tilespmem:s22], [sflag:$0x2] =	stream.indirect.gather [hbm4b:s4+s20], $0x80, s20, s20, $0xb8;
	[tilespmem:$0x1EC00] =	vst v63  }
0x219: {  	_ =	swait.ge [sflag:s24], $0x4000  }
0x21a: {  	[sflag:s24] =	ssyncset.done $0x0  }
0x21b: {  	[sflag:s24] =	ssyncadd.s32 $0xFFFFC000  }
0x21c: {  	[spmem:s1] =	stream.indirect.scatter.add.f32 [tilespmem:s21], [sflag:$0x3], $0x80, s19, s20, $0xb8;
	[tilespmem:$0x1EC00] =	vst v63  }
0x21d: {  	_ =	swait.ge [sflag:s25], $0x4000  }
0x21e: {  	[sflag:s25] =	ssyncset.done $0x0  }
0x21f: {  	[sflag:s25] =	ssyncadd.s32 $0xFFFFC000  }
0x220: {  	[tilespmem:s21], [sflag:$0x1] =	stream.indirect.gather [hbm4b:s4+s20], $0x80, s26, s20, $0xb8;
	[tilespmem:$0x1EC00] =	vst v63  }
0x221: {  	_ =	swait.ge [sflag:s28], $0x4000  }
0x222: {  	[sflag:s28] =	ssyncset.done $0x0  }
0x223: {  	[sflag:s28] =	ssyncadd.s32 $0xFFFFC000  }
0x224: {  	[spmem:s1] =	stream.indirect.scatter.add.f32 [tilespmem:s22], [sflag:$0x4], $0x80, s29, s20, $0xb8;
	[tilespmem:$0x1EC00] =	vst v63  }
0x225: {  	_ =	swait.ge [sflag:s30], $0x4000  }
0x226: {  	[sflag:s30] =	ssyncset.done $0x0  }
0x227: {  	s11 =	simm.s32 $0x180;
	[sflag:s30] =	ssyncadd.s32 $0xFFFFC000  }
0x228: {  	[tilespmem:s22], [sflag:$0x2] =	stream.indirect.gather [hbm4b:s4+s20], $0x80, s11, s20, $0xb8;
	[tilespmem:$0x1EC00] =	vst v63  }
0x229: {  	_ =	swait.ge [sflag:s24], $0x4000  }
0x22a: {  	[sflag:s24] =	ssyncset.done $0x0  }
0x22b: {  	s10 =	simm.s32 $0x1500;
	[sflag:s24] =	ssyncadd.s32 $0xFFFFC000  }
0x22c: {  	[spmem:s1] =	stream.indirect.scatter.add.f32 [tilespmem:s21], [sflag:$0x3], $0x80, s10, s20, $0xb8;
	[tilespmem:$0x1EC00] =	vst v63  }
0x22d: {  	_ =	swait.ge [sflag:s25], $0x4000  }
0x22e: {  	[sflag:s25] =	ssyncset.done $0x0  }
0x22f: {  	s11 =	simm.s32 $0x200;
	[sflag:s25] =	ssyncadd.s32 $0xFFFFC000  }
0x230: {  	[tilespmem:s21], [sflag:$0x1] =	stream.indirect.gather [hbm4b:s4+s20], $0x80, s11, s20, $0xb8;
	[tilespmem:$0x1EC00] =	vst v63  }
0x231: {  	_ =	swait.ge [sflag:s28], $0x4000  }
0x232: {  	p0 =	por p1, p1;
	[sflag:s28] =	ssyncset.done $0x0  }
0x233: {  	s9 =	simm.s32 $0xFFFFBC00;
	s10 =	simm.s32 $0x1580;
	[sflag:s28] =	ssyncadd.s32 $0xFFFFC000  }
.LBB2_3:
0x234: {  	[spmem:s1] =	stream.indirect.scatter.add.f32 [tilespmem:s22], [sflag:$0x4], $0x80, s10, s20, $0xb8;
	[tilespmem:$0x1EC00] =	vst v63  }
0x235: {  	s10 =	smov.u32 s9  }
0x236: {  	p1 =	sne.s32 s9, $0xFFFFFC00;
	s9 =	sadd.s32 $0x400, s9;
	_ =	swait.ge [sflag:s30], $0x4000  }
0x237: {  	s10 =	sshra.s32 s10, $0x2;
	[sflag:s30] =	ssyncset.done $0x0  }
0x238: {  	s11 =	sadd.s32 $0x1380, s10;
	[sflag:s30] =	ssyncadd.s32 $0xFFFFC000  }
0x239: {  	[tilespmem:s22], [sflag:$0x2] =	stream.indirect.gather [hbm4b:s4+s20], $0x80, s11, s20, $0xb8;
	[tilespmem:$0x1EC00] =	vst v63  }
0x23a: {  	_ =	swait.ge [sflag:s24], $0x4000  }
0x23b: {  	[sflag:s24] =	ssyncset.done $0x0  }
0x23c: {  	s11 =	sadd.s32 $0x2700, s10;
	[sflag:s24] =	ssyncadd.s32 $0xFFFFC000  }
0x23d: {  	[spmem:s1] =	stream.indirect.scatter.add.f32 [tilespmem:s21], [sflag:$0x3], $0x80, s11, s20, $0xb8;
	[tilespmem:$0x1EC00] =	vst v63  }
0x23e: {  	_ =	swait.ge [sflag:s25], $0x4000  }
0x23f: {  	[sflag:s25] =	ssyncset.done $0x0  }
.Ltmp0:
0x240: {  	s11 =	sadd.s32 $0x1400, s10;
	[sflag:s25] =	ssyncadd.s32 $0xFFFFC000;
	(pc) =	sbr.rel @p1 .LBB2_3-.Ltmp0, $4  }
0x241: {  	[tilespmem:s21], [sflag:$0x1] =	stream.indirect.gather [hbm4b:s4+s20], $0x80, s11, s20, $0xb8;
	[tilespmem:$0x1EC00] =	vst v63  }
0x242: {  	_ =	swait.ge [sflag:s28], $0x4000  }
0x243: {  	[sflag:s28] =	ssyncset.done $0x0  }
0x244: {  	s10 =	sadd.s32 $0x2780, s10;
	[sflag:s28] =	ssyncadd.s32 $0xFFFFC000  }
0x245: {  	[spmem:s1] =	stream.indirect.scatter.add.f32 [tilespmem:s22], [sflag:$0x4], $0x80, s10, s20, $0xb8;
	[tilespmem:$0x1EC00] =	vst v63  }
0x246: {  	_ =	swait.ge [sflag:s30], $0x4000  }
0x247: {  	[sflag:s30] =	ssyncset.done $0x0  }
0x248: {  	[sflag:s30] =	ssyncadd.s32 $0xFFFFC000  }
0x249: {  	[tilespmem:s22], [sflag:$0x2] =	stream.indirect.gather [hbm4b:s4+s20], $0x80, s31, s20, $0xb8;
	[tilespmem:$0x1EC00] =	vst v63  }
0x24a: {  	_ =	swait.ge [sflag:s24], $0x4000  }
0x24b: {  	[sflag:s24] =	ssyncset.done $0x0  }
0x24c: {  	[sflag:s24] =	ssyncadd.s32 $0xFFFFC000  }
0x24d: {  	[spmem:s1] =	stream.indirect.scatter.add.f32 [tilespmem:s21], [sflag:$0x3], $0x80, s0, s20, $0xb8;
	[tilespmem:$0x1EC00] =	vst v63  }
0x24e: {  	_ =	swait.ge [sflag:s28], $0x4000  }
0x24f: {  	[sflag:s28] =	ssyncset.done $0x0  }
0x250: {  	[sflag:s28] =	ssyncadd.s32 $0xFFFFC000  }
0x251: {  	[spmem:s1] =	stream.indirect.scatter.add.f32 [tilespmem:s22], [sflag:$0x4], $0x80, s2, s20, $0xb8;
	[tilespmem:$0x1EC00] =	vst v63  }
0x252: {  	_ =	swait.ge [sflag:s25], $0x4000  }
.Ltmp1:
0x253: {  	[sflag:s25] =	ssyncset.done $0x0;
	(pc) =	sbr.rel @p0 .LBB2_2-.Ltmp1, $4  }
0x254: {  	[sflag:s25] =	ssyncadd.s32 $0xFFFFC000  }
0x255: {  	_ =	swait.ge [sflag:s30], $0x4000  }
0x256: {  	[sflag:s30] =	ssyncset.done $0x0  }
0x257: {  	s9 =	simm.s32 $0x28;
	p1 =	por $0x0, $0x0;
	[sflag:s30] =	ssyncadd.s32 $0xFFFFC000  }
0x258: {  	s9 =	stileid.u32  }
0x259: {  	[bflag:$0x0] =	sbarrier.arrive $0xFFFF;
	s9 =	sshll.u32 s9, $0x6  }
0x25a: {  	s10 =	sshrl.u32 s7, $0x3;
	s11 =	rddreg [dreg:$0x12];
	s9 =	sor.u32 $0x1C05, s9  }
0x25b: {  	[hbm:s11], [sflag:s9] =	dma.local [spmem:s10], $0x2800  }
0x25c: {  	_ =	swait.ge [sflag:s18], $0x2800  }
0x25d: {  	s8 =	sadd.s32 $0x1, s8;
	s11 =	rddreg [dreg:$0x13]  }
0x25e: {  	p0 =	sne.s32 s8, s11  }
.Ltmp2:
0x25f: {  	_ = 	snop;
	(pc) =	sbr.rel @p0 .LBB2_1-.Ltmp2, $3  }
0x260: {  	_ =	sdelay $0x1  }
0x261: {  	[sflag:s18] =	ssyncset.done $0x0  }
0x262: {  	[sflag:s18] =	ssyncadd.s32 $0xFFFFD800  }
0x263: {  	_ =	sfence.sel $0x180000  }
0x264: {  	[bflag:$0x0] =	sbarrier.arrive $0xFFFF  }
0x265: {  	_ =	strace $0x9000004A  }
0x266: {  	s0 =	stileid.u32;
	[bflag:$0x2] =	sbarrier.arrive $0xFFFF  }
0x267: {  	p0 =	sne.s32 s0, $0x0;
	s0 =	rddreg [dreg:$0x2]  }
0x268: {  	s0 =	sadd.s32 @!p0 $0x100000, s0  }
0x269: {  	[sflag:s0] =	ssyncadd.tile.s32 @!p0 $0x1;
	_ =	shalt  }
.Lfunc_end2:
_tile_overlayer_lowered:
.L_overlay_start_2:
0x26a: {  	(tag) =	ssettag $0x2  }
0x26b: {  	s0 =	rddreg [dreg:$0x0];
	s2 =	stileid.u32  }
0x26c: {  	s1 =	rddreg [dreg:$0x1];
	p0 =	sne.s32 s2, $0x0  }
0x26d: {  	s3 =	rddreg [dreg:$0x2];
	[bflag:$0x3] =	sbarrier.arrive $0xFFFF;
	s2 =	simm.s32 @!p0 $0x1C05  }
0x26e: {  	[timem:s3], [sflag:s2] =	dma.local @!p0 [hbm:s0], s1  }
0x26f: {  	s0 =	simm.s32 @!p0 $0x5  }
0x270: {  	_ =	swait.ge @!p0 [sflag:s0], s1  }
0x271: {  	s1 =	ssub.s32 @!p0 $0x0, s1;
	[sflag:s0] =	ssyncset.done @!p0 $0x0  }
0x272: {  	[sflag:s0] =	ssyncadd.s32 @!p0 s1  }
0x273: {  	[bflag:$0x3] =	sbarrier.arrive $0xFFFF  }
0x274: {  	_ =	shalt  }

// kernel: kernel.8.cloned.1.call-start
scs
__scs_entry_jumppad:
0x0: {  	(pc) =	sbr.rel $0x88, $3  }
0x1: {  	(tag) =	ssettag $0x0;
	lr =	simm.s32 $0x1  }
0x2: {  	[smem:$0x3F95] =	sst lr;
	_ =	strace $0xD0000000  }
0x3: {  	_ = 	snop  }
0x4: {  	_ = 	snop  }
0x5: {  	_ = 	snop  }
0x6: {  	_ = 	snop  }
0x7: {  	_ = 	snop  }
__scs_overlays_trampoline_lowered:
0x8: {  	[smem:$0x3FA4] =	sst s0  }
0x9: {  	[smem:$0x3FA5] =	sst s1  }
0xa: {  	[smem:$0x3FA6] =	sst s2  }
0xb: {  	[smem:$0x3FA7] =	sst s3  }
0xc: {  	[smem:$0x3FA8] =	sst s4  }
0xd: {  	[smem:$0x3FA9] =	sst s5  }
0xe: {  	[smem:$0x3FAA] =	sst s6  }
0xf: {  	[smem:$0x3FAB] =	sst s7  }
0x10: {  	[smem:$0x3FAC] =	sst s8  }
0x11: {  	[smem:$0x3FAD] =	sst s9;
	s0 =	simm.s32 @!p0 $0x0  }
0x12: {  	s1 =	sld [smem:$0x3F93];
	s0 =	simm.s32 @p0 $0x1  }
0x13: {  	[smem:$0x3FAE] =	sst s0;
	s0 =	simm.s32 @!p1 $0x0  }
0x14: {  	s2 =	sld [smem:$0x3F92];
	s0 =	simm.s32 @p1 $0x1  }
0x15: {  	[smem:$0x3FAF] =	sst s0;
	s0 =	simm.s32 @!p2 $0x0  }
0x16: {  	s3 =	sld [smem:$0x3FDB];
	s0 =	simm.s32 @p2 $0x1  }
0x17: {  	s4 =	simm.s32 $0x1BF5;
	[smem:$0x3FB1] =	sst s0  }
0x18: {  	s0 =	sld [smem:$0x3F94];
	_ =	swait.ge [sflag:s4], $0x0  }
0x19: {  	s7 =	sld [smem:$0x3F95]  }
0x1a: {  	s8 =	sadd.s32 $0xFFFFE003, lr  }
0x1b: {  	s9 =	sadd.s32 $0xFFFFFEF7, lr;
	s5 =	simm.s32 $0xFFFFFFFF;
	p2 =	slt.u32 s8, $0xFFFFF086  }
0x1c: {  	p1 =	slt.u32 s9, $0xF7A;
	s5 =	simm.s32 @!p2 $0x0  }
0x1d: {  	s5 =	simm.s32 @p1 $0x1;
	p0 =	seq.s32 s7, s2  }
0x1e: {  	s7 =	smul.u32 @!p0 $0xF7A, s2;
	p2 =	seq.s32 @!p0 s5, $0x0  }
0x1f: {  	s9 =	smul.u32 $0xF7A, s1;
	s8 =	simm.s32 @!p0 $0x1BF5;
	p2 =	por !p2, p0  }
0x20: {  	[sflag:s8] =	ssyncset.s32 @!p0 $0xFFFFF086;
	s6 =	sadd.s32 @!p0 s3, s7;
	s7 =	simm.s32 @!p0 $0x108  }
0x21: {  	s3 =	sadd.s32 s3, s9;
	s6 =	sadd.s32 @!p0 $0x88, s6;
	s7 =	simm.s32 @p2 $0x1082  }
0x22: {  	[simem:s7], [sflag:s8] =	dma.local @!p0 [hbm:s6], $0xF7A  }
0x23: {  	s9 =	sor.u32 $0xD0000000, s2;
	s6 =	simm.s32 $0x108;
	_ =	swait.ge @!p0 [sflag:s8], $0x0  }
0x24: {  	s3 =	sadd.s32 $0x88, s3;
	s6 =	simm.s32 @!p1 $0x1082;
	[sflag:s4] =	ssyncset.s32 $0xFFFFF086  }
0x25: {  	[simem:s6], [sflag:s4] =	dma.local [hbm:s3], $0xF7A  }
0x26: {  	[smem:$0x3F95] =	sst s1;
	(tag) =	ssettag s2;
	_ =	strace s9  }
0x27: {  	s1 =	sld [smem:$0x3FA5]  }
0x28: {  	s2 =	sld [smem:$0x3FA6]  }
0x29: {  	s4 =	sld [smem:$0x3FA8]  }
0x2a: {  	p0 =	seq.s32 s5, $0x0;
	s5 =	sld [smem:$0x3FA9]  }
0x2b: {  	s6 =	sld [smem:$0x3FAA]  }
0x2c: {  	s7 =	sld [smem:$0x3FAB]  }
0x2d: {  	s3 =	simm.s32 $0x108;
	s8 =	sld [smem:$0x3FAC]  }
0x2e: {  	s3 =	simm.s32 @!p0 $0x1082;
	s9 =	sld [smem:$0x3FAD]  }
0x2f: {  	lr =	sadd.s32 s0, s3;
	s0 =	sld [smem:$0x3FA4]  }
0x30: {  	s3 =	sld [smem:$0x3FA7]  }
0x31: {  	[smem:$0x3FB0] =	sst s10  }
0x32: {  	s10 =	sld [smem:$0x3FAE];
	_ =	sdelay $0x3  }
0x33: {  	p0 =	seq.s32 s10, $0x1;
	s10 =	sld [smem:$0x3FB0];
	_ =	sdelay $0x3  }
0x34: {  	[smem:$0x3FB0] =	sst s10  }
0x35: {  	s10 =	sld [smem:$0x3FAF];
	_ =	sdelay $0x3  }
0x36: {  	p1 =	seq.s32 s10, $0x1;
	s10 =	sld [smem:$0x3FB0];
	_ =	sdelay $0x3  }
0x37: {  	[smem:$0x3FB0] =	sst s10  }
0x38: {  	s10 =	sld [smem:$0x3FB1]  }
0x39: {  	_ = 	snop;
	(pc) =	sbr.ind lr, $3  }
0x3a: {  	_ = 	snop  }
0x3b: {  	_ = 	snop  }
0x3c: {  	p2 =	seq.s32 s10, $0x1;
	s10 =	sld [smem:$0x3FB0]  }
0x3d: {  	_ =	shalt  }
0x3e: {  	_ =	shalt  }
0x3f: {  	_ =	shalt  }
0x40: {  	_ =	shalt  }
0x41: {  	_ =	shalt  }
0x42: {  	_ =	shalt  }
0x43: {  	_ =	shalt  }
0x44: {  	_ =	shalt  }
0x45: {  	_ =	shalt  }
0x46: {  	_ =	shalt  }
0x47: {  	_ =	shalt  }
0x48: {  	_ =	shalt  }
0x49: {  	_ =	shalt  }
0x4a: {  	_ =	shalt  }
0x4b: {  	_ =	shalt  }
0x4c: {  	_ =	shalt  }
0x4d: {  	_ =	shalt  }
0x4e: {  	_ =	shalt  }
0x4f: {  	_ =	shalt  }
0x50: {  	_ =	shalt  }
0x51: {  	_ =	shalt  }
0x52: {  	_ =	shalt  }
0x53: {  	_ =	shalt  }
0x54: {  	_ =	shalt  }
0x55: {  	_ =	shalt  }
0x56: {  	_ =	shalt  }
0x57: {  	_ =	shalt  }
0x58: {  	_ =	shalt  }
0x59: {  	_ =	shalt  }
0x5a: {  	_ =	shalt  }
0x5b: {  	_ =	shalt  }
0x5c: {  	_ =	shalt  }
0x5d: {  	_ =	shalt  }
0x5e: {  	_ =	shalt  }
0x5f: {  	_ =	shalt  }
0x60: {  	_ =	shalt  }
0x61: {  	_ =	shalt  }
0x62: {  	_ =	shalt  }
0x63: {  	_ =	shalt  }
0x64: {  	_ =	shalt  }
0x65: {  	_ =	shalt  }
0x66: {  	_ =	shalt  }
0x67: {  	_ =	shalt  }
0x68: {  	_ =	shalt  }
0x69: {  	_ =	shalt  }
0x6a: {  	_ =	shalt  }
0x6b: {  	_ =	shalt  }
0x6c: {  	_ =	shalt  }
0x6d: {  	_ =	shalt  }
0x6e: {  	_ =	shalt  }
0x6f: {  	_ =	shalt  }
0x70: {  	_ =	shalt  }
0x71: {  	_ =	shalt  }
0x72: {  	_ =	shalt  }
0x73: {  	_ =	shalt  }
0x74: {  	_ =	shalt  }
0x75: {  	_ =	shalt  }
0x76: {  	_ =	shalt  }
0x77: {  	_ =	shalt  }
0x78: {  	_ =	shalt  }
0x79: {  	_ =	shalt  }
0x7a: {  	_ =	shalt  }
0x7b: {  	_ =	shalt  }
0x7c: {  	_ =	shalt  }
0x7d: {  	_ =	shalt  }
0x7e: {  	_ =	shalt  }
0x7f: {  	_ =	shalt  }
0x80: {  	_ =	shalt  }
0x81: {  	_ =	shalt  }
0x82: {  	_ =	shalt  }
0x83: {  	_ =	shalt  }
0x84: {  	_ =	shalt  }
0x85: {  	_ =	shalt  }
0x86: {  	_ =	shalt  }
0x87: {  	_ =	shalt  }
.Lfunc_end0:
.L_simem_size_0:
called_computation_lowered:
.L_overlay_start_0:
0x88: {  	s2 =	sld [smem:$0x3FD9]  }
0x89: {  	s3 =	sld [smem:$0x3FFE];
	_ =	sdelay $0x1  }
0x8a: {  	s1 =	srdreg.scid  }
0x8b: {  	s0 =	sand.u32 $0x1, s1  }
0x8c: {  	s17 =	sshll.u32 s0, $0xA;
	s2 =	sadd.s32 s3, s2  }
0x8d: {  	s2 =	sadd.s32 s2, s17  }
0x8e: {  	[smem:$0x3FBC] =	sst s2  }
0x8f: {  	_ = 	snop  }
0x90: {  	s2 =	sld [smem:$0x3FD0];
	(tm) =	ssettm $0x1  }
0x91: {  	s18 =	sld [smem:$0x3FFB];
	_ =	sdelay $0x3  }
0x92: {  	_ =	strace s18  }
0x93: {  	s3 =	sld [smem:$0x3FFC];
	_ =	sdelay $0x3  }
0x94: {  	_ =	strace s3  }
0x95: {  	s3 =	sld [smem:$0x3FFD];
	_ =	sdelay $0x3  }
0x96: {  	_ =	strace s3  }
0x97: {  	_ =	strace $0x8FFFFFFF  }
0x98: {  	s19 =	sld [smem:$0x3FDB];
	_ =	sdelay $0x1  }
0x99: {  	s4 =	simm.s32 $_scs_section_size  }
0x9a: {  	s5 =	simm.s32 $_size__tile_overlayer_lowered;
	s6 =	simm.s32 $_tile_overlayer_lowered  }
0x9b: {  	s22 =	simm.s32 $0x1BFF;
	s21 =	sshll.u32 s6, $0x1;
	s3 =	sadd.s32 s4, s19  }
0x9c: {  	s7 =	simm.s32 $0x0;
	s20 =	sshll.u32 s5, $0x1;
	s5 =	sadd.s32 s21, s3  }
0x9d: {  	[timem:s7], [sflag:s22] =	dma.local [hbm:s5], s20  }
0x9e: {  	_ =	swait.ge [sflag:s22], s20  }
0x9f: {  	s4 =	ssub.s32 $0x0, s20;
	[sflag:s22] =	ssyncset.done $0x0  }
0xa0: {  	[sflag:s22] =	ssyncadd.s32 s4;
	_ =	sdelay $0x1  }
0xa1: {  	s23 =	simm.s32 $0x1B8B  }
0xa2: {  	_ =	swait.ge [sflag:s23], $0x1  }
0xa3: {  	[sflag:s23] =	ssyncset.done $0x0  }
0xa4: {  	s25 =	simm.s32 $0x1B8E;
	s24 =	sld [smem:$0x3FFE];
	[sflag:s23] =	ssyncadd.s32 $0xFFFFFFFF  }
0xa5: {  	s26 =	simm.s32 $execute0_lowered;
	[smem:$0x3FD2] =	sst s25  }
0xa6: {  	s5 =	sshll.u32 s26, $0x1;
	_ =	strace $0x80000046;
	[dreg:$0x1] =	wrdreg $0xFFFFFFFF  }
0xa7: {  	s28 =	simm.s32 $_size_execute0_lowered;
	s3 =	sadd.s32 s3, s5;
	[dreg:$0x0] =	wrdreg $0x0  }
0xa8: {  	s5 =	sshll.u32 s28, $0x1;
	[dreg:$0x2] =	wrdreg s3  }
0xa9: {  	[dreg:$0x3] =	wrdreg s5  }
0xaa: {  	[dreg:$0x4] =	wrdreg $0xC0  }
0xab: {  	_ =	task [dreg:s7], $0x5FFFF  }
0xac: {  	[dreg:$0x1] =	wrdreg $0xFFFFFFFF  }
0xad: {  	[dreg:$0x0] =	wrdreg $0x60  }
0xae: {  	[dreg:$0x2] =	wrdreg s24  }
0xaf: {  	[dreg:$0x3] =	wrdreg s2  }
0xb0: {  	[dreg:$0x4] =	wrdreg $0x28800  }
0xb1: {  	[dreg:$0x5] =	wrdreg $0x9  }
0xb2: {  	_ =	task.clear_ibuf [dreg:s7], $0x6FFFF;
	_ =	strace $0x90000046  }
0xb3: {  	s29 =	simm.s32 $0x9;
	_ =	strace $0x80000048  }
0xb4: {  	_ =	swait.ge [sflag:s29], $0x1  }
0xb5: {  	[sflag:s29] =	ssyncadd.s32 $0xFFFFFFFF  }
0xb6: {  	_ =	strace $0x90000048  }
0xb7: {  	_ =	sfence  }
0xb8: {  	s30 =	sld [smem:$0x0];
	_ =	sdelay $0x2  }
0xb9: {  	s31 =	sshll.u32 s1, $0xD;
	s1 =	sshrl.u32 s1, $0x2  }
0xba: {  	s3 =	sand.u32 $0x4000, s31;
	s1 =	sadd.s32 s1, s30  }
0xbb: {  	s0 =	sor.u32 s3, s0;
	s1 =	sshll.u32 s1, $0x11  }
0xbc: {  	s0 =	sor.u32 s1, s0  }
0xbd: {  	s0 =	sadd.s32 $0x8F2B, s0  }
0xbe: {  	[sflag:s0] =	ssyncadd.remote.s32 $0x1  }
0xbf: {  	_ =	sfence.sel $0xFFFF  }
0xc0: {  	[dreg:$0x0] =	wrdreg $0xFFFFFFFF;
	(pc) =	sbr.abs _section_cstart, $3  }
0xc1: {  	[dreg:$0x1] =	wrdreg $0xFFFFFFFF  }
0xc2: {  	_ =	task.clear_ibuf [dreg:s7], $0x2FFFF;
	_ =	strace $0x9FFFFFFF  }
0xc3: {  	(tm) =	ssettm $0x7FFFFFFF  }
tec
execute0_lowered:
.L_overlay_start_1:
0x0: {  	(tag) =	ssettag $0x1  }
0x1: {  	s4 =	rddreg [dreg:$0x0];
	s1 =	srdreg.scid  }
0x2: {  	s0 =	stileid.u32;
	s10 =	rddreg [dreg:$0x1]  }
0x3: {  	s2 =	rddreg [dreg:$0x2];
	s3 =	simm.s32 $0x0;
	s13 =	simm.s32 $0x1  }
0x4: {  	s14 =	simm.s32 $0x80;
	s17 =	simm.s32 $0x20;
	s18 =	simm.s32 $0x10  }
0x5: {  	s19 =	simm.s32 $0x0;
	s5 =	sand.u32 $0x1, s1;
	s1 =	rddreg [dreg:$0x3]  }
0x6: {  	s28 =	sshll.u32 s0, $0x1;
	[smem:$0x7FF] =	sst s3;
	s7 =	smul.u32 $0xA00, s0  }
0x7: {  	s8 =	smul.u32 $0x500, s0;
	s15 =	sshll.u32 s0, $0x6;
	s6 =	sor.u32 s5, s28  }
0x8: {  	_ =	strace $0x80000047;
	s29 =	ssub.s32 $0x2, s5;
	s31 =	sshll.u32 s5, $0x7  }
0x9: {  	s15 =	sor.u32 $0x1C01, s15;
	s6 =	smul.u32 $0x500, s6;
	s30 =	sshrl.u32 s29, $0x1  }
0xa: {  	s7 =	sshrl.u32 s7, $0x2;
	s12 =	sor.u32 s31, s8;
	s11 =	ssub.s32 s29, s30  }
0xb: {  	s12 =	sshrl.u32 s12, $0x3;
	s9 =	sadd.s32 s6, s4;
	s4 =	sadd.s32 s7, s2  }
0xc: {  	s10 =	sadd.s32 s10, s12;
	s11 =	smax.u32 s11, $0x1;
	s12 =	simm.s32 $0x2800  }
0xd: {  	s5 =	sadd.s32 $0x80, s4;
	s6 =	sadd.s32 $0x100, s4;
	s7 =	sadd.s32 $0x180, s4  }
0xe: {  	v0 =	vimm.f32 $0.0e+00;
	v1 =	vimm.f32 $1.000000000e+00;
	s8 =	sadd.s32 $0x200, s4;
	s9 =	sadd.s32 $0x2E00, s9;
	s16 =	sshrl.u32 s4, $0x3  }
.LBB2_1:
0xf: {  	[tilespmem:$0x2800] =	vst v0  }
0x10: {  	[tilespmem:$0x2810] =	vst v0  }
0x11: {  	[tilespmem:$0x2820] =	vst v0  }
0x12: {  	[tilespmem:$0x2830] =	vst v0  }
0x13: {  	[tilespmem:$0x2840] =	vst v0  }
0x14: {  	[tilespmem:$0x2850] =	vst v0  }
0x15: {  	[tilespmem:$0x2860] =	vst v0  }
0x16: {  	[tilespmem:$0x2870] =	vst v0  }
0x17: {  	[spmem:s4] =	stream.linear.scatter [tilespmem:s12], [sflag:$0x1], $0x80, $0x38;
	[tilespmem:$0x2B00] =	vst v63  }
0x18: {  	_ =	swait.ge [sflag:s13], $0x80  }
0x19: {  	[sflag:s13] =	ssyncset.done $0x0  }
0x1a: {  	[sflag:s13] =	ssyncadd.s32 $0xFFFFFF80  }
0x1b: {  	[spmem:s5] =	stream.linear.scatter [tilespmem:s12], [sflag:$0x1], $0x80, $0x38;
	[tilespmem:$0x2B00] =	vst v63  }
0x1c: {  	_ =	swait.ge [sflag:s13], $0x80  }
0x1d: {  	[sflag:s13] =	ssyncset.done $0x0  }
0x1e: {  	[sflag:s13] =	ssyncadd.s32 $0xFFFFFF80  }
0x1f: {  	[spmem:s6] =	stream.linear.scatter [tilespmem:s12], [sflag:$0x1], $0x80, $0x38;
	[tilespmem:$0x2B00] =	vst v63  }
0x20: {  	_ =	swait.ge [sflag:s13], $0x80  }
0x21: {  	[sflag:s13] =	ssyncset.done $0x0  }
0x22: {  	[sflag:s13] =	ssyncadd.s32 $0xFFFFFF80  }
0x23: {  	[spmem:s7] =	stream.linear.scatter [tilespmem:s12], [sflag:$0x1], $0x80, $0x38;
	[tilespmem:$0x2B00] =	vst v63  }
0x24: {  	_ =	swait.ge [sflag:s13], $0x80  }
0x25: {  	[sflag:s13] =	ssyncset.done $0x0  }
0x26: {  	[sflag:s13] =	ssyncadd.s32 $0xFFFFFF80  }
0x27: {  	[spmem:s8] =	stream.linear.scatter [tilespmem:s12], [sflag:$0x1], $0x80, $0x38;
	[tilespmem:$0x2B00] =	vst v63  }
0x28: {  	_ =	swait.ge [sflag:s13], $0x80  }
0x29: {  	[sflag:s13] =	ssyncset.done $0x0  }
0x2a: {  	[sflag:s13] =	ssyncadd.s32 $0xFFFFFF80  }
0x2b: {  	[tilespmem:s3], [sflag:$0x1] =	stream.linear.gather [hbm4b:s9+s3], $0x2800, $0x38;
	[tilespmem:$0x2B00] =	vst v63  }
0x2c: {  	_ =	swait.ge [sflag:s13], $0x2800  }
0x2d: {  	[sflag:s13] =	ssyncset.done $0x0  }
0x2e: {  	[sflag:s13] =	ssyncadd.s32 $0xFFFFD800  }
0x2f: {  	[tilespmem:$0x2800] =	vst v1  }
0x30: {  	[tilespmem:$0x2810] =	vst v1  }
0x31: {  	[tilespmem:$0x2820] =	vst v1  }
0x32: {  	[tilespmem:$0x2830] =	vst v1  }
0x33: {  	[tilespmem:$0x2840] =	vst v1  }
0x34: {  	[tilespmem:$0x2850] =	vst v1  }
0x35: {  	[tilespmem:$0x2860] =	vst v1  }
0x36: {  	[tilespmem:$0x2870] =	vst v1  }
0x37: {  	s20 =	simm.s32 $0x0;
	[bflag:$0x0] =	sbarrier.arrive $0xFFFF  }
0x38: {  	[spmem:s2] =	stream.indirect.scatter.add.f32 [tilespmem:s12], [sflag:$0x1], $0x1, s20, s14, $0xb8;
	[tilespmem:$0x2B00] =	vst v63  }
0x39: {  	_ =	swait.ge [sflag:s13], $0x80  }
0x3a: {  	s20 =	simm.s32 $0x200;
	[sflag:s13] =	ssyncset.done $0x0  }
.LBB2_2:
0x3b: {  	s21 =	sshra.s32 s20, $0x2;
	[sflag:s13] =	ssyncadd.s32 $0xFFFFFF80;
	p0 =	sne.s32 s20, $0x9E00  }
0x3c: {  	[spmem:s2] =	stream.indirect.scatter.add.f32 [tilespmem:s12], [sflag:$0x1], $0x1, s21, s14, $0xb8;
	[tilespmem:$0x2B00] =	vst v63  }
.Ltmp0:
0x3d: {  	_ = 	snop;
	(pc) =	sbr.rel @p0 .LBB2_2-.Ltmp0, $4  }
0x3e: {  	_ = 	snop  }
0x3f: {  	s20 =	sadd.s32 $0x200, s20  }
0x40: {  	_ =	swait.ge [sflag:s13], $0x80  }
0x41: {  	[sflag:s13] =	ssyncset.done $0x0  }
0x42: {  	s19 =	sadd.s32 $0x1, s19  }
0x43: {  	[sflag:s13] =	ssyncadd.s32 $0xFFFFFF80;
	p0 =	sne.s32 s19, s11  }
.Ltmp1:
0x44: {  	[bflag:$0x0] =	sbarrier.arrive $0xFFFF;
	(pc) =	sbr.rel @p0 .LBB2_1-.Ltmp1, $4  }
0x45: {  	[hbm:s10@s17], [sflag:s15] =	dma.strided [spmem:s16@s18], $0x50, s13, $0x10   }
0x46: {  	_ =	swait.ge [sflag:s13], $0x50  }
0x47: {  	[sflag:s13] =	ssyncset.done $0x0  }
0x48: {  	[sflag:s13] =	ssyncadd.s32 $0xFFFFFFB0  }
0x49: {  	_ =	sfence.sel $0x180000  }
0x4a: {  	[bflag:$0x0] =	sbarrier.arrive $0xFFFF  }
0x4b: {  	p0 =	sne.s32 s0, $0x0;
	_ =	strace $0x90000047  }
0x4c: {  	s0 =	sadd.s32 @!p0 $0x100000, s1;
	[bflag:$0x2] =	sbarrier.arrive $0xFFFF  }
0x4d: {  	[sflag:s0] =	ssyncadd.tile.s32 @!p0 $0x1;
	_ =	shalt  }
.Lfunc_end2:
_tile_overlayer_lowered:
.L_overlay_start_2:
0x4e: {  	(tag) =	ssettag $0x2  }
0x4f: {  	s0 =	rddreg [dreg:$0x0];
	s2 =	stileid.u32  }
0x50: {  	s1 =	rddreg [dreg:$0x1];
	p0 =	sne.s32 s2, $0x0  }
0x51: {  	s3 =	rddreg [dreg:$0x2];
	[bflag:$0x3] =	sbarrier.arrive $0xFFFF;
	s2 =	simm.s32 @!p0 $0x1C01  }
0x52: {  	[timem:s3], [sflag:s2] =	dma.local @!p0 [hbm:s0], s1  }
0x53: {  	s0 =	simm.s32 @!p0 $0x1  }
0x54: {  	_ =	swait.ge @!p0 [sflag:s0], s1  }
0x55: {  	s1 =	ssub.s32 @!p0 $0x0, s1;
	[sflag:s0] =	ssyncset.done @!p0 $0x0  }
0x56: {  	[sflag:s0] =	ssyncadd.s32 @!p0 s1  }
0x57: {  	[bflag:$0x3] =	sbarrier.arrive $0xFFFF  }
0x58: {  	_ =	shalt  }

</sc_bundles>
